<compile_context>
chip_gen: v7x
topology: tpu7x:2x2x1
jax: 0.10.2.dev20260603
libtpu: 0.0.44.dev20260713+nightly
codegen_flags: <defaults>
</compile_context>

<pallas_src>
import jax
import jax.numpy as jnp
from jax import lax
from jax.experimental import pallas as pl
from jax.experimental.pallas import tpu as pltpu
from jax.experimental.pallas import tpu_sc as plsc

NC = 2
NS = 16
NW = NC * NS
L = 16
K = 80

_SC_PARAMS = pltpu.CompilerParams(needs_layout_passes=False,
                                  use_tc_tiling_on_sc=False)


def _sc_degree(dst3, ew3):
    nb = dst3.shape[1]
    n = 10000

    def body(dst_hbm, ew_hbm, degp_out, deg_acc, dst_v, ew_v, z_v, stage_v,
             dsem):
        c = lax.axis_index("c")
        s = lax.axis_index("s")
        own = c * NS + s

        pltpu.sync_copy(dst_hbm.at[own], dst_v)
        pltpu.sync_copy(ew_hbm.at[own], ew_v)

        zeros16 = jnp.zeros((L,), jnp.float32)

        @pl.when(s == 0)
        def _():
            def zstep(r, carry):
                z_v[pl.ds(r * L, L)] = zeros16
                return carry
            lax.fori_loop(0, n // L, zstep, 0)
            pltpu.sync_copy(z_v, deg_acc)

        plsc.subcore_barrier()

        for k in range(5):
            pltpu.async_copy(ew_v.at[k], deg_acc.at[dst_v.at[k]],
                             dsem.at[k], add=True)

        def dstep(t, carry):
            for k in range(5):
                j = t * 5 + k
                pltpu.make_async_copy(ew_v.at[j], deg_acc.at[dst_v.at[j]],
                                      dsem.at[k]).wait()

                @pl.when(t + 1 < nb // 5)
                def _(j=j, k=k):
                    pltpu.async_copy(ew_v.at[j + 5],
                                     deg_acc.at[dst_v.at[j + 5]],
                                     dsem.at[k], add=True)
            return carry
        lax.fori_loop(0, nb // 5, dstep, 0)

        plsc.subcore_barrier()

        @pl.when(s == 0)
        def _():
            pltpu.sync_copy(deg_acc, stage_v)
            pltpu.sync_copy(stage_v, degp_out.at[c])

    mesh = plsc.VectorSubcoreMesh(core_axis_name="c", subcore_axis_name="s")
    return pl.kernel(
        body,
        out_type=jax.ShapeDtypeStruct((NC, n), jnp.float32),
        mesh=mesh,
        compiler_params=_SC_PARAMS,
        scratch_types=[
            pltpu.VMEM_SHARED((n,), jnp.float32),
            pltpu.VMEM((nb, K), jnp.int32),
            pltpu.VMEM((nb, K), jnp.float32),
            pltpu.VMEM((n,), jnp.float32),
            pltpu.VMEM((n,), jnp.float32),
            pltpu.SemaphoreType.DMA((5,)),
        ],
    )(dst3, ew3)


def _mm_body(emb_ref, w_ref, x_ref):
    x_ref[...] = jnp.dot(emb_ref[...], w_ref[...],
                         preferred_element_type=jnp.float32)


def _matmul(emb, W):
    n, d = emb.shape
    bn = 1000
    return pl.pallas_call(
        _mm_body,
        grid=(n // bn,),
        in_specs=[pl.BlockSpec((bn, d), lambda i: (i, 0)),
                  pl.BlockSpec((d, d), lambda i: (0, 0))],
        out_specs=pl.BlockSpec((bn, d), lambda i: (i, 0)),
        out_shape=jax.ShapeDtypeStruct((n, d), jnp.float32),
    )(emb, W)


def _ps_body(x_ref, degp_ref, xs_ref, dinv_ref):
    deg = degp_ref[0, :, :] + degp_ref[1, :, :] + 1.0
    dinv = lax.rsqrt(deg)
    xs_ref[...] = dinv * x_ref[...]
    dinv_ref[...] = dinv


def _prescale(x, degp):
    n, d = x.shape
    bn = 1000
    return pl.pallas_call(
        _ps_body,
        grid=(n // bn,),
        in_specs=[pl.BlockSpec((bn, d), lambda i: (i, 0)),
                  pl.BlockSpec((NC, bn, 1), lambda i: (0, i, 0))],
        out_specs=[pl.BlockSpec((bn, d), lambda i: (i, 0)),
                   pl.BlockSpec((bn, 1), lambda i: (i, 0))],
        out_shape=[jax.ShapeDtypeStruct((n, d), jnp.float32),
                   jax.ShapeDtypeStruct((n, 1), jnp.float32)],
    )(x, degp.reshape(NC, n, 1))


def _sc_message_pass(xs, src3, dst3, ew3):
    n, d = xs.shape
    nb = src3.shape[1]
    n_chunks = n // K
    chunk_rounds = -(-n_chunks // NS)

    def body(xs_hbm, src_hbm, dst_hbm, ew_hbm, m_out,
             m_acc, src_v, dst_v, w_v, rows, gsem, ssem):
        c = lax.axis_index("c")
        s = lax.axis_index("s")
        own = c * NS + s

        pltpu.sync_copy(src_hbm.at[own], src_v)
        pltpu.sync_copy(dst_hbm.at[own], dst_v)
        pltpu.sync_copy(ew_hbm.at[own], w_v)

        zeros16 = jnp.zeros((L,), jnp.float32)

        def zrow(r, carry):
            for u in range(d // L):
                rows[0, r, pl.ds(u * L, L)] = zeros16
            return carry
        lax.fori_loop(0, K, zrow, 0)

        for i in range(chunk_rounds):
            j = i * NS + s

            @pl.when(j < n_chunks)
            def _(j=j):
                pltpu.sync_copy(rows.at[0], m_acc.at[pl.ds(j * K, K)])

        plsc.subcore_barrier()

        def fire_gather(j, b):
            pltpu.async_copy(xs_hbm.at[src_v.at[j]], rows.at[b],
                             gsem.at[b])

        def do_batch(j, b):
            q = 1 - b
            pltpu.make_async_copy(xs_hbm.at[src_v.at[j]], rows.at[b],
                                  gsem.at[b]).wait()

            @pl.when(j >= 1)
            def _():
                pltpu.make_async_copy(rows.at[q], m_acc.at[dst_v.at[j - 1]],
                                      ssem.at[q]).wait()

            @pl.when(j + 1 < nb)
            def _():
                fire_gather(j + 1, q)

            @plsc.parallel_loop(0, K, unroll=4)
            def _(r):
                wv = plsc.load_gather(
                    w_v, [jnp.full((L,), j, jnp.int32),
                          jnp.full((L,), r, jnp.int32)])
                for u in range(d // L):
                    rows[b, r, pl.ds(u * L, L)] = (
                        rows[b, r, pl.ds(u * L, L)] * wv)
            pltpu.async_copy(rows.at[b], m_acc.at[dst_v.at[j]],
                             ssem.at[b], add=True)

        fire_gather(0, 0)
        do_batch(0, 0)

        def mstep(t, carry):
            do_batch(2 * t + 1, 1)
            do_batch(2 * t + 2, 0)
            return carry
        lax.fori_loop(0, (nb - 1) // 2, mstep, 0)
        pltpu.make_async_copy(rows.at[0], m_acc.at[dst_v.at[nb - 1]],
                              ssem.at[0]).wait()

        plsc.subcore_barrier()

        out_base = c * n
        for i in range(chunk_rounds):
            j = i * NS + s

            @pl.when(j < n_chunks)
            def _(j=j):
                pltpu.sync_copy(m_acc.at[pl.ds(j * K, K)], rows.at[0])
                pltpu.sync_copy(rows.at[0],
                                m_out.at[pl.ds(out_base + j * K, K)])

    mesh = plsc.VectorSubcoreMesh(core_axis_name="c", subcore_axis_name="s")
    return pl.kernel(
        body,
        out_type=jax.ShapeDtypeStruct((NC * n, d), jnp.float32),
        mesh=mesh,
        compiler_params=_SC_PARAMS,
        scratch_types=[
            pltpu.VMEM_SHARED((n, d), jnp.float32),
            pltpu.VMEM((nb, K), jnp.int32),
            pltpu.VMEM((nb, K), jnp.int32),
            pltpu.VMEM((nb, K), jnp.float32),
            pltpu.VMEM((2, K, d), jnp.float32),
            pltpu.SemaphoreType.DMA((2,)),
            pltpu.SemaphoreType.DMA((2,)),
        ],
    )(xs, src3, dst3, ew3)


def _fin_body(m0_ref, m1_ref, xs_ref, dinv_ref, b_ref, o_ref):
    dinv = dinv_ref[...]
    o_ref[...] = dinv * (m0_ref[...] + m1_ref[...] + xs_ref[...]) + b_ref[...]


def _finalize(m_parts, xs, dinv, b):
    n, d = xs.shape
    bn = 1000
    nblk = n // bn
    return pl.pallas_call(
        _fin_body,
        grid=(nblk,),
        in_specs=[
            pl.BlockSpec((bn, d), lambda i: (i, 0)),
            pl.BlockSpec((bn, d), lambda i: (i + nblk, 0)),
            pl.BlockSpec((bn, d), lambda i: (i, 0)),
            pl.BlockSpec((bn, 1), lambda i: (i, 0)),
            pl.BlockSpec((1, d), lambda i: (0, 0)),
        ],
        out_specs=pl.BlockSpec((bn, d), lambda i: (i, 0)),
        out_shape=jax.ShapeDtypeStruct((n, d), jnp.float32),
    )(m_parts, m_parts, xs, dinv, b.reshape(1, d))


def kernel(emb, W, b, edge_index, edge_weight):
    n, d = emb.shape
    e = edge_weight.shape[0]
    nb = e // (NW * K)
    src3 = edge_index[0].astype(jnp.int32).reshape(NW, nb, K)
    dst3 = edge_index[1].astype(jnp.int32).reshape(NW, nb, K)
    ew3 = edge_weight.astype(jnp.float32).reshape(NW, nb, K)
    degp = _sc_degree(dst3, ew3)
    xs, dinv = _prescale(_matmul(emb, W), degp)
    m_parts = _sc_message_pass(xs, src3, dst3, ew3)
    return _finalize(m_parts, xs, dinv, b)

# --- scband reference (transcript-rebuilt; emitter-appended) ---
"""Pipeline reference for scband-graph-nn-38577396253199 (READ-ONLY COPY).

The authoritative reference and input builder live on the scoring server;
editing this copy changes nothing except your own understanding.
"""

import jax, jax.numpy as jnp
import numpy as np

N = 10000
D = 128
E = 320000

def setup_inputs(seed: int = 0):
    key = jax.random.key(seed)
    k1, k2, k3, k4 = jax.random.split(key, 4)
    # xavier_normal init for embedding table (acts as node features x)
    emb = jax.random.normal(k1, (N, D), dtype=jnp.float32) * (2.0 / (N + D)) ** 0.5
    emb = emb.at[0].set(0.0)  # padding_idx=0
    # GCNConv weight (xavier_normal) and zero bias
    W = jax.random.normal(k2, (D, D), dtype=jnp.float32) * (2.0 / (D + D)) ** 0.5
    b = jnp.zeros((D,), dtype=jnp.float32)
    edge_index = jax.random.randint(k3, (2, E), 0, N)
    edge_weight = jax.random.uniform(k4, (E,), dtype=jnp.float32)
    return {"emb": emb, "W": W, "b": b, "edge_index": edge_index, "edge_weight": edge_weight}

def reference(emb, W, b, edge_index, edge_weight):
    # GCNConv: out = D^{-1/2} (A + I) D^{-1/2} (X W) + b, with weighted edges
    x = emb @ W
    src = edge_index[0]
    dst = edge_index[1]
    loop = jnp.arange(N)
    src_a = jnp.concatenate([src, loop])
    dst_a = jnp.concatenate([dst, loop])
    ew = jnp.concatenate([edge_weight, jnp.ones((N,), dtype=edge_weight.dtype)])
    deg = jnp.zeros((N,), dtype=x.dtype).at[dst_a].add(ew)
    dinv = jnp.where(deg > 0, jax.lax.rsqrt(deg), 0.0)
    norm = dinv[src_a] * ew * dinv[dst_a]
    msgs = norm[:, None] * x[src_a]
    out = jnp.zeros((N, D), dtype=x.dtype).at[dst_a].add(msgs)
    return out + b

if __name__ == "__main__":
    import jax
    _d = setup_inputs()
    print(jax.jit(kernel)(*tuple(_d.values())))

</pallas_src>

<mosaic_0001>
#map = affine_map<(d0, d1) -> (0, 0, 0)>
#map1 = affine_map<(d0, d1) -> (0, 0)>
module attributes {stable_mosaic.version = 14 : i64} {
  func.func @body(%arg0: i32, %arg1: i32, %arg2: memref<32x125x80xi32, #tpu.memory_space<hbm>>, %arg3: memref<32x125x80xf32, #tpu.memory_space<hbm>>, %arg4: memref<2x10000xf32, #tpu.memory_space<hbm>>, %arg5: memref<10000xf32, #tpu.memory_space<vmem_shared>>, %arg6: memref<125x80xi32, #tpu.memory_space<vmem>>, %arg7: memref<125x80xf32, #tpu.memory_space<vmem>>, %arg8: memref<10000xf32, #tpu.memory_space<vmem>>, %arg9: memref<10000xf32, #tpu.memory_space<vmem>>, %arg10: memref<5x!tpu.dma_semaphore, #tpu.memory_space<semaphore_mem>>) attributes {dimension_semantics = [#tpu.dimension_semantics<core_parallel>, #tpu.dimension_semantics<subcore_parallel>], iteration_bounds = array<i64: 2, 16>, scalar_prefetch = 0 : i64, scratch_operands = 6 : i64, tpu.core_type = #tpu.core_type<sc_vector_subcore>, window_params = [{transform_indices = #map}, {transform_indices = #map}, {transform_indices = #map1}]} {
    %mul3A = arith.constant 16 : i32
    %mul3A_0 = arith.muli %arg0, %mul3A : i32
    %add3A = arith.addi %mul3A_0, %arg1 : i32
    "tpu.region"() ({
      %run_scoped3A = tpu.sem_alloc : memref<!tpu.dma_semaphore, #tpu.memory_space<semaphore_mem>>
      %dma_start3A_79 = arith.constant 0 : i32
      %dma_start3A_80 = arith.constant 0 : i32
      %dma_start3A_81 = tpu.memref_slice %arg2[%add3A, %dma_start3A_79, %dma_start3A_80] : memref<32x125x80xi32, #tpu.memory_space<hbm>> -> memref<1x125x80xi32, #tpu.memory_space<hbm>>
      %dma_start3A_82 = tpu.memref_squeeze %dma_start3A_81 : memref<1x125x80xi32, #tpu.memory_space<hbm>> -> memref<125x80xi32, #tpu.memory_space<hbm>>
      %dma_start3A_83 = arith.constant 0 : i32
      %dma_start3A_84 = arith.constant 0 : i32
      %dma_start3A_85 = tpu.memref_slice %arg2[%add3A, %dma_start3A_83, %dma_start3A_84] : memref<32x125x80xi32, #tpu.memory_space<hbm>> -> memref<1x125x80xi32, #tpu.memory_space<hbm>>
      %dma_start3A_86 = tpu.memref_squeeze %dma_start3A_85 : memref<1x125x80xi32, #tpu.memory_space<hbm>> -> memref<125x80xi32, #tpu.memory_space<hbm>>
      tpu.enqueue_dma source(%dma_start3A_86 : memref<125x80xi32, #tpu.memory_space<hbm>>) target(%arg6 : memref<125x80xi32, #tpu.memory_space<vmem>>) target_semaphore(%run_scoped3A : memref<!tpu.dma_semaphore, #tpu.memory_space<semaphore_mem>>)
      %dma_wait3A = arith.constant 0 : i32
      %dma_wait3A_87 = arith.constant 0 : i32
      %dma_wait3A_88 = tpu.memref_slice %arg2[%add3A, %dma_wait3A, %dma_wait3A_87] : memref<32x125x80xi32, #tpu.memory_space<hbm>> -> memref<1x125x80xi32, #tpu.memory_space<hbm>>
      %dma_wait3A_89 = tpu.memref_squeeze %dma_wait3A_88 : memref<1x125x80xi32, #tpu.memory_space<hbm>> -> memref<125x80xi32, #tpu.memory_space<hbm>>
      %dma_wait3A_90 = arith.constant 0 : i32
      %dma_wait3A_91 = arith.constant 0 : i32
      %dma_wait3A_92 = tpu.memref_slice %arg2[%add3A, %dma_wait3A_90, %dma_wait3A_91] : memref<32x125x80xi32, #tpu.memory_space<hbm>> -> memref<1x125x80xi32, #tpu.memory_space<hbm>>
      %dma_wait3A_93 = tpu.memref_squeeze %dma_wait3A_92 : memref<1x125x80xi32, #tpu.memory_space<hbm>> -> memref<125x80xi32, #tpu.memory_space<hbm>>
      tpu.wait_dma2 semaphore(%run_scoped3A : memref<!tpu.dma_semaphore, #tpu.memory_space<semaphore_mem>>) src(%dma_wait3A_93 : memref<125x80xi32, #tpu.memory_space<hbm>>) dst(%arg6 : memref<125x80xi32, #tpu.memory_space<vmem>>)
      tpu.yield
    }) : () -> ()
    "tpu.region"() ({
      %run_scoped3A = tpu.sem_alloc : memref<!tpu.dma_semaphore, #tpu.memory_space<semaphore_mem>>
      %dma_start3A_79 = arith.constant 0 : i32
      %dma_start3A_80 = arith.constant 0 : i32
      %dma_start3A_81 = tpu.memref_slice %arg3[%add3A, %dma_start3A_79, %dma_start3A_80] : memref<32x125x80xf32, #tpu.memory_space<hbm>> -> memref<1x125x80xf32, #tpu.memory_space<hbm>>
      %dma_start3A_82 = tpu.memref_squeeze %dma_start3A_81 : memref<1x125x80xf32, #tpu.memory_space<hbm>> -> memref<125x80xf32, #tpu.memory_space<hbm>>
      %dma_start3A_83 = arith.constant 0 : i32
      %dma_start3A_84 = arith.constant 0 : i32
      %dma_start3A_85 = tpu.memref_slice %arg3[%add3A, %dma_start3A_83, %dma_start3A_84] : memref<32x125x80xf32, #tpu.memory_space<hbm>> -> memref<1x125x80xf32, #tpu.memory_space<hbm>>
      %dma_start3A_86 = tpu.memref_squeeze %dma_start3A_85 : memref<1x125x80xf32, #tpu.memory_space<hbm>> -> memref<125x80xf32, #tpu.memory_space<hbm>>
      tpu.enqueue_dma source(%dma_start3A_86 : memref<125x80xf32, #tpu.memory_space<hbm>>) target(%arg7 : memref<125x80xf32, #tpu.memory_space<vmem>>) target_semaphore(%run_scoped3A : memref<!tpu.dma_semaphore, #tpu.memory_space<semaphore_mem>>)
      %dma_wait3A = arith.constant 0 : i32
      %dma_wait3A_87 = arith.constant 0 : i32
      %dma_wait3A_88 = tpu.memref_slice %arg3[%add3A, %dma_wait3A, %dma_wait3A_87] : memref<32x125x80xf32, #tpu.memory_space<hbm>> -> memref<1x125x80xf32, #tpu.memory_space<hbm>>
      %dma_wait3A_89 = tpu.memref_squeeze %dma_wait3A_88 : memref<1x125x80xf32, #tpu.memory_space<hbm>> -> memref<125x80xf32, #tpu.memory_space<hbm>>
      %dma_wait3A_90 = arith.constant 0 : i32
      %dma_wait3A_91 = arith.constant 0 : i32
      %dma_wait3A_92 = tpu.memref_slice %arg3[%add3A, %dma_wait3A_90, %dma_wait3A_91] : memref<32x125x80xf32, #tpu.memory_space<hbm>> -> memref<1x125x80xf32, #tpu.memory_space<hbm>>
      %dma_wait3A_93 = tpu.memref_squeeze %dma_wait3A_92 : memref<1x125x80xf32, #tpu.memory_space<hbm>> -> memref<125x80xf32, #tpu.memory_space<hbm>>
      tpu.wait_dma2 semaphore(%run_scoped3A : memref<!tpu.dma_semaphore, #tpu.memory_space<semaphore_mem>>) src(%dma_wait3A_93 : memref<125x80xf32, #tpu.memory_space<hbm>>) dst(%arg7 : memref<125x80xf32, #tpu.memory_space<vmem>>)
      tpu.yield
    }) : () -> ()
    %broadcast_in_dim3A = arith.constant 0.000000e+00 : f32
    %broadcast_in_dim3A_1 = vector.broadcast %broadcast_in_dim3A : f32 to vector<16xf32>
    %eq3A = arith.constant 0 : i32
    %eq3A_2 = arith.cmpi eq, %arg1, %eq3A : i32
    %convert_element_type3A = arith.extui %eq3A_2 : i1 to i32
    %cond3A = arith.constant 0 : i32
    %cond3A_3 = arith.cmpi ne, %convert_element_type3A, %cond3A : i32
    scf.if %cond3A_3 {
      %scan3A_79 = arith.constant 0 : i32
      %scan3A_80 = arith.constant 0 : i32
      %scan3A_81 = arith.constant 625 : i32
      %scan3A_82 = arith.addi %scan3A_80, %scan3A_81 : i32
      %scan3A_83 = arith.constant 1 : i32
      scf.for %scan3A_85 = %scan3A_80 to %scan3A_82 step %scan3A_83  : i32 {
        %mul3A_86 = arith.constant 16 : i32
        %mul3A_87 = arith.muli %scan3A_85, %mul3A_86 : i32
        %swap3A = arith.index_cast %mul3A_87 : i32 to index
        %swap3A_88 = tpu.vector_load %arg8[%swap3A] {strides = array<i32>} : memref<10000xf32, #tpu.memory_space<vmem>>, vector<16xf32>,
        tpu.vector_store %arg8[%swap3A], %broadcast_in_dim3A_1 {strides = array<i32>} : memref<10000xf32, #tpu.memory_space<vmem>>, vector<16xf32>,
      }
      %scan3A_84 = arith.constant 625 : i32
      "tpu.region"() ({
        %run_scoped3A = tpu.sem_alloc : memref<!tpu.dma_semaphore, #tpu.memory_space<semaphore_mem>>
        tpu.enqueue_dma source(%arg8 : memref<10000xf32, #tpu.memory_space<vmem>>) target(%arg5 : memref<10000xf32, #tpu.memory_space<vmem_shared>>) target_semaphore(%run_scoped3A : memref<!tpu.dma_semaphore, #tpu.memory_space<semaphore_mem>>)
        tpu.wait_dma2 semaphore(%run_scoped3A : memref<!tpu.dma_semaphore, #tpu.memory_space<semaphore_mem>>) src(%arg8 : memref<10000xf32, #tpu.memory_space<vmem>>) dst(%arg5 : memref<10000xf32, #tpu.memory_space<vmem_shared>>)
        tpu.yield
      }) : () -> ()
    } else {
    }
    %barrier3A = arith.constant 0 : index
    tpu.barrier barrier_id(%barrier3A)
    %dma_start3A = arith.constant 0 : i32
    %dma_start3A_4 = arith.constant 0 : i32
    %dma_start3A_5 = arith.constant 0 : i32
    %dma_start3A_6 = arith.constant 0 : i32
    %dma_start3A_7 = tpu.memref_slice %arg7[%dma_start3A, %dma_start3A_6] : memref<125x80xf32, #tpu.memory_space<vmem>> -> memref<1x80xf32, #tpu.memory_space<vmem>>
    %dma_start3A_8 = tpu.memref_squeeze %dma_start3A_7 : memref<1x80xf32, #tpu.memory_space<vmem>> -> memref<80xf32, #tpu.memory_space<vmem>>
    %dma_start3A_9 = arith.constant 0 : i32
    %dma_start3A_10 = tpu.memref_slice %arg6[%dma_start3A_4, %dma_start3A_9] : memref<125x80xi32, #tpu.memory_space<vmem>> -> memref<1x80xi32, #tpu.memory_space<vmem>>
    %dma_start3A_11 = tpu.memref_squeeze %dma_start3A_10 : memref<1x80xi32, #tpu.memory_space<vmem>> -> memref<80xi32, #tpu.memory_space<vmem>>
    %dma_start3A_12 = arith.constant 0 : i32
    %dma_start3A_13 = tpu.memref_slice %arg5[%dma_start3A_12] : memref<10000xf32, #tpu.memory_space<vmem_shared>> -> memref<10000xf32, #tpu.memory_space<vmem_shared>>
    %dma_start3A_14 = tpu.memref_slice %arg10[%dma_start3A_5] : memref<5x!tpu.dma_semaphore, #tpu.memory_space<semaphore_mem>> -> memref<1x!tpu.dma_semaphore, #tpu.memory_space<semaphore_mem>>
    %dma_start3A_15 = tpu.memref_squeeze %dma_start3A_14 : memref<1x!tpu.dma_semaphore, #tpu.memory_space<semaphore_mem>> -> memref<!tpu.dma_semaphore, #tpu.memory_space<semaphore_mem>>
    tpu.enqueue_indirect_dma source(%dma_start3A_8 : memref<80xf32, #tpu.memory_space<vmem>>) target(%dma_start3A_13 : memref<10000xf32, #tpu.memory_space<vmem_shared>>) offsets(%dma_start3A_11 : memref<80xi32, #tpu.memory_space<vmem>>) semaphore(%dma_start3A_15 : memref<!tpu.dma_semaphore, #tpu.memory_space<semaphore_mem>>) {add = true}
    %dma_start3A_16 = arith.constant 1 : i32
    %dma_start3A_17 = arith.constant 1 : i32
    %dma_start3A_18 = arith.constant 1 : i32
    %dma_start3A_19 = arith.constant 0 : i32
    %dma_start3A_20 = tpu.memref_slice %arg7[%dma_start3A_16, %dma_start3A_19] : memref<125x80xf32, #tpu.memory_space<vmem>> -> memref<1x80xf32, #tpu.memory_space<vmem>>
    %dma_start3A_21 = tpu.memref_squeeze %dma_start3A_20 : memref<1x80xf32, #tpu.memory_space<vmem>> -> memref<80xf32, #tpu.memory_space<vmem>>
    %dma_start3A_22 = arith.constant 0 : i32
    %dma_start3A_23 = tpu.memref_slice %arg6[%dma_start3A_17, %dma_start3A_22] : memref<125x80xi32, #tpu.memory_space<vmem>> -> memref<1x80xi32, #tpu.memory_space<vmem>>
    %dma_start3A_24 = tpu.memref_squeeze %dma_start3A_23 : memref<1x80xi32, #tpu.memory_space<vmem>> -> memref<80xi32, #tpu.memory_space<vmem>>
    %dma_start3A_25 = arith.constant 0 : i32
    %dma_start3A_26 = tpu.memref_slice %arg5[%dma_start3A_25] : memref<10000xf32, #tpu.memory_space<vmem_shared>> -> memref<10000xf32, #tpu.memory_space<vmem_shared>>
    %dma_start3A_27 = tpu.memref_slice %arg10[%dma_start3A_18] : memref<5x!tpu.dma_semaphore, #tpu.memory_space<semaphore_mem>> -> memref<1x!tpu.dma_semaphore, #tpu.memory_space<semaphore_mem>>
    %dma_start3A_28 = tpu.memref_squeeze %dma_start3A_27 : memref<1x!tpu.dma_semaphore, #tpu.memory_space<semaphore_mem>> -> memref<!tpu.dma_semaphore, #tpu.memory_space<semaphore_mem>>
    tpu.enqueue_indirect_dma source(%dma_start3A_21 : memref<80xf32, #tpu.memory_space<vmem>>) target(%dma_start3A_26 : memref<10000xf32, #tpu.memory_space<vmem_shared>>) offsets(%dma_start3A_24 : memref<80xi32, #tpu.memory_space<vmem>>) semaphore(%dma_start3A_28 : memref<!tpu.dma_semaphore, #tpu.memory_space<semaphore_mem>>) {add = true}
    %dma_start3A_29 = arith.constant 2 : i32
    %dma_start3A_30 = arith.constant 2 : i32
    %dma_start3A_31 = arith.constant 2 : i32
    %dma_start3A_32 = arith.constant 0 : i32
    %dma_start3A_33 = tpu.memref_slice %arg7[%dma_start3A_29, %dma_start3A_32] : memref<125x80xf32, #tpu.memory_space<vmem>> -> memref<1x80xf32, #tpu.memory_space<vmem>>
    %dma_start3A_34 = tpu.memref_squeeze %dma_start3A_33 : memref<1x80xf32, #tpu.memory_space<vmem>> -> memref<80xf32, #tpu.memory_space<vmem>>
    %dma_start3A_35 = arith.constant 0 : i32
    %dma_start3A_36 = tpu.memref_slice %arg6[%dma_start3A_30, %dma_start3A_35] : memref<125x80xi32, #tpu.memory_space<vmem>> -> memref<1x80xi32, #tpu.memory_space<vmem>>
    %dma_start3A_37 = tpu.memref_squeeze %dma_start3A_36 : memref<1x80xi32, #tpu.memory_space<vmem>> -> memref<80xi32, #tpu.memory_space<vmem>>
    %dma_start3A_38 = arith.constant 0 : i32
    %dma_start3A_39 = tpu.memref_slice %arg5[%dma_start3A_38] : memref<10000xf32, #tpu.memory_space<vmem_shared>> -> memref<10000xf32, #tpu.memory_space<vmem_shared>>
    %dma_start3A_40 = tpu.memref_slice %arg10[%dma_start3A_31] : memref<5x!tpu.dma_semaphore, #tpu.memory_space<semaphore_mem>> -> memref<1x!tpu.dma_semaphore, #tpu.memory_space<semaphore_mem>>
    %dma_start3A_41 = tpu.memref_squeeze %dma_start3A_40 : memref<1x!tpu.dma_semaphore, #tpu.memory_space<semaphore_mem>> -> memref<!tpu.dma_semaphore, #tpu.memory_space<semaphore_mem>>
    tpu.enqueue_indirect_dma source(%dma_start3A_34 : memref<80xf32, #tpu.memory_space<vmem>>) target(%dma_start3A_39 : memref<10000xf32, #tpu.memory_space<vmem_shared>>) offsets(%dma_start3A_37 : memref<80xi32, #tpu.memory_space<vmem>>) semaphore(%dma_start3A_41 : memref<!tpu.dma_semaphore, #tpu.memory_space<semaphore_mem>>) {add = true}
    %dma_start3A_42 = arith.constant 3 : i32
    %dma_start3A_43 = arith.constant 3 : i32
    %dma_start3A_44 = arith.constant 3 : i32
    %dma_start3A_45 = arith.constant 0 : i32
    %dma_start3A_46 = tpu.memref_slice %arg7[%dma_start3A_42, %dma_start3A_45] : memref<125x80xf32, #tpu.memory_space<vmem>> -> memref<1x80xf32, #tpu.memory_space<vmem>>
    %dma_start3A_47 = tpu.memref_squeeze %dma_start3A_46 : memref<1x80xf32, #tpu.memory_space<vmem>> -> memref<80xf32, #tpu.memory_space<vmem>>
    %dma_start3A_48 = arith.constant 0 : i32
    %dma_start3A_49 = tpu.memref_slice %arg6[%dma_start3A_43, %dma_start3A_48] : memref<125x80xi32, #tpu.memory_space<vmem>> -> memref<1x80xi32, #tpu.memory_space<vmem>>
    %dma_start3A_50 = tpu.memref_squeeze %dma_start3A_49 : memref<1x80xi32, #tpu.memory_space<vmem>> -> memref<80xi32, #tpu.memory_space<vmem>>
    %dma_start3A_51 = arith.constant 0 : i32
    %dma_start3A_52 = tpu.memref_slice %arg5[%dma_start3A_51] : memref<10000xf32, #tpu.memory_space<vmem_shared>> -> memref<10000xf32, #tpu.memory_space<vmem_shared>>
    %dma_start3A_53 = tpu.memref_slice %arg10[%dma_start3A_44] : memref<5x!tpu.dma_semaphore, #tpu.memory_space<semaphore_mem>> -> memref<1x!tpu.dma_semaphore, #tpu.memory_space<semaphore_mem>>
    %dma_start3A_54 = tpu.memref_squeeze %dma_start3A_53 : memref<1x!tpu.dma_semaphore, #tpu.memory_space<semaphore_mem>> -> memref<!tpu.dma_semaphore, #tpu.memory_space<semaphore_mem>>
    tpu.enqueue_indirect_dma source(%dma_start3A_47 : memref<80xf32, #tpu.memory_space<vmem>>) target(%dma_start3A_52 : memref<10000xf32, #tpu.memory_space<vmem_shared>>) offsets(%dma_start3A_50 : memref<80xi32, #tpu.memory_space<vmem>>) semaphore(%dma_start3A_54 : memref<!tpu.dma_semaphore, #tpu.memory_space<semaphore_mem>>) {add = true}
    %dma_start3A_55 = arith.constant 4 : i32
    %dma_start3A_56 = arith.constant 4 : i32
    %dma_start3A_57 = arith.constant 4 : i32
    %dma_start3A_58 = arith.constant 0 : i32
    %dma_start3A_59 = tpu.memref_slice %arg7[%dma_start3A_55, %dma_start3A_58] : memref<125x80xf32, #tpu.memory_space<vmem>> -> memref<1x80xf32, #tpu.memory_space<vmem>>
    %dma_start3A_60 = tpu.memref_squeeze %dma_start3A_59 : memref<1x80xf32, #tpu.memory_space<vmem>> -> memref<80xf32, #tpu.memory_space<vmem>>
    %dma_start3A_61 = arith.constant 0 : i32
    %dma_start3A_62 = tpu.memref_slice %arg6[%dma_start3A_56, %dma_start3A_61] : memref<125x80xi32, #tpu.memory_space<vmem>> -> memref<1x80xi32, #tpu.memory_space<vmem>>
    %dma_start3A_63 = tpu.memref_squeeze %dma_start3A_62 : memref<1x80xi32, #tpu.memory_space<vmem>> -> memref<80xi32, #tpu.memory_space<vmem>>
    %dma_start3A_64 = arith.constant 0 : i32
    %dma_start3A_65 = tpu.memref_slice %arg5[%dma_start3A_64] : memref<10000xf32, #tpu.memory_space<vmem_shared>> -> memref<10000xf32, #tpu.memory_space<vmem_shared>>
    %dma_start3A_66 = tpu.memref_slice %arg10[%dma_start3A_57] : memref<5x!tpu.dma_semaphore, #tpu.memory_space<semaphore_mem>> -> memref<1x!tpu.dma_semaphore, #tpu.memory_space<semaphore_mem>>
    %dma_start3A_67 = tpu.memref_squeeze %dma_start3A_66 : memref<1x!tpu.dma_semaphore, #tpu.memory_space<semaphore_mem>> -> memref<!tpu.dma_semaphore, #tpu.memory_space<semaphore_mem>>
    tpu.enqueue_indirect_dma source(%dma_start3A_60 : memref<80xf32, #tpu.memory_space<vmem>>) target(%dma_start3A_65 : memref<10000xf32, #tpu.memory_space<vmem_shared>>) offsets(%dma_start3A_63 : memref<80xi32, #tpu.memory_space<vmem>>) semaphore(%dma_start3A_67 : memref<!tpu.dma_semaphore, #tpu.memory_space<semaphore_mem>>) {add = true}
    %scan3A = arith.constant 0 : i32
    %scan3A_68 = arith.constant 0 : i32
    %scan3A_69 = arith.constant 25 : i32
    %scan3A_70 = arith.addi %scan3A_68, %scan3A_69 : i32
    %scan3A_71 = arith.constant 1 : i32
    scf.for %scan3A_79 = %scan3A_68 to %scan3A_70 step %scan3A_71  : i32 {
      %mul3A_80 = arith.constant 5 : i32
      %mul3A_81 = arith.muli %scan3A_79, %mul3A_80 : i32
      %add3A_82 = arith.constant 0 : i32
      %add3A_83 = arith.addi %mul3A_81, %add3A_82 : i32
      %dma_wait3A = arith.constant 0 : i32
      %dma_wait3A_84 = arith.constant 0 : i32
      %dma_wait3A_85 = tpu.memref_slice %arg7[%add3A_83, %dma_wait3A_84] : memref<125x80xf32, #tpu.memory_space<vmem>> -> memref<1x80xf32, #tpu.memory_space<vmem>>
      %dma_wait3A_86 = tpu.memref_squeeze %dma_wait3A_85 : memref<1x80xf32, #tpu.memory_space<vmem>> -> memref<80xf32, #tpu.memory_space<vmem>>
      %dma_wait3A_87 = arith.constant 0 : i32
      %dma_wait3A_88 = tpu.memref_slice %arg6[%add3A_83, %dma_wait3A_87] : memref<125x80xi32, #tpu.memory_space<vmem>> -> memref<1x80xi32, #tpu.memory_space<vmem>>
      %dma_wait3A_89 = tpu.memref_squeeze %dma_wait3A_88 : memref<1x80xi32, #tpu.memory_space<vmem>> -> memref<80xi32, #tpu.memory_space<vmem>>
      %dma_wait3A_90 = arith.constant 0 : i32
      %dma_wait3A_91 = tpu.memref_slice %arg5[%dma_wait3A_90] : memref<10000xf32, #tpu.memory_space<vmem_shared>> -> memref<10000xf32, #tpu.memory_space<vmem_shared>>
      %dma_wait3A_92 = tpu.memref_slice %arg10[%dma_wait3A] : memref<5x!tpu.dma_semaphore, #tpu.memory_space<semaphore_mem>> -> memref<1x!tpu.dma_semaphore, #tpu.memory_space<semaphore_mem>>
      %dma_wait3A_93 = tpu.memref_squeeze %dma_wait3A_92 : memref<1x!tpu.dma_semaphore, #tpu.memory_space<semaphore_mem>> -> memref<!tpu.dma_semaphore, #tpu.memory_space<semaphore_mem>>
      tpu.wait_indirect_dma semaphore(%dma_wait3A_93 : memref<!tpu.dma_semaphore, #tpu.memory_space<semaphore_mem>>) src(%dma_wait3A_86 : memref<80xf32, #tpu.memory_space<vmem>>) dst(%dma_wait3A_91 : memref<10000xf32, #tpu.memory_space<vmem_shared>>)
      %add3A_94 = arith.constant 1 : i32
      %add3A_95 = arith.addi %scan3A_79, %add3A_94 : i32
      %lt3A = arith.constant 25 : i32
      %lt3A_96 = arith.cmpi slt, %add3A_95, %lt3A : i32
      %convert_element_type3A_97 = arith.extui %lt3A_96 : i1 to i32
      %cond3A_98 = arith.constant 0 : i32
      %cond3A_99 = arith.cmpi ne, %convert_element_type3A_97, %cond3A_98 : i32
      scf.if %cond3A_99 {
        %add3A_188 = arith.constant 5 : i32
        %add3A_189 = arith.addi %add3A_83, %add3A_188 : i32
        %add3A_190 = arith.constant 5 : i32
        %add3A_191 = arith.addi %add3A_83, %add3A_190 : i32
        %dma_start3A_192 = arith.constant 0 : i32
        %dma_start3A_193 = arith.constant 0 : i32
        %dma_start3A_194 = tpu.memref_slice %arg7[%add3A_189, %dma_start3A_193] : memref<125x80xf32, #tpu.memory_space<vmem>> -> memref<1x80xf32, #tpu.memory_space<vmem>>
        %dma_start3A_195 = tpu.memref_squeeze %dma_start3A_194 : memref<1x80xf32, #tpu.memory_space<vmem>> -> memref<80xf32, #tpu.memory_space<vmem>>
        %dma_start3A_196 = arith.constant 0 : i32
        %dma_start3A_197 = tpu.memref_slice %arg6[%add3A_191, %dma_start3A_196] : memref<125x80xi32, #tpu.memory_space<vmem>> -> memref<1x80xi32, #tpu.memory_space<vmem>>
        %dma_start3A_198 = tpu.memref_squeeze %dma_start3A_197 : memref<1x80xi32, #tpu.memory_space<vmem>> -> memref<80xi32, #tpu.memory_space<vmem>>
        %dma_start3A_199 = arith.constant 0 : i32
        %dma_start3A_200 = tpu.memref_slice %arg5[%dma_start3A_199] : memref<10000xf32, #tpu.memory_space<vmem_shared>> -> memref<10000xf32, #tpu.memory_space<vmem_shared>>
        %dma_start3A_201 = tpu.memref_slice %arg10[%dma_start3A_192] : memref<5x!tpu.dma_semaphore, #tpu.memory_space<semaphore_mem>> -> memref<1x!tpu.dma_semaphore, #tpu.memory_space<semaphore_mem>>
        %dma_start3A_202 = tpu.memref_squeeze %dma_start3A_201 : memref<1x!tpu.dma_semaphore, #tpu.memory_space<semaphore_mem>> -> memref<!tpu.dma_semaphore, #tpu.memory_space<semaphore_mem>>
        tpu.enqueue_indirect_dma source(%dma_start3A_195 : memref<80xf32, #tpu.memory_space<vmem>>) target(%dma_start3A_200 : memref<10000xf32, #tpu.memory_space<vmem_shared>>) offsets(%dma_start3A_198 : memref<80xi32, #tpu.memory_space<vmem>>) semaphore(%dma_start3A_202 : memref<!tpu.dma_semaphore, #tpu.memory_space<semaphore_mem>>) {add = true}
      } else {
      }
      %mul3A_100 = arith.constant 5 : i32
      %mul3A_101 = arith.muli %scan3A_79, %mul3A_100 : i32
      %add3A_102 = arith.constant 1 : i32
      %add3A_103 = arith.addi %mul3A_101, %add3A_102 : i32
      %dma_wait3A_104 = arith.constant 1 : i32
      %dma_wait3A_105 = arith.constant 0 : i32
      %dma_wait3A_106 = tpu.memref_slice %arg7[%add3A_103, %dma_wait3A_105] : memref<125x80xf32, #tpu.memory_space<vmem>> -> memref<1x80xf32, #tpu.memory_space<vmem>>
      %dma_wait3A_107 = tpu.memref_squeeze %dma_wait3A_106 : memref<1x80xf32, #tpu.memory_space<vmem>> -> memref<80xf32, #tpu.memory_space<vmem>>
      %dma_wait3A_108 = arith.constant 0 : i32
      %dma_wait3A_109 = tpu.memref_slice %arg6[%add3A_103, %dma_wait3A_108] : memref<125x80xi32, #tpu.memory_space<vmem>> -> memref<1x80xi32, #tpu.memory_space<vmem>>
      %dma_wait3A_110 = tpu.memref_squeeze %dma_wait3A_109 : memref<1x80xi32, #tpu.memory_space<vmem>> -> memref<80xi32, #tpu.memory_space<vmem>>
      %dma_wait3A_111 = arith.constant 0 : i32
      %dma_wait3A_112 = tpu.memref_slice %arg5[%dma_wait3A_111] : memref<10000xf32, #tpu.memory_space<vmem_shared>> -> memref<10000xf32, #tpu.memory_space<vmem_shared>>
      %dma_wait3A_113 = tpu.memref_slice %arg10[%dma_wait3A_104] : memref<5x!tpu.dma_semaphore, #tpu.memory_space<semaphore_mem>> -> memref<1x!tpu.dma_semaphore, #tpu.memory_space<semaphore_mem>>
      %dma_wait3A_114 = tpu.memref_squeeze %dma_wait3A_113 : memref<1x!tpu.dma_semaphore, #tpu.memory_space<semaphore_mem>> -> memref<!tpu.dma_semaphore, #tpu.memory_space<semaphore_mem>>
      tpu.wait_indirect_dma semaphore(%dma_wait3A_114 : memref<!tpu.dma_semaphore, #tpu.memory_space<semaphore_mem>>) src(%dma_wait3A_107 : memref<80xf32, #tpu.memory_space<vmem>>) dst(%dma_wait3A_112 : memref<10000xf32, #tpu.memory_space<vmem_shared>>)
      %add3A_115 = arith.constant 1 : i32
      %add3A_116 = arith.addi %scan3A_79, %add3A_115 : i32
      %lt3A_117 = arith.constant 25 : i32
      %lt3A_118 = arith.cmpi slt, %add3A_116, %lt3A_117 : i32
      %convert_element_type3A_119 = arith.extui %lt3A_118 : i1 to i32
      %cond3A_120 = arith.constant 0 : i32
      %cond3A_121 = arith.cmpi ne, %convert_element_type3A_119, %cond3A_120 : i32
      scf.if %cond3A_121 {
        %add3A_188 = arith.constant 5 : i32
        %add3A_189 = arith.addi %add3A_103, %add3A_188 : i32
        %add3A_190 = arith.constant 5 : i32
        %add3A_191 = arith.addi %add3A_103, %add3A_190 : i32
        %dma_start3A_192 = arith.constant 1 : i32
        %dma_start3A_193 = arith.constant 0 : i32
        %dma_start3A_194 = tpu.memref_slice %arg7[%add3A_189, %dma_start3A_193] : memref<125x80xf32, #tpu.memory_space<vmem>> -> memref<1x80xf32, #tpu.memory_space<vmem>>
        %dma_start3A_195 = tpu.memref_squeeze %dma_start3A_194 : memref<1x80xf32, #tpu.memory_space<vmem>> -> memref<80xf32, #tpu.memory_space<vmem>>
        %dma_start3A_196 = arith.constant 0 : i32
        %dma_start3A_197 = tpu.memref_slice %arg6[%add3A_191, %dma_start3A_196] : memref<125x80xi32, #tpu.memory_space<vmem>> -> memref<1x80xi32, #tpu.memory_space<vmem>>
        %dma_start3A_198 = tpu.memref_squeeze %dma_start3A_197 : memref<1x80xi32, #tpu.memory_space<vmem>> -> memref<80xi32, #tpu.memory_space<vmem>>
        %dma_start3A_199 = arith.constant 0 : i32
        %dma_start3A_200 = tpu.memref_slice %arg5[%dma_start3A_199] : memref<10000xf32, #tpu.memory_space<vmem_shared>> -> memref<10000xf32, #tpu.memory_space<vmem_shared>>
        %dma_start3A_201 = tpu.memref_slice %arg10[%dma_start3A_192] : memref<5x!tpu.dma_semaphore, #tpu.memory_space<semaphore_mem>> -> memref<1x!tpu.dma_semaphore, #tpu.memory_space<semaphore_mem>>
        %dma_start3A_202 = tpu.memref_squeeze %dma_start3A_201 : memref<1x!tpu.dma_semaphore, #tpu.memory_space<semaphore_mem>> -> memref<!tpu.dma_semaphore, #tpu.memory_space<semaphore_mem>>
        tpu.enqueue_indirect_dma source(%dma_start3A_195 : memref<80xf32, #tpu.memory_space<vmem>>) target(%dma_start3A_200 : memref<10000xf32, #tpu.memory_space<vmem_shared>>) offsets(%dma_start3A_198 : memref<80xi32, #tpu.memory_space<vmem>>) semaphore(%dma_start3A_202 : memref<!tpu.dma_semaphore, #tpu.memory_space<semaphore_mem>>) {add = true}
      } else {
      }
      %mul3A_122 = arith.constant 5 : i32
      %mul3A_123 = arith.muli %scan3A_79, %mul3A_122 : i32
      %add3A_124 = arith.constant 2 : i32
      %add3A_125 = arith.addi %mul3A_123, %add3A_124 : i32
      %dma_wait3A_126 = arith.constant 2 : i32
      %dma_wait3A_127 = arith.constant 0 : i32
      %dma_wait3A_128 = tpu.memref_slice %arg7[%add3A_125, %dma_wait3A_127] : memref<125x80xf32, #tpu.memory_space<vmem>> -> memref<1x80xf32, #tpu.memory_space<vmem>>
      %dma_wait3A_129 = tpu.memref_squeeze %dma_wait3A_128 : memref<1x80xf32, #tpu.memory_space<vmem>> -> memref<80xf32, #tpu.memory_space<vmem>>
      %dma_wait3A_130 = arith.constant 0 : i32
      %dma_wait3A_131 = tpu.memref_slice %arg6[%add3A_125, %dma_wait3A_130] : memref<125x80xi32, #tpu.memory_space<vmem>> -> memref<1x80xi32, #tpu.memory_space<vmem>>
      %dma_wait3A_132 = tpu.memref_squeeze %dma_wait3A_131 : memref<1x80xi32, #tpu.memory_space<vmem>> -> memref<80xi32, #tpu.memory_space<vmem>>
      %dma_wait3A_133 = arith.constant 0 : i32
      %dma_wait3A_134 = tpu.memref_slice %arg5[%dma_wait3A_133] : memref<10000xf32, #tpu.memory_space<vmem_shared>> -> memref<10000xf32, #tpu.memory_space<vmem_shared>>
      %dma_wait3A_135 = tpu.memref_slice %arg10[%dma_wait3A_126] : memref<5x!tpu.dma_semaphore, #tpu.memory_space<semaphore_mem>> -> memref<1x!tpu.dma_semaphore, #tpu.memory_space<semaphore_mem>>
      %dma_wait3A_136 = tpu.memref_squeeze %dma_wait3A_135 : memref<1x!tpu.dma_semaphore, #tpu.memory_space<semaphore_mem>> -> memref<!tpu.dma_semaphore, #tpu.memory_space<semaphore_mem>>
      tpu.wait_indirect_dma semaphore(%dma_wait3A_136 : memref<!tpu.dma_semaphore, #tpu.memory_space<semaphore_mem>>) src(%dma_wait3A_129 : memref<80xf32, #tpu.memory_space<vmem>>) dst(%dma_wait3A_134 : memref<10000xf32, #tpu.memory_space<vmem_shared>>)
      %add3A_137 = arith.constant 1 : i32
      %add3A_138 = arith.addi %scan3A_79, %add3A_137 : i32
      %lt3A_139 = arith.constant 25 : i32
      %lt3A_140 = arith.cmpi slt, %add3A_138, %lt3A_139 : i32
      %convert_element_type3A_141 = arith.extui %lt3A_140 : i1 to i32
      %cond3A_142 = arith.constant 0 : i32
      %cond3A_143 = arith.cmpi ne, %convert_element_type3A_141, %cond3A_142 : i32
      scf.if %cond3A_143 {
        %add3A_188 = arith.constant 5 : i32
        %add3A_189 = arith.addi %add3A_125, %add3A_188 : i32
        %add3A_190 = arith.constant 5 : i32
        %add3A_191 = arith.addi %add3A_125, %add3A_190 : i32
        %dma_start3A_192 = arith.constant 2 : i32
        %dma_start3A_193 = arith.constant 0 : i32
        %dma_start3A_194 = tpu.memref_slice %arg7[%add3A_189, %dma_start3A_193] : memref<125x80xf32, #tpu.memory_space<vmem>> -> memref<1x80xf32, #tpu.memory_space<vmem>>
        %dma_start3A_195 = tpu.memref_squeeze %dma_start3A_194 : memref<1x80xf32, #tpu.memory_space<vmem>> -> memref<80xf32, #tpu.memory_space<vmem>>
        %dma_start3A_196 = arith.constant 0 : i32
        %dma_start3A_197 = tpu.memref_slice %arg6[%add3A_191, %dma_start3A_196] : memref<125x80xi32, #tpu.memory_space<vmem>> -> memref<1x80xi32, #tpu.memory_space<vmem>>
        %dma_start3A_198 = tpu.memref_squeeze %dma_start3A_197 : memref<1x80xi32, #tpu.memory_space<vmem>> -> memref<80xi32, #tpu.memory_space<vmem>>
        %dma_start3A_199 = arith.constant 0 : i32
        %dma_start3A_200 = tpu.memref_slice %arg5[%dma_start3A_199] : memref<10000xf32, #tpu.memory_space<vmem_shared>> -> memref<10000xf32, #tpu.memory_space<vmem_shared>>
        %dma_start3A_201 = tpu.memref_slice %arg10[%dma_start3A_192] : memref<5x!tpu.dma_semaphore, #tpu.memory_space<semaphore_mem>> -> memref<1x!tpu.dma_semaphore, #tpu.memory_space<semaphore_mem>>
        %dma_start3A_202 = tpu.memref_squeeze %dma_start3A_201 : memref<1x!tpu.dma_semaphore, #tpu.memory_space<semaphore_mem>> -> memref<!tpu.dma_semaphore, #tpu.memory_space<semaphore_mem>>
        tpu.enqueue_indirect_dma source(%dma_start3A_195 : memref<80xf32, #tpu.memory_space<vmem>>) target(%dma_start3A_200 : memref<10000xf32, #tpu.memory_space<vmem_shared>>) offsets(%dma_start3A_198 : memref<80xi32, #tpu.memory_space<vmem>>) semaphore(%dma_start3A_202 : memref<!tpu.dma_semaphore, #tpu.memory_space<semaphore_mem>>) {add = true}
      } else {
      }
      %mul3A_144 = arith.constant 5 : i32
      %mul3A_145 = arith.muli %scan3A_79, %mul3A_144 : i32
      %add3A_146 = arith.constant 3 : i32
      %add3A_147 = arith.addi %mul3A_145, %add3A_146 : i32
      %dma_wait3A_148 = arith.constant 3 : i32
      %dma_wait3A_149 = arith.constant 0 : i32
      %dma_wait3A_150 = tpu.memref_slice %arg7[%add3A_147, %dma_wait3A_149] : memref<125x80xf32, #tpu.memory_space<vmem>> -> memref<1x80xf32, #tpu.memory_space<vmem>>
      %dma_wait3A_151 = tpu.memref_squeeze %dma_wait3A_150 : memref<1x80xf32, #tpu.memory_space<vmem>> -> memref<80xf32, #tpu.memory_space<vmem>>
      %dma_wait3A_152 = arith.constant 0 : i32
      %dma_wait3A_153 = tpu.memref_slice %arg6[%add3A_147, %dma_wait3A_152] : memref<125x80xi32, #tpu.memory_space<vmem>> -> memref<1x80xi32, #tpu.memory_space<vmem>>
      %dma_wait3A_154 = tpu.memref_squeeze %dma_wait3A_153 : memref<1x80xi32, #tpu.memory_space<vmem>> -> memref<80xi32, #tpu.memory_space<vmem>>
      %dma_wait3A_155 = arith.constant 0 : i32
      %dma_wait3A_156 = tpu.memref_slice %arg5[%dma_wait3A_155] : memref<10000xf32, #tpu.memory_space<vmem_shared>> -> memref<10000xf32, #tpu.memory_space<vmem_shared>>
      %dma_wait3A_157 = tpu.memref_slice %arg10[%dma_wait3A_148] : memref<5x!tpu.dma_semaphore, #tpu.memory_space<semaphore_mem>> -> memref<1x!tpu.dma_semaphore, #tpu.memory_space<semaphore_mem>>
      %dma_wait3A_158 = tpu.memref_squeeze %dma_wait3A_157 : memref<1x!tpu.dma_semaphore, #tpu.memory_space<semaphore_mem>> -> memref<!tpu.dma_semaphore, #tpu.memory_space<semaphore_mem>>
      tpu.wait_indirect_dma semaphore(%dma_wait3A_158 : memref<!tpu.dma_semaphore, #tpu.memory_space<semaphore_mem>>) src(%dma_wait3A_151 : memref<80xf32, #tpu.memory_space<vmem>>) dst(%dma_wait3A_156 : memref<10000xf32, #tpu.memory_space<vmem_shared>>)
      %add3A_159 = arith.constant 1 : i32
      %add3A_160 = arith.addi %scan3A_79, %add3A_159 : i32
      %lt3A_161 = arith.constant 25 : i32
      %lt3A_162 = arith.cmpi slt, %add3A_160, %lt3A_161 : i32
      %convert_element_type3A_163 = arith.extui %lt3A_162 : i1 to i32
      %cond3A_164 = arith.constant 0 : i32
      %cond3A_165 = arith.cmpi ne, %convert_element_type3A_163, %cond3A_164 : i32
      scf.if %cond3A_165 {
        %add3A_188 = arith.constant 5 : i32
        %add3A_189 = arith.addi %add3A_147, %add3A_188 : i32
        %add3A_190 = arith.constant 5 : i32
        %add3A_191 = arith.addi %add3A_147, %add3A_190 : i32
        %dma_start3A_192 = arith.constant 3 : i32
        %dma_start3A_193 = arith.constant 0 : i32
        %dma_start3A_194 = tpu.memref_slice %arg7[%add3A_189, %dma_start3A_193] : memref<125x80xf32, #tpu.memory_space<vmem>> -> memref<1x80xf32, #tpu.memory_space<vmem>>
        %dma_start3A_195 = tpu.memref_squeeze %dma_start3A_194 : memref<1x80xf32, #tpu.memory_space<vmem>> -> memref<80xf32, #tpu.memory_space<vmem>>
        %dma_start3A_196 = arith.constant 0 : i32
        %dma_start3A_197 = tpu.memref_slice %arg6[%add3A_191, %dma_start3A_196] : memref<125x80xi32, #tpu.memory_space<vmem>> -> memref<1x80xi32, #tpu.memory_space<vmem>>
        %dma_start3A_198 = tpu.memref_squeeze %dma_start3A_197 : memref<1x80xi32, #tpu.memory_space<vmem>> -> memref<80xi32, #tpu.memory_space<vmem>>
        %dma_start3A_199 = arith.constant 0 : i32
        %dma_start3A_200 = tpu.memref_slice %arg5[%dma_start3A_199] : memref<10000xf32, #tpu.memory_space<vmem_shared>> -> memref<10000xf32, #tpu.memory_space<vmem_shared>>
        %dma_start3A_201 = tpu.memref_slice %arg10[%dma_start3A_192] : memref<5x!tpu.dma_semaphore, #tpu.memory_space<semaphore_mem>> -> memref<1x!tpu.dma_semaphore, #tpu.memory_space<semaphore_mem>>
        %dma_start3A_202 = tpu.memref_squeeze %dma_start3A_201 : memref<1x!tpu.dma_semaphore, #tpu.memory_space<semaphore_mem>> -> memref<!tpu.dma_semaphore, #tpu.memory_space<semaphore_mem>>
        tpu.enqueue_indirect_dma source(%dma_start3A_195 : memref<80xf32, #tpu.memory_space<vmem>>) target(%dma_start3A_200 : memref<10000xf32, #tpu.memory_space<vmem_shared>>) offsets(%dma_start3A_198 : memref<80xi32, #tpu.memory_space<vmem>>) semaphore(%dma_start3A_202 : memref<!tpu.dma_semaphore, #tpu.memory_space<semaphore_mem>>) {add = true}
      } else {
      }
      %mul3A_166 = arith.constant 5 : i32
      %mul3A_167 = arith.muli %scan3A_79, %mul3A_166 : i32
      %add3A_168 = arith.constant 4 : i32
      %add3A_169 = arith.addi %mul3A_167, %add3A_168 : i32
      %dma_wait3A_170 = arith.constant 4 : i32
      %dma_wait3A_171 = arith.constant 0 : i32
      %dma_wait3A_172 = tpu.memref_slice %arg7[%add3A_169, %dma_wait3A_171] : memref<125x80xf32, #tpu.memory_space<vmem>> -> memref<1x80xf32, #tpu.memory_space<vmem>>
      %dma_wait3A_173 = tpu.memref_squeeze %dma_wait3A_172 : memref<1x80xf32, #tpu.memory_space<vmem>> -> memref<80xf32, #tpu.memory_space<vmem>>
      %dma_wait3A_174 = arith.constant 0 : i32
      %dma_wait3A_175 = tpu.memref_slice %arg6[%add3A_169, %dma_wait3A_174] : memref<125x80xi32, #tpu.memory_space<vmem>> -> memref<1x80xi32, #tpu.memory_space<vmem>>
      %dma_wait3A_176 = tpu.memref_squeeze %dma_wait3A_175 : memref<1x80xi32, #tpu.memory_space<vmem>> -> memref<80xi32, #tpu.memory_space<vmem>>
      %dma_wait3A_177 = arith.constant 0 : i32
      %dma_wait3A_178 = tpu.memref_slice %arg5[%dma_wait3A_177] : memref<10000xf32, #tpu.memory_space<vmem_shared>> -> memref<10000xf32, #tpu.memory_space<vmem_shared>>
      %dma_wait3A_179 = tpu.memref_slice %arg10[%dma_wait3A_170] : memref<5x!tpu.dma_semaphore, #tpu.memory_space<semaphore_mem>> -> memref<1x!tpu.dma_semaphore, #tpu.memory_space<semaphore_mem>>
      %dma_wait3A_180 = tpu.memref_squeeze %dma_wait3A_179 : memref<1x!tpu.dma_semaphore, #tpu.memory_space<semaphore_mem>> -> memref<!tpu.dma_semaphore, #tpu.memory_space<semaphore_mem>>
      tpu.wait_indirect_dma semaphore(%dma_wait3A_180 : memref<!tpu.dma_semaphore, #tpu.memory_space<semaphore_mem>>) src(%dma_wait3A_173 : memref<80xf32, #tpu.memory_space<vmem>>) dst(%dma_wait3A_178 : memref<10000xf32, #tpu.memory_space<vmem_shared>>)
      %add3A_181 = arith.constant 1 : i32
      %add3A_182 = arith.addi %scan3A_79, %add3A_181 : i32
      %lt3A_183 = arith.constant 25 : i32
      %lt3A_184 = arith.cmpi slt, %add3A_182, %lt3A_183 : i32
      %convert_element_type3A_185 = arith.extui %lt3A_184 : i1 to i32
      %cond3A_186 = arith.constant 0 : i32
      %cond3A_187 = arith.cmpi ne, %convert_element_type3A_185, %cond3A_186 : i32
      scf.if %cond3A_187 {
        %add3A_188 = arith.constant 5 : i32
        %add3A_189 = arith.addi %add3A_169, %add3A_188 : i32
        %add3A_190 = arith.constant 5 : i32
        %add3A_191 = arith.addi %add3A_169, %add3A_190 : i32
        %dma_start3A_192 = arith.constant 4 : i32
        %dma_start3A_193 = arith.constant 0 : i32
        %dma_start3A_194 = tpu.memref_slice %arg7[%add3A_189, %dma_start3A_193] : memref<125x80xf32, #tpu.memory_space<vmem>> -> memref<1x80xf32, #tpu.memory_space<vmem>>
        %dma_start3A_195 = tpu.memref_squeeze %dma_start3A_194 : memref<1x80xf32, #tpu.memory_space<vmem>> -> memref<80xf32, #tpu.memory_space<vmem>>
        %dma_start3A_196 = arith.constant 0 : i32
        %dma_start3A_197 = tpu.memref_slice %arg6[%add3A_191, %dma_start3A_196] : memref<125x80xi32, #tpu.memory_space<vmem>> -> memref<1x80xi32, #tpu.memory_space<vmem>>
        %dma_start3A_198 = tpu.memref_squeeze %dma_start3A_197 : memref<1x80xi32, #tpu.memory_space<vmem>> -> memref<80xi32, #tpu.memory_space<vmem>>
        %dma_start3A_199 = arith.constant 0 : i32
        %dma_start3A_200 = tpu.memref_slice %arg5[%dma_start3A_199] : memref<10000xf32, #tpu.memory_space<vmem_shared>> -> memref<10000xf32, #tpu.memory_space<vmem_shared>>
        %dma_start3A_201 = tpu.memref_slice %arg10[%dma_start3A_192] : memref<5x!tpu.dma_semaphore, #tpu.memory_space<semaphore_mem>> -> memref<1x!tpu.dma_semaphore, #tpu.memory_space<semaphore_mem>>
        %dma_start3A_202 = tpu.memref_squeeze %dma_start3A_201 : memref<1x!tpu.dma_semaphore, #tpu.memory_space<semaphore_mem>> -> memref<!tpu.dma_semaphore, #tpu.memory_space<semaphore_mem>>
        tpu.enqueue_indirect_dma source(%dma_start3A_195 : memref<80xf32, #tpu.memory_space<vmem>>) target(%dma_start3A_200 : memref<10000xf32, #tpu.memory_space<vmem_shared>>) offsets(%dma_start3A_198 : memref<80xi32, #tpu.memory_space<vmem>>) semaphore(%dma_start3A_202 : memref<!tpu.dma_semaphore, #tpu.memory_space<semaphore_mem>>) {add = true}
      } else {
      }
    }
    %scan3A_72 = arith.constant 25 : i32
    %barrier3A_73 = arith.constant 0 : index
    tpu.barrier barrier_id(%barrier3A_73)
    %eq3A_74 = arith.constant 0 : i32
    %eq3A_75 = arith.cmpi eq, %arg1, %eq3A_74 : i32
    %convert_element_type3A_76 = arith.extui %eq3A_75 : i1 to i32
    %cond3A_77 = arith.constant 0 : i32
    %cond3A_78 = arith.cmpi ne, %convert_element_type3A_76, %cond3A_77 : i32
    scf.if %cond3A_78 {
      "tpu.region"() ({
        %run_scoped3A = tpu.sem_alloc : memref<!tpu.dma_semaphore, #tpu.memory_space<semaphore_mem>>
        tpu.enqueue_dma source(%arg5 : memref<10000xf32, #tpu.memory_space<vmem_shared>>) target(%arg9 : memref<10000xf32, #tpu.memory_space<vmem>>) target_semaphore(%run_scoped3A : memref<!tpu.dma_semaphore, #tpu.memory_space<semaphore_mem>>)
        tpu.wait_dma2 semaphore(%run_scoped3A : memref<!tpu.dma_semaphore, #tpu.memory_space<semaphore_mem>>) src(%arg5 : memref<10000xf32, #tpu.memory_space<vmem_shared>>) dst(%arg9 : memref<10000xf32, #tpu.memory_space<vmem>>)
        tpu.yield
      }) : () -> ()
      "tpu.region"() ({
        %run_scoped3A = tpu.sem_alloc : memref<!tpu.dma_semaphore, #tpu.memory_space<semaphore_mem>>
        %dma_start3A_79 = arith.constant 0 : i32
        %dma_start3A_80 = tpu.memref_slice %arg4[%arg0, %dma_start3A_79] : memref<2x10000xf32, #tpu.memory_space<hbm>> -> memref<1x10000xf32, #tpu.memory_space<hbm>>
        %dma_start3A_81 = tpu.memref_squeeze %dma_start3A_80 : memref<1x10000xf32, #tpu.memory_space<hbm>> -> memref<10000xf32, #tpu.memory_space<hbm>>
        %dma_start3A_82 = arith.constant 0 : i32
        %dma_start3A_83 = tpu.memref_slice %arg4[%arg0, %dma_start3A_82] : memref<2x10000xf32, #tpu.memory_space<hbm>> -> memref<1x10000xf32, #tpu.memory_space<hbm>>
        %dma_start3A_84 = tpu.memref_squeeze %dma_start3A_83 : memref<1x10000xf32, #tpu.memory_space<hbm>> -> memref<10000xf32, #tpu.memory_space<hbm>>
        tpu.enqueue_dma source(%arg9 : memref<10000xf32, #tpu.memory_space<vmem>>) target(%dma_start3A_84 : memref<10000xf32, #tpu.memory_space<hbm>>) target_semaphore(%run_scoped3A : memref<!tpu.dma_semaphore, #tpu.memory_space<semaphore_mem>>)
        %dma_wait3A = arith.constant 0 : i32
        %dma_wait3A_85 = tpu.memref_slice %arg4[%arg0, %dma_wait3A] : memref<2x10000xf32, #tpu.memory_space<hbm>> -> memref<1x10000xf32, #tpu.memory_space<hbm>>
        %dma_wait3A_86 = tpu.memref_squeeze %dma_wait3A_85 : memref<1x10000xf32, #tpu.memory_space<hbm>> -> memref<10000xf32, #tpu.memory_space<hbm>>
        %dma_wait3A_87 = arith.constant 0 : i32
        %dma_wait3A_88 = tpu.memref_slice %arg4[%arg0, %dma_wait3A_87] : memref<2x10000xf32, #tpu.memory_space<hbm>> -> memref<1x10000xf32, #tpu.memory_space<hbm>>
        %dma_wait3A_89 = tpu.memref_squeeze %dma_wait3A_88 : memref<1x10000xf32, #tpu.memory_space<hbm>> -> memref<10000xf32, #tpu.memory_space<hbm>>
        tpu.wait_dma2 semaphore(%run_scoped3A : memref<!tpu.dma_semaphore, #tpu.memory_space<semaphore_mem>>) src(%arg9 : memref<10000xf32, #tpu.memory_space<vmem>>) dst(%dma_wait3A_89 : memref<10000xf32, #tpu.memory_space<hbm>>)
        tpu.yield
      }) : () -> ()
    } else {
    }
    return
  }
}

#map = affine_map<(d0, d1) -> (0, 0)>
#map1 = affine_map<(d0, d1) -> (0, 0, 0)>
module attributes {stable_mosaic.version = 14 : i64} {
  func.func @body(%arg0: i32, %arg1: i32, %arg2: memref<10000x128xf32, #tpu.memory_space<hbm>>, %arg3: memref<32x125x80xi32, #tpu.memory_space<hbm>>, %arg4: memref<32x125x80xi32, #tpu.memory_space<hbm>>, %arg5: memref<32x125x80xf32, #tpu.memory_space<hbm>>, %arg6: memref<20000x128xf32, #tpu.memory_space<hbm>>, %arg7: memref<10000x128xf32, #tpu.memory_space<vmem_shared>>, %arg8: memref<125x80xi32, #tpu.memory_space<vmem>>, %arg9: memref<125x80xi32, #tpu.memory_space<vmem>>, %arg10: memref<125x80xf32, #tpu.memory_space<vmem>>, %arg11: memref<2x80x128xf32, #tpu.memory_space<vmem>>, %arg12: memref<2x!tpu.dma_semaphore, #tpu.memory_space<semaphore_mem>>, %arg13: memref<2x!tpu.dma_semaphore, #tpu.memory_space<semaphore_mem>>) attributes {dimension_semantics = [#tpu.dimension_semantics<core_parallel>, #tpu.dimension_semantics<subcore_parallel>], iteration_bounds = array<i64: 2, 16>, scalar_prefetch = 0 : i64, scratch_operands = 7 : i64, tpu.core_type = #tpu.core_type<sc_vector_subcore>, window_params = [{transform_indices = #map}, {transform_indices = #map1}, {transform_indices = #map1}, {transform_indices = #map1}, {transform_indices = #map}]} {
    %mul3A = arith.constant 16 : i32
    %mul3A_0 = arith.muli %arg0, %mul3A : i32
    %add3A = arith.addi %mul3A_0, %arg1 : i32
    "tpu.region"() ({
      %run_scoped3A = tpu.sem_alloc : memref<!tpu.dma_semaphore, #tpu.memory_space<semaphore_mem>>
      %dma_start3A_200 = arith.constant 0 : i32
      %dma_start3A_201 = arith.constant 0 : i32
      %dma_start3A_202 = tpu.memref_slice %arg3[%add3A, %dma_start3A_200, %dma_start3A_201] : memref<32x125x80xi32, #tpu.memory_space<hbm>> -> memref<1x125x80xi32, #tpu.memory_space<hbm>>
      %dma_start3A_203 = tpu.memref_squeeze %dma_start3A_202 : memref<1x125x80xi32, #tpu.memory_space<hbm>> -> memref<125x80xi32, #tpu.memory_space<hbm>>
      %dma_start3A_204 = arith.constant 0 : i32
      %dma_start3A_205 = arith.constant 0 : i32
      %dma_start3A_206 = tpu.memref_slice %arg3[%add3A, %dma_start3A_204, %dma_start3A_205] : memref<32x125x80xi32, #tpu.memory_space<hbm>> -> memref<1x125x80xi32, #tpu.memory_space<hbm>>
      %dma_start3A_207 = tpu.memref_squeeze %dma_start3A_206 : memref<1x125x80xi32, #tpu.memory_space<hbm>> -> memref<125x80xi32, #tpu.memory_space<hbm>>
      tpu.enqueue_dma source(%dma_start3A_207 : memref<125x80xi32, #tpu.memory_space<hbm>>) target(%arg8 : memref<125x80xi32, #tpu.memory_space<vmem>>) target_semaphore(%run_scoped3A : memref<!tpu.dma_semaphore, #tpu.memory_space<semaphore_mem>>)
      %dma_wait3A_208 = arith.constant 0 : i32
      %dma_wait3A_209 = arith.constant 0 : i32
      %dma_wait3A_210 = tpu.memref_slice %arg3[%add3A, %dma_wait3A_208, %dma_wait3A_209] : memref<32x125x80xi32, #tpu.memory_space<hbm>> -> memref<1x125x80xi32, #tpu.memory_space<hbm>>
      %dma_wait3A_211 = tpu.memref_squeeze %dma_wait3A_210 : memref<1x125x80xi32, #tpu.memory_space<hbm>> -> memref<125x80xi32, #tpu.memory_space<hbm>>
      %dma_wait3A_212 = arith.constant 0 : i32
      %dma_wait3A_213 = arith.constant 0 : i32
      %dma_wait3A_214 = tpu.memref_slice %arg3[%add3A, %dma_wait3A_212, %dma_wait3A_213] : memref<32x125x80xi32, #tpu.memory_space<hbm>> -> memref<1x125x80xi32, #tpu.memory_space<hbm>>
      %dma_wait3A_215 = tpu.memref_squeeze %dma_wait3A_214 : memref<1x125x80xi32, #tpu.memory_space<hbm>> -> memref<125x80xi32, #tpu.memory_space<hbm>>
      tpu.wait_dma2 semaphore(%run_scoped3A : memref<!tpu.dma_semaphore, #tpu.memory_space<semaphore_mem>>) src(%dma_wait3A_215 : memref<125x80xi32, #tpu.memory_space<hbm>>) dst(%arg8 : memref<125x80xi32, #tpu.memory_space<vmem>>)
      tpu.yield
    }) : () -> ()
    "tpu.region"() ({
      %run_scoped3A = tpu.sem_alloc : memref<!tpu.dma_semaphore, #tpu.memory_space<semaphore_mem>>
      %dma_start3A_200 = arith.constant 0 : i32
      %dma_start3A_201 = arith.constant 0 : i32
      %dma_start3A_202 = tpu.memref_slice %arg4[%add3A, %dma_start3A_200, %dma_start3A_201] : memref<32x125x80xi32, #tpu.memory_space<hbm>> -> memref<1x125x80xi32, #tpu.memory_space<hbm>>
      %dma_start3A_203 = tpu.memref_squeeze %dma_start3A_202 : memref<1x125x80xi32, #tpu.memory_space<hbm>> -> memref<125x80xi32, #tpu.memory_space<hbm>>
      %dma_start3A_204 = arith.constant 0 : i32
      %dma_start3A_205 = arith.constant 0 : i32
      %dma_start3A_206 = tpu.memref_slice %arg4[%add3A, %dma_start3A_204, %dma_start3A_205] : memref<32x125x80xi32, #tpu.memory_space<hbm>> -> memref<1x125x80xi32, #tpu.memory_space<hbm>>
      %dma_start3A_207 = tpu.memref_squeeze %dma_start3A_206 : memref<1x125x80xi32, #tpu.memory_space<hbm>> -> memref<125x80xi32, #tpu.memory_space<hbm>>
      tpu.enqueue_dma source(%dma_start3A_207 : memref<125x80xi32, #tpu.memory_space<hbm>>) target(%arg9 : memref<125x80xi32, #tpu.memory_space<vmem>>) target_semaphore(%run_scoped3A : memref<!tpu.dma_semaphore, #tpu.memory_space<semaphore_mem>>)
      %dma_wait3A_208 = arith.constant 0 : i32
      %dma_wait3A_209 = arith.constant 0 : i32
      %dma_wait3A_210 = tpu.memref_slice %arg4[%add3A, %dma_wait3A_208, %dma_wait3A_209] : memref<32x125x80xi32, #tpu.memory_space<hbm>> -> memref<1x125x80xi32, #tpu.memory_space<hbm>>
      %dma_wait3A_211 = tpu.memref_squeeze %dma_wait3A_210 : memref<1x125x80xi32, #tpu.memory_space<hbm>> -> memref<125x80xi32, #tpu.memory_space<hbm>>
      %dma_wait3A_212 = arith.constant 0 : i32
      %dma_wait3A_213 = arith.constant 0 : i32
      %dma_wait3A_214 = tpu.memref_slice %arg4[%add3A, %dma_wait3A_212, %dma_wait3A_213] : memref<32x125x80xi32, #tpu.memory_space<hbm>> -> memref<1x125x80xi32, #tpu.memory_space<hbm>>
      %dma_wait3A_215 = tpu.memref_squeeze %dma_wait3A_214 : memref<1x125x80xi32, #tpu.memory_space<hbm>> -> memref<125x80xi32, #tpu.memory_space<hbm>>
      tpu.wait_dma2 semaphore(%run_scoped3A : memref<!tpu.dma_semaphore, #tpu.memory_space<semaphore_mem>>) src(%dma_wait3A_215 : memref<125x80xi32, #tpu.memory_space<hbm>>) dst(%arg9 : memref<125x80xi32, #tpu.memory_space<vmem>>)
      tpu.yield
    }) : () -> ()
    "tpu.region"() ({
      %run_scoped3A = tpu.sem_alloc : memref<!tpu.dma_semaphore, #tpu.memory_space<semaphore_mem>>
      %dma_start3A_200 = arith.constant 0 : i32
      %dma_start3A_201 = arith.constant 0 : i32
      %dma_start3A_202 = tpu.memref_slice %arg5[%add3A, %dma_start3A_200, %dma_start3A_201] : memref<32x125x80xf32, #tpu.memory_space<hbm>> -> memref<1x125x80xf32, #tpu.memory_space<hbm>>
      %dma_start3A_203 = tpu.memref_squeeze %dma_start3A_202 : memref<1x125x80xf32, #tpu.memory_space<hbm>> -> memref<125x80xf32, #tpu.memory_space<hbm>>
      %dma_start3A_204 = arith.constant 0 : i32
      %dma_start3A_205 = arith.constant 0 : i32
      %dma_start3A_206 = tpu.memref_slice %arg5[%add3A, %dma_start3A_204, %dma_start3A_205] : memref<32x125x80xf32, #tpu.memory_space<hbm>> -> memref<1x125x80xf32, #tpu.memory_space<hbm>>
      %dma_start3A_207 = tpu.memref_squeeze %dma_start3A_206 : memref<1x125x80xf32, #tpu.memory_space<hbm>> -> memref<125x80xf32, #tpu.memory_space<hbm>>
      tpu.enqueue_dma source(%dma_start3A_207 : memref<125x80xf32, #tpu.memory_space<hbm>>) target(%arg10 : memref<125x80xf32, #tpu.memory_space<vmem>>) target_semaphore(%run_scoped3A : memref<!tpu.dma_semaphore, #tpu.memory_space<semaphore_mem>>)
      %dma_wait3A_208 = arith.constant 0 : i32
      %dma_wait3A_209 = arith.constant 0 : i32
      %dma_wait3A_210 = tpu.memref_slice %arg5[%add3A, %dma_wait3A_208, %dma_wait3A_209] : memref<32x125x80xf32, #tpu.memory_space<hbm>> -> memref<1x125x80xf32, #tpu.memory_space<hbm>>
      %dma_wait3A_211 = tpu.memref_squeeze %dma_wait3A_210 : memref<1x125x80xf32, #tpu.memory_space<hbm>> -> memref<125x80xf32, #tpu.memory_space<hbm>>
      %dma_wait3A_212 = arith.constant 0 : i32
      %dma_wait3A_213 = arith.constant 0 : i32
      %dma_wait3A_214 = tpu.memref_slice %arg5[%add3A, %dma_wait3A_212, %dma_wait3A_213] : memref<32x125x80xf32, #tpu.memory_space<hbm>> -> memref<1x125x80xf32, #tpu.memory_space<hbm>>
      %dma_wait3A_215 = tpu.memref_squeeze %dma_wait3A_214 : memref<1x125x80xf32, #tpu.memory_space<hbm>> -> memref<125x80xf32, #tpu.memory_space<hbm>>
      tpu.wait_dma2 semaphore(%run_scoped3A : memref<!tpu.dma_semaphore, #tpu.memory_space<semaphore_mem>>) src(%dma_wait3A_215 : memref<125x80xf32, #tpu.memory_space<hbm>>) dst(%arg10 : memref<125x80xf32, #tpu.memory_space<vmem>>)
      tpu.yield
    }) : () -> ()
    %broadcast_in_dim3A = arith.constant 0.000000e+00 : f32
    %broadcast_in_dim3A_1 = vector.broadcast %broadcast_in_dim3A : f32 to vector<16xf32>
    %scan3A = arith.constant 0 : i32
    %scan3A_2 = arith.constant 0 : i32
    %scan3A_3 = arith.constant 80 : i32
    %scan3A_4 = arith.addi %scan3A_2, %scan3A_3 : i32
    %scan3A_5 = arith.constant 1 : i32
    scf.for %scan3A_200 = %scan3A_2 to %scan3A_4 step %scan3A_5  : i32 {
      %swap3A = arith.constant 0 : i32
      %swap3A_201 = arith.index_cast %swap3A : i32 to index
      %swap3A_202 = arith.index_cast %scan3A_200 : i32 to index
      %swap3A_203 = arith.constant 0 : index
      %swap3A_204 = tpu.vector_load %arg11[%swap3A_201, %swap3A_202, %swap3A_203] {strides = array<i32>} : memref<2x80x128xf32, #tpu.memory_space<vmem>>, vector<16xf32>,
      tpu.vector_store %arg11[%swap3A_201, %swap3A_202, %swap3A_203], %broadcast_in_dim3A_1 {strides = array<i32>} : memref<2x80x128xf32, #tpu.memory_space<vmem>>, vector<16xf32>,
      %swap3A_205 = arith.constant 0 : i32
      %swap3A_206 = arith.index_cast %swap3A_205 : i32 to index
      %swap3A_207 = arith.index_cast %scan3A_200 : i32 to index
      %swap3A_208 = arith.constant 16 : index
      %swap3A_209 = tpu.vector_load %arg11[%swap3A_206, %swap3A_207, %swap3A_208] {strides = array<i32>} : memref<2x80x128xf32, #tpu.memory_space<vmem>>, vector<16xf32>,
      tpu.vector_store %arg11[%swap3A_206, %swap3A_207, %swap3A_208], %broadcast_in_dim3A_1 {strides = array<i32>} : memref<2x80x128xf32, #tpu.memory_space<vmem>>, vector<16xf32>,
      %swap3A_210 = arith.constant 0 : i32
      %swap3A_211 = arith.index_cast %swap3A_210 : i32 to index
      %swap3A_212 = arith.index_cast %scan3A_200 : i32 to index
      %swap3A_213 = arith.constant 32 : index
      %swap3A_214 = tpu.vector_load %arg11[%swap3A_211, %swap3A_212, %swap3A_213] {strides = array<i32>} : memref<2x80x128xf32, #tpu.memory_space<vmem>>, vector<16xf32>,
      tpu.vector_store %arg11[%swap3A_211, %swap3A_212, %swap3A_213], %broadcast_in_dim3A_1 {strides = array<i32>} : memref<2x80x128xf32, #tpu.memory_space<vmem>>, vector<16xf32>,
      %swap3A_215 = arith.constant 0 : i32
      %swap3A_216 = arith.index_cast %swap3A_215 : i32 to index
      %swap3A_217 = arith.index_cast %scan3A_200 : i32 to index
      %swap3A_218 = arith.constant 48 : index
      %swap3A_219 = tpu.vector_load %arg11[%swap3A_216, %swap3A_217, %swap3A_218] {strides = array<i32>} : memref<2x80x128xf32, #tpu.memory_space<vmem>>, vector<16xf32>,
      tpu.vector_store %arg11[%swap3A_216, %swap3A_217, %swap3A_218], %broadcast_in_dim3A_1 {strides = array<i32>} : memref<2x80x128xf32, #tpu.memory_space<vmem>>, vector<16xf32>,
      %swap3A_220 = arith.constant 0 : i32
      %swap3A_221 = arith.index_cast %swap3A_220 : i32 to index
      %swap3A_222 = arith.index_cast %scan3A_200 : i32 to index
      %swap3A_223 = arith.constant 64 : index
      %swap3A_224 = tpu.vector_load %arg11[%swap3A_221, %swap3A_222, %swap3A_223] {strides = array<i32>} : memref<2x80x128xf32, #tpu.memory_space<vmem>>, vector<16xf32>,
      tpu.vector_store %arg11[%swap3A_221, %swap3A_222, %swap3A_223], %broadcast_in_dim3A_1 {strides = array<i32>} : memref<2x80x128xf32, #tpu.memory_space<vmem>>, vector<16xf32>,
      %swap3A_225 = arith.constant 0 : i32
      %swap3A_226 = arith.index_cast %swap3A_225 : i32 to index
      %swap3A_227 = arith.index_cast %scan3A_200 : i32 to index
      %swap3A_228 = arith.constant 80 : index
      %swap3A_229 = tpu.vector_load %arg11[%swap3A_226, %swap3A_227, %swap3A_228] {strides = array<i32>} : memref<2x80x128xf32, #tpu.memory_space<vmem>>, vector<16xf32>,
      tpu.vector_store %arg11[%swap3A_226, %swap3A_227, %swap3A_228], %broadcast_in_dim3A_1 {strides = array<i32>} : memref<2x80x128xf32, #tpu.memory_space<vmem>>, vector<16xf32>,
      %swap3A_230 = arith.constant 0 : i32
      %swap3A_231 = arith.index_cast %swap3A_230 : i32 to index
      %swap3A_232 = arith.index_cast %scan3A_200 : i32 to index
      %swap3A_233 = arith.constant 96 : index
      %swap3A_234 = tpu.vector_load %arg11[%swap3A_231, %swap3A_232, %swap3A_233] {strides = array<i32>} : memref<2x80x128xf32, #tpu.memory_space<vmem>>, vector<16xf32>,
      tpu.vector_store %arg11[%swap3A_231, %swap3A_232, %swap3A_233], %broadcast_in_dim3A_1 {strides = array<i32>} : memref<2x80x128xf32, #tpu.memory_space<vmem>>, vector<16xf32>,
      %swap3A_235 = arith.constant 0 : i32
      %swap3A_236 = arith.index_cast %swap3A_235 : i32 to index
      %swap3A_237 = arith.index_cast %scan3A_200 : i32 to index
      %swap3A_238 = arith.constant 112 : index
      %swap3A_239 = tpu.vector_load %arg11[%swap3A_236, %swap3A_237, %swap3A_238] {strides = array<i32>} : memref<2x80x128xf32, #tpu.memory_space<vmem>>, vector<16xf32>,
      tpu.vector_store %arg11[%swap3A_236, %swap3A_237, %swap3A_238], %broadcast_in_dim3A_1 {strides = array<i32>} : memref<2x80x128xf32, #tpu.memory_space<vmem>>, vector<16xf32>,
    }
    %scan3A_6 = arith.constant 80 : i32
    %add3A_7 = arith.constant 0 : i32
    %add3A_8 = arith.addi %add3A_7, %arg1 : i32
    %lt3A = arith.constant 125 : i32
    %lt3A_9 = arith.cmpi slt, %add3A_8, %lt3A : i32
    %convert_element_type3A = arith.extui %lt3A_9 : i1 to i32
    %cond3A = arith.constant 0 : i32
    %cond3A_10 = arith.cmpi ne, %convert_element_type3A, %cond3A : i32
    scf.if %cond3A_10 {
      %mul3A_200 = arith.constant 80 : i32
      %mul3A_201 = arith.muli %add3A_8, %mul3A_200 : i32
      %run_scoped3A = arith.constant 0 : i32
      "tpu.region"() ({
        %run_scoped3A_202 = tpu.sem_alloc : memref<!tpu.dma_semaphore, #tpu.memory_space<semaphore_mem>>
        %dma_start3A_203 = arith.constant 0 : i32
        %dma_start3A_204 = arith.constant 0 : i32
        %dma_start3A_205 = tpu.memref_slice %arg11[%run_scoped3A, %dma_start3A_203, %dma_start3A_204] : memref<2x80x128xf32, #tpu.memory_space<vmem>> -> memref<1x80x128xf32, #tpu.memory_space<vmem>>
        %dma_start3A_206 = tpu.memref_squeeze %dma_start3A_205 : memref<1x80x128xf32, #tpu.memory_space<vmem>> -> memref<80x128xf32, #tpu.memory_space<vmem>>
        %dma_start3A_207 = arith.constant 0 : i32
        %dma_start3A_208 = tpu.memref_slice %arg7[%mul3A_201, %dma_start3A_207] : memref<10000x128xf32, #tpu.memory_space<vmem_shared>> -> memref<80x128xf32, #tpu.memory_space<vmem_shared>>
        %dma_start3A_209 = arith.constant 0 : i32
        %dma_start3A_210 = tpu.memref_slice %arg7[%mul3A_201, %dma_start3A_209] : memref<10000x128xf32, #tpu.memory_space<vmem_shared>> -> memref<80x128xf32, #tpu.memory_space<vmem_shared>>
        %dma_start3A_211 = arith.constant 0 : i32
        %dma_start3A_212 = arith.constant 0 : i32
        %dma_start3A_213 = tpu.memref_slice %arg11[%run_scoped3A, %dma_start3A_211, %dma_start3A_212] : memref<2x80x128xf32, #tpu.memory_space<vmem>> -> memref<1x80x128xf32, #tpu.memory_space<vmem>>
        %dma_start3A_214 = tpu.memref_squeeze %dma_start3A_213 : memref<1x80x128xf32, #tpu.memory_space<vmem>> -> memref<80x128xf32, #tpu.memory_space<vmem>>
        tpu.enqueue_dma source(%dma_start3A_214 : memref<80x128xf32, #tpu.memory_space<vmem>>) target(%dma_start3A_210 : memref<80x128xf32, #tpu.memory_space<vmem_shared>>) target_semaphore(%run_scoped3A_202 : memref<!tpu.dma_semaphore, #tpu.memory_space<semaphore_mem>>)
        %dma_wait3A_215 = arith.constant 0 : i32
        %dma_wait3A_216 = arith.constant 0 : i32
        %dma_wait3A_217 = tpu.memref_slice %arg11[%run_scoped3A, %dma_wait3A_215, %dma_wait3A_216] : memref<2x80x128xf32, #tpu.memory_space<vmem>> -> memref<1x80x128xf32, #tpu.memory_space<vmem>>
        %dma_wait3A_218 = tpu.memref_squeeze %dma_wait3A_217 : memref<1x80x128xf32, #tpu.memory_space<vmem>> -> memref<80x128xf32, #tpu.memory_space<vmem>>
        %dma_wait3A_219 = arith.constant 0 : i32
        %dma_wait3A_220 = tpu.memref_slice %arg7[%mul3A_201, %dma_wait3A_219] : memref<10000x128xf32, #tpu.memory_space<vmem_shared>> -> memref<80x128xf32, #tpu.memory_space<vmem_shared>>
        %dma_wait3A_221 = arith.constant 0 : i32
        %dma_wait3A_222 = tpu.memref_slice %arg7[%mul3A_201, %dma_wait3A_221] : memref<10000x128xf32, #tpu.memory_space<vmem_shared>> -> memref<80x128xf32, #tpu.memory_space<vmem_shared>>
        %dma_wait3A_223 = arith.constant 0 : i32
        %dma_wait3A_224 = arith.constant 0 : i32
        %dma_wait3A_225 = tpu.memref_slice %arg11[%run_scoped3A, %dma_wait3A_223, %dma_wait3A_224] : memref<2x80x128xf32, #tpu.memory_space<vmem>> -> memref<1x80x128xf32, #tpu.memory_space<vmem>>
        %dma_wait3A_226 = tpu.memref_squeeze %dma_wait3A_225 : memref<1x80x128xf32, #tpu.memory_space<vmem>> -> memref<80x128xf32, #tpu.memory_space<vmem>>
        tpu.wait_dma2 semaphore(%run_scoped3A_202 : memref<!tpu.dma_semaphore, #tpu.memory_space<semaphore_mem>>) src(%dma_wait3A_226 : memref<80x128xf32, #tpu.memory_space<vmem>>) dst(%dma_wait3A_222 : memref<80x128xf32, #tpu.memory_space<vmem_shared>>)
        tpu.yield
      }) : () -> ()
    } else {
    }
    %add3A_11 = arith.constant 16 : i32
    %add3A_12 = arith.addi %add3A_11, %arg1 : i32
    %lt3A_13 = arith.constant 125 : i32
    %lt3A_14 = arith.cmpi slt, %add3A_12, %lt3A_13 : i32
    %convert_element_type3A_15 = arith.extui %lt3A_14 : i1 to i32
    %cond3A_16 = arith.constant 0 : i32
    %cond3A_17 = arith.cmpi ne, %convert_element_type3A_15, %cond3A_16 : i32
    scf.if %cond3A_17 {
      %mul3A_200 = arith.constant 80 : i32
      %mul3A_201 = arith.muli %add3A_12, %mul3A_200 : i32
      %run_scoped3A = arith.constant 0 : i32
      "tpu.region"() ({
        %run_scoped3A_202 = tpu.sem_alloc : memref<!tpu.dma_semaphore, #tpu.memory_space<semaphore_mem>>
        %dma_start3A_203 = arith.constant 0 : i32
        %dma_start3A_204 = arith.constant 0 : i32
        %dma_start3A_205 = tpu.memref_slice %arg11[%run_scoped3A, %dma_start3A_203, %dma_start3A_204] : memref<2x80x128xf32, #tpu.memory_space<vmem>> -> memref<1x80x128xf32, #tpu.memory_space<vmem>>
        %dma_start3A_206 = tpu.memref_squeeze %dma_start3A_205 : memref<1x80x128xf32, #tpu.memory_space<vmem>> -> memref<80x128xf32, #tpu.memory_space<vmem>>
        %dma_start3A_207 = arith.constant 0 : i32
        %dma_start3A_208 = tpu.memref_slice %arg7[%mul3A_201, %dma_start3A_207] : memref<10000x128xf32, #tpu.memory_space<vmem_shared>> -> memref<80x128xf32, #tpu.memory_space<vmem_shared>>
        %dma_start3A_209 = arith.constant 0 : i32
        %dma_start3A_210 = tpu.memref_slice %arg7[%mul3A_201, %dma_start3A_209] : memref<10000x128xf32, #tpu.memory_space<vmem_shared>> -> memref<80x128xf32, #tpu.memory_space<vmem_shared>>
        %dma_start3A_211 = arith.constant 0 : i32
        %dma_start3A_212 = arith.constant 0 : i32
        %dma_start3A_213 = tpu.memref_slice %arg11[%run_scoped3A, %dma_start3A_211, %dma_start3A_212] : memref<2x80x128xf32, #tpu.memory_space<vmem>> -> memref<1x80x128xf32, #tpu.memory_space<vmem>>
        %dma_start3A_214 = tpu.memref_squeeze %dma_start3A_213 : memref<1x80x128xf32, #tpu.memory_space<vmem>> -> memref<80x128xf32, #tpu.memory_space<vmem>>
        tpu.enqueue_dma source(%dma_start3A_214 : memref<80x128xf32, #tpu.memory_space<vmem>>) target(%dma_start3A_210 : memref<80x128xf32, #tpu.memory_space<vmem_shared>>) target_semaphore(%run_scoped3A_202 : memref<!tpu.dma_semaphore, #tpu.memory_space<semaphore_mem>>)
        %dma_wait3A_215 = arith.constant 0 : i32
        %dma_wait3A_216 = arith.constant 0 : i32
        %dma_wait3A_217 = tpu.memref_slice %arg11[%run_scoped3A, %dma_wait3A_215, %dma_wait3A_216] : memref<2x80x128xf32, #tpu.memory_space<vmem>> -> memref<1x80x128xf32, #tpu.memory_space<vmem>>
        %dma_wait3A_218 = tpu.memref_squeeze %dma_wait3A_217 : memref<1x80x128xf32, #tpu.memory_space<vmem>> -> memref<80x128xf32, #tpu.memory_space<vmem>>
        %dma_wait3A_219 = arith.constant 0 : i32
        %dma_wait3A_220 = tpu.memref_slice %arg7[%mul3A_201, %dma_wait3A_219] : memref<10000x128xf32, #tpu.memory_space<vmem_shared>> -> memref<80x128xf32, #tpu.memory_space<vmem_shared>>
        %dma_wait3A_221 = arith.constant 0 : i32
        %dma_wait3A_222 = tpu.memref_slice %arg7[%mul3A_201, %dma_wait3A_221] : memref<10000x128xf32, #tpu.memory_space<vmem_shared>> -> memref<80x128xf32, #tpu.memory_space<vmem_shared>>
        %dma_wait3A_223 = arith.constant 0 : i32
        %dma_wait3A_224 = arith.constant 0 : i32
        %dma_wait3A_225 = tpu.memref_slice %arg11[%run_scoped3A, %dma_wait3A_223, %dma_wait3A_224] : memref<2x80x128xf32, #tpu.memory_space<vmem>> -> memref<1x80x128xf32, #tpu.memory_space<vmem>>
        %dma_wait3A_226 = tpu.memref_squeeze %dma_wait3A_225 : memref<1x80x128xf32, #tpu.memory_space<vmem>> -> memref<80x128xf32, #tpu.memory_space<vmem>>
        tpu.wait_dma2 semaphore(%run_scoped3A_202 : memref<!tpu.dma_semaphore, #tpu.memory_space<semaphore_mem>>) src(%dma_wait3A_226 : memref<80x128xf32, #tpu.memory_space<vmem>>) dst(%dma_wait3A_222 : memref<80x128xf32, #tpu.memory_space<vmem_shared>>)
        tpu.yield
      }) : () -> ()
    } else {
    }
    %add3A_18 = arith.constant 32 : i32
    %add3A_19 = arith.addi %add3A_18, %arg1 : i32
    %lt3A_20 = arith.constant 125 : i32
    %lt3A_21 = arith.cmpi slt, %add3A_19, %lt3A_20 : i32
    %convert_element_type3A_22 = arith.extui %lt3A_21 : i1 to i32
    %cond3A_23 = arith.constant 0 : i32
    %cond3A_24 = arith.cmpi ne, %convert_element_type3A_22, %cond3A_23 : i32
    scf.if %cond3A_24 {
      %mul3A_200 = arith.constant 80 : i32
      %mul3A_201 = arith.muli %add3A_19, %mul3A_200 : i32
      %run_scoped3A = arith.constant 0 : i32
      "tpu.region"() ({
        %run_scoped3A_202 = tpu.sem_alloc : memref<!tpu.dma_semaphore, #tpu.memory_space<semaphore_mem>>
        %dma_start3A_203 = arith.constant 0 : i32
        %dma_start3A_204 = arith.constant 0 : i32
        %dma_start3A_205 = tpu.memref_slice %arg11[%run_scoped3A, %dma_start3A_203, %dma_start3A_204] : memref<2x80x128xf32, #tpu.memory_space<vmem>> -> memref<1x80x128xf32, #tpu.memory_space<vmem>>
        %dma_start3A_206 = tpu.memref_squeeze %dma_start3A_205 : memref<1x80x128xf32, #tpu.memory_space<vmem>> -> memref<80x128xf32, #tpu.memory_space<vmem>>
        %dma_start3A_207 = arith.constant 0 : i32
        %dma_start3A_208 = tpu.memref_slice %arg7[%mul3A_201, %dma_start3A_207] : memref<10000x128xf32, #tpu.memory_space<vmem_shared>> -> memref<80x128xf32, #tpu.memory_space<vmem_shared>>
        %dma_start3A_209 = arith.constant 0 : i32
        %dma_start3A_210 = tpu.memref_slice %arg7[%mul3A_201, %dma_start3A_209] : memref<10000x128xf32, #tpu.memory_space<vmem_shared>> -> memref<80x128xf32, #tpu.memory_space<vmem_shared>>
        %dma_start3A_211 = arith.constant 0 : i32
        %dma_start3A_212 = arith.constant 0 : i32
        %dma_start3A_213 = tpu.memref_slice %arg11[%run_scoped3A, %dma_start3A_211, %dma_start3A_212] : memref<2x80x128xf32, #tpu.memory_space<vmem>> -> memref<1x80x128xf32, #tpu.memory_space<vmem>>
        %dma_start3A_214 = tpu.memref_squeeze %dma_start3A_213 : memref<1x80x128xf32, #tpu.memory_space<vmem>> -> memref<80x128xf32, #tpu.memory_space<vmem>>
        tpu.enqueue_dma source(%dma_start3A_214 : memref<80x128xf32, #tpu.memory_space<vmem>>) target(%dma_start3A_210 : memref<80x128xf32, #tpu.memory_space<vmem_shared>>) target_semaphore(%run_scoped3A_202 : memref<!tpu.dma_semaphore, #tpu.memory_space<semaphore_mem>>)
        %dma_wait3A_215 = arith.constant 0 : i32
        %dma_wait3A_216 = arith.constant 0 : i32
        %dma_wait3A_217 = tpu.memref_slice %arg11[%run_scoped3A, %dma_wait3A_215, %dma_wait3A_216] : memref<2x80x128xf32, #tpu.memory_space<vmem>> -> memref<1x80x128xf32, #tpu.memory_space<vmem>>
        %dma_wait3A_218 = tpu.memref_squeeze %dma_wait3A_217 : memref<1x80x128xf32, #tpu.memory_space<vmem>> -> memref<80x128xf32, #tpu.memory_space<vmem>>
        %dma_wait3A_219 = arith.constant 0 : i32
        %dma_wait3A_220 = tpu.memref_slice %arg7[%mul3A_201, %dma_wait3A_219] : memref<10000x128xf32, #tpu.memory_space<vmem_shared>> -> memref<80x128xf32, #tpu.memory_space<vmem_shared>>
        %dma_wait3A_221 = arith.constant 0 : i32
        %dma_wait3A_222 = tpu.memref_slice %arg7[%mul3A_201, %dma_wait3A_221] : memref<10000x128xf32, #tpu.memory_space<vmem_shared>> -> memref<80x128xf32, #tpu.memory_space<vmem_shared>>
        %dma_wait3A_223 = arith.constant 0 : i32
        %dma_wait3A_224 = arith.constant 0 : i32
        %dma_wait3A_225 = tpu.memref_slice %arg11[%run_scoped3A, %dma_wait3A_223, %dma_wait3A_224] : memref<2x80x128xf32, #tpu.memory_space<vmem>> -> memref<1x80x128xf32, #tpu.memory_space<vmem>>
        %dma_wait3A_226 = tpu.memref_squeeze %dma_wait3A_225 : memref<1x80x128xf32, #tpu.memory_space<vmem>> -> memref<80x128xf32, #tpu.memory_space<vmem>>
        tpu.wait_dma2 semaphore(%run_scoped3A_202 : memref<!tpu.dma_semaphore, #tpu.memory_space<semaphore_mem>>) src(%dma_wait3A_226 : memref<80x128xf32, #tpu.memory_space<vmem>>) dst(%dma_wait3A_222 : memref<80x128xf32, #tpu.memory_space<vmem_shared>>)
        tpu.yield
      }) : () -> ()
    } else {
    }
    %add3A_25 = arith.constant 48 : i32
    %add3A_26 = arith.addi %add3A_25, %arg1 : i32
    %lt3A_27 = arith.constant 125 : i32
    %lt3A_28 = arith.cmpi slt, %add3A_26, %lt3A_27 : i32
    %convert_element_type3A_29 = arith.extui %lt3A_28 : i1 to i32
    %cond3A_30 = arith.constant 0 : i32
    %cond3A_31 = arith.cmpi ne, %convert_element_type3A_29, %cond3A_30 : i32
    scf.if %cond3A_31 {
      %mul3A_200 = arith.constant 80 : i32
      %mul3A_201 = arith.muli %add3A_26, %mul3A_200 : i32
      %run_scoped3A = arith.constant 0 : i32
      "tpu.region"() ({
        %run_scoped3A_202 = tpu.sem_alloc : memref<!tpu.dma_semaphore, #tpu.memory_space<semaphore_mem>>
        %dma_start3A_203 = arith.constant 0 : i32
        %dma_start3A_204 = arith.constant 0 : i32
        %dma_start3A_205 = tpu.memref_slice %arg11[%run_scoped3A, %dma_start3A_203, %dma_start3A_204] : memref<2x80x128xf32, #tpu.memory_space<vmem>> -> memref<1x80x128xf32, #tpu.memory_space<vmem>>
        %dma_start3A_206 = tpu.memref_squeeze %dma_start3A_205 : memref<1x80x128xf32, #tpu.memory_space<vmem>> -> memref<80x128xf32, #tpu.memory_space<vmem>>
        %dma_start3A_207 = arith.constant 0 : i32
        %dma_start3A_208 = tpu.memref_slice %arg7[%mul3A_201, %dma_start3A_207] : memref<10000x128xf32, #tpu.memory_space<vmem_shared>> -> memref<80x128xf32, #tpu.memory_space<vmem_shared>>
        %dma_start3A_209 = arith.constant 0 : i32
        %dma_start3A_210 = tpu.memref_slice %arg7[%mul3A_201, %dma_start3A_209] : memref<10000x128xf32, #tpu.memory_space<vmem_shared>> -> memref<80x128xf32, #tpu.memory_space<vmem_shared>>
        %dma_start3A_211 = arith.constant 0 : i32
        %dma_start3A_212 = arith.constant 0 : i32
        %dma_start3A_213 = tpu.memref_slice %arg11[%run_scoped3A, %dma_start3A_211, %dma_start3A_212] : memref<2x80x128xf32, #tpu.memory_space<vmem>> -> memref<1x80x128xf32, #tpu.memory_space<vmem>>
        %dma_start3A_214 = tpu.memref_squeeze %dma_start3A_213 : memref<1x80x128xf32, #tpu.memory_space<vmem>> -> memref<80x128xf32, #tpu.memory_space<vmem>>
        tpu.enqueue_dma source(%dma_start3A_214 : memref<80x128xf32, #tpu.memory_space<vmem>>) target(%dma_start3A_210 : memref<80x128xf32, #tpu.memory_space<vmem_shared>>) target_semaphore(%run_scoped3A_202 : memref<!tpu.dma_semaphore, #tpu.memory_space<semaphore_mem>>)
        %dma_wait3A_215 = arith.constant 0 : i32
        %dma_wait3A_216 = arith.constant 0 : i32
        %dma_wait3A_217 = tpu.memref_slice %arg11[%run_scoped3A, %dma_wait3A_215, %dma_wait3A_216] : memref<2x80x128xf32, #tpu.memory_space<vmem>> -> memref<1x80x128xf32, #tpu.memory_space<vmem>>
        %dma_wait3A_218 = tpu.memref_squeeze %dma_wait3A_217 : memref<1x80x128xf32, #tpu.memory_space<vmem>> -> memref<80x128xf32, #tpu.memory_space<vmem>>
        %dma_wait3A_219 = arith.constant 0 : i32
        %dma_wait3A_220 = tpu.memref_slice %arg7[%mul3A_201, %dma_wait3A_219] : memref<10000x128xf32, #tpu.memory_space<vmem_shared>> -> memref<80x128xf32, #tpu.memory_space<vmem_shared>>
        %dma_wait3A_221 = arith.constant 0 : i32
        %dma_wait3A_222 = tpu.memref_slice %arg7[%mul3A_201, %dma_wait3A_221] : memref<10000x128xf32, #tpu.memory_space<vmem_shared>> -> memref<80x128xf32, #tpu.memory_space<vmem_shared>>
        %dma_wait3A_223 = arith.constant 0 : i32
        %dma_wait3A_224 = arith.constant 0 : i32
        %dma_wait3A_225 = tpu.memref_slice %arg11[%run_scoped3A, %dma_wait3A_223, %dma_wait3A_224] : memref<2x80x128xf32, #tpu.memory_space<vmem>> -> memref<1x80x128xf32, #tpu.memory_space<vmem>>
        %dma_wait3A_226 = tpu.memref_squeeze %dma_wait3A_225 : memref<1x80x128xf32, #tpu.memory_space<vmem>> -> memref<80x128xf32, #tpu.memory_space<vmem>>
        tpu.wait_dma2 semaphore(%run_scoped3A_202 : memref<!tpu.dma_semaphore, #tpu.memory_space<semaphore_mem>>) src(%dma_wait3A_226 : memref<80x128xf32, #tpu.memory_space<vmem>>) dst(%dma_wait3A_222 : memref<80x128xf32, #tpu.memory_space<vmem_shared>>)
        tpu.yield
      }) : () -> ()
    } else {
    }
    %add3A_32 = arith.constant 64 : i32
    %add3A_33 = arith.addi %add3A_32, %arg1 : i32
    %lt3A_34 = arith.constant 125 : i32
    %lt3A_35 = arith.cmpi slt, %add3A_33, %lt3A_34 : i32
    %convert_element_type3A_36 = arith.extui %lt3A_35 : i1 to i32
    %cond3A_37 = arith.constant 0 : i32
    %cond3A_38 = arith.cmpi ne, %convert_element_type3A_36, %cond3A_37 : i32
    scf.if %cond3A_38 {
      %mul3A_200 = arith.constant 80 : i32
      %mul3A_201 = arith.muli %add3A_33, %mul3A_200 : i32
      %run_scoped3A = arith.constant 0 : i32
      "tpu.region"() ({
        %run_scoped3A_202 = tpu.sem_alloc : memref<!tpu.dma_semaphore, #tpu.memory_space<semaphore_mem>>
        %dma_start3A_203 = arith.constant 0 : i32
        %dma_start3A_204 = arith.constant 0 : i32
        %dma_start3A_205 = tpu.memref_slice %arg11[%run_scoped3A, %dma_start3A_203, %dma_start3A_204] : memref<2x80x128xf32, #tpu.memory_space<vmem>> -> memref<1x80x128xf32, #tpu.memory_space<vmem>>
        %dma_start3A_206 = tpu.memref_squeeze %dma_start3A_205 : memref<1x80x128xf32, #tpu.memory_space<vmem>> -> memref<80x128xf32, #tpu.memory_space<vmem>>
        %dma_start3A_207 = arith.constant 0 : i32
        %dma_start3A_208 = tpu.memref_slice %arg7[%mul3A_201, %dma_start3A_207] : memref<10000x128xf32, #tpu.memory_space<vmem_shared>> -> memref<80x128xf32, #tpu.memory_space<vmem_shared>>
        %dma_start3A_209 = arith.constant 0 : i32
        %dma_start3A_210 = tpu.memref_slice %arg7[%mul3A_201, %dma_start3A_209] : memref<10000x128xf32, #tpu.memory_space<vmem_shared>> -> memref<80x128xf32, #tpu.memory_space<vmem_shared>>
        %dma_start3A_211 = arith.constant 0 : i32
        %dma_start3A_212 = arith.constant 0 : i32
        %dma_start3A_213 = tpu.memref_slice %arg11[%run_scoped3A, %dma_start3A_211, %dma_start3A_212] : memref<2x80x128xf32, #tpu.memory_space<vmem>> -> memref<1x80x128xf32, #tpu.memory_space<vmem>>
        %dma_start3A_214 = tpu.memref_squeeze %dma_start3A_213 : memref<1x80x128xf32, #tpu.memory_space<vmem>> -> memref<80x128xf32, #tpu.memory_space<vmem>>
        tpu.enqueue_dma source(%dma_start3A_214 : memref<80x128xf32, #tpu.memory_space<vmem>>) target(%dma_start3A_210 : memref<80x128xf32, #tpu.memory_space<vmem_shared>>) target_semaphore(%run_scoped3A_202 : memref<!tpu.dma_semaphore, #tpu.memory_space<semaphore_mem>>)
        %dma_wait3A_215 = arith.constant 0 : i32
        %dma_wait3A_216 = arith.constant 0 : i32
        %dma_wait3A_217 = tpu.memref_slice %arg11[%run_scoped3A, %dma_wait3A_215, %dma_wait3A_216] : memref<2x80x128xf32, #tpu.memory_space<vmem>> -> memref<1x80x128xf32, #tpu.memory_space<vmem>>
        %dma_wait3A_218 = tpu.memref_squeeze %dma_wait3A_217 : memref<1x80x128xf32, #tpu.memory_space<vmem>> -> memref<80x128xf32, #tpu.memory_space<vmem>>
        %dma_wait3A_219 = arith.constant 0 : i32
        %dma_wait3A_220 = tpu.memref_slice %arg7[%mul3A_201, %dma_wait3A_219] : memref<10000x128xf32, #tpu.memory_space<vmem_shared>> -> memref<80x128xf32, #tpu.memory_space<vmem_shared>>
        %dma_wait3A_221 = arith.constant 0 : i32
        %dma_wait3A_222 = tpu.memref_slice %arg7[%mul3A_201, %dma_wait3A_221] : memref<10000x128xf32, #tpu.memory_space<vmem_shared>> -> memref<80x128xf32, #tpu.memory_space<vmem_shared>>
        %dma_wait3A_223 = arith.constant 0 : i32
        %dma_wait3A_224 = arith.constant 0 : i32
        %dma_wait3A_225 = tpu.memref_slice %arg11[%run_scoped3A, %dma_wait3A_223, %dma_wait3A_224] : memref<2x80x128xf32, #tpu.memory_space<vmem>> -> memref<1x80x128xf32, #tpu.memory_space<vmem>>
        %dma_wait3A_226 = tpu.memref_squeeze %dma_wait3A_225 : memref<1x80x128xf32, #tpu.memory_space<vmem>> -> memref<80x128xf32, #tpu.memory_space<vmem>>
        tpu.wait_dma2 semaphore(%run_scoped3A_202 : memref<!tpu.dma_semaphore, #tpu.memory_space<semaphore_mem>>) src(%dma_wait3A_226 : memref<80x128xf32, #tpu.memory_space<vmem>>) dst(%dma_wait3A_222 : memref<80x128xf32, #tpu.memory_space<vmem_shared>>)
        tpu.yield
      }) : () -> ()
    } else {
    }
    %add3A_39 = arith.constant 80 : i32
    %add3A_40 = arith.addi %add3A_39, %arg1 : i32
    %lt3A_41 = arith.constant 125 : i32
    %lt3A_42 = arith.cmpi slt, %add3A_40, %lt3A_41 : i32
    %convert_element_type3A_43 = arith.extui %lt3A_42 : i1 to i32
    %cond3A_44 = arith.constant 0 : i32
    %cond3A_45 = arith.cmpi ne, %convert_element_type3A_43, %cond3A_44 : i32
    scf.if %cond3A_45 {
      %mul3A_200 = arith.constant 80 : i32
      %mul3A_201 = arith.muli %add3A_40, %mul3A_200 : i32
      %run_scoped3A = arith.constant 0 : i32
      "tpu.region"() ({
        %run_scoped3A_202 = tpu.sem_alloc : memref<!tpu.dma_semaphore, #tpu.memory_space<semaphore_mem>>
        %dma_start3A_203 = arith.constant 0 : i32
        %dma_start3A_204 = arith.constant 0 : i32
        %dma_start3A_205 = tpu.memref_slice %arg11[%run_scoped3A, %dma_start3A_203, %dma_start3A_204] : memref<2x80x128xf32, #tpu.memory_space<vmem>> -> memref<1x80x128xf32, #tpu.memory_space<vmem>>
        %dma_start3A_206 = tpu.memref_squeeze %dma_start3A_205 : memref<1x80x128xf32, #tpu.memory_space<vmem>> -> memref<80x128xf32, #tpu.memory_space<vmem>>
        %dma_start3A_207 = arith.constant 0 : i32
        %dma_start3A_208 = tpu.memref_slice %arg7[%mul3A_201, %dma_start3A_207] : memref<10000x128xf32, #tpu.memory_space<vmem_shared>> -> memref<80x128xf32, #tpu.memory_space<vmem_shared>>
        %dma_start3A_209 = arith.constant 0 : i32
        %dma_start3A_210 = tpu.memref_slice %arg7[%mul3A_201, %dma_start3A_209] : memref<10000x128xf32, #tpu.memory_space<vmem_shared>> -> memref<80x128xf32, #tpu.memory_space<vmem_shared>>
        %dma_start3A_211 = arith.constant 0 : i32
        %dma_start3A_212 = arith.constant 0 : i32
        %dma_start3A_213 = tpu.memref_slice %arg11[%run_scoped3A, %dma_start3A_211, %dma_start3A_212] : memref<2x80x128xf32, #tpu.memory_space<vmem>> -> memref<1x80x128xf32, #tpu.memory_space<vmem>>
        %dma_start3A_214 = tpu.memref_squeeze %dma_start3A_213 : memref<1x80x128xf32, #tpu.memory_space<vmem>> -> memref<80x128xf32, #tpu.memory_space<vmem>>
        tpu.enqueue_dma source(%dma_start3A_214 : memref<80x128xf32, #tpu.memory_space<vmem>>) target(%dma_start3A_210 : memref<80x128xf32, #tpu.memory_space<vmem_shared>>) target_semaphore(%run_scoped3A_202 : memref<!tpu.dma_semaphore, #tpu.memory_space<semaphore_mem>>)
        %dma_wait3A_215 = arith.constant 0 : i32
        %dma_wait3A_216 = arith.constant 0 : i32
        %dma_wait3A_217 = tpu.memref_slice %arg11[%run_scoped3A, %dma_wait3A_215, %dma_wait3A_216] : memref<2x80x128xf32, #tpu.memory_space<vmem>> -> memref<1x80x128xf32, #tpu.memory_space<vmem>>
        %dma_wait3A_218 = tpu.memref_squeeze %dma_wait3A_217 : memref<1x80x128xf32, #tpu.memory_space<vmem>> -> memref<80x128xf32, #tpu.memory_space<vmem>>
        %dma_wait3A_219 = arith.constant 0 : i32
        %dma_wait3A_220 = tpu.memref_slice %arg7[%mul3A_201, %dma_wait3A_219] : memref<10000x128xf32, #tpu.memory_space<vmem_shared>> -> memref<80x128xf32, #tpu.memory_space<vmem_shared>>
        %dma_wait3A_221 = arith.constant 0 : i32
        %dma_wait3A_222 = tpu.memref_slice %arg7[%mul3A_201, %dma_wait3A_221] : memref<10000x128xf32, #tpu.memory_space<vmem_shared>> -> memref<80x128xf32, #tpu.memory_space<vmem_shared>>
        %dma_wait3A_223 = arith.constant 0 : i32
        %dma_wait3A_224 = arith.constant 0 : i32
        %dma_wait3A_225 = tpu.memref_slice %arg11[%run_scoped3A, %dma_wait3A_223, %dma_wait3A_224] : memref<2x80x128xf32, #tpu.memory_space<vmem>> -> memref<1x80x128xf32, #tpu.memory_space<vmem>>
        %dma_wait3A_226 = tpu.memref_squeeze %dma_wait3A_225 : memref<1x80x128xf32, #tpu.memory_space<vmem>> -> memref<80x128xf32, #tpu.memory_space<vmem>>
        tpu.wait_dma2 semaphore(%run_scoped3A_202 : memref<!tpu.dma_semaphore, #tpu.memory_space<semaphore_mem>>) src(%dma_wait3A_226 : memref<80x128xf32, #tpu.memory_space<vmem>>) dst(%dma_wait3A_222 : memref<80x128xf32, #tpu.memory_space<vmem_shared>>)
        tpu.yield
      }) : () -> ()
    } else {
    }
    %add3A_46 = arith.constant 96 : i32
    %add3A_47 = arith.addi %add3A_46, %arg1 : i32
    %lt3A_48 = arith.constant 125 : i32
    %lt3A_49 = arith.cmpi slt, %add3A_47, %lt3A_48 : i32
    %convert_element_type3A_50 = arith.extui %lt3A_49 : i1 to i32
    %cond3A_51 = arith.constant 0 : i32
    %cond3A_52 = arith.cmpi ne, %convert_element_type3A_50, %cond3A_51 : i32
    scf.if %cond3A_52 {
      %mul3A_200 = arith.constant 80 : i32
      %mul3A_201 = arith.muli %add3A_47, %mul3A_200 : i32
      %run_scoped3A = arith.constant 0 : i32
      "tpu.region"() ({
        %run_scoped3A_202 = tpu.sem_alloc : memref<!tpu.dma_semaphore, #tpu.memory_space<semaphore_mem>>
        %dma_start3A_203 = arith.constant 0 : i32
        %dma_start3A_204 = arith.constant 0 : i32
        %dma_start3A_205 = tpu.memref_slice %arg11[%run_scoped3A, %dma_start3A_203, %dma_start3A_204] : memref<2x80x128xf32, #tpu.memory_space<vmem>> -> memref<1x80x128xf32, #tpu.memory_space<vmem>>
        %dma_start3A_206 = tpu.memref_squeeze %dma_start3A_205 : memref<1x80x128xf32, #tpu.memory_space<vmem>> -> memref<80x128xf32, #tpu.memory_space<vmem>>
        %dma_start3A_207 = arith.constant 0 : i32
        %dma_start3A_208 = tpu.memref_slice %arg7[%mul3A_201, %dma_start3A_207] : memref<10000x128xf32, #tpu.memory_space<vmem_shared>> -> memref<80x128xf32, #tpu.memory_space<vmem_shared>>
        %dma_start3A_209 = arith.constant 0 : i32
        %dma_start3A_210 = tpu.memref_slice %arg7[%mul3A_201, %dma_start3A_209] : memref<10000x128xf32, #tpu.memory_space<vmem_shared>> -> memref<80x128xf32, #tpu.memory_space<vmem_shared>>
        %dma_start3A_211 = arith.constant 0 : i32
        %dma_start3A_212 = arith.constant 0 : i32
        %dma_start3A_213 = tpu.memref_slice %arg11[%run_scoped3A, %dma_start3A_211, %dma_start3A_212] : memref<2x80x128xf32, #tpu.memory_space<vmem>> -> memref<1x80x128xf32, #tpu.memory_space<vmem>>
        %dma_start3A_214 = tpu.memref_squeeze %dma_start3A_213 : memref<1x80x128xf32, #tpu.memory_space<vmem>> -> memref<80x128xf32, #tpu.memory_space<vmem>>
        tpu.enqueue_dma source(%dma_start3A_214 : memref<80x128xf32, #tpu.memory_space<vmem>>) target(%dma_start3A_210 : memref<80x128xf32, #tpu.memory_space<vmem_shared>>) target_semaphore(%run_scoped3A_202 : memref<!tpu.dma_semaphore, #tpu.memory_space<semaphore_mem>>)
        %dma_wait3A_215 = arith.constant 0 : i32
        %dma_wait3A_216 = arith.constant 0 : i32
        %dma_wait3A_217 = tpu.memref_slice %arg11[%run_scoped3A, %dma_wait3A_215, %dma_wait3A_216] : memref<2x80x128xf32, #tpu.memory_space<vmem>> -> memref<1x80x128xf32, #tpu.memory_space<vmem>>
        %dma_wait3A_218 = tpu.memref_squeeze %dma_wait3A_217 : memref<1x80x128xf32, #tpu.memory_space<vmem>> -> memref<80x128xf32, #tpu.memory_space<vmem>>
        %dma_wait3A_219 = arith.constant 0 : i32
        %dma_wait3A_220 = tpu.memref_slice %arg7[%mul3A_201, %dma_wait3A_219] : memref<10000x128xf32, #tpu.memory_space<vmem_shared>> -> memref<80x128xf32, #tpu.memory_space<vmem_shared>>
        %dma_wait3A_221 = arith.constant 0 : i32
        %dma_wait3A_222 = tpu.memref_slice %arg7[%mul3A_201, %dma_wait3A_221] : memref<10000x128xf32, #tpu.memory_space<vmem_shared>> -> memref<80x128xf32, #tpu.memory_space<vmem_shared>>
        %dma_wait3A_223 = arith.constant 0 : i32
        %dma_wait3A_224 = arith.constant 0 : i32
        %dma_wait3A_225 = tpu.memref_slice %arg11[%run_scoped3A, %dma_wait3A_223, %dma_wait3A_224] : memref<2x80x128xf32, #tpu.memory_space<vmem>> -> memref<1x80x128xf32, #tpu.memory_space<vmem>>
        %dma_wait3A_226 = tpu.memref_squeeze %dma_wait3A_225 : memref<1x80x128xf32, #tpu.memory_space<vmem>> -> memref<80x128xf32, #tpu.memory_space<vmem>>
        tpu.wait_dma2 semaphore(%run_scoped3A_202 : memref<!tpu.dma_semaphore, #tpu.memory_space<semaphore_mem>>) src(%dma_wait3A_226 : memref<80x128xf32, #tpu.memory_space<vmem>>) dst(%dma_wait3A_222 : memref<80x128xf32, #tpu.memory_space<vmem_shared>>)
        tpu.yield
      }) : () -> ()
    } else {
    }
    %add3A_53 = arith.constant 112 : i32
    %add3A_54 = arith.addi %add3A_53, %arg1 : i32
    %lt3A_55 = arith.constant 125 : i32
    %lt3A_56 = arith.cmpi slt, %add3A_54, %lt3A_55 : i32
    %convert_element_type3A_57 = arith.extui %lt3A_56 : i1 to i32
    %cond3A_58 = arith.constant 0 : i32
    %cond3A_59 = arith.cmpi ne, %convert_element_type3A_57, %cond3A_58 : i32
    scf.if %cond3A_59 {
      %mul3A_200 = arith.constant 80 : i32
      %mul3A_201 = arith.muli %add3A_54, %mul3A_200 : i32
      %run_scoped3A = arith.constant 0 : i32
      "tpu.region"() ({
        %run_scoped3A_202 = tpu.sem_alloc : memref<!tpu.dma_semaphore, #tpu.memory_space<semaphore_mem>>
        %dma_start3A_203 = arith.constant 0 : i32
        %dma_start3A_204 = arith.constant 0 : i32
        %dma_start3A_205 = tpu.memref_slice %arg11[%run_scoped3A, %dma_start3A_203, %dma_start3A_204] : memref<2x80x128xf32, #tpu.memory_space<vmem>> -> memref<1x80x128xf32, #tpu.memory_space<vmem>>
        %dma_start3A_206 = tpu.memref_squeeze %dma_start3A_205 : memref<1x80x128xf32, #tpu.memory_space<vmem>> -> memref<80x128xf32, #tpu.memory_space<vmem>>
        %dma_start3A_207 = arith.constant 0 : i32
        %dma_start3A_208 = tpu.memref_slice %arg7[%mul3A_201, %dma_start3A_207] : memref<10000x128xf32, #tpu.memory_space<vmem_shared>> -> memref<80x128xf32, #tpu.memory_space<vmem_shared>>
        %dma_start3A_209 = arith.constant 0 : i32
        %dma_start3A_210 = tpu.memref_slice %arg7[%mul3A_201, %dma_start3A_209] : memref<10000x128xf32, #tpu.memory_space<vmem_shared>> -> memref<80x128xf32, #tpu.memory_space<vmem_shared>>
        %dma_start3A_211 = arith.constant 0 : i32
        %dma_start3A_212 = arith.constant 0 : i32
        %dma_start3A_213 = tpu.memref_slice %arg11[%run_scoped3A, %dma_start3A_211, %dma_start3A_212] : memref<2x80x128xf32, #tpu.memory_space<vmem>> -> memref<1x80x128xf32, #tpu.memory_space<vmem>>
        %dma_start3A_214 = tpu.memref_squeeze %dma_start3A_213 : memref<1x80x128xf32, #tpu.memory_space<vmem>> -> memref<80x128xf32, #tpu.memory_space<vmem>>
        tpu.enqueue_dma source(%dma_start3A_214 : memref<80x128xf32, #tpu.memory_space<vmem>>) target(%dma_start3A_210 : memref<80x128xf32, #tpu.memory_space<vmem_shared>>) target_semaphore(%run_scoped3A_202 : memref<!tpu.dma_semaphore, #tpu.memory_space<semaphore_mem>>)
        %dma_wait3A_215 = arith.constant 0 : i32
        %dma_wait3A_216 = arith.constant 0 : i32
        %dma_wait3A_217 = tpu.memref_slice %arg11[%run_scoped3A, %dma_wait3A_215, %dma_wait3A_216] : memref<2x80x128xf32, #tpu.memory_space<vmem>> -> memref<1x80x128xf32, #tpu.memory_space<vmem>>
        %dma_wait3A_218 = tpu.memref_squeeze %dma_wait3A_217 : memref<1x80x128xf32, #tpu.memory_space<vmem>> -> memref<80x128xf32, #tpu.memory_space<vmem>>
        %dma_wait3A_219 = arith.constant 0 : i32
        %dma_wait3A_220 = tpu.memref_slice %arg7[%mul3A_201, %dma_wait3A_219] : memref<10000x128xf32, #tpu.memory_space<vmem_shared>> -> memref<80x128xf32, #tpu.memory_space<vmem_shared>>
        %dma_wait3A_221 = arith.constant 0 : i32
        %dma_wait3A_222 = tpu.memref_slice %arg7[%mul3A_201, %dma_wait3A_221] : memref<10000x128xf32, #tpu.memory_space<vmem_shared>> -> memref<80x128xf32, #tpu.memory_space<vmem_shared>>
        %dma_wait3A_223 = arith.constant 0 : i32
        %dma_wait3A_224 = arith.constant 0 : i32
        %dma_wait3A_225 = tpu.memref_slice %arg11[%run_scoped3A, %dma_wait3A_223, %dma_wait3A_224] : memref<2x80x128xf32, #tpu.memory_space<vmem>> -> memref<1x80x128xf32, #tpu.memory_space<vmem>>
        %dma_wait3A_226 = tpu.memref_squeeze %dma_wait3A_225 : memref<1x80x128xf32, #tpu.memory_space<vmem>> -> memref<80x128xf32, #tpu.memory_space<vmem>>
        tpu.wait_dma2 semaphore(%run_scoped3A_202 : memref<!tpu.dma_semaphore, #tpu.memory_space<semaphore_mem>>) src(%dma_wait3A_226 : memref<80x128xf32, #tpu.memory_space<vmem>>) dst(%dma_wait3A_222 : memref<80x128xf32, #tpu.memory_space<vmem_shared>>)
        tpu.yield
      }) : () -> ()
    } else {
    }
    %barrier3A = arith.constant 0 : index
    tpu.barrier barrier_id(%barrier3A)
    %dma_start3A = arith.constant 0 : i32
    %dma_start3A_60 = arith.constant 0 : i32
    %dma_start3A_61 = arith.constant 0 : i32
    %dma_start3A_62 = arith.constant 0 : i32
    %dma_start3A_63 = arith.constant 0 : i32
    %dma_start3A_64 = tpu.memref_slice %arg11[%dma_start3A_60, %dma_start3A_62, %dma_start3A_63] : memref<2x80x128xf32, #tpu.memory_space<vmem>> -> memref<1x80x128xf32, #tpu.memory_space<vmem>>
    %dma_start3A_65 = tpu.memref_squeeze %dma_start3A_64 : memref<1x80x128xf32, #tpu.memory_space<vmem>> -> memref<80x128xf32, #tpu.memory_space<vmem>>
    %dma_start3A_66 = arith.constant 0 : i32
    %dma_start3A_67 = tpu.memref_slice %arg8[%dma_start3A, %dma_start3A_66] : memref<125x80xi32, #tpu.memory_space<vmem>> -> memref<1x80xi32, #tpu.memory_space<vmem>>
    %dma_start3A_68 = tpu.memref_squeeze %dma_start3A_67 : memref<1x80xi32, #tpu.memory_space<vmem>> -> memref<80xi32, #tpu.memory_space<vmem>>
    %dma_start3A_69 = arith.constant 0 : i32
    %dma_start3A_70 = arith.constant 0 : i32
    %dma_start3A_71 = tpu.memref_slice %arg2[%dma_start3A_69, %dma_start3A_70] : memref<10000x128xf32, #tpu.memory_space<hbm>> -> memref<10000x128xf32, #tpu.memory_space<hbm>>
    %dma_start3A_72 = tpu.memref_slice %arg12[%dma_start3A_61] : memref<2x!tpu.dma_semaphore, #tpu.memory_space<semaphore_mem>> -> memref<1x!tpu.dma_semaphore, #tpu.memory_space<semaphore_mem>>
    %dma_start3A_73 = tpu.memref_squeeze %dma_start3A_72 : memref<1x!tpu.dma_semaphore, #tpu.memory_space<semaphore_mem>> -> memref<!tpu.dma_semaphore, #tpu.memory_space<semaphore_mem>>
    tpu.enqueue_indirect_dma source(%dma_start3A_71 : memref<10000x128xf32, #tpu.memory_space<hbm>>) target(%dma_start3A_65 : memref<80x128xf32, #tpu.memory_space<vmem>>) offsets(%dma_start3A_68 : memref<80xi32, #tpu.memory_space<vmem>>) semaphore(%dma_start3A_73 : memref<!tpu.dma_semaphore, #tpu.memory_space<semaphore_mem>>)
    %dma_wait3A = arith.constant 0 : i32
    %dma_wait3A_74 = arith.constant 0 : i32
    %dma_wait3A_75 = arith.constant 0 : i32
    %dma_wait3A_76 = arith.constant 0 : i32
    %dma_wait3A_77 = arith.constant 0 : i32
    %dma_wait3A_78 = tpu.memref_slice %arg11[%dma_wait3A_74, %dma_wait3A_76, %dma_wait3A_77] : memref<2x80x128xf32, #tpu.memory_space<vmem>> -> memref<1x80x128xf32, #tpu.memory_space<vmem>>
    %dma_wait3A_79 = tpu.memref_squeeze %dma_wait3A_78 : memref<1x80x128xf32, #tpu.memory_space<vmem>> -> memref<80x128xf32, #tpu.memory_space<vmem>>
    %dma_wait3A_80 = arith.constant 0 : i32
    %dma_wait3A_81 = tpu.memref_slice %arg8[%dma_wait3A, %dma_wait3A_80] : memref<125x80xi32, #tpu.memory_space<vmem>> -> memref<1x80xi32, #tpu.memory_space<vmem>>
    %dma_wait3A_82 = tpu.memref_squeeze %dma_wait3A_81 : memref<1x80xi32, #tpu.memory_space<vmem>> -> memref<80xi32, #tpu.memory_space<vmem>>
    %dma_wait3A_83 = arith.constant 0 : i32
    %dma_wait3A_84 = arith.constant 0 : i32
    %dma_wait3A_85 = tpu.memref_slice %arg2[%dma_wait3A_83, %dma_wait3A_84] : memref<10000x128xf32, #tpu.memory_space<hbm>> -> memref<10000x128xf32, #tpu.memory_space<hbm>>
    %dma_wait3A_86 = tpu.memref_slice %arg12[%dma_wait3A_75] : memref<2x!tpu.dma_semaphore, #tpu.memory_space<semaphore_mem>> -> memref<1x!tpu.dma_semaphore, #tpu.memory_space<semaphore_mem>>
    %dma_wait3A_87 = tpu.memref_squeeze %dma_wait3A_86 : memref<1x!tpu.dma_semaphore, #tpu.memory_space<semaphore_mem>> -> memref<!tpu.dma_semaphore, #tpu.memory_space<semaphore_mem>>
    tpu.wait_indirect_dma semaphore(%dma_wait3A_87 : memref<!tpu.dma_semaphore, #tpu.memory_space<semaphore_mem>>) src(%dma_wait3A_85 : memref<10000x128xf32, #tpu.memory_space<hbm>>) dst(%dma_wait3A_79 : memref<80x128xf32, #tpu.memory_space<vmem>>)
    %dma_start3A_88 = arith.constant 1 : i32
    %dma_start3A_89 = arith.constant 1 : i32
    %dma_start3A_90 = arith.constant 1 : i32
    %dma_start3A_91 = arith.constant 0 : i32
    %dma_start3A_92 = arith.constant 0 : i32
    %dma_start3A_93 = tpu.memref_slice %arg11[%dma_start3A_89, %dma_start3A_91, %dma_start3A_92] : memref<2x80x128xf32, #tpu.memory_space<vmem>> -> memref<1x80x128xf32, #tpu.memory_space<vmem>>
    %dma_start3A_94 = tpu.memref_squeeze %dma_start3A_93 : memref<1x80x128xf32, #tpu.memory_space<vmem>> -> memref<80x128xf32, #tpu.memory_space<vmem>>
    %dma_start3A_95 = arith.constant 0 : i32
    %dma_start3A_96 = tpu.memref_slice %arg8[%dma_start3A_88, %dma_start3A_95] : memref<125x80xi32, #tpu.memory_space<vmem>> -> memref<1x80xi32, #tpu.memory_space<vmem>>
    %dma_start3A_97 = tpu.memref_squeeze %dma_start3A_96 : memref<1x80xi32, #tpu.memory_space<vmem>> -> memref<80xi32, #tpu.memory_space<vmem>>
    %dma_start3A_98 = arith.constant 0 : i32
    %dma_start3A_99 = arith.constant 0 : i32
    %dma_start3A_100 = tpu.memref_slice %arg2[%dma_start3A_98, %dma_start3A_99] : memref<10000x128xf32, #tpu.memory_space<hbm>> -> memref<10000x128xf32, #tpu.memory_space<hbm>>
    %dma_start3A_101 = tpu.memref_slice %arg12[%dma_start3A_90] : memref<2x!tpu.dma_semaphore, #tpu.memory_space<semaphore_mem>> -> memref<1x!tpu.dma_semaphore, #tpu.memory_space<semaphore_mem>>
    %dma_start3A_102 = tpu.memref_squeeze %dma_start3A_101 : memref<1x!tpu.dma_semaphore, #tpu.memory_space<semaphore_mem>> -> memref<!tpu.dma_semaphore, #tpu.memory_space<semaphore_mem>>
    tpu.enqueue_indirect_dma source(%dma_start3A_100 : memref<10000x128xf32, #tpu.memory_space<hbm>>) target(%dma_start3A_94 : memref<80x128xf32, #tpu.memory_space<vmem>>) offsets(%dma_start3A_97 : memref<80xi32, #tpu.memory_space<vmem>>) semaphore(%dma_start3A_102 : memref<!tpu.dma_semaphore, #tpu.memory_space<semaphore_mem>>)
    %parallel_loop3A = arith.constant 0 : i32
    %parallel_loop3A_103 = arith.constant 80 : i32
    %parallel_loop3A_104 = arith.constant 1 : i32
    scf.for %parallel_loop3A_200 = %parallel_loop3A to %parallel_loop3A_103 step %parallel_loop3A_104  : i32 {
      %parallel_loop3A_201 = arith.constant 0 : i32
      %parallel_loop3A_202 = vector.broadcast %parallel_loop3A_201 : i32 to vector<16xi32>
      %parallel_loop3A_203 = vector.broadcast %parallel_loop3A_200 : i32 to vector<16xi32>
      %parallel_loop3A_204 = tpu.vector_load_idx %arg10[%parallel_loop3A_202, %parallel_loop3A_203] : memref<125x80xf32, #tpu.memory_space<vmem>>[vector<16xi32>, vector<16xi32>], vector<16xf32>,
      %parallel_loop3A_205 = arith.constant 0 : i32
      %parallel_loop3A_206 = arith.index_cast %parallel_loop3A_205 : i32 to index
      %parallel_loop3A_207 = arith.index_cast %parallel_loop3A_200 : i32 to index
      %parallel_loop3A_208 = arith.constant 0 : index
      %parallel_loop3A_209 = tpu.vector_load %arg11[%parallel_loop3A_206, %parallel_loop3A_207, %parallel_loop3A_208] {strides = array<i32>} : memref<2x80x128xf32, #tpu.memory_space<vmem>>, vector<16xf32>,
      %parallel_loop3A_210 = arith.mulf %parallel_loop3A_209, %parallel_loop3A_204 : vector<16xf32>
      %parallel_loop3A_211 = arith.constant 0 : i32
      %parallel_loop3A_212 = arith.index_cast %parallel_loop3A_211 : i32 to index
      %parallel_loop3A_213 = arith.index_cast %parallel_loop3A_200 : i32 to index
      %parallel_loop3A_214 = arith.constant 0 : index
      %parallel_loop3A_215 = tpu.vector_load %arg11[%parallel_loop3A_212, %parallel_loop3A_213, %parallel_loop3A_214] {strides = array<i32>} : memref<2x80x128xf32, #tpu.memory_space<vmem>>, vector<16xf32>,
      tpu.vector_store %arg11[%parallel_loop3A_212, %parallel_loop3A_213, %parallel_loop3A_214], %parallel_loop3A_210 {strides = array<i32>} : memref<2x80x128xf32, #tpu.memory_space<vmem>>, vector<16xf32>,
      %parallel_loop3A_216 = arith.constant 0 : i32
      %parallel_loop3A_217 = arith.index_cast %parallel_loop3A_216 : i32 to index
      %parallel_loop3A_218 = arith.index_cast %parallel_loop3A_200 : i32 to index
      %parallel_loop3A_219 = arith.constant 16 : index
      %parallel_loop3A_220 = tpu.vector_load %arg11[%parallel_loop3A_217, %parallel_loop3A_218, %parallel_loop3A_219] {strides = array<i32>} : memref<2x80x128xf32, #tpu.memory_space<vmem>>, vector<16xf32>,
      %parallel_loop3A_221 = arith.mulf %parallel_loop3A_220, %parallel_loop3A_204 : vector<16xf32>
      %parallel_loop3A_222 = arith.constant 0 : i32
      %parallel_loop3A_223 = arith.index_cast %parallel_loop3A_222 : i32 to index
      %parallel_loop3A_224 = arith.index_cast %parallel_loop3A_200 : i32 to index
      %parallel_loop3A_225 = arith.constant 16 : index
      %parallel_loop3A_226 = tpu.vector_load %arg11[%parallel_loop3A_223, %parallel_loop3A_224, %parallel_loop3A_225] {strides = array<i32>} : memref<2x80x128xf32, #tpu.memory_space<vmem>>, vector<16xf32>,
      tpu.vector_store %arg11[%parallel_loop3A_223, %parallel_loop3A_224, %parallel_loop3A_225], %parallel_loop3A_221 {strides = array<i32>} : memref<2x80x128xf32, #tpu.memory_space<vmem>>, vector<16xf32>,
      %parallel_loop3A_227 = arith.constant 0 : i32
      %parallel_loop3A_228 = arith.index_cast %parallel_loop3A_227 : i32 to index
      %parallel_loop3A_229 = arith.index_cast %parallel_loop3A_200 : i32 to index
      %parallel_loop3A_230 = arith.constant 32 : index
      %parallel_loop3A_231 = tpu.vector_load %arg11[%parallel_loop3A_228, %parallel_loop3A_229, %parallel_loop3A_230] {strides = array<i32>} : memref<2x80x128xf32, #tpu.memory_space<vmem>>, vector<16xf32>,
      %parallel_loop3A_232 = arith.mulf %parallel_loop3A_231, %parallel_loop3A_204 : vector<16xf32>
      %parallel_loop3A_233 = arith.constant 0 : i32
      %parallel_loop3A_234 = arith.index_cast %parallel_loop3A_233 : i32 to index
      %parallel_loop3A_235 = arith.index_cast %parallel_loop3A_200 : i32 to index
      %parallel_loop3A_236 = arith.constant 32 : index
      %parallel_loop3A_237 = tpu.vector_load %arg11[%parallel_loop3A_234, %parallel_loop3A_235, %parallel_loop3A_236] {strides = array<i32>} : memref<2x80x128xf32, #tpu.memory_space<vmem>>, vector<16xf32>,
      tpu.vector_store %arg11[%parallel_loop3A_234, %parallel_loop3A_235, %parallel_loop3A_236], %parallel_loop3A_232 {strides = array<i32>} : memref<2x80x128xf32, #tpu.memory_space<vmem>>, vector<16xf32>,
      %parallel_loop3A_238 = arith.constant 0 : i32
      %parallel_loop3A_239 = arith.index_cast %parallel_loop3A_238 : i32 to index
      %parallel_loop3A_240 = arith.index_cast %parallel_loop3A_200 : i32 to index
      %parallel_loop3A_241 = arith.constant 48 : index
      %parallel_loop3A_242 = tpu.vector_load %arg11[%parallel_loop3A_239, %parallel_loop3A_240, %parallel_loop3A_241] {strides = array<i32>} : memref<2x80x128xf32, #tpu.memory_space<vmem>>, vector<16xf32>,
      %parallel_loop3A_243 = arith.mulf %parallel_loop3A_242, %parallel_loop3A_204 : vector<16xf32>
      %parallel_loop3A_244 = arith.constant 0 : i32
      %parallel_loop3A_245 = arith.index_cast %parallel_loop3A_244 : i32 to index
      %parallel_loop3A_246 = arith.index_cast %parallel_loop3A_200 : i32 to index
      %parallel_loop3A_247 = arith.constant 48 : index
      %parallel_loop3A_248 = tpu.vector_load %arg11[%parallel_loop3A_245, %parallel_loop3A_246, %parallel_loop3A_247] {strides = array<i32>} : memref<2x80x128xf32, #tpu.memory_space<vmem>>, vector<16xf32>,
      tpu.vector_store %arg11[%parallel_loop3A_245, %parallel_loop3A_246, %parallel_loop3A_247], %parallel_loop3A_243 {strides = array<i32>} : memref<2x80x128xf32, #tpu.memory_space<vmem>>, vector<16xf32>,
      %parallel_loop3A_249 = arith.constant 0 : i32
      %parallel_loop3A_250 = arith.index_cast %parallel_loop3A_249 : i32 to index
      %parallel_loop3A_251 = arith.index_cast %parallel_loop3A_200 : i32 to index
      %parallel_loop3A_252 = arith.constant 64 : index
      %parallel_loop3A_253 = tpu.vector_load %arg11[%parallel_loop3A_250, %parallel_loop3A_251, %parallel_loop3A_252] {strides = array<i32>} : memref<2x80x128xf32, #tpu.memory_space<vmem>>, vector<16xf32>,
      %parallel_loop3A_254 = arith.mulf %parallel_loop3A_253, %parallel_loop3A_204 : vector<16xf32>
      %parallel_loop3A_255 = arith.constant 0 : i32
      %parallel_loop3A_256 = arith.index_cast %parallel_loop3A_255 : i32 to index
      %parallel_loop3A_257 = arith.index_cast %parallel_loop3A_200 : i32 to index
      %parallel_loop3A_258 = arith.constant 64 : index
      %parallel_loop3A_259 = tpu.vector_load %arg11[%parallel_loop3A_256, %parallel_loop3A_257, %parallel_loop3A_258] {strides = array<i32>} : memref<2x80x128xf32, #tpu.memory_space<vmem>>, vector<16xf32>,
      tpu.vector_store %arg11[%parallel_loop3A_256, %parallel_loop3A_257, %parallel_loop3A_258], %parallel_loop3A_254 {strides = array<i32>} : memref<2x80x128xf32, #tpu.memory_space<vmem>>, vector<16xf32>,
      %parallel_loop3A_260 = arith.constant 0 : i32
      %parallel_loop3A_261 = arith.index_cast %parallel_loop3A_260 : i32 to index
      %parallel_loop3A_262 = arith.index_cast %parallel_loop3A_200 : i32 to index
      %parallel_loop3A_263 = arith.constant 80 : index
      %parallel_loop3A_264 = tpu.vector_load %arg11[%parallel_loop3A_261, %parallel_loop3A_262, %parallel_loop3A_263] {strides = array<i32>} : memref<2x80x128xf32, #tpu.memory_space<vmem>>, vector<16xf32>,
      %parallel_loop3A_265 = arith.mulf %parallel_loop3A_264, %parallel_loop3A_204 : vector<16xf32>
      %parallel_loop3A_266 = arith.constant 0 : i32
      %parallel_loop3A_267 = arith.index_cast %parallel_loop3A_266 : i32 to index
      %parallel_loop3A_268 = arith.index_cast %parallel_loop3A_200 : i32 to index
      %parallel_loop3A_269 = arith.constant 80 : index
      %parallel_loop3A_270 = tpu.vector_load %arg11[%parallel_loop3A_267, %parallel_loop3A_268, %parallel_loop3A_269] {strides = array<i32>} : memref<2x80x128xf32, #tpu.memory_space<vmem>>, vector<16xf32>,
      tpu.vector_store %arg11[%parallel_loop3A_267, %parallel_loop3A_268, %parallel_loop3A_269], %parallel_loop3A_265 {strides = array<i32>} : memref<2x80x128xf32, #tpu.memory_space<vmem>>, vector<16xf32>,
      %parallel_loop3A_271 = arith.constant 0 : i32
      %parallel_loop3A_272 = arith.index_cast %parallel_loop3A_271 : i32 to index
      %parallel_loop3A_273 = arith.index_cast %parallel_loop3A_200 : i32 to index
      %parallel_loop3A_274 = arith.constant 96 : index
      %parallel_loop3A_275 = tpu.vector_load %arg11[%parallel_loop3A_272, %parallel_loop3A_273, %parallel_loop3A_274] {strides = array<i32>} : memref<2x80x128xf32, #tpu.memory_space<vmem>>, vector<16xf32>,
      %parallel_loop3A_276 = arith.mulf %parallel_loop3A_275, %parallel_loop3A_204 : vector<16xf32>
      %parallel_loop3A_277 = arith.constant 0 : i32
      %parallel_loop3A_278 = arith.index_cast %parallel_loop3A_277 : i32 to index
      %parallel_loop3A_279 = arith.index_cast %parallel_loop3A_200 : i32 to index
      %parallel_loop3A_280 = arith.constant 96 : index
      %parallel_loop3A_281 = tpu.vector_load %arg11[%parallel_loop3A_278, %parallel_loop3A_279, %parallel_loop3A_280] {strides = array<i32>} : memref<2x80x128xf32, #tpu.memory_space<vmem>>, vector<16xf32>,
      tpu.vector_store %arg11[%parallel_loop3A_278, %parallel_loop3A_279, %parallel_loop3A_280], %parallel_loop3A_276 {strides = array<i32>} : memref<2x80x128xf32, #tpu.memory_space<vmem>>, vector<16xf32>,
      %parallel_loop3A_282 = arith.constant 0 : i32
      %parallel_loop3A_283 = arith.index_cast %parallel_loop3A_282 : i32 to index
      %parallel_loop3A_284 = arith.index_cast %parallel_loop3A_200 : i32 to index
      %parallel_loop3A_285 = arith.constant 112 : index
      %parallel_loop3A_286 = tpu.vector_load %arg11[%parallel_loop3A_283, %parallel_loop3A_284, %parallel_loop3A_285] {strides = array<i32>} : memref<2x80x128xf32, #tpu.memory_space<vmem>>, vector<16xf32>,
      %parallel_loop3A_287 = arith.mulf %parallel_loop3A_286, %parallel_loop3A_204 : vector<16xf32>
      %parallel_loop3A_288 = arith.constant 0 : i32
      %parallel_loop3A_289 = arith.index_cast %parallel_loop3A_288 : i32 to index
      %parallel_loop3A_290 = arith.index_cast %parallel_loop3A_200 : i32 to index
      %parallel_loop3A_291 = arith.constant 112 : index
      %parallel_loop3A_292 = tpu.vector_load %arg11[%parallel_loop3A_289, %parallel_loop3A_290, %parallel_loop3A_291] {strides = array<i32>} : memref<2x80x128xf32, #tpu.memory_space<vmem>>, vector<16xf32>,
      tpu.vector_store %arg11[%parallel_loop3A_289, %parallel_loop3A_290, %parallel_loop3A_291], %parallel_loop3A_287 {strides = array<i32>} : memref<2x80x128xf32, #tpu.memory_space<vmem>>, vector<16xf32>,
    } {sc.loop_unroll_factor = 4 : i64, sc.parallel_access}
    %dma_start3A_105 = arith.constant 0 : i32
    %dma_start3A_106 = arith.constant 0 : i32
    %dma_start3A_107 = arith.constant 0 : i32
    %dma_start3A_108 = arith.constant 0 : i32
    %dma_start3A_109 = arith.constant 0 : i32
    %dma_start3A_110 = tpu.memref_slice %arg11[%dma_start3A_105, %dma_start3A_108, %dma_start3A_109] : memref<2x80x128xf32, #tpu.memory_space<vmem>> -> memref<1x80x128xf32, #tpu.memory_space<vmem>>
    %dma_start3A_111 = tpu.memref_squeeze %dma_start3A_110 : memref<1x80x128xf32, #tpu.memory_space<vmem>> -> memref<80x128xf32, #tpu.memory_space<vmem>>
    %dma_start3A_112 = arith.constant 0 : i32
    %dma_start3A_113 = tpu.memref_slice %arg9[%dma_start3A_106, %dma_start3A_112] : memref<125x80xi32, #tpu.memory_space<vmem>> -> memref<1x80xi32, #tpu.memory_space<vmem>>
    %dma_start3A_114 = tpu.memref_squeeze %dma_start3A_113 : memref<1x80xi32, #tpu.memory_space<vmem>> -> memref<80xi32, #tpu.memory_space<vmem>>
    %dma_start3A_115 = arith.constant 0 : i32
    %dma_start3A_116 = arith.constant 0 : i32
    %dma_start3A_117 = tpu.memref_slice %arg7[%dma_start3A_115, %dma_start3A_116] : memref<10000x128xf32, #tpu.memory_space<vmem_shared>> -> memref<10000x128xf32, #tpu.memory_space<vmem_shared>>
    %dma_start3A_118 = tpu.memref_slice %arg13[%dma_start3A_107] : memref<2x!tpu.dma_semaphore, #tpu.memory_space<semaphore_mem>> -> memref<1x!tpu.dma_semaphore, #tpu.memory_space<semaphore_mem>>
    %dma_start3A_119 = tpu.memref_squeeze %dma_start3A_118 : memref<1x!tpu.dma_semaphore, #tpu.memory_space<semaphore_mem>> -> memref<!tpu.dma_semaphore, #tpu.memory_space<semaphore_mem>>
    tpu.enqueue_indirect_dma source(%dma_start3A_111 : memref<80x128xf32, #tpu.memory_space<vmem>>) target(%dma_start3A_117 : memref<10000x128xf32, #tpu.memory_space<vmem_shared>>) offsets(%dma_start3A_114 : memref<80xi32, #tpu.memory_space<vmem>>) semaphore(%dma_start3A_119 : memref<!tpu.dma_semaphore, #tpu.memory_space<semaphore_mem>>) {add = true}
    %scan3A_120 = arith.constant 0 : i32
    %scan3A_121 = arith.constant 0 : i32
    %scan3A_122 = arith.constant 62 : i32
    %scan3A_123 = arith.addi %scan3A_121, %scan3A_122 : i32
    %scan3A_124 = arith.constant 1 : i32
    scf.for %scan3A_200 = %scan3A_121 to %scan3A_123 step %scan3A_124  : i32 {
      %mul3A_201 = arith.constant 2 : i32
      %mul3A_202 = arith.muli %mul3A_201, %scan3A_200 : i32
      %add3A_203 = arith.constant 1 : i32
      %add3A_204 = arith.addi %mul3A_202, %add3A_203 : i32
      %dma_wait3A_205 = arith.constant 1 : i32
      %dma_wait3A_206 = arith.constant 1 : i32
      %dma_wait3A_207 = arith.constant 0 : i32
      %dma_wait3A_208 = arith.constant 0 : i32
      %dma_wait3A_209 = tpu.memref_slice %arg11[%dma_wait3A_205, %dma_wait3A_207, %dma_wait3A_208] : memref<2x80x128xf32, #tpu.memory_space<vmem>> -> memref<1x80x128xf32, #tpu.memory_space<vmem>>
      %dma_wait3A_210 = tpu.memref_squeeze %dma_wait3A_209 : memref<1x80x128xf32, #tpu.memory_space<vmem>> -> memref<80x128xf32, #tpu.memory_space<vmem>>
      %dma_wait3A_211 = arith.constant 0 : i32
      %dma_wait3A_212 = tpu.memref_slice %arg8[%add3A_204, %dma_wait3A_211] : memref<125x80xi32, #tpu.memory_space<vmem>> -> memref<1x80xi32, #tpu.memory_space<vmem>>
      %dma_wait3A_213 = tpu.memref_squeeze %dma_wait3A_212 : memref<1x80xi32, #tpu.memory_space<vmem>> -> memref<80xi32, #tpu.memory_space<vmem>>
      %dma_wait3A_214 = arith.constant 0 : i32
      %dma_wait3A_215 = arith.constant 0 : i32
      %dma_wait3A_216 = tpu.memref_slice %arg2[%dma_wait3A_214, %dma_wait3A_215] : memref<10000x128xf32, #tpu.memory_space<hbm>> -> memref<10000x128xf32, #tpu.memory_space<hbm>>
      %dma_wait3A_217 = tpu.memref_slice %arg12[%dma_wait3A_206] : memref<2x!tpu.dma_semaphore, #tpu.memory_space<semaphore_mem>> -> memref<1x!tpu.dma_semaphore, #tpu.memory_space<semaphore_mem>>
      %dma_wait3A_218 = tpu.memref_squeeze %dma_wait3A_217 : memref<1x!tpu.dma_semaphore, #tpu.memory_space<semaphore_mem>> -> memref<!tpu.dma_semaphore, #tpu.memory_space<semaphore_mem>>
      tpu.wait_indirect_dma semaphore(%dma_wait3A_218 : memref<!tpu.dma_semaphore, #tpu.memory_space<semaphore_mem>>) src(%dma_wait3A_216 : memref<10000x128xf32, #tpu.memory_space<hbm>>) dst(%dma_wait3A_210 : memref<80x128xf32, #tpu.memory_space<vmem>>)
      %ge3A = arith.constant 1 : i32
      %ge3A_219 = arith.cmpi sge, %add3A_204, %ge3A : i32
      %convert_element_type3A_220 = arith.extui %ge3A_219 : i1 to i32
      %cond3A_221 = arith.constant 0 : i32
      %cond3A_222 = arith.cmpi ne, %convert_element_type3A_220, %cond3A_221 : i32
      scf.if %cond3A_222 {
        %sub3A = arith.constant 1 : i32
        %sub3A_294 = arith.subi %add3A_204, %sub3A : i32
        %dma_wait3A_295 = arith.constant 0 : i32
        %dma_wait3A_296 = arith.constant 0 : i32
        %dma_wait3A_297 = arith.constant 0 : i32
        %dma_wait3A_298 = arith.constant 0 : i32
        %dma_wait3A_299 = tpu.memref_slice %arg11[%dma_wait3A_295, %dma_wait3A_297, %dma_wait3A_298] : memref<2x80x128xf32, #tpu.memory_space<vmem>> -> memref<1x80x128xf32, #tpu.memory_space<vmem>>
        %dma_wait3A_300 = tpu.memref_squeeze %dma_wait3A_299 : memref<1x80x128xf32, #tpu.memory_space<vmem>> -> memref<80x128xf32, #tpu.memory_space<vmem>>
        %dma_wait3A_301 = arith.constant 0 : i32
        %dma_wait3A_302 = tpu.memref_slice %arg9[%sub3A_294, %dma_wait3A_301] : memref<125x80xi32, #tpu.memory_space<vmem>> -> memref<1x80xi32, #tpu.memory_space<vmem>>
        %dma_wait3A_303 = tpu.memref_squeeze %dma_wait3A_302 : memref<1x80xi32, #tpu.memory_space<vmem>> -> memref<80xi32, #tpu.memory_space<vmem>>
        %dma_wait3A_304 = arith.constant 0 : i32
        %dma_wait3A_305 = arith.constant 0 : i32
        %dma_wait3A_306 = tpu.memref_slice %arg7[%dma_wait3A_304, %dma_wait3A_305] : memref<10000x128xf32, #tpu.memory_space<vmem_shared>> -> memref<10000x128xf32, #tpu.memory_space<vmem_shared>>
        %dma_wait3A_307 = tpu.memref_slice %arg13[%dma_wait3A_296] : memref<2x!tpu.dma_semaphore, #tpu.memory_space<semaphore_mem>> -> memref<1x!tpu.dma_semaphore, #tpu.memory_space<semaphore_mem>>
        %dma_wait3A_308 = tpu.memref_squeeze %dma_wait3A_307 : memref<1x!tpu.dma_semaphore, #tpu.memory_space<semaphore_mem>> -> memref<!tpu.dma_semaphore, #tpu.memory_space<semaphore_mem>>
        tpu.wait_indirect_dma semaphore(%dma_wait3A_308 : memref<!tpu.dma_semaphore, #tpu.memory_space<semaphore_mem>>) src(%dma_wait3A_300 : memref<80x128xf32, #tpu.memory_space<vmem>>) dst(%dma_wait3A_306 : memref<10000x128xf32, #tpu.memory_space<vmem_shared>>)
      } else {
      }
      %add3A_223 = arith.constant 1 : i32
      %add3A_224 = arith.addi %add3A_204, %add3A_223 : i32
      %lt3A_225 = arith.constant 125 : i32
      %lt3A_226 = arith.cmpi slt, %add3A_224, %lt3A_225 : i32
      %convert_element_type3A_227 = arith.extui %lt3A_226 : i1 to i32
      %cond3A_228 = arith.constant 0 : i32
      %cond3A_229 = arith.cmpi ne, %convert_element_type3A_227, %cond3A_228 : i32
      scf.if %cond3A_229 {
        %add3A_294 = arith.constant 1 : i32
        %add3A_295 = arith.addi %add3A_204, %add3A_294 : i32
        %dma_start3A_296 = arith.constant 0 : i32
        %dma_start3A_297 = arith.constant 0 : i32
        %dma_start3A_298 = arith.constant 0 : i32
        %dma_start3A_299 = arith.constant 0 : i32
        %dma_start3A_300 = tpu.memref_slice %arg11[%dma_start3A_296, %dma_start3A_298, %dma_start3A_299] : memref<2x80x128xf32, #tpu.memory_space<vmem>> -> memref<1x80x128xf32, #tpu.memory_space<vmem>>
        %dma_start3A_301 = tpu.memref_squeeze %dma_start3A_300 : memref<1x80x128xf32, #tpu.memory_space<vmem>> -> memref<80x128xf32, #tpu.memory_space<vmem>>
        %dma_start3A_302 = arith.constant 0 : i32
        %dma_start3A_303 = tpu.memref_slice %arg8[%add3A_295, %dma_start3A_302] : memref<125x80xi32, #tpu.memory_space<vmem>> -> memref<1x80xi32, #tpu.memory_space<vmem>>
        %dma_start3A_304 = tpu.memref_squeeze %dma_start3A_303 : memref<1x80xi32, #tpu.memory_space<vmem>> -> memref<80xi32, #tpu.memory_space<vmem>>
        %dma_start3A_305 = arith.constant 0 : i32
        %dma_start3A_306 = arith.constant 0 : i32
        %dma_start3A_307 = tpu.memref_slice %arg2[%dma_start3A_305, %dma_start3A_306] : memref<10000x128xf32, #tpu.memory_space<hbm>> -> memref<10000x128xf32, #tpu.memory_space<hbm>>
        %dma_start3A_308 = tpu.memref_slice %arg12[%dma_start3A_297] : memref<2x!tpu.dma_semaphore, #tpu.memory_space<semaphore_mem>> -> memref<1x!tpu.dma_semaphore, #tpu.memory_space<semaphore_mem>>
        %dma_start3A_309 = tpu.memref_squeeze %dma_start3A_308 : memref<1x!tpu.dma_semaphore, #tpu.memory_space<semaphore_mem>> -> memref<!tpu.dma_semaphore, #tpu.memory_space<semaphore_mem>>
        tpu.enqueue_indirect_dma source(%dma_start3A_307 : memref<10000x128xf32, #tpu.memory_space<hbm>>) target(%dma_start3A_301 : memref<80x128xf32, #tpu.memory_space<vmem>>) offsets(%dma_start3A_304 : memref<80xi32, #tpu.memory_space<vmem>>) semaphore(%dma_start3A_309 : memref<!tpu.dma_semaphore, #tpu.memory_space<semaphore_mem>>)
      } else {
      }
      %parallel_loop3A_230 = arith.constant 0 : i32
      %parallel_loop3A_231 = arith.constant 80 : i32
      %parallel_loop3A_232 = arith.constant 1 : i32
      scf.for %parallel_loop3A_294 = %parallel_loop3A_230 to %parallel_loop3A_231 step %parallel_loop3A_232  : i32 {
        %parallel_loop3A_295 = vector.broadcast %add3A_204 : i32 to vector<16xi32>
        %parallel_loop3A_296 = vector.broadcast %parallel_loop3A_294 : i32 to vector<16xi32>
        %parallel_loop3A_297 = tpu.vector_load_idx %arg10[%parallel_loop3A_295, %parallel_loop3A_296] : memref<125x80xf32, #tpu.memory_space<vmem>>[vector<16xi32>, vector<16xi32>], vector<16xf32>,
        %parallel_loop3A_298 = arith.constant 1 : i32
        %parallel_loop3A_299 = arith.index_cast %parallel_loop3A_298 : i32 to index
        %parallel_loop3A_300 = arith.index_cast %parallel_loop3A_294 : i32 to index
        %parallel_loop3A_301 = arith.constant 0 : index
        %parallel_loop3A_302 = tpu.vector_load %arg11[%parallel_loop3A_299, %parallel_loop3A_300, %parallel_loop3A_301] {strides = array<i32>} : memref<2x80x128xf32, #tpu.memory_space<vmem>>, vector<16xf32>,
        %parallel_loop3A_303 = arith.mulf %parallel_loop3A_302, %parallel_loop3A_297 : vector<16xf32>
        %parallel_loop3A_304 = arith.constant 1 : i32
        %parallel_loop3A_305 = arith.index_cast %parallel_loop3A_304 : i32 to index
        %parallel_loop3A_306 = arith.index_cast %parallel_loop3A_294 : i32 to index
        %parallel_loop3A_307 = arith.constant 0 : index
        %parallel_loop3A_308 = tpu.vector_load %arg11[%parallel_loop3A_305, %parallel_loop3A_306, %parallel_loop3A_307] {strides = array<i32>} : memref<2x80x128xf32, #tpu.memory_space<vmem>>, vector<16xf32>,
        tpu.vector_store %arg11[%parallel_loop3A_305, %parallel_loop3A_306, %parallel_loop3A_307], %parallel_loop3A_303 {strides = array<i32>} : memref<2x80x128xf32, #tpu.memory_space<vmem>>, vector<16xf32>,
        %parallel_loop3A_309 = arith.constant 1 : i32
        %parallel_loop3A_310 = arith.index_cast %parallel_loop3A_309 : i32 to index
        %parallel_loop3A_311 = arith.index_cast %parallel_loop3A_294 : i32 to index
        %parallel_loop3A_312 = arith.constant 16 : index
        %parallel_loop3A_313 = tpu.vector_load %arg11[%parallel_loop3A_310, %parallel_loop3A_311, %parallel_loop3A_312] {strides = array<i32>} : memref<2x80x128xf32, #tpu.memory_space<vmem>>, vector<16xf32>,
        %parallel_loop3A_314 = arith.mulf %parallel_loop3A_313, %parallel_loop3A_297 : vector<16xf32>
        %parallel_loop3A_315 = arith.constant 1 : i32
        %parallel_loop3A_316 = arith.index_cast %parallel_loop3A_315 : i32 to index
        %parallel_loop3A_317 = arith.index_cast %parallel_loop3A_294 : i32 to index
        %parallel_loop3A_318 = arith.constant 16 : index
        %parallel_loop3A_319 = tpu.vector_load %arg11[%parallel_loop3A_316, %parallel_loop3A_317, %parallel_loop3A_318] {strides = array<i32>} : memref<2x80x128xf32, #tpu.memory_space<vmem>>, vector<16xf32>,
        tpu.vector_store %arg11[%parallel_loop3A_316, %parallel_loop3A_317, %parallel_loop3A_318], %parallel_loop3A_314 {strides = array<i32>} : memref<2x80x128xf32, #tpu.memory_space<vmem>>, vector<16xf32>,
        %parallel_loop3A_320 = arith.constant 1 : i32
        %parallel_loop3A_321 = arith.index_cast %parallel_loop3A_320 : i32 to index
        %parallel_loop3A_322 = arith.index_cast %parallel_loop3A_294 : i32 to index
        %parallel_loop3A_323 = arith.constant 32 : index
        %parallel_loop3A_324 = tpu.vector_load %arg11[%parallel_loop3A_321, %parallel_loop3A_322, %parallel_loop3A_323] {strides = array<i32>} : memref<2x80x128xf32, #tpu.memory_space<vmem>>, vector<16xf32>,
        %parallel_loop3A_325 = arith.mulf %parallel_loop3A_324, %parallel_loop3A_297 : vector<16xf32>
        %parallel_loop3A_326 = arith.constant 1 : i32
        %parallel_loop3A_327 = arith.index_cast %parallel_loop3A_326 : i32 to index
        %parallel_loop3A_328 = arith.index_cast %parallel_loop3A_294 : i32 to index
        %parallel_loop3A_329 = arith.constant 32 : index
        %parallel_loop3A_330 = tpu.vector_load %arg11[%parallel_loop3A_327, %parallel_loop3A_328, %parallel_loop3A_329] {strides = array<i32>} : memref<2x80x128xf32, #tpu.memory_space<vmem>>, vector<16xf32>,
        tpu.vector_store %arg11[%parallel_loop3A_327, %parallel_loop3A_328, %parallel_loop3A_329], %parallel_loop3A_325 {strides = array<i32>} : memref<2x80x128xf32, #tpu.memory_space<vmem>>, vector<16xf32>,
        %parallel_loop3A_331 = arith.constant 1 : i32
        %parallel_loop3A_332 = arith.index_cast %parallel_loop3A_331 : i32 to index
        %parallel_loop3A_333 = arith.index_cast %parallel_loop3A_294 : i32 to index
        %parallel_loop3A_334 = arith.constant 48 : index
        %parallel_loop3A_335 = tpu.vector_load %arg11[%parallel_loop3A_332, %parallel_loop3A_333, %parallel_loop3A_334] {strides = array<i32>} : memref<2x80x128xf32, #tpu.memory_space<vmem>>, vector<16xf32>,
        %parallel_loop3A_336 = arith.mulf %parallel_loop3A_335, %parallel_loop3A_297 : vector<16xf32>
        %parallel_loop3A_337 = arith.constant 1 : i32
        %parallel_loop3A_338 = arith.index_cast %parallel_loop3A_337 : i32 to index
        %parallel_loop3A_339 = arith.index_cast %parallel_loop3A_294 : i32 to index
        %parallel_loop3A_340 = arith.constant 48 : index
        %parallel_loop3A_341 = tpu.vector_load %arg11[%parallel_loop3A_338, %parallel_loop3A_339, %parallel_loop3A_340] {strides = array<i32>} : memref<2x80x128xf32, #tpu.memory_space<vmem>>, vector<16xf32>,
        tpu.vector_store %arg11[%parallel_loop3A_338, %parallel_loop3A_339, %parallel_loop3A_340], %parallel_loop3A_336 {strides = array<i32>} : memref<2x80x128xf32, #tpu.memory_space<vmem>>, vector<16xf32>,
        %parallel_loop3A_342 = arith.constant 1 : i32
        %parallel_loop3A_343 = arith.index_cast %parallel_loop3A_342 : i32 to index
        %parallel_loop3A_344 = arith.index_cast %parallel_loop3A_294 : i32 to index
        %parallel_loop3A_345 = arith.constant 64 : index
        %parallel_loop3A_346 = tpu.vector_load %arg11[%parallel_loop3A_343, %parallel_loop3A_344, %parallel_loop3A_345] {strides = array<i32>} : memref<2x80x128xf32, #tpu.memory_space<vmem>>, vector<16xf32>,
        %parallel_loop3A_347 = arith.mulf %parallel_loop3A_346, %parallel_loop3A_297 : vector<16xf32>
        %parallel_loop3A_348 = arith.constant 1 : i32
        %parallel_loop3A_349 = arith.index_cast %parallel_loop3A_348 : i32 to index
        %parallel_loop3A_350 = arith.index_cast %parallel_loop3A_294 : i32 to index
        %parallel_loop3A_351 = arith.constant 64 : index
        %parallel_loop3A_352 = tpu.vector_load %arg11[%parallel_loop3A_349, %parallel_loop3A_350, %parallel_loop3A_351] {strides = array<i32>} : memref<2x80x128xf32, #tpu.memory_space<vmem>>, vector<16xf32>,
        tpu.vector_store %arg11[%parallel_loop3A_349, %parallel_loop3A_350, %parallel_loop3A_351], %parallel_loop3A_347 {strides = array<i32>} : memref<2x80x128xf32, #tpu.memory_space<vmem>>, vector<16xf32>,
        %parallel_loop3A_353 = arith.constant 1 : i32
        %parallel_loop3A_354 = arith.index_cast %parallel_loop3A_353 : i32 to index
        %parallel_loop3A_355 = arith.index_cast %parallel_loop3A_294 : i32 to index
        %parallel_loop3A_356 = arith.constant 80 : index
        %parallel_loop3A_357 = tpu.vector_load %arg11[%parallel_loop3A_354, %parallel_loop3A_355, %parallel_loop3A_356] {strides = array<i32>} : memref<2x80x128xf32, #tpu.memory_space<vmem>>, vector<16xf32>,
        %parallel_loop3A_358 = arith.mulf %parallel_loop3A_357, %parallel_loop3A_297 : vector<16xf32>
        %parallel_loop3A_359 = arith.constant 1 : i32
        %parallel_loop3A_360 = arith.index_cast %parallel_loop3A_359 : i32 to index
        %parallel_loop3A_361 = arith.index_cast %parallel_loop3A_294 : i32 to index
        %parallel_loop3A_362 = arith.constant 80 : index
        %parallel_loop3A_363 = tpu.vector_load %arg11[%parallel_loop3A_360, %parallel_loop3A_361, %parallel_loop3A_362] {strides = array<i32>} : memref<2x80x128xf32, #tpu.memory_space<vmem>>, vector<16xf32>,
        tpu.vector_store %arg11[%parallel_loop3A_360, %parallel_loop3A_361, %parallel_loop3A_362], %parallel_loop3A_358 {strides = array<i32>} : memref<2x80x128xf32, #tpu.memory_space<vmem>>, vector<16xf32>,
        %parallel_loop3A_364 = arith.constant 1 : i32
        %parallel_loop3A_365 = arith.index_cast %parallel_loop3A_364 : i32 to index
        %parallel_loop3A_366 = arith.index_cast %parallel_loop3A_294 : i32 to index
        %parallel_loop3A_367 = arith.constant 96 : index
        %parallel_loop3A_368 = tpu.vector_load %arg11[%parallel_loop3A_365, %parallel_loop3A_366, %parallel_loop3A_367] {strides = array<i32>} : memref<2x80x128xf32, #tpu.memory_space<vmem>>, vector<16xf32>,
        %parallel_loop3A_369 = arith.mulf %parallel_loop3A_368, %parallel_loop3A_297 : vector<16xf32>
        %parallel_loop3A_370 = arith.constant 1 : i32
        %parallel_loop3A_371 = arith.index_cast %parallel_loop3A_370 : i32 to index
        %parallel_loop3A_372 = arith.index_cast %parallel_loop3A_294 : i32 to index
        %parallel_loop3A_373 = arith.constant 96 : index
        %parallel_loop3A_374 = tpu.vector_load %arg11[%parallel_loop3A_371, %parallel_loop3A_372, %parallel_loop3A_373] {strides = array<i32>} : memref<2x80x128xf32, #tpu.memory_space<vmem>>, vector<16xf32>,
        tpu.vector_store %arg11[%parallel_loop3A_371, %parallel_loop3A_372, %parallel_loop3A_373], %parallel_loop3A_369 {strides = array<i32>} : memref<2x80x128xf32, #tpu.memory_space<vmem>>, vector<16xf32>,
        %parallel_loop3A_375 = arith.constant 1 : i32
        %parallel_loop3A_376 = arith.index_cast %parallel_loop3A_375 : i32 to index
        %parallel_loop3A_377 = arith.index_cast %parallel_loop3A_294 : i32 to index
        %parallel_loop3A_378 = arith.constant 112 : index
        %parallel_loop3A_379 = tpu.vector_load %arg11[%parallel_loop3A_376, %parallel_loop3A_377, %parallel_loop3A_378] {strides = array<i32>} : memref<2x80x128xf32, #tpu.memory_space<vmem>>, vector<16xf32>,
        %parallel_loop3A_380 = arith.mulf %parallel_loop3A_379, %parallel_loop3A_297 : vector<16xf32>
        %parallel_loop3A_381 = arith.constant 1 : i32
        %parallel_loop3A_382 = arith.index_cast %parallel_loop3A_381 : i32 to index
        %parallel_loop3A_383 = arith.index_cast %parallel_loop3A_294 : i32 to index
        %parallel_loop3A_384 = arith.constant 112 : index
        %parallel_loop3A_385 = tpu.vector_load %arg11[%parallel_loop3A_382, %parallel_loop3A_383, %parallel_loop3A_384] {strides = array<i32>} : memref<2x80x128xf32, #tpu.memory_space<vmem>>, vector<16xf32>,
        tpu.vector_store %arg11[%parallel_loop3A_382, %parallel_loop3A_383, %parallel_loop3A_384], %parallel_loop3A_380 {strides = array<i32>} : memref<2x80x128xf32, #tpu.memory_space<vmem>>, vector<16xf32>,
      } {sc.loop_unroll_factor = 4 : i64, sc.parallel_access}
      %dma_start3A_233 = arith.constant 1 : i32
      %dma_start3A_234 = arith.constant 1 : i32
      %dma_start3A_235 = arith.constant 0 : i32
      %dma_start3A_236 = arith.constant 0 : i32
      %dma_start3A_237 = tpu.memref_slice %arg11[%dma_start3A_233, %dma_start3A_235, %dma_start3A_236] : memref<2x80x128xf32, #tpu.memory_space<vmem>> -> memref<1x80x128xf32, #tpu.memory_space<vmem>>
      %dma_start3A_238 = tpu.memref_squeeze %dma_start3A_237 : memref<1x80x128xf32, #tpu.memory_space<vmem>> -> memref<80x128xf32, #tpu.memory_space<vmem>>
      %dma_start3A_239 = arith.constant 0 : i32
      %dma_start3A_240 = tpu.memref_slice %arg9[%add3A_204, %dma_start3A_239] : memref<125x80xi32, #tpu.memory_space<vmem>> -> memref<1x80xi32, #tpu.memory_space<vmem>>
      %dma_start3A_241 = tpu.memref_squeeze %dma_start3A_240 : memref<1x80xi32, #tpu.memory_space<vmem>> -> memref<80xi32, #tpu.memory_space<vmem>>
      %dma_start3A_242 = arith.constant 0 : i32
      %dma_start3A_243 = arith.constant 0 : i32
      %dma_start3A_244 = tpu.memref_slice %arg7[%dma_start3A_242, %dma_start3A_243] : memref<10000x128xf32, #tpu.memory_space<vmem_shared>> -> memref<10000x128xf32, #tpu.memory_space<vmem_shared>>
      %dma_start3A_245 = tpu.memref_slice %arg13[%dma_start3A_234] : memref<2x!tpu.dma_semaphore, #tpu.memory_space<semaphore_mem>> -> memref<1x!tpu.dma_semaphore, #tpu.memory_space<semaphore_mem>>
      %dma_start3A_246 = tpu.memref_squeeze %dma_start3A_245 : memref<1x!tpu.dma_semaphore, #tpu.memory_space<semaphore_mem>> -> memref<!tpu.dma_semaphore, #tpu.memory_space<semaphore_mem>>
      tpu.enqueue_indirect_dma source(%dma_start3A_238 : memref<80x128xf32, #tpu.memory_space<vmem>>) target(%dma_start3A_244 : memref<10000x128xf32, #tpu.memory_space<vmem_shared>>) offsets(%dma_start3A_241 : memref<80xi32, #tpu.memory_space<vmem>>) semaphore(%dma_start3A_246 : memref<!tpu.dma_semaphore, #tpu.memory_space<semaphore_mem>>) {add = true}
      %mul3A_247 = arith.constant 2 : i32
      %mul3A_248 = arith.muli %mul3A_247, %scan3A_200 : i32
      %add3A_249 = arith.constant 2 : i32
      %add3A_250 = arith.addi %mul3A_248, %add3A_249 : i32
      %dma_wait3A_251 = arith.constant 0 : i32
      %dma_wait3A_252 = arith.constant 0 : i32
      %dma_wait3A_253 = arith.constant 0 : i32
      %dma_wait3A_254 = arith.constant 0 : i32
      %dma_wait3A_255 = tpu.memref_slice %arg11[%dma_wait3A_251, %dma_wait3A_253, %dma_wait3A_254] : memref<2x80x128xf32, #tpu.memory_space<vmem>> -> memref<1x80x128xf32, #tpu.memory_space<vmem>>
      %dma_wait3A_256 = tpu.memref_squeeze %dma_wait3A_255 : memref<1x80x128xf32, #tpu.memory_space<vmem>> -> memref<80x128xf32, #tpu.memory_space<vmem>>
      %dma_wait3A_257 = arith.constant 0 : i32
      %dma_wait3A_258 = tpu.memref_slice %arg8[%add3A_250, %dma_wait3A_257] : memref<125x80xi32, #tpu.memory_space<vmem>> -> memref<1x80xi32, #tpu.memory_space<vmem>>
      %dma_wait3A_259 = tpu.memref_squeeze %dma_wait3A_258 : memref<1x80xi32, #tpu.memory_space<vmem>> -> memref<80xi32, #tpu.memory_space<vmem>>
      %dma_wait3A_260 = arith.constant 0 : i32
      %dma_wait3A_261 = arith.constant 0 : i32
      %dma_wait3A_262 = tpu.memref_slice %arg2[%dma_wait3A_260, %dma_wait3A_261] : memref<10000x128xf32, #tpu.memory_space<hbm>> -> memref<10000x128xf32, #tpu.memory_space<hbm>>
      %dma_wait3A_263 = tpu.memref_slice %arg12[%dma_wait3A_252] : memref<2x!tpu.dma_semaphore, #tpu.memory_space<semaphore_mem>> -> memref<1x!tpu.dma_semaphore, #tpu.memory_space<semaphore_mem>>
      %dma_wait3A_264 = tpu.memref_squeeze %dma_wait3A_263 : memref<1x!tpu.dma_semaphore, #tpu.memory_space<semaphore_mem>> -> memref<!tpu.dma_semaphore, #tpu.memory_space<semaphore_mem>>
      tpu.wait_indirect_dma semaphore(%dma_wait3A_264 : memref<!tpu.dma_semaphore, #tpu.memory_space<semaphore_mem>>) src(%dma_wait3A_262 : memref<10000x128xf32, #tpu.memory_space<hbm>>) dst(%dma_wait3A_256 : memref<80x128xf32, #tpu.memory_space<vmem>>)
      %ge3A_265 = arith.constant 1 : i32
      %ge3A_266 = arith.cmpi sge, %add3A_250, %ge3A_265 : i32
      %convert_element_type3A_267 = arith.extui %ge3A_266 : i1 to i32
      %cond3A_268 = arith.constant 0 : i32
      %cond3A_269 = arith.cmpi ne, %convert_element_type3A_267, %cond3A_268 : i32
      scf.if %cond3A_269 {
        %sub3A = arith.constant 1 : i32
        %sub3A_294 = arith.subi %add3A_250, %sub3A : i32
        %dma_wait3A_295 = arith.constant 1 : i32
        %dma_wait3A_296 = arith.constant 1 : i32
        %dma_wait3A_297 = arith.constant 0 : i32
        %dma_wait3A_298 = arith.constant 0 : i32
        %dma_wait3A_299 = tpu.memref_slice %arg11[%dma_wait3A_295, %dma_wait3A_297, %dma_wait3A_298] : memref<2x80x128xf32, #tpu.memory_space<vmem>> -> memref<1x80x128xf32, #tpu.memory_space<vmem>>
        %dma_wait3A_300 = tpu.memref_squeeze %dma_wait3A_299 : memref<1x80x128xf32, #tpu.memory_space<vmem>> -> memref<80x128xf32, #tpu.memory_space<vmem>>
        %dma_wait3A_301 = arith.constant 0 : i32
        %dma_wait3A_302 = tpu.memref_slice %arg9[%sub3A_294, %dma_wait3A_301] : memref<125x80xi32, #tpu.memory_space<vmem>> -> memref<1x80xi32, #tpu.memory_space<vmem>>
        %dma_wait3A_303 = tpu.memref_squeeze %dma_wait3A_302 : memref<1x80xi32, #tpu.memory_space<vmem>> -> memref<80xi32, #tpu.memory_space<vmem>>
        %dma_wait3A_304 = arith.constant 0 : i32
        %dma_wait3A_305 = arith.constant 0 : i32
        %dma_wait3A_306 = tpu.memref_slice %arg7[%dma_wait3A_304, %dma_wait3A_305] : memref<10000x128xf32, #tpu.memory_space<vmem_shared>> -> memref<10000x128xf32, #tpu.memory_space<vmem_shared>>
        %dma_wait3A_307 = tpu.memref_slice %arg13[%dma_wait3A_296] : memref<2x!tpu.dma_semaphore, #tpu.memory_space<semaphore_mem>> -> memref<1x!tpu.dma_semaphore, #tpu.memory_space<semaphore_mem>>
        %dma_wait3A_308 = tpu.memref_squeeze %dma_wait3A_307 : memref<1x!tpu.dma_semaphore, #tpu.memory_space<semaphore_mem>> -> memref<!tpu.dma_semaphore, #tpu.memory_space<semaphore_mem>>
        tpu.wait_indirect_dma semaphore(%dma_wait3A_308 : memref<!tpu.dma_semaphore, #tpu.memory_space<semaphore_mem>>) src(%dma_wait3A_300 : memref<80x128xf32, #tpu.memory_space<vmem>>) dst(%dma_wait3A_306 : memref<10000x128xf32, #tpu.memory_space<vmem_shared>>)
      } else {
      }
      %add3A_270 = arith.constant 1 : i32
      %add3A_271 = arith.addi %add3A_250, %add3A_270 : i32
      %lt3A_272 = arith.constant 125 : i32
      %lt3A_273 = arith.cmpi slt, %add3A_271, %lt3A_272 : i32
      %convert_element_type3A_274 = arith.extui %lt3A_273 : i1 to i32
      %cond3A_275 = arith.constant 0 : i32
      %cond3A_276 = arith.cmpi ne, %convert_element_type3A_274, %cond3A_275 : i32
      scf.if %cond3A_276 {
        %add3A_294 = arith.constant 1 : i32
        %add3A_295 = arith.addi %add3A_250, %add3A_294 : i32
        %dma_start3A_296 = arith.constant 1 : i32
        %dma_start3A_297 = arith.constant 1 : i32
        %dma_start3A_298 = arith.constant 0 : i32
        %dma_start3A_299 = arith.constant 0 : i32
        %dma_start3A_300 = tpu.memref_slice %arg11[%dma_start3A_296, %dma_start3A_298, %dma_start3A_299] : memref<2x80x128xf32, #tpu.memory_space<vmem>> -> memref<1x80x128xf32, #tpu.memory_space<vmem>>
        %dma_start3A_301 = tpu.memref_squeeze %dma_start3A_300 : memref<1x80x128xf32, #tpu.memory_space<vmem>> -> memref<80x128xf32, #tpu.memory_space<vmem>>
        %dma_start3A_302 = arith.constant 0 : i32
        %dma_start3A_303 = tpu.memref_slice %arg8[%add3A_295, %dma_start3A_302] : memref<125x80xi32, #tpu.memory_space<vmem>> -> memref<1x80xi32, #tpu.memory_space<vmem>>
        %dma_start3A_304 = tpu.memref_squeeze %dma_start3A_303 : memref<1x80xi32, #tpu.memory_space<vmem>> -> memref<80xi32, #tpu.memory_space<vmem>>
        %dma_start3A_305 = arith.constant 0 : i32
        %dma_start3A_306 = arith.constant 0 : i32
        %dma_start3A_307 = tpu.memref_slice %arg2[%dma_start3A_305, %dma_start3A_306] : memref<10000x128xf32, #tpu.memory_space<hbm>> -> memref<10000x128xf32, #tpu.memory_space<hbm>>
        %dma_start3A_308 = tpu.memref_slice %arg12[%dma_start3A_297] : memref<2x!tpu.dma_semaphore, #tpu.memory_space<semaphore_mem>> -> memref<1x!tpu.dma_semaphore, #tpu.memory_space<semaphore_mem>>
        %dma_start3A_309 = tpu.memref_squeeze %dma_start3A_308 : memref<1x!tpu.dma_semaphore, #tpu.memory_space<semaphore_mem>> -> memref<!tpu.dma_semaphore, #tpu.memory_space<semaphore_mem>>
        tpu.enqueue_indirect_dma source(%dma_start3A_307 : memref<10000x128xf32, #tpu.memory_space<hbm>>) target(%dma_start3A_301 : memref<80x128xf32, #tpu.memory_space<vmem>>) offsets(%dma_start3A_304 : memref<80xi32, #tpu.memory_space<vmem>>) semaphore(%dma_start3A_309 : memref<!tpu.dma_semaphore, #tpu.memory_space<semaphore_mem>>)
      } else {
      }
      %parallel_loop3A_277 = arith.constant 0 : i32
      %parallel_loop3A_278 = arith.constant 80 : i32
      %parallel_loop3A_279 = arith.constant 1 : i32
      scf.for %parallel_loop3A_294 = %parallel_loop3A_277 to %parallel_loop3A_278 step %parallel_loop3A_279  : i32 {
        %parallel_loop3A_295 = vector.broadcast %add3A_250 : i32 to vector<16xi32>
        %parallel_loop3A_296 = vector.broadcast %parallel_loop3A_294 : i32 to vector<16xi32>
        %parallel_loop3A_297 = tpu.vector_load_idx %arg10[%parallel_loop3A_295, %parallel_loop3A_296] : memref<125x80xf32, #tpu.memory_space<vmem>>[vector<16xi32>, vector<16xi32>], vector<16xf32>,
        %parallel_loop3A_298 = arith.constant 0 : i32
        %parallel_loop3A_299 = arith.index_cast %parallel_loop3A_298 : i32 to index
        %parallel_loop3A_300 = arith.index_cast %parallel_loop3A_294 : i32 to index
        %parallel_loop3A_301 = arith.constant 0 : index
        %parallel_loop3A_302 = tpu.vector_load %arg11[%parallel_loop3A_299, %parallel_loop3A_300, %parallel_loop3A_301] {strides = array<i32>} : memref<2x80x128xf32, #tpu.memory_space<vmem>>, vector<16xf32>,
        %parallel_loop3A_303 = arith.mulf %parallel_loop3A_302, %parallel_loop3A_297 : vector<16xf32>
        %parallel_loop3A_304 = arith.constant 0 : i32
        %parallel_loop3A_305 = arith.index_cast %parallel_loop3A_304 : i32 to index
        %parallel_loop3A_306 = arith.index_cast %parallel_loop3A_294 : i32 to index
        %parallel_loop3A_307 = arith.constant 0 : index
        %parallel_loop3A_308 = tpu.vector_load %arg11[%parallel_loop3A_305, %parallel_loop3A_306, %parallel_loop3A_307] {strides = array<i32>} : memref<2x80x128xf32, #tpu.memory_space<vmem>>, vector<16xf32>,
        tpu.vector_store %arg11[%parallel_loop3A_305, %parallel_loop3A_306, %parallel_loop3A_307], %parallel_loop3A_303 {strides = array<i32>} : memref<2x80x128xf32, #tpu.memory_space<vmem>>, vector<16xf32>,
        %parallel_loop3A_309 = arith.constant 0 : i32
        %parallel_loop3A_310 = arith.index_cast %parallel_loop3A_309 : i32 to index
        %parallel_loop3A_311 = arith.index_cast %parallel_loop3A_294 : i32 to index
        %parallel_loop3A_312 = arith.constant 16 : index
        %parallel_loop3A_313 = tpu.vector_load %arg11[%parallel_loop3A_310, %parallel_loop3A_311, %parallel_loop3A_312] {strides = array<i32>} : memref<2x80x128xf32, #tpu.memory_space<vmem>>, vector<16xf32>,
        %parallel_loop3A_314 = arith.mulf %parallel_loop3A_313, %parallel_loop3A_297 : vector<16xf32>
        %parallel_loop3A_315 = arith.constant 0 : i32
        %parallel_loop3A_316 = arith.index_cast %parallel_loop3A_315 : i32 to index
        %parallel_loop3A_317 = arith.index_cast %parallel_loop3A_294 : i32 to index
        %parallel_loop3A_318 = arith.constant 16 : index
        %parallel_loop3A_319 = tpu.vector_load %arg11[%parallel_loop3A_316, %parallel_loop3A_317, %parallel_loop3A_318] {strides = array<i32>} : memref<2x80x128xf32, #tpu.memory_space<vmem>>, vector<16xf32>,
        tpu.vector_store %arg11[%parallel_loop3A_316, %parallel_loop3A_317, %parallel_loop3A_318], %parallel_loop3A_314 {strides = array<i32>} : memref<2x80x128xf32, #tpu.memory_space<vmem>>, vector<16xf32>,
        %parallel_loop3A_320 = arith.constant 0 : i32
        %parallel_loop3A_321 = arith.index_cast %parallel_loop3A_320 : i32 to index
        %parallel_loop3A_322 = arith.index_cast %parallel_loop3A_294 : i32 to index
        %parallel_loop3A_323 = arith.constant 32 : index
        %parallel_loop3A_324 = tpu.vector_load %arg11[%parallel_loop3A_321, %parallel_loop3A_322, %parallel_loop3A_323] {strides = array<i32>} : memref<2x80x128xf32, #tpu.memory_space<vmem>>, vector<16xf32>,
        %parallel_loop3A_325 = arith.mulf %parallel_loop3A_324, %parallel_loop3A_297 : vector<16xf32>
        %parallel_loop3A_326 = arith.constant 0 : i32
        %parallel_loop3A_327 = arith.index_cast %parallel_loop3A_326 : i32 to index
        %parallel_loop3A_328 = arith.index_cast %parallel_loop3A_294 : i32 to index
        %parallel_loop3A_329 = arith.constant 32 : index
        %parallel_loop3A_330 = tpu.vector_load %arg11[%parallel_loop3A_327, %parallel_loop3A_328, %parallel_loop3A_329] {strides = array<i32>} : memref<2x80x128xf32, #tpu.memory_space<vmem>>, vector<16xf32>,
        tpu.vector_store %arg11[%parallel_loop3A_327, %parallel_loop3A_328, %parallel_loop3A_329], %parallel_loop3A_325 {strides = array<i32>} : memref<2x80x128xf32, #tpu.memory_space<vmem>>, vector<16xf32>,
        %parallel_loop3A_331 = arith.constant 0 : i32
        %parallel_loop3A_332 = arith.index_cast %parallel_loop3A_331 : i32 to index
        %parallel_loop3A_333 = arith.index_cast %parallel_loop3A_294 : i32 to index
        %parallel_loop3A_334 = arith.constant 48 : index
        %parallel_loop3A_335 = tpu.vector_load %arg11[%parallel_loop3A_332, %parallel_loop3A_333, %parallel_loop3A_334] {strides = array<i32>} : memref<2x80x128xf32, #tpu.memory_space<vmem>>, vector<16xf32>,
        %parallel_loop3A_336 = arith.mulf %parallel_loop3A_335, %parallel_loop3A_297 : vector<16xf32>
        %parallel_loop3A_337 = arith.constant 0 : i32
        %parallel_loop3A_338 = arith.index_cast %parallel_loop3A_337 : i32 to index
        %parallel_loop3A_339 = arith.index_cast %parallel_loop3A_294 : i32 to index
        %parallel_loop3A_340 = arith.constant 48 : index
        %parallel_loop3A_341 = tpu.vector_load %arg11[%parallel_loop3A_338, %parallel_loop3A_339, %parallel_loop3A_340] {strides = array<i32>} : memref<2x80x128xf32, #tpu.memory_space<vmem>>, vector<16xf32>,
        tpu.vector_store %arg11[%parallel_loop3A_338, %parallel_loop3A_339, %parallel_loop3A_340], %parallel_loop3A_336 {strides = array<i32>} : memref<2x80x128xf32, #tpu.memory_space<vmem>>, vector<16xf32>,
        %parallel_loop3A_342 = arith.constant 0 : i32
        %parallel_loop3A_343 = arith.index_cast %parallel_loop3A_342 : i32 to index
        %parallel_loop3A_344 = arith.index_cast %parallel_loop3A_294 : i32 to index
        %parallel_loop3A_345 = arith.constant 64 : index
        %parallel_loop3A_346 = tpu.vector_load %arg11[%parallel_loop3A_343, %parallel_loop3A_344, %parallel_loop3A_345] {strides = array<i32>} : memref<2x80x128xf32, #tpu.memory_space<vmem>>, vector<16xf32>,
        %parallel_loop3A_347 = arith.mulf %parallel_loop3A_346, %parallel_loop3A_297 : vector<16xf32>
        %parallel_loop3A_348 = arith.constant 0 : i32
        %parallel_loop3A_349 = arith.index_cast %parallel_loop3A_348 : i32 to index
        %parallel_loop3A_350 = arith.index_cast %parallel_loop3A_294 : i32 to index
        %parallel_loop3A_351 = arith.constant 64 : index
        %parallel_loop3A_352 = tpu.vector_load %arg11[%parallel_loop3A_349, %parallel_loop3A_350, %parallel_loop3A_351] {strides = array<i32>} : memref<2x80x128xf32, #tpu.memory_space<vmem>>, vector<16xf32>,
        tpu.vector_store %arg11[%parallel_loop3A_349, %parallel_loop3A_350, %parallel_loop3A_351], %parallel_loop3A_347 {strides = array<i32>} : memref<2x80x128xf32, #tpu.memory_space<vmem>>, vector<16xf32>,
        %parallel_loop3A_353 = arith.constant 0 : i32
        %parallel_loop3A_354 = arith.index_cast %parallel_loop3A_353 : i32 to index
        %parallel_loop3A_355 = arith.index_cast %parallel_loop3A_294 : i32 to index
        %parallel_loop3A_356 = arith.constant 80 : index
        %parallel_loop3A_357 = tpu.vector_load %arg11[%parallel_loop3A_354, %parallel_loop3A_355, %parallel_loop3A_356] {strides = array<i32>} : memref<2x80x128xf32, #tpu.memory_space<vmem>>, vector<16xf32>,
        %parallel_loop3A_358 = arith.mulf %parallel_loop3A_357, %parallel_loop3A_297 : vector<16xf32>
        %parallel_loop3A_359 = arith.constant 0 : i32
        %parallel_loop3A_360 = arith.index_cast %parallel_loop3A_359 : i32 to index
        %parallel_loop3A_361 = arith.index_cast %parallel_loop3A_294 : i32 to index
        %parallel_loop3A_362 = arith.constant 80 : index
        %parallel_loop3A_363 = tpu.vector_load %arg11[%parallel_loop3A_360, %parallel_loop3A_361, %parallel_loop3A_362] {strides = array<i32>} : memref<2x80x128xf32, #tpu.memory_space<vmem>>, vector<16xf32>,
        tpu.vector_store %arg11[%parallel_loop3A_360, %parallel_loop3A_361, %parallel_loop3A_362], %parallel_loop3A_358 {strides = array<i32>} : memref<2x80x128xf32, #tpu.memory_space<vmem>>, vector<16xf32>,
        %parallel_loop3A_364 = arith.constant 0 : i32
        %parallel_loop3A_365 = arith.index_cast %parallel_loop3A_364 : i32 to index
        %parallel_loop3A_366 = arith.index_cast %parallel_loop3A_294 : i32 to index
        %parallel_loop3A_367 = arith.constant 96 : index
        %parallel_loop3A_368 = tpu.vector_load %arg11[%parallel_loop3A_365, %parallel_loop3A_366, %parallel_loop3A_367] {strides = array<i32>} : memref<2x80x128xf32, #tpu.memory_space<vmem>>, vector<16xf32>,
        %parallel_loop3A_369 = arith.mulf %parallel_loop3A_368, %parallel_loop3A_297 : vector<16xf32>
        %parallel_loop3A_370 = arith.constant 0 : i32
        %parallel_loop3A_371 = arith.index_cast %parallel_loop3A_370 : i32 to index
        %parallel_loop3A_372 = arith.index_cast %parallel_loop3A_294 : i32 to index
        %parallel_loop3A_373 = arith.constant 96 : index
        %parallel_loop3A_374 = tpu.vector_load %arg11[%parallel_loop3A_371, %parallel_loop3A_372, %parallel_loop3A_373] {strides = array<i32>} : memref<2x80x128xf32, #tpu.memory_space<vmem>>, vector<16xf32>,
        tpu.vector_store %arg11[%parallel_loop3A_371, %parallel_loop3A_372, %parallel_loop3A_373], %parallel_loop3A_369 {strides = array<i32>} : memref<2x80x128xf32, #tpu.memory_space<vmem>>, vector<16xf32>,
        %parallel_loop3A_375 = arith.constant 0 : i32
        %parallel_loop3A_376 = arith.index_cast %parallel_loop3A_375 : i32 to index
        %parallel_loop3A_377 = arith.index_cast %parallel_loop3A_294 : i32 to index
        %parallel_loop3A_378 = arith.constant 112 : index
        %parallel_loop3A_379 = tpu.vector_load %arg11[%parallel_loop3A_376, %parallel_loop3A_377, %parallel_loop3A_378] {strides = array<i32>} : memref<2x80x128xf32, #tpu.memory_space<vmem>>, vector<16xf32>,
        %parallel_loop3A_380 = arith.mulf %parallel_loop3A_379, %parallel_loop3A_297 : vector<16xf32>
        %parallel_loop3A_381 = arith.constant 0 : i32
        %parallel_loop3A_382 = arith.index_cast %parallel_loop3A_381 : i32 to index
        %parallel_loop3A_383 = arith.index_cast %parallel_loop3A_294 : i32 to index
        %parallel_loop3A_384 = arith.constant 112 : index
        %parallel_loop3A_385 = tpu.vector_load %arg11[%parallel_loop3A_382, %parallel_loop3A_383, %parallel_loop3A_384] {strides = array<i32>} : memref<2x80x128xf32, #tpu.memory_space<vmem>>, vector<16xf32>,
        tpu.vector_store %arg11[%parallel_loop3A_382, %parallel_loop3A_383, %parallel_loop3A_384], %parallel_loop3A_380 {strides = array<i32>} : memref<2x80x128xf32, #tpu.memory_space<vmem>>, vector<16xf32>,
      } {sc.loop_unroll_factor = 4 : i64, sc.parallel_access}
      %dma_start3A_280 = arith.constant 0 : i32
      %dma_start3A_281 = arith.constant 0 : i32
      %dma_start3A_282 = arith.constant 0 : i32
      %dma_start3A_283 = arith.constant 0 : i32
      %dma_start3A_284 = tpu.memref_slice %arg11[%dma_start3A_280, %dma_start3A_282, %dma_start3A_283] : memref<2x80x128xf32, #tpu.memory_space<vmem>> -> memref<1x80x128xf32, #tpu.memory_space<vmem>>
      %dma_start3A_285 = tpu.memref_squeeze %dma_start3A_284 : memref<1x80x128xf32, #tpu.memory_space<vmem>> -> memref<80x128xf32, #tpu.memory_space<vmem>>
      %dma_start3A_286 = arith.constant 0 : i32
      %dma_start3A_287 = tpu.memref_slice %arg9[%add3A_250, %dma_start3A_286] : memref<125x80xi32, #tpu.memory_space<vmem>> -> memref<1x80xi32, #tpu.memory_space<vmem>>
      %dma_start3A_288 = tpu.memref_squeeze %dma_start3A_287 : memref<1x80xi32, #tpu.memory_space<vmem>> -> memref<80xi32, #tpu.memory_space<vmem>>
      %dma_start3A_289 = arith.constant 0 : i32
      %dma_start3A_290 = arith.constant 0 : i32
      %dma_start3A_291 = tpu.memref_slice %arg7[%dma_start3A_289, %dma_start3A_290] : memref<10000x128xf32, #tpu.memory_space<vmem_shared>> -> memref<10000x128xf32, #tpu.memory_space<vmem_shared>>
      %dma_start3A_292 = tpu.memref_slice %arg13[%dma_start3A_281] : memref<2x!tpu.dma_semaphore, #tpu.memory_space<semaphore_mem>> -> memref<1x!tpu.dma_semaphore, #tpu.memory_space<semaphore_mem>>
      %dma_start3A_293 = tpu.memref_squeeze %dma_start3A_292 : memref<1x!tpu.dma_semaphore, #tpu.memory_space<semaphore_mem>> -> memref<!tpu.dma_semaphore, #tpu.memory_space<semaphore_mem>>
      tpu.enqueue_indirect_dma source(%dma_start3A_285 : memref<80x128xf32, #tpu.memory_space<vmem>>) target(%dma_start3A_291 : memref<10000x128xf32, #tpu.memory_space<vmem_shared>>) offsets(%dma_start3A_288 : memref<80xi32, #tpu.memory_space<vmem>>) semaphore(%dma_start3A_293 : memref<!tpu.dma_semaphore, #tpu.memory_space<semaphore_mem>>) {add = true}
    }
    %scan3A_125 = arith.constant 62 : i32
    %dma_wait3A_126 = arith.constant 0 : i32
    %dma_wait3A_127 = arith.constant 124 : i32
    %dma_wait3A_128 = arith.constant 0 : i32
    %dma_wait3A_129 = arith.constant 0 : i32
    %dma_wait3A_130 = arith.constant 0 : i32
    %dma_wait3A_131 = tpu.memref_slice %arg11[%dma_wait3A_126, %dma_wait3A_129, %dma_wait3A_130] : memref<2x80x128xf32, #tpu.memory_space<vmem>> -> memref<1x80x128xf32, #tpu.memory_space<vmem>>
    %dma_wait3A_132 = tpu.memref_squeeze %dma_wait3A_131 : memref<1x80x128xf32, #tpu.memory_space<vmem>> -> memref<80x128xf32, #tpu.memory_space<vmem>>
    %dma_wait3A_133 = arith.constant 0 : i32
    %dma_wait3A_134 = tpu.memref_slice %arg9[%dma_wait3A_127, %dma_wait3A_133] : memref<125x80xi32, #tpu.memory_space<vmem>> -> memref<1x80xi32, #tpu.memory_space<vmem>>
    %dma_wait3A_135 = tpu.memref_squeeze %dma_wait3A_134 : memref<1x80xi32, #tpu.memory_space<vmem>> -> memref<80xi32, #tpu.memory_space<vmem>>
    %dma_wait3A_136 = arith.constant 0 : i32
    %dma_wait3A_137 = arith.constant 0 : i32
    %dma_wait3A_138 = tpu.memref_slice %arg7[%dma_wait3A_136, %dma_wait3A_137] : memref<10000x128xf32, #tpu.memory_space<vmem_shared>> -> memref<10000x128xf32, #tpu.memory_space<vmem_shared>>
    %dma_wait3A_139 = tpu.memref_slice %arg13[%dma_wait3A_128] : memref<2x!tpu.dma_semaphore, #tpu.memory_space<semaphore_mem>> -> memref<1x!tpu.dma_semaphore, #tpu.memory_space<semaphore_mem>>
    %dma_wait3A_140 = tpu.memref_squeeze %dma_wait3A_139 : memref<1x!tpu.dma_semaphore, #tpu.memory_space<semaphore_mem>> -> memref<!tpu.dma_semaphore, #tpu.memory_space<semaphore_mem>>
    tpu.wait_indirect_dma semaphore(%dma_wait3A_140 : memref<!tpu.dma_semaphore, #tpu.memory_space<semaphore_mem>>) src(%dma_wait3A_132 : memref<80x128xf32, #tpu.memory_space<vmem>>) dst(%dma_wait3A_138 : memref<10000x128xf32, #tpu.memory_space<vmem_shared>>)
    %barrier3A_141 = arith.constant 0 : index
    tpu.barrier barrier_id(%barrier3A_141)
    %mul3A_142 = arith.constant 10000 : i32
    %mul3A_143 = arith.muli %arg0, %mul3A_142 : i32
    %add3A_144 = arith.constant 0 : i32
    %add3A_145 = arith.addi %add3A_144, %arg1 : i32
    %lt3A_146 = arith.constant 125 : i32
    %lt3A_147 = arith.cmpi slt, %add3A_145, %lt3A_146 : i32
    %convert_element_type3A_148 = arith.extui %lt3A_147 : i1 to i32
    %cond3A_149 = arith.constant 0 : i32
    %cond3A_150 = arith.cmpi ne, %convert_element_type3A_148, %cond3A_149 : i32
    scf.if %cond3A_150 {
      %mul3A_200 = arith.constant 80 : i32
      %mul3A_201 = arith.muli %add3A_145, %mul3A_200 : i32
      %run_scoped3A = arith.constant 0 : i32
      "tpu.region"() ({
        %run_scoped3A_206 = tpu.sem_alloc : memref<!tpu.dma_semaphore, #tpu.memory_space<semaphore_mem>>
        %dma_start3A_207 = arith.constant 0 : i32
        %dma_start3A_208 = arith.constant 0 : i32
        %dma_start3A_209 = tpu.memref_slice %arg11[%run_scoped3A, %dma_start3A_207, %dma_start3A_208] : memref<2x80x128xf32, #tpu.memory_space<vmem>> -> memref<1x80x128xf32, #tpu.memory_space<vmem>>
        %dma_start3A_210 = tpu.memref_squeeze %dma_start3A_209 : memref<1x80x128xf32, #tpu.memory_space<vmem>> -> memref<80x128xf32, #tpu.memory_space<vmem>>
        %dma_start3A_211 = arith.constant 0 : i32
        %dma_start3A_212 = tpu.memref_slice %arg7[%mul3A_201, %dma_start3A_211] : memref<10000x128xf32, #tpu.memory_space<vmem_shared>> -> memref<80x128xf32, #tpu.memory_space<vmem_shared>>
        %dma_start3A_213 = arith.constant 0 : i32
        %dma_start3A_214 = arith.constant 0 : i32
        %dma_start3A_215 = tpu.memref_slice %arg11[%run_scoped3A, %dma_start3A_213, %dma_start3A_214] : memref<2x80x128xf32, #tpu.memory_space<vmem>> -> memref<1x80x128xf32, #tpu.memory_space<vmem>>
        %dma_start3A_216 = tpu.memref_squeeze %dma_start3A_215 : memref<1x80x128xf32, #tpu.memory_space<vmem>> -> memref<80x128xf32, #tpu.memory_space<vmem>>
        %dma_start3A_217 = arith.constant 0 : i32
        %dma_start3A_218 = tpu.memref_slice %arg7[%mul3A_201, %dma_start3A_217] : memref<10000x128xf32, #tpu.memory_space<vmem_shared>> -> memref<80x128xf32, #tpu.memory_space<vmem_shared>>
        tpu.enqueue_dma source(%dma_start3A_218 : memref<80x128xf32, #tpu.memory_space<vmem_shared>>) target(%dma_start3A_216 : memref<80x128xf32, #tpu.memory_space<vmem>>) target_semaphore(%run_scoped3A_206 : memref<!tpu.dma_semaphore, #tpu.memory_space<semaphore_mem>>)
        %dma_wait3A_219 = arith.constant 0 : i32
        %dma_wait3A_220 = arith.constant 0 : i32
        %dma_wait3A_221 = tpu.memref_slice %arg11[%run_scoped3A, %dma_wait3A_219, %dma_wait3A_220] : memref<2x80x128xf32, #tpu.memory_space<vmem>> -> memref<1x80x128xf32, #tpu.memory_space<vmem>>
        %dma_wait3A_222 = tpu.memref_squeeze %dma_wait3A_221 : memref<1x80x128xf32, #tpu.memory_space<vmem>> -> memref<80x128xf32, #tpu.memory_space<vmem>>
        %dma_wait3A_223 = arith.constant 0 : i32
        %dma_wait3A_224 = tpu.memref_slice %arg7[%mul3A_201, %dma_wait3A_223] : memref<10000x128xf32, #tpu.memory_space<vmem_shared>> -> memref<80x128xf32, #tpu.memory_space<vmem_shared>>
        %dma_wait3A_225 = arith.constant 0 : i32
        %dma_wait3A_226 = arith.constant 0 : i32
        %dma_wait3A_227 = tpu.memref_slice %arg11[%run_scoped3A, %dma_wait3A_225, %dma_wait3A_226] : memref<2x80x128xf32, #tpu.memory_space<vmem>> -> memref<1x80x128xf32, #tpu.memory_space<vmem>>
        %dma_wait3A_228 = tpu.memref_squeeze %dma_wait3A_227 : memref<1x80x128xf32, #tpu.memory_space<vmem>> -> memref<80x128xf32, #tpu.memory_space<vmem>>
        %dma_wait3A_229 = arith.constant 0 : i32
        %dma_wait3A_230 = tpu.memref_slice %arg7[%mul3A_201, %dma_wait3A_229] : memref<10000x128xf32, #tpu.memory_space<vmem_shared>> -> memref<80x128xf32, #tpu.memory_space<vmem_shared>>
        tpu.wait_dma2 semaphore(%run_scoped3A_206 : memref<!tpu.dma_semaphore, #tpu.memory_space<semaphore_mem>>) src(%dma_wait3A_230 : memref<80x128xf32, #tpu.memory_space<vmem_shared>>) dst(%dma_wait3A_228 : memref<80x128xf32, #tpu.memory_space<vmem>>)
        tpu.yield
      }) : () -> ()
      %mul3A_202 = arith.constant 80 : i32
      %mul3A_203 = arith.muli %add3A_145, %mul3A_202 : i32
      %add3A_204 = arith.addi %mul3A_143, %mul3A_203 : i32
      %run_scoped3A_205 = arith.constant 0 : i32
      "tpu.region"() ({
        %run_scoped3A_206 = tpu.sem_alloc : memref<!tpu.dma_semaphore, #tpu.memory_space<semaphore_mem>>
        %dma_start3A_207 = arith.constant 0 : i32
        %dma_start3A_208 = arith.constant 0 : i32
        %dma_start3A_209 = tpu.memref_slice %arg11[%run_scoped3A_205, %dma_start3A_207, %dma_start3A_208] : memref<2x80x128xf32, #tpu.memory_space<vmem>> -> memref<1x80x128xf32, #tpu.memory_space<vmem>>
        %dma_start3A_210 = tpu.memref_squeeze %dma_start3A_209 : memref<1x80x128xf32, #tpu.memory_space<vmem>> -> memref<80x128xf32, #tpu.memory_space<vmem>>
        %dma_start3A_211 = arith.constant 0 : i32
        %dma_start3A_212 = tpu.memref_slice %arg6[%add3A_204, %dma_start3A_211] : memref<20000x128xf32, #tpu.memory_space<hbm>> -> memref<80x128xf32, #tpu.memory_space<hbm>>
        %dma_start3A_213 = arith.constant 0 : i32
        %dma_start3A_214 = tpu.memref_slice %arg6[%add3A_204, %dma_start3A_213] : memref<20000x128xf32, #tpu.memory_space<hbm>> -> memref<80x128xf32, #tpu.memory_space<hbm>>
        %dma_start3A_215 = arith.constant 0 : i32
        %dma_start3A_216 = arith.constant 0 : i32
        %dma_start3A_217 = tpu.memref_slice %arg11[%run_scoped3A_205, %dma_start3A_215, %dma_start3A_216] : memref<2x80x128xf32, #tpu.memory_space<vmem>> -> memref<1x80x128xf32, #tpu.memory_space<vmem>>
        %dma_start3A_218 = tpu.memref_squeeze %dma_start3A_217 : memref<1x80x128xf32, #tpu.memory_space<vmem>> -> memref<80x128xf32, #tpu.memory_space<vmem>>
        tpu.enqueue_dma source(%dma_start3A_218 : memref<80x128xf32, #tpu.memory_space<vmem>>) target(%dma_start3A_214 : memref<80x128xf32, #tpu.memory_space<hbm>>) target_semaphore(%run_scoped3A_206 : memref<!tpu.dma_semaphore, #tpu.memory_space<semaphore_mem>>)
        %dma_wait3A_219 = arith.constant 0 : i32
        %dma_wait3A_220 = arith.constant 0 : i32
        %dma_wait3A_221 = tpu.memref_slice %arg11[%run_scoped3A_205, %dma_wait3A_219, %dma_wait3A_220] : memref<2x80x128xf32, #tpu.memory_space<vmem>> -> memref<1x80x128xf32, #tpu.memory_space<vmem>>
        %dma_wait3A_222 = tpu.memref_squeeze %dma_wait3A_221 : memref<1x80x128xf32, #tpu.memory_space<vmem>> -> memref<80x128xf32, #tpu.memory_space<vmem>>
        %dma_wait3A_223 = arith.constant 0 : i32
        %dma_wait3A_224 = tpu.memref_slice %arg6[%add3A_204, %dma_wait3A_223] : memref<20000x128xf32, #tpu.memory_space<hbm>> -> memref<80x128xf32, #tpu.memory_space<hbm>>
        %dma_wait3A_225 = arith.constant 0 : i32
        %dma_wait3A_226 = tpu.memref_slice %arg6[%add3A_204, %dma_wait3A_225] : memref<20000x128xf32, #tpu.memory_space<hbm>> -> memref<80x128xf32, #tpu.memory_space<hbm>>
        %dma_wait3A_227 = arith.constant 0 : i32
        %dma_wait3A_228 = arith.constant 0 : i32
        %dma_wait3A_229 = tpu.memref_slice %arg11[%run_scoped3A_205, %dma_wait3A_227, %dma_wait3A_228] : memref<2x80x128xf32, #tpu.memory_space<vmem>> -> memref<1x80x128xf32, #tpu.memory_space<vmem>>
        %dma_wait3A_230 = tpu.memref_squeeze %dma_wait3A_229 : memref<1x80x128xf32, #tpu.memory_space<vmem>> -> memref<80x128xf32, #tpu.memory_space<vmem>>
        tpu.wait_dma2 semaphore(%run_scoped3A_206 : memref<!tpu.dma_semaphore, #tpu.memory_space<semaphore_mem>>) src(%dma_wait3A_230 : memref<80x128xf32, #tpu.memory_space<vmem>>) dst(%dma_wait3A_226 : memref<80x128xf32, #tpu.memory_space<hbm>>)
        tpu.yield
      }) : () -> ()
    } else {
    }
    %add3A_151 = arith.constant 16 : i32
    %add3A_152 = arith.addi %add3A_151, %arg1 : i32
    %lt3A_153 = arith.constant 125 : i32
    %lt3A_154 = arith.cmpi slt, %add3A_152, %lt3A_153 : i32
    %convert_element_type3A_155 = arith.extui %lt3A_154 : i1 to i32
    %cond3A_156 = arith.constant 0 : i32
    %cond3A_157 = arith.cmpi ne, %convert_element_type3A_155, %cond3A_156 : i32
    scf.if %cond3A_157 {
      %mul3A_200 = arith.constant 80 : i32
      %mul3A_201 = arith.muli %add3A_152, %mul3A_200 : i32
      %run_scoped3A = arith.constant 0 : i32
      "tpu.region"() ({
        %run_scoped3A_206 = tpu.sem_alloc : memref<!tpu.dma_semaphore, #tpu.memory_space<semaphore_mem>>
        %dma_start3A_207 = arith.constant 0 : i32
        %dma_start3A_208 = arith.constant 0 : i32
        %dma_start3A_209 = tpu.memref_slice %arg11[%run_scoped3A, %dma_start3A_207, %dma_start3A_208] : memref<2x80x128xf32, #tpu.memory_space<vmem>> -> memref<1x80x128xf32, #tpu.memory_space<vmem>>
        %dma_start3A_210 = tpu.memref_squeeze %dma_start3A_209 : memref<1x80x128xf32, #tpu.memory_space<vmem>> -> memref<80x128xf32, #tpu.memory_space<vmem>>
        %dma_start3A_211 = arith.constant 0 : i32
        %dma_start3A_212 = tpu.memref_slice %arg7[%mul3A_201, %dma_start3A_211] : memref<10000x128xf32, #tpu.memory_space<vmem_shared>> -> memref<80x128xf32, #tpu.memory_space<vmem_shared>>
        %dma_start3A_213 = arith.constant 0 : i32
        %dma_start3A_214 = arith.constant 0 : i32
        %dma_start3A_215 = tpu.memref_slice %arg11[%run_scoped3A, %dma_start3A_213, %dma_start3A_214] : memref<2x80x128xf32, #tpu.memory_space<vmem>> -> memref<1x80x128xf32, #tpu.memory_space<vmem>>
        %dma_start3A_216 = tpu.memref_squeeze %dma_start3A_215 : memref<1x80x128xf32, #tpu.memory_space<vmem>> -> memref<80x128xf32, #tpu.memory_space<vmem>>
        %dma_start3A_217 = arith.constant 0 : i32
        %dma_start3A_218 = tpu.memref_slice %arg7[%mul3A_201, %dma_start3A_217] : memref<10000x128xf32, #tpu.memory_space<vmem_shared>> -> memref<80x128xf32, #tpu.memory_space<vmem_shared>>
        tpu.enqueue_dma source(%dma_start3A_218 : memref<80x128xf32, #tpu.memory_space<vmem_shared>>) target(%dma_start3A_216 : memref<80x128xf32, #tpu.memory_space<vmem>>) target_semaphore(%run_scoped3A_206 : memref<!tpu.dma_semaphore, #tpu.memory_space<semaphore_mem>>)
        %dma_wait3A_219 = arith.constant 0 : i32
        %dma_wait3A_220 = arith.constant 0 : i32
        %dma_wait3A_221 = tpu.memref_slice %arg11[%run_scoped3A, %dma_wait3A_219, %dma_wait3A_220] : memref<2x80x128xf32, #tpu.memory_space<vmem>> -> memref<1x80x128xf32, #tpu.memory_space<vmem>>
        %dma_wait3A_222 = tpu.memref_squeeze %dma_wait3A_221 : memref<1x80x128xf32, #tpu.memory_space<vmem>> -> memref<80x128xf32, #tpu.memory_space<vmem>>
        %dma_wait3A_223 = arith.constant 0 : i32
        %dma_wait3A_224 = tpu.memref_slice %arg7[%mul3A_201, %dma_wait3A_223] : memref<10000x128xf32, #tpu.memory_space<vmem_shared>> -> memref<80x128xf32, #tpu.memory_space<vmem_shared>>
        %dma_wait3A_225 = arith.constant 0 : i32
        %dma_wait3A_226 = arith.constant 0 : i32
        %dma_wait3A_227 = tpu.memref_slice %arg11[%run_scoped3A, %dma_wait3A_225, %dma_wait3A_226] : memref<2x80x128xf32, #tpu.memory_space<vmem>> -> memref<1x80x128xf32, #tpu.memory_space<vmem>>
        %dma_wait3A_228 = tpu.memref_squeeze %dma_wait3A_227 : memref<1x80x128xf32, #tpu.memory_space<vmem>> -> memref<80x128xf32, #tpu.memory_space<vmem>>
        %dma_wait3A_229 = arith.constant 0 : i32
        %dma_wait3A_230 = tpu.memref_slice %arg7[%mul3A_201, %dma_wait3A_229] : memref<10000x128xf32, #tpu.memory_space<vmem_shared>> -> memref<80x128xf32, #tpu.memory_space<vmem_shared>>
        tpu.wait_dma2 semaphore(%run_scoped3A_206 : memref<!tpu.dma_semaphore, #tpu.memory_space<semaphore_mem>>) src(%dma_wait3A_230 : memref<80x128xf32, #tpu.memory_space<vmem_shared>>) dst(%dma_wait3A_228 : memref<80x128xf32, #tpu.memory_space<vmem>>)
        tpu.yield
      }) : () -> ()
      %mul3A_202 = arith.constant 80 : i32
      %mul3A_203 = arith.muli %add3A_152, %mul3A_202 : i32
      %add3A_204 = arith.addi %mul3A_143, %mul3A_203 : i32
      %run_scoped3A_205 = arith.constant 0 : i32
      "tpu.region"() ({
        %run_scoped3A_206 = tpu.sem_alloc : memref<!tpu.dma_semaphore, #tpu.memory_space<semaphore_mem>>
        %dma_start3A_207 = arith.constant 0 : i32
        %dma_start3A_208 = arith.constant 0 : i32
        %dma_start3A_209 = tpu.memref_slice %arg11[%run_scoped3A_205, %dma_start3A_207, %dma_start3A_208] : memref<2x80x128xf32, #tpu.memory_space<vmem>> -> memref<1x80x128xf32, #tpu.memory_space<vmem>>
        %dma_start3A_210 = tpu.memref_squeeze %dma_start3A_209 : memref<1x80x128xf32, #tpu.memory_space<vmem>> -> memref<80x128xf32, #tpu.memory_space<vmem>>
        %dma_start3A_211 = arith.constant 0 : i32
        %dma_start3A_212 = tpu.memref_slice %arg6[%add3A_204, %dma_start3A_211] : memref<20000x128xf32, #tpu.memory_space<hbm>> -> memref<80x128xf32, #tpu.memory_space<hbm>>
        %dma_start3A_213 = arith.constant 0 : i32
        %dma_start3A_214 = tpu.memref_slice %arg6[%add3A_204, %dma_start3A_213] : memref<20000x128xf32, #tpu.memory_space<hbm>> -> memref<80x128xf32, #tpu.memory_space<hbm>>
        %dma_start3A_215 = arith.constant 0 : i32
        %dma_start3A_216 = arith.constant 0 : i32
        %dma_start3A_217 = tpu.memref_slice %arg11[%run_scoped3A_205, %dma_start3A_215, %dma_start3A_216] : memref<2x80x128xf32, #tpu.memory_space<vmem>> -> memref<1x80x128xf32, #tpu.memory_space<vmem>>
        %dma_start3A_218 = tpu.memref_squeeze %dma_start3A_217 : memref<1x80x128xf32, #tpu.memory_space<vmem>> -> memref<80x128xf32, #tpu.memory_space<vmem>>
        tpu.enqueue_dma source(%dma_start3A_218 : memref<80x128xf32, #tpu.memory_space<vmem>>) target(%dma_start3A_214 : memref<80x128xf32, #tpu.memory_space<hbm>>) target_semaphore(%run_scoped3A_206 : memref<!tpu.dma_semaphore, #tpu.memory_space<semaphore_mem>>)
        %dma_wait3A_219 = arith.constant 0 : i32
        %dma_wait3A_220 = arith.constant 0 : i32
        %dma_wait3A_221 = tpu.memref_slice %arg11[%run_scoped3A_205, %dma_wait3A_219, %dma_wait3A_220] : memref<2x80x128xf32, #tpu.memory_space<vmem>> -> memref<1x80x128xf32, #tpu.memory_space<vmem>>
        %dma_wait3A_222 = tpu.memref_squeeze %dma_wait3A_221 : memref<1x80x128xf32, #tpu.memory_space<vmem>> -> memref<80x128xf32, #tpu.memory_space<vmem>>
        %dma_wait3A_223 = arith.constant 0 : i32
        %dma_wait3A_224 = tpu.memref_slice %arg6[%add3A_204, %dma_wait3A_223] : memref<20000x128xf32, #tpu.memory_space<hbm>> -> memref<80x128xf32, #tpu.memory_space<hbm>>
        %dma_wait3A_225 = arith.constant 0 : i32
        %dma_wait3A_226 = tpu.memref_slice %arg6[%add3A_204, %dma_wait3A_225] : memref<20000x128xf32, #tpu.memory_space<hbm>> -> memref<80x128xf32, #tpu.memory_space<hbm>>
        %dma_wait3A_227 = arith.constant 0 : i32
        %dma_wait3A_228 = arith.constant 0 : i32
        %dma_wait3A_229 = tpu.memref_slice %arg11[%run_scoped3A_205, %dma_wait3A_227, %dma_wait3A_228] : memref<2x80x128xf32, #tpu.memory_space<vmem>> -> memref<1x80x128xf32, #tpu.memory_space<vmem>>
        %dma_wait3A_230 = tpu.memref_squeeze %dma_wait3A_229 : memref<1x80x128xf32, #tpu.memory_space<vmem>> -> memref<80x128xf32, #tpu.memory_space<vmem>>
        tpu.wait_dma2 semaphore(%run_scoped3A_206 : memref<!tpu.dma_semaphore, #tpu.memory_space<semaphore_mem>>) src(%dma_wait3A_230 : memref<80x128xf32, #tpu.memory_space<vmem>>) dst(%dma_wait3A_226 : memref<80x128xf32, #tpu.memory_space<hbm>>)
        tpu.yield
      }) : () -> ()
    } else {
    }
    %add3A_158 = arith.constant 32 : i32
    %add3A_159 = arith.addi %add3A_158, %arg1 : i32
    %lt3A_160 = arith.constant 125 : i32
    %lt3A_161 = arith.cmpi slt, %add3A_159, %lt3A_160 : i32
    %convert_element_type3A_162 = arith.extui %lt3A_161 : i1 to i32
    %cond3A_163 = arith.constant 0 : i32
    %cond3A_164 = arith.cmpi ne, %convert_element_type3A_162, %cond3A_163 : i32
    scf.if %cond3A_164 {
      %mul3A_200 = arith.constant 80 : i32
      %mul3A_201 = arith.muli %add3A_159, %mul3A_200 : i32
      %run_scoped3A = arith.constant 0 : i32
      "tpu.region"() ({
        %run_scoped3A_206 = tpu.sem_alloc : memref<!tpu.dma_semaphore, #tpu.memory_space<semaphore_mem>>
        %dma_start3A_207 = arith.constant 0 : i32
        %dma_start3A_208 = arith.constant 0 : i32
        %dma_start3A_209 = tpu.memref_slice %arg11[%run_scoped3A, %dma_start3A_207, %dma_start3A_208] : memref<2x80x128xf32, #tpu.memory_space<vmem>> -> memref<1x80x128xf32, #tpu.memory_space<vmem>>
        %dma_start3A_210 = tpu.memref_squeeze %dma_start3A_209 : memref<1x80x128xf32, #tpu.memory_space<vmem>> -> memref<80x128xf32, #tpu.memory_space<vmem>>
        %dma_start3A_211 = arith.constant 0 : i32
        %dma_start3A_212 = tpu.memref_slice %arg7[%mul3A_201, %dma_start3A_211] : memref<10000x128xf32, #tpu.memory_space<vmem_shared>> -> memref<80x128xf32, #tpu.memory_space<vmem_shared>>
        %dma_start3A_213 = arith.constant 0 : i32
        %dma_start3A_214 = arith.constant 0 : i32
        %dma_start3A_215 = tpu.memref_slice %arg11[%run_scoped3A, %dma_start3A_213, %dma_start3A_214] : memref<2x80x128xf32, #tpu.memory_space<vmem>> -> memref<1x80x128xf32, #tpu.memory_space<vmem>>
        %dma_start3A_216 = tpu.memref_squeeze %dma_start3A_215 : memref<1x80x128xf32, #tpu.memory_space<vmem>> -> memref<80x128xf32, #tpu.memory_space<vmem>>
        %dma_start3A_217 = arith.constant 0 : i32
        %dma_start3A_218 = tpu.memref_slice %arg7[%mul3A_201, %dma_start3A_217] : memref<10000x128xf32, #tpu.memory_space<vmem_shared>> -> memref<80x128xf32, #tpu.memory_space<vmem_shared>>
        tpu.enqueue_dma source(%dma_start3A_218 : memref<80x128xf32, #tpu.memory_space<vmem_shared>>) target(%dma_start3A_216 : memref<80x128xf32, #tpu.memory_space<vmem>>) target_semaphore(%run_scoped3A_206 : memref<!tpu.dma_semaphore, #tpu.memory_space<semaphore_mem>>)
        %dma_wait3A_219 = arith.constant 0 : i32
        %dma_wait3A_220 = arith.constant 0 : i32
        %dma_wait3A_221 = tpu.memref_slice %arg11[%run_scoped3A, %dma_wait3A_219, %dma_wait3A_220] : memref<2x80x128xf32, #tpu.memory_space<vmem>> -> memref<1x80x128xf32, #tpu.memory_space<vmem>>
        %dma_wait3A_222 = tpu.memref_squeeze %dma_wait3A_221 : memref<1x80x128xf32, #tpu.memory_space<vmem>> -> memref<80x128xf32, #tpu.memory_space<vmem>>
        %dma_wait3A_223 = arith.constant 0 : i32
        %dma_wait3A_224 = tpu.memref_slice %arg7[%mul3A_201, %dma_wait3A_223] : memref<10000x128xf32, #tpu.memory_space<vmem_shared>> -> memref<80x128xf32, #tpu.memory_space<vmem_shared>>
        %dma_wait3A_225 = arith.constant 0 : i32
        %dma_wait3A_226 = arith.constant 0 : i32
        %dma_wait3A_227 = tpu.memref_slice %arg11[%run_scoped3A, %dma_wait3A_225, %dma_wait3A_226] : memref<2x80x128xf32, #tpu.memory_space<vmem>> -> memref<1x80x128xf32, #tpu.memory_space<vmem>>
        %dma_wait3A_228 = tpu.memref_squeeze %dma_wait3A_227 : memref<1x80x128xf32, #tpu.memory_space<vmem>> -> memref<80x128xf32, #tpu.memory_space<vmem>>
        %dma_wait3A_229 = arith.constant 0 : i32
        %dma_wait3A_230 = tpu.memref_slice %arg7[%mul3A_201, %dma_wait3A_229] : memref<10000x128xf32, #tpu.memory_space<vmem_shared>> -> memref<80x128xf32, #tpu.memory_space<vmem_shared>>
        tpu.wait_dma2 semaphore(%run_scoped3A_206 : memref<!tpu.dma_semaphore, #tpu.memory_space<semaphore_mem>>) src(%dma_wait3A_230 : memref<80x128xf32, #tpu.memory_space<vmem_shared>>) dst(%dma_wait3A_228 : memref<80x128xf32, #tpu.memory_space<vmem>>)
        tpu.yield
      }) : () -> ()
      %mul3A_202 = arith.constant 80 : i32
      %mul3A_203 = arith.muli %add3A_159, %mul3A_202 : i32
      %add3A_204 = arith.addi %mul3A_143, %mul3A_203 : i32
      %run_scoped3A_205 = arith.constant 0 : i32
      "tpu.region"() ({
        %run_scoped3A_206 = tpu.sem_alloc : memref<!tpu.dma_semaphore, #tpu.memory_space<semaphore_mem>>
        %dma_start3A_207 = arith.constant 0 : i32
        %dma_start3A_208 = arith.constant 0 : i32
        %dma_start3A_209 = tpu.memref_slice %arg11[%run_scoped3A_205, %dma_start3A_207, %dma_start3A_208] : memref<2x80x128xf32, #tpu.memory_space<vmem>> -> memref<1x80x128xf32, #tpu.memory_space<vmem>>
        %dma_start3A_210 = tpu.memref_squeeze %dma_start3A_209 : memref<1x80x128xf32, #tpu.memory_space<vmem>> -> memref<80x128xf32, #tpu.memory_space<vmem>>
        %dma_start3A_211 = arith.constant 0 : i32
        %dma_start3A_212 = tpu.memref_slice %arg6[%add3A_204, %dma_start3A_211] : memref<20000x128xf32, #tpu.memory_space<hbm>> -> memref<80x128xf32, #tpu.memory_space<hbm>>
        %dma_start3A_213 = arith.constant 0 : i32
        %dma_start3A_214 = tpu.memref_slice %arg6[%add3A_204, %dma_start3A_213] : memref<20000x128xf32, #tpu.memory_space<hbm>> -> memref<80x128xf32, #tpu.memory_space<hbm>>
        %dma_start3A_215 = arith.constant 0 : i32
        %dma_start3A_216 = arith.constant 0 : i32
        %dma_start3A_217 = tpu.memref_slice %arg11[%run_scoped3A_205, %dma_start3A_215, %dma_start3A_216] : memref<2x80x128xf32, #tpu.memory_space<vmem>> -> memref<1x80x128xf32, #tpu.memory_space<vmem>>
        %dma_start3A_218 = tpu.memref_squeeze %dma_start3A_217 : memref<1x80x128xf32, #tpu.memory_space<vmem>> -> memref<80x128xf32, #tpu.memory_space<vmem>>
        tpu.enqueue_dma source(%dma_start3A_218 : memref<80x128xf32, #tpu.memory_space<vmem>>) target(%dma_start3A_214 : memref<80x128xf32, #tpu.memory_space<hbm>>) target_semaphore(%run_scoped3A_206 : memref<!tpu.dma_semaphore, #tpu.memory_space<semaphore_mem>>)
        %dma_wait3A_219 = arith.constant 0 : i32
        %dma_wait3A_220 = arith.constant 0 : i32
        %dma_wait3A_221 = tpu.memref_slice %arg11[%run_scoped3A_205, %dma_wait3A_219, %dma_wait3A_220] : memref<2x80x128xf32, #tpu.memory_space<vmem>> -> memref<1x80x128xf32, #tpu.memory_space<vmem>>
        %dma_wait3A_222 = tpu.memref_squeeze %dma_wait3A_221 : memref<1x80x128xf32, #tpu.memory_space<vmem>> -> memref<80x128xf32, #tpu.memory_space<vmem>>
        %dma_wait3A_223 = arith.constant 0 : i32
        %dma_wait3A_224 = tpu.memref_slice %arg6[%add3A_204, %dma_wait3A_223] : memref<20000x128xf32, #tpu.memory_space<hbm>> -> memref<80x128xf32, #tpu.memory_space<hbm>>
        %dma_wait3A_225 = arith.constant 0 : i32
        %dma_wait3A_226 = tpu.memref_slice %arg6[%add3A_204, %dma_wait3A_225] : memref<20000x128xf32, #tpu.memory_space<hbm>> -> memref<80x128xf32, #tpu.memory_space<hbm>>
        %dma_wait3A_227 = arith.constant 0 : i32
        %dma_wait3A_228 = arith.constant 0 : i32
        %dma_wait3A_229 = tpu.memref_slice %arg11[%run_scoped3A_205, %dma_wait3A_227, %dma_wait3A_228] : memref<2x80x128xf32, #tpu.memory_space<vmem>> -> memref<1x80x128xf32, #tpu.memory_space<vmem>>
        %dma_wait3A_230 = tpu.memref_squeeze %dma_wait3A_229 : memref<1x80x128xf32, #tpu.memory_space<vmem>> -> memref<80x128xf32, #tpu.memory_space<vmem>>
        tpu.wait_dma2 semaphore(%run_scoped3A_206 : memref<!tpu.dma_semaphore, #tpu.memory_space<semaphore_mem>>) src(%dma_wait3A_230 : memref<80x128xf32, #tpu.memory_space<vmem>>) dst(%dma_wait3A_226 : memref<80x128xf32, #tpu.memory_space<hbm>>)
        tpu.yield
      }) : () -> ()
    } else {
    }
    %add3A_165 = arith.constant 48 : i32
    %add3A_166 = arith.addi %add3A_165, %arg1 : i32
    %lt3A_167 = arith.constant 125 : i32
    %lt3A_168 = arith.cmpi slt, %add3A_166, %lt3A_167 : i32
    %convert_element_type3A_169 = arith.extui %lt3A_168 : i1 to i32
    %cond3A_170 = arith.constant 0 : i32
    %cond3A_171 = arith.cmpi ne, %convert_element_type3A_169, %cond3A_170 : i32
    scf.if %cond3A_171 {
      %mul3A_200 = arith.constant 80 : i32
      %mul3A_201 = arith.muli %add3A_166, %mul3A_200 : i32
      %run_scoped3A = arith.constant 0 : i32
      "tpu.region"() ({
        %run_scoped3A_206 = tpu.sem_alloc : memref<!tpu.dma_semaphore, #tpu.memory_space<semaphore_mem>>
        %dma_start3A_207 = arith.constant 0 : i32
        %dma_start3A_208 = arith.constant 0 : i32
        %dma_start3A_209 = tpu.memref_slice %arg11[%run_scoped3A, %dma_start3A_207, %dma_start3A_208] : memref<2x80x128xf32, #tpu.memory_space<vmem>> -> memref<1x80x128xf32, #tpu.memory_space<vmem>>
        %dma_start3A_210 = tpu.memref_squeeze %dma_start3A_209 : memref<1x80x128xf32, #tpu.memory_space<vmem>> -> memref<80x128xf32, #tpu.memory_space<vmem>>
        %dma_start3A_211 = arith.constant 0 : i32
        %dma_start3A_212 = tpu.memref_slice %arg7[%mul3A_201, %dma_start3A_211] : memref<10000x128xf32, #tpu.memory_space<vmem_shared>> -> memref<80x128xf32, #tpu.memory_space<vmem_shared>>
        %dma_start3A_213 = arith.constant 0 : i32
        %dma_start3A_214 = arith.constant 0 : i32
        %dma_start3A_215 = tpu.memref_slice %arg11[%run_scoped3A, %dma_start3A_213, %dma_start3A_214] : memref<2x80x128xf32, #tpu.memory_space<vmem>> -> memref<1x80x128xf32, #tpu.memory_space<vmem>>
        %dma_start3A_216 = tpu.memref_squeeze %dma_start3A_215 : memref<1x80x128xf32, #tpu.memory_space<vmem>> -> memref<80x128xf32, #tpu.memory_space<vmem>>
        %dma_start3A_217 = arith.constant 0 : i32
        %dma_start3A_218 = tpu.memref_slice %arg7[%mul3A_201, %dma_start3A_217] : memref<10000x128xf32, #tpu.memory_space<vmem_shared>> -> memref<80x128xf32, #tpu.memory_space<vmem_shared>>
        tpu.enqueue_dma source(%dma_start3A_218 : memref<80x128xf32, #tpu.memory_space<vmem_shared>>) target(%dma_start3A_216 : memref<80x128xf32, #tpu.memory_space<vmem>>) target_semaphore(%run_scoped3A_206 : memref<!tpu.dma_semaphore, #tpu.memory_space<semaphore_mem>>)
        %dma_wait3A_219 = arith.constant 0 : i32
        %dma_wait3A_220 = arith.constant 0 : i32
        %dma_wait3A_221 = tpu.memref_slice %arg11[%run_scoped3A, %dma_wait3A_219, %dma_wait3A_220] : memref<2x80x128xf32, #tpu.memory_space<vmem>> -> memref<1x80x128xf32, #tpu.memory_space<vmem>>
        %dma_wait3A_222 = tpu.memref_squeeze %dma_wait3A_221 : memref<1x80x128xf32, #tpu.memory_space<vmem>> -> memref<80x128xf32, #tpu.memory_space<vmem>>
        %dma_wait3A_223 = arith.constant 0 : i32
        %dma_wait3A_224 = tpu.memref_slice %arg7[%mul3A_201, %dma_wait3A_223] : memref<10000x128xf32, #tpu.memory_space<vmem_shared>> -> memref<80x128xf32, #tpu.memory_space<vmem_shared>>
        %dma_wait3A_225 = arith.constant 0 : i32
        %dma_wait3A_226 = arith.constant 0 : i32
        %dma_wait3A_227 = tpu.memref_slice %arg11[%run_scoped3A, %dma_wait3A_225, %dma_wait3A_226] : memref<2x80x128xf32, #tpu.memory_space<vmem>> -> memref<1x80x128xf32, #tpu.memory_space<vmem>>
        %dma_wait3A_228 = tpu.memref_squeeze %dma_wait3A_227 : memref<1x80x128xf32, #tpu.memory_space<vmem>> -> memref<80x128xf32, #tpu.memory_space<vmem>>
        %dma_wait3A_229 = arith.constant 0 : i32
        %dma_wait3A_230 = tpu.memref_slice %arg7[%mul3A_201, %dma_wait3A_229] : memref<10000x128xf32, #tpu.memory_space<vmem_shared>> -> memref<80x128xf32, #tpu.memory_space<vmem_shared>>
        tpu.wait_dma2 semaphore(%run_scoped3A_206 : memref<!tpu.dma_semaphore, #tpu.memory_space<semaphore_mem>>) src(%dma_wait3A_230 : memref<80x128xf32, #tpu.memory_space<vmem_shared>>) dst(%dma_wait3A_228 : memref<80x128xf32, #tpu.memory_space<vmem>>)
        tpu.yield
      }) : () -> ()
      %mul3A_202 = arith.constant 80 : i32
      %mul3A_203 = arith.muli %add3A_166, %mul3A_202 : i32
      %add3A_204 = arith.addi %mul3A_143, %mul3A_203 : i32
      %run_scoped3A_205 = arith.constant 0 : i32
      "tpu.region"() ({
        %run_scoped3A_206 = tpu.sem_alloc : memref<!tpu.dma_semaphore, #tpu.memory_space<semaphore_mem>>
        %dma_start3A_207 = arith.constant 0 : i32
        %dma_start3A_208 = arith.constant 0 : i32
        %dma_start3A_209 = tpu.memref_slice %arg11[%run_scoped3A_205, %dma_start3A_207, %dma_start3A_208] : memref<2x80x128xf32, #tpu.memory_space<vmem>> -> memref<1x80x128xf32, #tpu.memory_space<vmem>>
        %dma_start3A_210 = tpu.memref_squeeze %dma_start3A_209 : memref<1x80x128xf32, #tpu.memory_space<vmem>> -> memref<80x128xf32, #tpu.memory_space<vmem>>
        %dma_start3A_211 = arith.constant 0 : i32
        %dma_start3A_212 = tpu.memref_slice %arg6[%add3A_204, %dma_start3A_211] : memref<20000x128xf32, #tpu.memory_space<hbm>> -> memref<80x128xf32, #tpu.memory_space<hbm>>
        %dma_start3A_213 = arith.constant 0 : i32
        %dma_start3A_214 = tpu.memref_slice %arg6[%add3A_204, %dma_start3A_213] : memref<20000x128xf32, #tpu.memory_space<hbm>> -> memref<80x128xf32, #tpu.memory_space<hbm>>
        %dma_start3A_215 = arith.constant 0 : i32
        %dma_start3A_216 = arith.constant 0 : i32
        %dma_start3A_217 = tpu.memref_slice %arg11[%run_scoped3A_205, %dma_start3A_215, %dma_start3A_216] : memref<2x80x128xf32, #tpu.memory_space<vmem>> -> memref<1x80x128xf32, #tpu.memory_space<vmem>>
        %dma_start3A_218 = tpu.memref_squeeze %dma_start3A_217 : memref<1x80x128xf32, #tpu.memory_space<vmem>> -> memref<80x128xf32, #tpu.memory_space<vmem>>
        tpu.enqueue_dma source(%dma_start3A_218 : memref<80x128xf32, #tpu.memory_space<vmem>>) target(%dma_start3A_214 : memref<80x128xf32, #tpu.memory_space<hbm>>) target_semaphore(%run_scoped3A_206 : memref<!tpu.dma_semaphore, #tpu.memory_space<semaphore_mem>>)
        %dma_wait3A_219 = arith.constant 0 : i32
        %dma_wait3A_220 = arith.constant 0 : i32
        %dma_wait3A_221 = tpu.memref_slice %arg11[%run_scoped3A_205, %dma_wait3A_219, %dma_wait3A_220] : memref<2x80x128xf32, #tpu.memory_space<vmem>> -> memref<1x80x128xf32, #tpu.memory_space<vmem>>
        %dma_wait3A_222 = tpu.memref_squeeze %dma_wait3A_221 : memref<1x80x128xf32, #tpu.memory_space<vmem>> -> memref<80x128xf32, #tpu.memory_space<vmem>>
        %dma_wait3A_223 = arith.constant 0 : i32
        %dma_wait3A_224 = tpu.memref_slice %arg6[%add3A_204, %dma_wait3A_223] : memref<20000x128xf32, #tpu.memory_space<hbm>> -> memref<80x128xf32, #tpu.memory_space<hbm>>
        %dma_wait3A_225 = arith.constant 0 : i32
        %dma_wait3A_226 = tpu.memref_slice %arg6[%add3A_204, %dma_wait3A_225] : memref<20000x128xf32, #tpu.memory_space<hbm>> -> memref<80x128xf32, #tpu.memory_space<hbm>>
        %dma_wait3A_227 = arith.constant 0 : i32
        %dma_wait3A_228 = arith.constant 0 : i32
        %dma_wait3A_229 = tpu.memref_slice %arg11[%run_scoped3A_205, %dma_wait3A_227, %dma_wait3A_228] : memref<2x80x128xf32, #tpu.memory_space<vmem>> -> memref<1x80x128xf32, #tpu.memory_space<vmem>>
        %dma_wait3A_230 = tpu.memref_squeeze %dma_wait3A_229 : memref<1x80x128xf32, #tpu.memory_space<vmem>> -> memref<80x128xf32, #tpu.memory_space<vmem>>
        tpu.wait_dma2 semaphore(%run_scoped3A_206 : memref<!tpu.dma_semaphore, #tpu.memory_space<semaphore_mem>>) src(%dma_wait3A_230 : memref<80x128xf32, #tpu.memory_space<vmem>>) dst(%dma_wait3A_226 : memref<80x128xf32, #tpu.memory_space<hbm>>)
        tpu.yield
      }) : () -> ()
    } else {
    }
    %add3A_172 = arith.constant 64 : i32
    %add3A_173 = arith.addi %add3A_172, %arg1 : i32
    %lt3A_174 = arith.constant 125 : i32
    %lt3A_175 = arith.cmpi slt, %add3A_173, %lt3A_174 : i32
    %convert_element_type3A_176 = arith.extui %lt3A_175 : i1 to i32
    %cond3A_177 = arith.constant 0 : i32
    %cond3A_178 = arith.cmpi ne, %convert_element_type3A_176, %cond3A_177 : i32
    scf.if %cond3A_178 {
      %mul3A_200 = arith.constant 80 : i32
      %mul3A_201 = arith.muli %add3A_173, %mul3A_200 : i32
      %run_scoped3A = arith.constant 0 : i32
      "tpu.region"() ({
        %run_scoped3A_206 = tpu.sem_alloc : memref<!tpu.dma_semaphore, #tpu.memory_space<semaphore_mem>>
        %dma_start3A_207 = arith.constant 0 : i32
        %dma_start3A_208 = arith.constant 0 : i32
        %dma_start3A_209 = tpu.memref_slice %arg11[%run_scoped3A, %dma_start3A_207, %dma_start3A_208] : memref<2x80x128xf32, #tpu.memory_space<vmem>> -> memref<1x80x128xf32, #tpu.memory_space<vmem>>
        %dma_start3A_210 = tpu.memref_squeeze %dma_start3A_209 : memref<1x80x128xf32, #tpu.memory_space<vmem>> -> memref<80x128xf32, #tpu.memory_space<vmem>>
        %dma_start3A_211 = arith.constant 0 : i32
        %dma_start3A_212 = tpu.memref_slice %arg7[%mul3A_201, %dma_start3A_211] : memref<10000x128xf32, #tpu.memory_space<vmem_shared>> -> memref<80x128xf32, #tpu.memory_space<vmem_shared>>
        %dma_start3A_213 = arith.constant 0 : i32
        %dma_start3A_214 = arith.constant 0 : i32
        %dma_start3A_215 = tpu.memref_slice %arg11[%run_scoped3A, %dma_start3A_213, %dma_start3A_214] : memref<2x80x128xf32, #tpu.memory_space<vmem>> -> memref<1x80x128xf32, #tpu.memory_space<vmem>>
        %dma_start3A_216 = tpu.memref_squeeze %dma_start3A_215 : memref<1x80x128xf32, #tpu.memory_space<vmem>> -> memref<80x128xf32, #tpu.memory_space<vmem>>
        %dma_start3A_217 = arith.constant 0 : i32
        %dma_start3A_218 = tpu.memref_slice %arg7[%mul3A_201, %dma_start3A_217] : memref<10000x128xf32, #tpu.memory_space<vmem_shared>> -> memref<80x128xf32, #tpu.memory_space<vmem_shared>>
        tpu.enqueue_dma source(%dma_start3A_218 : memref<80x128xf32, #tpu.memory_space<vmem_shared>>) target(%dma_start3A_216 : memref<80x128xf32, #tpu.memory_space<vmem>>) target_semaphore(%run_scoped3A_206 : memref<!tpu.dma_semaphore, #tpu.memory_space<semaphore_mem>>)
        %dma_wait3A_219 = arith.constant 0 : i32
        %dma_wait3A_220 = arith.constant 0 : i32
        %dma_wait3A_221 = tpu.memref_slice %arg11[%run_scoped3A, %dma_wait3A_219, %dma_wait3A_220] : memref<2x80x128xf32, #tpu.memory_space<vmem>> -> memref<1x80x128xf32, #tpu.memory_space<vmem>>
        %dma_wait3A_222 = tpu.memref_squeeze %dma_wait3A_221 : memref<1x80x128xf32, #tpu.memory_space<vmem>> -> memref<80x128xf32, #tpu.memory_space<vmem>>
        %dma_wait3A_223 = arith.constant 0 : i32
        %dma_wait3A_224 = tpu.memref_slice %arg7[%mul3A_201, %dma_wait3A_223] : memref<10000x128xf32, #tpu.memory_space<vmem_shared>> -> memref<80x128xf32, #tpu.memory_space<vmem_shared>>
        %dma_wait3A_225 = arith.constant 0 : i32
        %dma_wait3A_226 = arith.constant 0 : i32
        %dma_wait3A_227 = tpu.memref_slice %arg11[%run_scoped3A, %dma_wait3A_225, %dma_wait3A_226] : memref<2x80x128xf32, #tpu.memory_space<vmem>> -> memref<1x80x128xf32, #tpu.memory_space<vmem>>
        %dma_wait3A_228 = tpu.memref_squeeze %dma_wait3A_227 : memref<1x80x128xf32, #tpu.memory_space<vmem>> -> memref<80x128xf32, #tpu.memory_space<vmem>>
        %dma_wait3A_229 = arith.constant 0 : i32
        %dma_wait3A_230 = tpu.memref_slice %arg7[%mul3A_201, %dma_wait3A_229] : memref<10000x128xf32, #tpu.memory_space<vmem_shared>> -> memref<80x128xf32, #tpu.memory_space<vmem_shared>>
        tpu.wait_dma2 semaphore(%run_scoped3A_206 : memref<!tpu.dma_semaphore, #tpu.memory_space<semaphore_mem>>) src(%dma_wait3A_230 : memref<80x128xf32, #tpu.memory_space<vmem_shared>>) dst(%dma_wait3A_228 : memref<80x128xf32, #tpu.memory_space<vmem>>)
        tpu.yield
      }) : () -> ()
      %mul3A_202 = arith.constant 80 : i32
      %mul3A_203 = arith.muli %add3A_173, %mul3A_202 : i32
      %add3A_204 = arith.addi %mul3A_143, %mul3A_203 : i32
      %run_scoped3A_205 = arith.constant 0 : i32
      "tpu.region"() ({
        %run_scoped3A_206 = tpu.sem_alloc : memref<!tpu.dma_semaphore, #tpu.memory_space<semaphore_mem>>
        %dma_start3A_207 = arith.constant 0 : i32
        %dma_start3A_208 = arith.constant 0 : i32
        %dma_start3A_209 = tpu.memref_slice %arg11[%run_scoped3A_205, %dma_start3A_207, %dma_start3A_208] : memref<2x80x128xf32, #tpu.memory_space<vmem>> -> memref<1x80x128xf32, #tpu.memory_space<vmem>>
        %dma_start3A_210 = tpu.memref_squeeze %dma_start3A_209 : memref<1x80x128xf32, #tpu.memory_space<vmem>> -> memref<80x128xf32, #tpu.memory_space<vmem>>
        %dma_start3A_211 = arith.constant 0 : i32
        %dma_start3A_212 = tpu.memref_slice %arg6[%add3A_204, %dma_start3A_211] : memref<20000x128xf32, #tpu.memory_space<hbm>> -> memref<80x128xf32, #tpu.memory_space<hbm>>
        %dma_start3A_213 = arith.constant 0 : i32
        %dma_start3A_214 = tpu.memref_slice %arg6[%add3A_204, %dma_start3A_213] : memref<20000x128xf32, #tpu.memory_space<hbm>> -> memref<80x128xf32, #tpu.memory_space<hbm>>
        %dma_start3A_215 = arith.constant 0 : i32
        %dma_start3A_216 = arith.constant 0 : i32
        %dma_start3A_217 = tpu.memref_slice %arg11[%run_scoped3A_205, %dma_start3A_215, %dma_start3A_216] : memref<2x80x128xf32, #tpu.memory_space<vmem>> -> memref<1x80x128xf32, #tpu.memory_space<vmem>>
        %dma_start3A_218 = tpu.memref_squeeze %dma_start3A_217 : memref<1x80x128xf32, #tpu.memory_space<vmem>> -> memref<80x128xf32, #tpu.memory_space<vmem>>
        tpu.enqueue_dma source(%dma_start3A_218 : memref<80x128xf32, #tpu.memory_space<vmem>>) target(%dma_start3A_214 : memref<80x128xf32, #tpu.memory_space<hbm>>) target_semaphore(%run_scoped3A_206 : memref<!tpu.dma_semaphore, #tpu.memory_space<semaphore_mem>>)
        %dma_wait3A_219 = arith.constant 0 : i32
        %dma_wait3A_220 = arith.constant 0 : i32
        %dma_wait3A_221 = tpu.memref_slice %arg11[%run_scoped3A_205, %dma_wait3A_219, %dma_wait3A_220] : memref<2x80x128xf32, #tpu.memory_space<vmem>> -> memref<1x80x128xf32, #tpu.memory_space<vmem>>
        %dma_wait3A_222 = tpu.memref_squeeze %dma_wait3A_221 : memref<1x80x128xf32, #tpu.memory_space<vmem>> -> memref<80x128xf32, #tpu.memory_space<vmem>>
        %dma_wait3A_223 = arith.constant 0 : i32
        %dma_wait3A_224 = tpu.memref_slice %arg6[%add3A_204, %dma_wait3A_223] : memref<20000x128xf32, #tpu.memory_space<hbm>> -> memref<80x128xf32, #tpu.memory_space<hbm>>
        %dma_wait3A_225 = arith.constant 0 : i32
        %dma_wait3A_226 = tpu.memref_slice %arg6[%add3A_204, %dma_wait3A_225] : memref<20000x128xf32, #tpu.memory_space<hbm>> -> memref<80x128xf32, #tpu.memory_space<hbm>>
        %dma_wait3A_227 = arith.constant 0 : i32
        %dma_wait3A_228 = arith.constant 0 : i32
        %dma_wait3A_229 = tpu.memref_slice %arg11[%run_scoped3A_205, %dma_wait3A_227, %dma_wait3A_228] : memref<2x80x128xf32, #tpu.memory_space<vmem>> -> memref<1x80x128xf32, #tpu.memory_space<vmem>>
        %dma_wait3A_230 = tpu.memref_squeeze %dma_wait3A_229 : memref<1x80x128xf32, #tpu.memory_space<vmem>> -> memref<80x128xf32, #tpu.memory_space<vmem>>
        tpu.wait_dma2 semaphore(%run_scoped3A_206 : memref<!tpu.dma_semaphore, #tpu.memory_space<semaphore_mem>>) src(%dma_wait3A_230 : memref<80x128xf32, #tpu.memory_space<vmem>>) dst(%dma_wait3A_226 : memref<80x128xf32, #tpu.memory_space<hbm>>)
        tpu.yield
      }) : () -> ()
    } else {
    }
    %add3A_179 = arith.constant 80 : i32
    %add3A_180 = arith.addi %add3A_179, %arg1 : i32
    %lt3A_181 = arith.constant 125 : i32
    %lt3A_182 = arith.cmpi slt, %add3A_180, %lt3A_181 : i32
    %convert_element_type3A_183 = arith.extui %lt3A_182 : i1 to i32
    %cond3A_184 = arith.constant 0 : i32
    %cond3A_185 = arith.cmpi ne, %convert_element_type3A_183, %cond3A_184 : i32
    scf.if %cond3A_185 {
      %mul3A_200 = arith.constant 80 : i32
      %mul3A_201 = arith.muli %add3A_180, %mul3A_200 : i32
      %run_scoped3A = arith.constant 0 : i32
      "tpu.region"() ({
        %run_scoped3A_206 = tpu.sem_alloc : memref<!tpu.dma_semaphore, #tpu.memory_space<semaphore_mem>>
        %dma_start3A_207 = arith.constant 0 : i32
        %dma_start3A_208 = arith.constant 0 : i32
        %dma_start3A_209 = tpu.memref_slice %arg11[%run_scoped3A, %dma_start3A_207, %dma_start3A_208] : memref<2x80x128xf32, #tpu.memory_space<vmem>> -> memref<1x80x128xf32, #tpu.memory_space<vmem>>
        %dma_start3A_210 = tpu.memref_squeeze %dma_start3A_209 : memref<1x80x128xf32, #tpu.memory_space<vmem>> -> memref<80x128xf32, #tpu.memory_space<vmem>>
        %dma_start3A_211 = arith.constant 0 : i32
        %dma_start3A_212 = tpu.memref_slice %arg7[%mul3A_201, %dma_start3A_211] : memref<10000x128xf32, #tpu.memory_space<vmem_shared>> -> memref<80x128xf32, #tpu.memory_space<vmem_shared>>
        %dma_start3A_213 = arith.constant 0 : i32
        %dma_start3A_214 = arith.constant 0 : i32
        %dma_start3A_215 = tpu.memref_slice %arg11[%run_scoped3A, %dma_start3A_213, %dma_start3A_214] : memref<2x80x128xf32, #tpu.memory_space<vmem>> -> memref<1x80x128xf32, #tpu.memory_space<vmem>>
        %dma_start3A_216 = tpu.memref_squeeze %dma_start3A_215 : memref<1x80x128xf32, #tpu.memory_space<vmem>> -> memref<80x128xf32, #tpu.memory_space<vmem>>
        %dma_start3A_217 = arith.constant 0 : i32
        %dma_start3A_218 = tpu.memref_slice %arg7[%mul3A_201, %dma_start3A_217] : memref<10000x128xf32, #tpu.memory_space<vmem_shared>> -> memref<80x128xf32, #tpu.memory_space<vmem_shared>>
        tpu.enqueue_dma source(%dma_start3A_218 : memref<80x128xf32, #tpu.memory_space<vmem_shared>>) target(%dma_start3A_216 : memref<80x128xf32, #tpu.memory_space<vmem>>) target_semaphore(%run_scoped3A_206 : memref<!tpu.dma_semaphore, #tpu.memory_space<semaphore_mem>>)
        %dma_wait3A_219 = arith.constant 0 : i32
        %dma_wait3A_220 = arith.constant 0 : i32
        %dma_wait3A_221 = tpu.memref_slice %arg11[%run_scoped3A, %dma_wait3A_219, %dma_wait3A_220] : memref<2x80x128xf32, #tpu.memory_space<vmem>> -> memref<1x80x128xf32, #tpu.memory_space<vmem>>
        %dma_wait3A_222 = tpu.memref_squeeze %dma_wait3A_221 : memref<1x80x128xf32, #tpu.memory_space<vmem>> -> memref<80x128xf32, #tpu.memory_space<vmem>>
        %dma_wait3A_223 = arith.constant 0 : i32
        %dma_wait3A_224 = tpu.memref_slice %arg7[%mul3A_201, %dma_wait3A_223] : memref<10000x128xf32, #tpu.memory_space<vmem_shared>> -> memref<80x128xf32, #tpu.memory_space<vmem_shared>>
        %dma_wait3A_225 = arith.constant 0 : i32
        %dma_wait3A_226 = arith.constant 0 : i32
        %dma_wait3A_227 = tpu.memref_slice %arg11[%run_scoped3A, %dma_wait3A_225, %dma_wait3A_226] : memref<2x80x128xf32, #tpu.memory_space<vmem>> -> memref<1x80x128xf32, #tpu.memory_space<vmem>>
        %dma_wait3A_228 = tpu.memref_squeeze %dma_wait3A_227 : memref<1x80x128xf32, #tpu.memory_space<vmem>> -> memref<80x128xf32, #tpu.memory_space<vmem>>
        %dma_wait3A_229 = arith.constant 0 : i32
        %dma_wait3A_230 = tpu.memref_slice %arg7[%mul3A_201, %dma_wait3A_229] : memref<10000x128xf32, #tpu.memory_space<vmem_shared>> -> memref<80x128xf32, #tpu.memory_space<vmem_shared>>
        tpu.wait_dma2 semaphore(%run_scoped3A_206 : memref<!tpu.dma_semaphore, #tpu.memory_space<semaphore_mem>>) src(%dma_wait3A_230 : memref<80x128xf32, #tpu.memory_space<vmem_shared>>) dst(%dma_wait3A_228 : memref<80x128xf32, #tpu.memory_space<vmem>>)
        tpu.yield
      }) : () -> ()
      %mul3A_202 = arith.constant 80 : i32
      %mul3A_203 = arith.muli %add3A_180, %mul3A_202 : i32
      %add3A_204 = arith.addi %mul3A_143, %mul3A_203 : i32
      %run_scoped3A_205 = arith.constant 0 : i32
      "tpu.region"() ({
        %run_scoped3A_206 = tpu.sem_alloc : memref<!tpu.dma_semaphore, #tpu.memory_space<semaphore_mem>>
        %dma_start3A_207 = arith.constant 0 : i32
        %dma_start3A_208 = arith.constant 0 : i32
        %dma_start3A_209 = tpu.memref_slice %arg11[%run_scoped3A_205, %dma_start3A_207, %dma_start3A_208] : memref<2x80x128xf32, #tpu.memory_space<vmem>> -> memref<1x80x128xf32, #tpu.memory_space<vmem>>
        %dma_start3A_210 = tpu.memref_squeeze %dma_start3A_209 : memref<1x80x128xf32, #tpu.memory_space<vmem>> -> memref<80x128xf32, #tpu.memory_space<vmem>>
        %dma_start3A_211 = arith.constant 0 : i32
        %dma_start3A_212 = tpu.memref_slice %arg6[%add3A_204, %dma_start3A_211] : memref<20000x128xf32, #tpu.memory_space<hbm>> -> memref<80x128xf32, #tpu.memory_space<hbm>>
        %dma_start3A_213 = arith.constant 0 : i32
        %dma_start3A_214 = tpu.memref_slice %arg6[%add3A_204, %dma_start3A_213] : memref<20000x128xf32, #tpu.memory_space<hbm>> -> memref<80x128xf32, #tpu.memory_space<hbm>>
        %dma_start3A_215 = arith.constant 0 : i32
        %dma_start3A_216 = arith.constant 0 : i32
        %dma_start3A_217 = tpu.memref_slice %arg11[%run_scoped3A_205, %dma_start3A_215, %dma_start3A_216] : memref<2x80x128xf32, #tpu.memory_space<vmem>> -> memref<1x80x128xf32, #tpu.memory_space<vmem>>
        %dma_start3A_218 = tpu.memref_squeeze %dma_start3A_217 : memref<1x80x128xf32, #tpu.memory_space<vmem>> -> memref<80x128xf32, #tpu.memory_space<vmem>>
        tpu.enqueue_dma source(%dma_start3A_218 : memref<80x128xf32, #tpu.memory_space<vmem>>) target(%dma_start3A_214 : memref<80x128xf32, #tpu.memory_space<hbm>>) target_semaphore(%run_scoped3A_206 : memref<!tpu.dma_semaphore, #tpu.memory_space<semaphore_mem>>)
        %dma_wait3A_219 = arith.constant 0 : i32
        %dma_wait3A_220 = arith.constant 0 : i32
        %dma_wait3A_221 = tpu.memref_slice %arg11[%run_scoped3A_205, %dma_wait3A_219, %dma_wait3A_220] : memref<2x80x128xf32, #tpu.memory_space<vmem>> -> memref<1x80x128xf32, #tpu.memory_space<vmem>>
        %dma_wait3A_222 = tpu.memref_squeeze %dma_wait3A_221 : memref<1x80x128xf32, #tpu.memory_space<vmem>> -> memref<80x128xf32, #tpu.memory_space<vmem>>
        %dma_wait3A_223 = arith.constant 0 : i32
        %dma_wait3A_224 = tpu.memref_slice %arg6[%add3A_204, %dma_wait3A_223] : memref<20000x128xf32, #tpu.memory_space<hbm>> -> memref<80x128xf32, #tpu.memory_space<hbm>>
        %dma_wait3A_225 = arith.constant 0 : i32
        %dma_wait3A_226 = tpu.memref_slice %arg6[%add3A_204, %dma_wait3A_225] : memref<20000x128xf32, #tpu.memory_space<hbm>> -> memref<80x128xf32, #tpu.memory_space<hbm>>
        %dma_wait3A_227 = arith.constant 0 : i32
        %dma_wait3A_228 = arith.constant 0 : i32
        %dma_wait3A_229 = tpu.memref_slice %arg11[%run_scoped3A_205, %dma_wait3A_227, %dma_wait3A_228] : memref<2x80x128xf32, #tpu.memory_space<vmem>> -> memref<1x80x128xf32, #tpu.memory_space<vmem>>
        %dma_wait3A_230 = tpu.memref_squeeze %dma_wait3A_229 : memref<1x80x128xf32, #tpu.memory_space<vmem>> -> memref<80x128xf32, #tpu.memory_space<vmem>>
        tpu.wait_dma2 semaphore(%run_scoped3A_206 : memref<!tpu.dma_semaphore, #tpu.memory_space<semaphore_mem>>) src(%dma_wait3A_230 : memref<80x128xf32, #tpu.memory_space<vmem>>) dst(%dma_wait3A_226 : memref<80x128xf32, #tpu.memory_space<hbm>>)
        tpu.yield
      }) : () -> ()
    } else {
    }
    %add3A_186 = arith.constant 96 : i32
    %add3A_187 = arith.addi %add3A_186, %arg1 : i32
    %lt3A_188 = arith.constant 125 : i32
    %lt3A_189 = arith.cmpi slt, %add3A_187, %lt3A_188 : i32
    %convert_element_type3A_190 = arith.extui %lt3A_189 : i1 to i32
    %cond3A_191 = arith.constant 0 : i32
    %cond3A_192 = arith.cmpi ne, %convert_element_type3A_190, %cond3A_191 : i32
    scf.if %cond3A_192 {
      %mul3A_200 = arith.constant 80 : i32
      %mul3A_201 = arith.muli %add3A_187, %mul3A_200 : i32
      %run_scoped3A = arith.constant 0 : i32
      "tpu.region"() ({
        %run_scoped3A_206 = tpu.sem_alloc : memref<!tpu.dma_semaphore, #tpu.memory_space<semaphore_mem>>
        %dma_start3A_207 = arith.constant 0 : i32
        %dma_start3A_208 = arith.constant 0 : i32
        %dma_start3A_209 = tpu.memref_slice %arg11[%run_scoped3A, %dma_start3A_207, %dma_start3A_208] : memref<2x80x128xf32, #tpu.memory_space<vmem>> -> memref<1x80x128xf32, #tpu.memory_space<vmem>>
        %dma_start3A_210 = tpu.memref_squeeze %dma_start3A_209 : memref<1x80x128xf32, #tpu.memory_space<vmem>> -> memref<80x128xf32, #tpu.memory_space<vmem>>
        %dma_start3A_211 = arith.constant 0 : i32
        %dma_start3A_212 = tpu.memref_slice %arg7[%mul3A_201, %dma_start3A_211] : memref<10000x128xf32, #tpu.memory_space<vmem_shared>> -> memref<80x128xf32, #tpu.memory_space<vmem_shared>>
        %dma_start3A_213 = arith.constant 0 : i32
        %dma_start3A_214 = arith.constant 0 : i32
        %dma_start3A_215 = tpu.memref_slice %arg11[%run_scoped3A, %dma_start3A_213, %dma_start3A_214] : memref<2x80x128xf32, #tpu.memory_space<vmem>> -> memref<1x80x128xf32, #tpu.memory_space<vmem>>
        %dma_start3A_216 = tpu.memref_squeeze %dma_start3A_215 : memref<1x80x128xf32, #tpu.memory_space<vmem>> -> memref<80x128xf32, #tpu.memory_space<vmem>>
        %dma_start3A_217 = arith.constant 0 : i32
        %dma_start3A_218 = tpu.memref_slice %arg7[%mul3A_201, %dma_start3A_217] : memref<10000x128xf32, #tpu.memory_space<vmem_shared>> -> memref<80x128xf32, #tpu.memory_space<vmem_shared>>
        tpu.enqueue_dma source(%dma_start3A_218 : memref<80x128xf32, #tpu.memory_space<vmem_shared>>) target(%dma_start3A_216 : memref<80x128xf32, #tpu.memory_space<vmem>>) target_semaphore(%run_scoped3A_206 : memref<!tpu.dma_semaphore, #tpu.memory_space<semaphore_mem>>)
        %dma_wait3A_219 = arith.constant 0 : i32
        %dma_wait3A_220 = arith.constant 0 : i32
        %dma_wait3A_221 = tpu.memref_slice %arg11[%run_scoped3A, %dma_wait3A_219, %dma_wait3A_220] : memref<2x80x128xf32, #tpu.memory_space<vmem>> -> memref<1x80x128xf32, #tpu.memory_space<vmem>>
        %dma_wait3A_222 = tpu.memref_squeeze %dma_wait3A_221 : memref<1x80x128xf32, #tpu.memory_space<vmem>> -> memref<80x128xf32, #tpu.memory_space<vmem>>
        %dma_wait3A_223 = arith.constant 0 : i32
        %dma_wait3A_224 = tpu.memref_slice %arg7[%mul3A_201, %dma_wait3A_223] : memref<10000x128xf32, #tpu.memory_space<vmem_shared>> -> memref<80x128xf32, #tpu.memory_space<vmem_shared>>
        %dma_wait3A_225 = arith.constant 0 : i32
        %dma_wait3A_226 = arith.constant 0 : i32
        %dma_wait3A_227 = tpu.memref_slice %arg11[%run_scoped3A, %dma_wait3A_225, %dma_wait3A_226] : memref<2x80x128xf32, #tpu.memory_space<vmem>> -> memref<1x80x128xf32, #tpu.memory_space<vmem>>
        %dma_wait3A_228 = tpu.memref_squeeze %dma_wait3A_227 : memref<1x80x128xf32, #tpu.memory_space<vmem>> -> memref<80x128xf32, #tpu.memory_space<vmem>>
        %dma_wait3A_229 = arith.constant 0 : i32
        %dma_wait3A_230 = tpu.memref_slice %arg7[%mul3A_201, %dma_wait3A_229] : memref<10000x128xf32, #tpu.memory_space<vmem_shared>> -> memref<80x128xf32, #tpu.memory_space<vmem_shared>>
        tpu.wait_dma2 semaphore(%run_scoped3A_206 : memref<!tpu.dma_semaphore, #tpu.memory_space<semaphore_mem>>) src(%dma_wait3A_230 : memref<80x128xf32, #tpu.memory_space<vmem_shared>>) dst(%dma_wait3A_228 : memref<80x128xf32, #tpu.memory_space<vmem>>)
        tpu.yield
      }) : () -> ()
      %mul3A_202 = arith.constant 80 : i32
      %mul3A_203 = arith.muli %add3A_187, %mul3A_202 : i32
      %add3A_204 = arith.addi %mul3A_143, %mul3A_203 : i32
      %run_scoped3A_205 = arith.constant 0 : i32
      "tpu.region"() ({
        %run_scoped3A_206 = tpu.sem_alloc : memref<!tpu.dma_semaphore, #tpu.memory_space<semaphore_mem>>
        %dma_start3A_207 = arith.constant 0 : i32
        %dma_start3A_208 = arith.constant 0 : i32
        %dma_start3A_209 = tpu.memref_slice %arg11[%run_scoped3A_205, %dma_start3A_207, %dma_start3A_208] : memref<2x80x128xf32, #tpu.memory_space<vmem>> -> memref<1x80x128xf32, #tpu.memory_space<vmem>>
        %dma_start3A_210 = tpu.memref_squeeze %dma_start3A_209 : memref<1x80x128xf32, #tpu.memory_space<vmem>> -> memref<80x128xf32, #tpu.memory_space<vmem>>
        %dma_start3A_211 = arith.constant 0 : i32
        %dma_start3A_212 = tpu.memref_slice %arg6[%add3A_204, %dma_start3A_211] : memref<20000x128xf32, #tpu.memory_space<hbm>> -> memref<80x128xf32, #tpu.memory_space<hbm>>
        %dma_start3A_213 = arith.constant 0 : i32
        %dma_start3A_214 = tpu.memref_slice %arg6[%add3A_204, %dma_start3A_213] : memref<20000x128xf32, #tpu.memory_space<hbm>> -> memref<80x128xf32, #tpu.memory_space<hbm>>
        %dma_start3A_215 = arith.constant 0 : i32
        %dma_start3A_216 = arith.constant 0 : i32
        %dma_start3A_217 = tpu.memref_slice %arg11[%run_scoped3A_205, %dma_start3A_215, %dma_start3A_216] : memref<2x80x128xf32, #tpu.memory_space<vmem>> -> memref<1x80x128xf32, #tpu.memory_space<vmem>>
        %dma_start3A_218 = tpu.memref_squeeze %dma_start3A_217 : memref<1x80x128xf32, #tpu.memory_space<vmem>> -> memref<80x128xf32, #tpu.memory_space<vmem>>
        tpu.enqueue_dma source(%dma_start3A_218 : memref<80x128xf32, #tpu.memory_space<vmem>>) target(%dma_start3A_214 : memref<80x128xf32, #tpu.memory_space<hbm>>) target_semaphore(%run_scoped3A_206 : memref<!tpu.dma_semaphore, #tpu.memory_space<semaphore_mem>>)
        %dma_wait3A_219 = arith.constant 0 : i32
        %dma_wait3A_220 = arith.constant 0 : i32
        %dma_wait3A_221 = tpu.memref_slice %arg11[%run_scoped3A_205, %dma_wait3A_219, %dma_wait3A_220] : memref<2x80x128xf32, #tpu.memory_space<vmem>> -> memref<1x80x128xf32, #tpu.memory_space<vmem>>
        %dma_wait3A_222 = tpu.memref_squeeze %dma_wait3A_221 : memref<1x80x128xf32, #tpu.memory_space<vmem>> -> memref<80x128xf32, #tpu.memory_space<vmem>>
        %dma_wait3A_223 = arith.constant 0 : i32
        %dma_wait3A_224 = tpu.memref_slice %arg6[%add3A_204, %dma_wait3A_223] : memref<20000x128xf32, #tpu.memory_space<hbm>> -> memref<80x128xf32, #tpu.memory_space<hbm>>
        %dma_wait3A_225 = arith.constant 0 : i32
        %dma_wait3A_226 = tpu.memref_slice %arg6[%add3A_204, %dma_wait3A_225] : memref<20000x128xf32, #tpu.memory_space<hbm>> -> memref<80x128xf32, #tpu.memory_space<hbm>>
        %dma_wait3A_227 = arith.constant 0 : i32
        %dma_wait3A_228 = arith.constant 0 : i32
        %dma_wait3A_229 = tpu.memref_slice %arg11[%run_scoped3A_205, %dma_wait3A_227, %dma_wait3A_228] : memref<2x80x128xf32, #tpu.memory_space<vmem>> -> memref<1x80x128xf32, #tpu.memory_space<vmem>>
        %dma_wait3A_230 = tpu.memref_squeeze %dma_wait3A_229 : memref<1x80x128xf32, #tpu.memory_space<vmem>> -> memref<80x128xf32, #tpu.memory_space<vmem>>
        tpu.wait_dma2 semaphore(%run_scoped3A_206 : memref<!tpu.dma_semaphore, #tpu.memory_space<semaphore_mem>>) src(%dma_wait3A_230 : memref<80x128xf32, #tpu.memory_space<vmem>>) dst(%dma_wait3A_226 : memref<80x128xf32, #tpu.memory_space<hbm>>)
        tpu.yield
      }) : () -> ()
    } else {
    }
    %add3A_193 = arith.constant 112 : i32
    %add3A_194 = arith.addi %add3A_193, %arg1 : i32
    %lt3A_195 = arith.constant 125 : i32
    %lt3A_196 = arith.cmpi slt, %add3A_194, %lt3A_195 : i32
    %convert_element_type3A_197 = arith.extui %lt3A_196 : i1 to i32
    %cond3A_198 = arith.constant 0 : i32
    %cond3A_199 = arith.cmpi ne, %convert_element_type3A_197, %cond3A_198 : i32
    scf.if %cond3A_199 {
      %mul3A_200 = arith.constant 80 : i32
      %mul3A_201 = arith.muli %add3A_194, %mul3A_200 : i32
      %run_scoped3A = arith.constant 0 : i32
      "tpu.region"() ({
        %run_scoped3A_206 = tpu.sem_alloc : memref<!tpu.dma_semaphore, #tpu.memory_space<semaphore_mem>>
        %dma_start3A_207 = arith.constant 0 : i32
        %dma_start3A_208 = arith.constant 0 : i32
        %dma_start3A_209 = tpu.memref_slice %arg11[%run_scoped3A, %dma_start3A_207, %dma_start3A_208] : memref<2x80x128xf32, #tpu.memory_space<vmem>> -> memref<1x80x128xf32, #tpu.memory_space<vmem>>
        %dma_start3A_210 = tpu.memref_squeeze %dma_start3A_209 : memref<1x80x128xf32, #tpu.memory_space<vmem>> -> memref<80x128xf32, #tpu.memory_space<vmem>>
        %dma_start3A_211 = arith.constant 0 : i32
        %dma_start3A_212 = tpu.memref_slice %arg7[%mul3A_201, %dma_start3A_211] : memref<10000x128xf32, #tpu.memory_space<vmem_shared>> -> memref<80x128xf32, #tpu.memory_space<vmem_shared>>
        %dma_start3A_213 = arith.constant 0 : i32
        %dma_start3A_214 = arith.constant 0 : i32
        %dma_start3A_215 = tpu.memref_slice %arg11[%run_scoped3A, %dma_start3A_213, %dma_start3A_214] : memref<2x80x128xf32, #tpu.memory_space<vmem>> -> memref<1x80x128xf32, #tpu.memory_space<vmem>>
        %dma_start3A_216 = tpu.memref_squeeze %dma_start3A_215 : memref<1x80x128xf32, #tpu.memory_space<vmem>> -> memref<80x128xf32, #tpu.memory_space<vmem>>
        %dma_start3A_217 = arith.constant 0 : i32
        %dma_start3A_218 = tpu.memref_slice %arg7[%mul3A_201, %dma_start3A_217] : memref<10000x128xf32, #tpu.memory_space<vmem_shared>> -> memref<80x128xf32, #tpu.memory_space<vmem_shared>>
        tpu.enqueue_dma source(%dma_start3A_218 : memref<80x128xf32, #tpu.memory_space<vmem_shared>>) target(%dma_start3A_216 : memref<80x128xf32, #tpu.memory_space<vmem>>) target_semaphore(%run_scoped3A_206 : memref<!tpu.dma_semaphore, #tpu.memory_space<semaphore_mem>>)
        %dma_wait3A_219 = arith.constant 0 : i32
        %dma_wait3A_220 = arith.constant 0 : i32
        %dma_wait3A_221 = tpu.memref_slice %arg11[%run_scoped3A, %dma_wait3A_219, %dma_wait3A_220] : memref<2x80x128xf32, #tpu.memory_space<vmem>> -> memref<1x80x128xf32, #tpu.memory_space<vmem>>
        %dma_wait3A_222 = tpu.memref_squeeze %dma_wait3A_221 : memref<1x80x128xf32, #tpu.memory_space<vmem>> -> memref<80x128xf32, #tpu.memory_space<vmem>>
        %dma_wait3A_223 = arith.constant 0 : i32
        %dma_wait3A_224 = tpu.memref_slice %arg7[%mul3A_201, %dma_wait3A_223] : memref<10000x128xf32, #tpu.memory_space<vmem_shared>> -> memref<80x128xf32, #tpu.memory_space<vmem_shared>>
        %dma_wait3A_225 = arith.constant 0 : i32
        %dma_wait3A_226 = arith.constant 0 : i32
        %dma_wait3A_227 = tpu.memref_slice %arg11[%run_scoped3A, %dma_wait3A_225, %dma_wait3A_226] : memref<2x80x128xf32, #tpu.memory_space<vmem>> -> memref<1x80x128xf32, #tpu.memory_space<vmem>>
        %dma_wait3A_228 = tpu.memref_squeeze %dma_wait3A_227 : memref<1x80x128xf32, #tpu.memory_space<vmem>> -> memref<80x128xf32, #tpu.memory_space<vmem>>
        %dma_wait3A_229 = arith.constant 0 : i32
        %dma_wait3A_230 = tpu.memref_slice %arg7[%mul3A_201, %dma_wait3A_229] : memref<10000x128xf32, #tpu.memory_space<vmem_shared>> -> memref<80x128xf32, #tpu.memory_space<vmem_shared>>
        tpu.wait_dma2 semaphore(%run_scoped3A_206 : memref<!tpu.dma_semaphore, #tpu.memory_space<semaphore_mem>>) src(%dma_wait3A_230 : memref<80x128xf32, #tpu.memory_space<vmem_shared>>) dst(%dma_wait3A_228 : memref<80x128xf32, #tpu.memory_space<vmem>>)
        tpu.yield
      }) : () -> ()
      %mul3A_202 = arith.constant 80 : i32
      %mul3A_203 = arith.muli %add3A_194, %mul3A_202 : i32
      %add3A_204 = arith.addi %mul3A_143, %mul3A_203 : i32
      %run_scoped3A_205 = arith.constant 0 : i32
      "tpu.region"() ({
        %run_scoped3A_206 = tpu.sem_alloc : memref<!tpu.dma_semaphore, #tpu.memory_space<semaphore_mem>>
        %dma_start3A_207 = arith.constant 0 : i32
        %dma_start3A_208 = arith.constant 0 : i32
        %dma_start3A_209 = tpu.memref_slice %arg11[%run_scoped3A_205, %dma_start3A_207, %dma_start3A_208] : memref<2x80x128xf32, #tpu.memory_space<vmem>> -> memref<1x80x128xf32, #tpu.memory_space<vmem>>
        %dma_start3A_210 = tpu.memref_squeeze %dma_start3A_209 : memref<1x80x128xf32, #tpu.memory_space<vmem>> -> memref<80x128xf32, #tpu.memory_space<vmem>>
        %dma_start3A_211 = arith.constant 0 : i32
        %dma_start3A_212 = tpu.memref_slice %arg6[%add3A_204, %dma_start3A_211] : memref<20000x128xf32, #tpu.memory_space<hbm>> -> memref<80x128xf32, #tpu.memory_space<hbm>>
        %dma_start3A_213 = arith.constant 0 : i32
        %dma_start3A_214 = tpu.memref_slice %arg6[%add3A_204, %dma_start3A_213] : memref<20000x128xf32, #tpu.memory_space<hbm>> -> memref<80x128xf32, #tpu.memory_space<hbm>>
        %dma_start3A_215 = arith.constant 0 : i32
        %dma_start3A_216 = arith.constant 0 : i32
        %dma_start3A_217 = tpu.memref_slice %arg11[%run_scoped3A_205, %dma_start3A_215, %dma_start3A_216] : memref<2x80x128xf32, #tpu.memory_space<vmem>> -> memref<1x80x128xf32, #tpu.memory_space<vmem>>
        %dma_start3A_218 = tpu.memref_squeeze %dma_start3A_217 : memref<1x80x128xf32, #tpu.memory_space<vmem>> -> memref<80x128xf32, #tpu.memory_space<vmem>>
        tpu.enqueue_dma source(%dma_start3A_218 : memref<80x128xf32, #tpu.memory_space<vmem>>) target(%dma_start3A_214 : memref<80x128xf32, #tpu.memory_space<hbm>>) target_semaphore(%run_scoped3A_206 : memref<!tpu.dma_semaphore, #tpu.memory_space<semaphore_mem>>)
        %dma_wait3A_219 = arith.constant 0 : i32
        %dma_wait3A_220 = arith.constant 0 : i32
        %dma_wait3A_221 = tpu.memref_slice %arg11[%run_scoped3A_205, %dma_wait3A_219, %dma_wait3A_220] : memref<2x80x128xf32, #tpu.memory_space<vmem>> -> memref<1x80x128xf32, #tpu.memory_space<vmem>>
        %dma_wait3A_222 = tpu.memref_squeeze %dma_wait3A_221 : memref<1x80x128xf32, #tpu.memory_space<vmem>> -> memref<80x128xf32, #tpu.memory_space<vmem>>
        %dma_wait3A_223 = arith.constant 0 : i32
        %dma_wait3A_224 = tpu.memref_slice %arg6[%add3A_204, %dma_wait3A_223] : memref<20000x128xf32, #tpu.memory_space<hbm>> -> memref<80x128xf32, #tpu.memory_space<hbm>>
        %dma_wait3A_225 = arith.constant 0 : i32
        %dma_wait3A_226 = tpu.memref_slice %arg6[%add3A_204, %dma_wait3A_225] : memref<20000x128xf32, #tpu.memory_space<hbm>> -> memref<80x128xf32, #tpu.memory_space<hbm>>
        %dma_wait3A_227 = arith.constant 0 : i32
        %dma_wait3A_228 = arith.constant 0 : i32
        %dma_wait3A_229 = tpu.memref_slice %arg11[%run_scoped3A_205, %dma_wait3A_227, %dma_wait3A_228] : memref<2x80x128xf32, #tpu.memory_space<vmem>> -> memref<1x80x128xf32, #tpu.memory_space<vmem>>
        %dma_wait3A_230 = tpu.memref_squeeze %dma_wait3A_229 : memref<1x80x128xf32, #tpu.memory_space<vmem>> -> memref<80x128xf32, #tpu.memory_space<vmem>>
        tpu.wait_dma2 semaphore(%run_scoped3A_206 : memref<!tpu.dma_semaphore, #tpu.memory_space<semaphore_mem>>) src(%dma_wait3A_230 : memref<80x128xf32, #tpu.memory_space<vmem>>) dst(%dma_wait3A_226 : memref<80x128xf32, #tpu.memory_space<hbm>>)
        tpu.yield
      }) : () -> ()
    } else {
    }
    return
  }
}

module attributes {stable_mosaic.version = 14 : i64} {
  func.func @_mm_body(%arg0: i32, %arg1: memref<1000x128xf32, #tpu.memory_space<vmem>>, %arg2: memref<128x128xf32, #tpu.memory_space<vmem>>, %arg3: memref<1000x128xf32, #tpu.memory_space<vmem>>) attributes {dimension_semantics = [#tpu.dimension_semantics<arbitrary>], iteration_bounds = array<i64: 10>, scalar_prefetch = 0 : i64, scratch_operands = 0 : i64, tpu.core_type = #tpu.core_type<tc>, window_params = [{transform_indices = @transform_0, window_bounds = array<i64: 1000, 128>}, {pipeline_mode = #tpu.pipeline_mode<synchronous>, transform_indices = @transform_1, window_bounds = array<i64: 128, 128>}, {transform_indices = @transform_2, window_bounds = array<i64: 1000, 128>}]} {
    %get3A = arith.constant 0 : index
    %get3A_0 = arith.constant 0 : index
    %get3A_1 = vector.load %arg1[%get3A, %get3A_0] : memref<1000x128xf32, #tpu.memory_space<vmem>>, vector<1000x128xf32>
    %get3A_2 = arith.constant 0 : index
    %get3A_3 = arith.constant 0 : index
    %get3A_4 = vector.load %arg2[%get3A_2, %get3A_3] : memref<128x128xf32, #tpu.memory_space<vmem>>, vector<128x128xf32>
    %dot_general3A = arith.constant dense<0.000000e+00> : vector<1000x128xf32>
    %dot_general3A_5 = tpu.matmul %get3A_1, %get3A_4, %dot_general3A {dimension_numbers = #tpu.dot_dimension_numbers<[1], [0], [0], [1], [0, 0, 1, 1], [], []>, transpose_lhs_hint = false} : vector<1000x128xf32>, vector<128x128xf32>, vector<1000x128xf32> -> vector<1000x128xf32>
    %swap3A = arith.constant 0 : index
    %swap3A_6 = arith.constant 0 : index
    %swap3A_7 = vector.load %arg3[%swap3A, %swap3A_6] : memref<1000x128xf32, #tpu.memory_space<vmem>>, vector<1000x128xf32>
    tpu.vector_store %arg3[%swap3A, %swap3A_6], %dot_general3A_5 {strides = array<i32>} : memref<1000x128xf32, #tpu.memory_space<vmem>>, vector<1000x128xf32>,
    return
  }
  func.func @transform_0(%arg0: i32) -> (i32, i32) {
    %c0_i32 = arith.constant 0 : i32
    %c0_i32_0 = arith.constant 0 : i32
    return %arg0, %c0_i32 : i32, i32
  }
  func.func @transform_1(%arg0: i32) -> (i32, i32) {
    %c0_i32 = arith.constant 0 : i32
    %c0_i32_0 = arith.constant 0 : i32
    %c0_i32_1 = arith.constant 0 : i32
    return %c0_i32, %c0_i32_0 : i32, i32
  }
  func.func @transform_2(%arg0: i32) -> (i32, i32) {
    %c0_i32 = arith.constant 0 : i32
    %c0_i32_0 = arith.constant 0 : i32
    return %arg0, %c0_i32 : i32, i32
  }
}

module attributes {stable_mosaic.version = 14 : i64} {
  func.func @_ps_body(%arg0: i32, %arg1: memref<1000x128xf32, #tpu.memory_space<vmem>>, %arg2: memref<2x1000x1xf32, #tpu.memory_space<vmem>>, %arg3: memref<1000x128xf32, #tpu.memory_space<vmem>>, %arg4: memref<1000x1xf32, #tpu.memory_space<vmem>>) attributes {dimension_semantics = [#tpu.dimension_semantics<arbitrary>], iteration_bounds = array<i64: 10>, scalar_prefetch = 0 : i64, scratch_operands = 0 : i64, tpu.core_type = #tpu.core_type<tc>, window_params = [{transform_indices = @transform_0, window_bounds = array<i64: 1000, 128>}, {transform_indices = @transform_1, window_bounds = array<i64: 2, 1000, 1>}, {transform_indices = @transform_2, window_bounds = array<i64: 1000, 128>}, {transform_indices = @transform_3, window_bounds = array<i64: 1000, 1>}]} {
    %get3A = arith.constant 0 : index
    %get3A_0 = arith.constant 0 : index
    %get3A_1 = arith.constant 0 : index
    %get3A_2 = vector.load %arg2[%get3A, %get3A_0, %get3A_1] : memref<2x1000x1xf32, #tpu.memory_space<vmem>>, vector<1x1000x1xf32>
    %get3A_3 = vector.shape_cast %get3A_2 : vector<1x1000x1xf32> to vector<1000x1xf32>
    %get3A_4 = arith.constant 1 : index
    %get3A_5 = arith.constant 0 : index
    %get3A_6 = arith.constant 0 : index
    %get3A_7 = vector.load %arg2[%get3A_4, %get3A_5, %get3A_6] : memref<2x1000x1xf32, #tpu.memory_space<vmem>>, vector<1x1000x1xf32>
    %get3A_8 = vector.shape_cast %get3A_7 : vector<1x1000x1xf32> to vector<1000x1xf32>
    %add3A = arith.addf %get3A_3, %get3A_8 : vector<1000x1xf32>
    %add3A_9 = arith.constant 1.000000e+00 : f32
    %add3A_10 = vector.broadcast %add3A_9 : f32 to vector<1000x1xf32>
    %add3A_11 = arith.addf %add3A, %add3A_10 : vector<1000x1xf32>
    %rsqrt3A = math.rsqrt %add3A_11 : vector<1000x1xf32>
    %get3A_12 = arith.constant 0 : index
    %get3A_13 = arith.constant 0 : index
    %get3A_14 = vector.load %arg1[%get3A_12, %get3A_13] : memref<1000x128xf32, #tpu.memory_space<vmem>>, vector<1000x128xf32>
    %mul3A = vector.broadcast %rsqrt3A : vector<1000x1xf32> to vector<1000x128xf32>
    %mul3A_15 = arith.mulf %mul3A, %get3A_14 : vector<1000x128xf32>
    %swap3A = arith.constant 0 : index
    %swap3A_16 = arith.constant 0 : index
    %swap3A_17 = vector.load %arg3[%swap3A, %swap3A_16] : memref<1000x128xf32, #tpu.memory_space<vmem>>, vector<1000x128xf32>
    tpu.vector_store %arg3[%swap3A, %swap3A_16], %mul3A_15 {strides = array<i32>} : memref<1000x128xf32, #tpu.memory_space<vmem>>, vector<1000x128xf32>,
    %swap3A_18 = arith.constant 0 : index
    %swap3A_19 = arith.constant 0 : index
    %swap3A_20 = vector.load %arg4[%swap3A_18, %swap3A_19] : memref<1000x1xf32, #tpu.memory_space<vmem>>, vector<1000x1xf32>
    tpu.vector_store %arg4[%swap3A_18, %swap3A_19], %rsqrt3A {strides = array<i32>} : memref<1000x1xf32, #tpu.memory_space<vmem>>, vector<1000x1xf32>,
    return
  }
  func.func @transform_0(%arg0: i32) -> (i32, i32) {
    %c0_i32 = arith.constant 0 : i32
    %c0_i32_0 = arith.constant 0 : i32
    return %arg0, %c0_i32 : i32, i32
  }
  func.func @transform_1(%arg0: i32) -> (i32, i32, i32) {
    %c0_i32 = arith.constant 0 : i32
    %c0_i32_0 = arith.constant 0 : i32
    %c0_i32_1 = arith.constant 0 : i32
    return %c0_i32, %arg0, %c0_i32_0 : i32, i32, i32
  }
  func.func @transform_2(%arg0: i32) -> (i32, i32) {
    %c0_i32 = arith.constant 0 : i32
    %c0_i32_0 = arith.constant 0 : i32
    return %arg0, %c0_i32 : i32, i32
  }
  func.func @transform_3(%arg0: i32) -> (i32, i32) {
    %c0_i32 = arith.constant 0 : i32
    %c0_i32_0 = arith.constant 0 : i32
    return %arg0, %c0_i32 : i32, i32
  }
}

module attributes {stable_mosaic.version = 14 : i64} {
  func.func @_fin_body(%arg0: i32, %arg1: memref<1000x128xf32, #tpu.memory_space<vmem>>, %arg2: memref<1000x128xf32, #tpu.memory_space<vmem>>, %arg3: memref<1000x128xf32, #tpu.memory_space<vmem>>, %arg4: memref<1000x1xf32, #tpu.memory_space<vmem>>, %arg5: memref<1x128xf32, #tpu.memory_space<vmem>>, %arg6: memref<1000x128xf32, #tpu.memory_space<vmem>>) attributes {dimension_semantics = [#tpu.dimension_semantics<arbitrary>], iteration_bounds = array<i64: 10>, scalar_prefetch = 0 : i64, scratch_operands = 0 : i64, tpu.core_type = #tpu.core_type<tc>, window_params = [{transform_indices = @transform_0, window_bounds = array<i64: 1000, 128>}, {transform_indices = @transform_1, window_bounds = array<i64: 1000, 128>}, {transform_indices = @transform_2, window_bounds = array<i64: 1000, 128>}, {transform_indices = @transform_3, window_bounds = array<i64: 1000, 1>}, {pipeline_mode = #tpu.pipeline_mode<synchronous>, transform_indices = @transform_4, window_bounds = array<i64: 1, 128>}, {transform_indices = @transform_5, window_bounds = array<i64: 1000, 128>}]} {
    %get3A = arith.constant 0 : index
    %get3A_0 = arith.constant 0 : index
    %get3A_1 = vector.load %arg4[%get3A, %get3A_0] : memref<1000x1xf32, #tpu.memory_space<vmem>>, vector<1000x1xf32>
    %get3A_2 = arith.constant 0 : index
    %get3A_3 = arith.constant 0 : index
    %get3A_4 = vector.load %arg1[%get3A_2, %get3A_3] : memref<1000x128xf32, #tpu.memory_space<vmem>>, vector<1000x128xf32>
    %get3A_5 = arith.constant 0 : index
    %get3A_6 = arith.constant 0 : index
    %get3A_7 = vector.load %arg2[%get3A_5, %get3A_6] : memref<1000x128xf32, #tpu.memory_space<vmem>>, vector<1000x128xf32>
    %add3A = arith.addf %get3A_4, %get3A_7 : vector<1000x128xf32>
    %get3A_8 = arith.constant 0 : index
    %get3A_9 = arith.constant 0 : index
    %get3A_10 = vector.load %arg3[%get3A_8, %get3A_9] : memref<1000x128xf32, #tpu.memory_space<vmem>>, vector<1000x128xf32>
    %add3A_11 = arith.addf %add3A, %get3A_10 : vector<1000x128xf32>
    %mul3A = vector.broadcast %get3A_1 : vector<1000x1xf32> to vector<1000x128xf32>
    %mul3A_12 = arith.mulf %mul3A, %add3A_11 : vector<1000x128xf32>
    %get3A_13 = arith.constant 0 : index
    %get3A_14 = arith.constant 0 : index
    %get3A_15 = vector.load %arg5[%get3A_13, %get3A_14] : memref<1x128xf32, #tpu.memory_space<vmem>>, vector<1x128xf32>
    %add3A_16 = vector.broadcast %get3A_15 : vector<1x128xf32> to vector<1000x128xf32>
    %add3A_17 = arith.addf %mul3A_12, %add3A_16 : vector<1000x128xf32>
    %swap3A = arith.constant 0 : index
    %swap3A_18 = arith.constant 0 : index
    %swap3A_19 = vector.load %arg6[%swap3A, %swap3A_18] : memref<1000x128xf32, #tpu.memory_space<vmem>>, vector<1000x128xf32>
    tpu.vector_store %arg6[%swap3A, %swap3A_18], %add3A_17 {strides = array<i32>} : memref<1000x128xf32, #tpu.memory_space<vmem>>, vector<1000x128xf32>,
    return
  }
  func.func @transform_0(%arg0: i32) -> (i32, i32) {
    %c0_i32 = arith.constant 0 : i32
    %c0_i32_0 = arith.constant 0 : i32
    return %arg0, %c0_i32 : i32, i32
  }
  func.func @transform_1(%arg0: i32) -> (i32, i32) {
    %add3A = arith.constant 10 : i32
    %add3A_0 = arith.addi %arg0, %add3A : i32
    %c0_i32 = arith.constant 0 : i32
    %c0_i32_1 = arith.constant 0 : i32
    return %add3A_0, %c0_i32 : i32, i32
  }
  func.func @transform_2(%arg0: i32) -> (i32, i32) {
    %c0_i32 = arith.constant 0 : i32
    %c0_i32_0 = arith.constant 0 : i32
    return %arg0, %c0_i32 : i32, i32
  }
  func.func @transform_3(%arg0: i32) -> (i32, i32) {
    %c0_i32 = arith.constant 0 : i32
    %c0_i32_0 = arith.constant 0 : i32
    return %arg0, %c0_i32 : i32, i32
  }
  func.func @transform_4(%arg0: i32) -> (i32, i32) {
    %c0_i32 = arith.constant 0 : i32
    %c0_i32_0 = arith.constant 0 : i32
    %c0_i32_1 = arith.constant 0 : i32
    return %c0_i32, %c0_i32_0 : i32, i32
  }
  func.func @transform_5(%arg0: i32) -> (i32, i32) {
    %c0_i32 = arith.constant 0 : i32
    %c0_i32_0 = arith.constant 0 : i32
    return %arg0, %c0_i32 : i32, i32
  }
}

</mosaic_0001>

<sc_bundles>
// kernel: kernel.10.cloned.1.call-start
scs
__scs_entry_jumppad:
0x0: {  	(pc) =	sbr.rel $0x88, $3  }
0x1: {  	(tag) =	ssettag $0x0;
	lr =	simm.s32 $0x1  }
0x2: {  	[smem:$0x3F9C] =	sst lr;
	_ =	strace $0xD0000000  }
0x3: {  	_ = 	snop  }
0x4: {  	_ = 	snop  }
0x5: {  	_ = 	snop  }
0x6: {  	_ = 	snop  }
0x7: {  	_ = 	snop  }
__scs_overlays_trampoline_lowered:
0x8: {  	[smem:$0x3FAB] =	sst s0  }
0x9: {  	[smem:$0x3FAC] =	sst s1  }
0xa: {  	[smem:$0x3FAD] =	sst s2  }
0xb: {  	[smem:$0x3FAE] =	sst s3  }
0xc: {  	[smem:$0x3FAF] =	sst s4  }
0xd: {  	[smem:$0x3FB0] =	sst s5  }
0xe: {  	[smem:$0x3FB1] =	sst s6  }
0xf: {  	[smem:$0x3FB2] =	sst s7  }
0x10: {  	[smem:$0x3FB3] =	sst s8  }
0x11: {  	[smem:$0x3FB4] =	sst s9;
	s0 =	simm.s32 @!p0 $0x0  }
0x12: {  	s1 =	sld [smem:$0x3F9A];
	s0 =	simm.s32 @p0 $0x1  }
0x13: {  	[smem:$0x3FB5] =	sst s0;
	s0 =	simm.s32 @!p1 $0x0  }
0x14: {  	s2 =	sld [smem:$0x3F99];
	s0 =	simm.s32 @p1 $0x1  }
0x15: {  	[smem:$0x3FB6] =	sst s0;
	s0 =	simm.s32 @!p2 $0x0  }
0x16: {  	s3 =	sld [smem:$0x3FDB];
	s0 =	simm.s32 @p2 $0x1  }
0x17: {  	s4 =	simm.s32 $0x1BF5;
	[smem:$0x3FB8] =	sst s0  }
0x18: {  	s0 =	sld [smem:$0x3F9B];
	_ =	swait.ge [sflag:s4], $0x0  }
0x19: {  	s7 =	sld [smem:$0x3F9C]  }
0x1a: {  	s8 =	sadd.s32 $0xFFFFE003, lr  }
0x1b: {  	s9 =	sadd.s32 $0xFFFFFEF7, lr;
	s5 =	simm.s32 $0xFFFFFFFF;
	p2 =	slt.u32 s8, $0xFFFFF086  }
0x1c: {  	p1 =	slt.u32 s9, $0xF7A;
	s5 =	simm.s32 @!p2 $0x0  }
0x1d: {  	s5 =	simm.s32 @p1 $0x1;
	p0 =	seq.s32 s7, s2  }
0x1e: {  	s7 =	smul.u32 @!p0 $0xF7A, s2;
	p2 =	seq.s32 @!p0 s5, $0x0  }
0x1f: {  	s9 =	smul.u32 $0xF7A, s1;
	s8 =	simm.s32 @!p0 $0x1BF5;
	p2 =	por !p2, p0  }
0x20: {  	[sflag:s8] =	ssyncset.s32 @!p0 $0xFFFFF086;
	s6 =	sadd.s32 @!p0 s3, s7;
	s7 =	simm.s32 @!p0 $0x108  }
0x21: {  	s3 =	sadd.s32 s3, s9;
	s6 =	sadd.s32 @!p0 $0x88, s6;
	s7 =	simm.s32 @p2 $0x1082  }
0x22: {  	[simem:s7], [sflag:s8] =	dma.local @!p0 [hbm:s6], $0xF7A  }
0x23: {  	s9 =	sor.u32 $0xD0000000, s2;
	s6 =	simm.s32 $0x108;
	_ =	swait.ge @!p0 [sflag:s8], $0x0  }
0x24: {  	s3 =	sadd.s32 $0x88, s3;
	s6 =	simm.s32 @!p1 $0x1082;
	[sflag:s4] =	ssyncset.s32 $0xFFFFF086  }
0x25: {  	[simem:s6], [sflag:s4] =	dma.local [hbm:s3], $0xF7A  }
0x26: {  	[smem:$0x3F9C] =	sst s1;
	(tag) =	ssettag s2;
	_ =	strace s9  }
0x27: {  	s1 =	sld [smem:$0x3FAC]  }
0x28: {  	s2 =	sld [smem:$0x3FAD]  }
0x29: {  	s4 =	sld [smem:$0x3FAF]  }
0x2a: {  	p0 =	seq.s32 s5, $0x0;
	s5 =	sld [smem:$0x3FB0]  }
0x2b: {  	s6 =	sld [smem:$0x3FB1]  }
0x2c: {  	s7 =	sld [smem:$0x3FB2]  }
0x2d: {  	s3 =	simm.s32 $0x108;
	s8 =	sld [smem:$0x3FB3]  }
0x2e: {  	s3 =	simm.s32 @!p0 $0x1082;
	s9 =	sld [smem:$0x3FB4]  }
0x2f: {  	lr =	sadd.s32 s0, s3;
	s0 =	sld [smem:$0x3FAB]  }
0x30: {  	s3 =	sld [smem:$0x3FAE]  }
0x31: {  	[smem:$0x3FB7] =	sst s10  }
0x32: {  	s10 =	sld [smem:$0x3FB5];
	_ =	sdelay $0x3  }
0x33: {  	p0 =	seq.s32 s10, $0x1;
	s10 =	sld [smem:$0x3FB7];
	_ =	sdelay $0x3  }
0x34: {  	[smem:$0x3FB7] =	sst s10  }
0x35: {  	s10 =	sld [smem:$0x3FB6];
	_ =	sdelay $0x3  }
0x36: {  	p1 =	seq.s32 s10, $0x1;
	s10 =	sld [smem:$0x3FB7];
	_ =	sdelay $0x3  }
0x37: {  	[smem:$0x3FB7] =	sst s10  }
0x38: {  	s10 =	sld [smem:$0x3FB8]  }
0x39: {  	_ = 	snop;
	(pc) =	sbr.ind lr, $3  }
0x3a: {  	_ = 	snop  }
0x3b: {  	_ = 	snop  }
0x3c: {  	p2 =	seq.s32 s10, $0x1;
	s10 =	sld [smem:$0x3FB7]  }
0x3d: {  	_ =	shalt  }
0x3e: {  	_ =	shalt  }
0x3f: {  	_ =	shalt  }
0x40: {  	_ =	shalt  }
0x41: {  	_ =	shalt  }
0x42: {  	_ =	shalt  }
0x43: {  	_ =	shalt  }
0x44: {  	_ =	shalt  }
0x45: {  	_ =	shalt  }
0x46: {  	_ =	shalt  }
0x47: {  	_ =	shalt  }
0x48: {  	_ =	shalt  }
0x49: {  	_ =	shalt  }
0x4a: {  	_ =	shalt  }
0x4b: {  	_ =	shalt  }
0x4c: {  	_ =	shalt  }
0x4d: {  	_ =	shalt  }
0x4e: {  	_ =	shalt  }
0x4f: {  	_ =	shalt  }
0x50: {  	_ =	shalt  }
0x51: {  	_ =	shalt  }
0x52: {  	_ =	shalt  }
0x53: {  	_ =	shalt  }
0x54: {  	_ =	shalt  }
0x55: {  	_ =	shalt  }
0x56: {  	_ =	shalt  }
0x57: {  	_ =	shalt  }
0x58: {  	_ =	shalt  }
0x59: {  	_ =	shalt  }
0x5a: {  	_ =	shalt  }
0x5b: {  	_ =	shalt  }
0x5c: {  	_ =	shalt  }
0x5d: {  	_ =	shalt  }
0x5e: {  	_ =	shalt  }
0x5f: {  	_ =	shalt  }
0x60: {  	_ =	shalt  }
0x61: {  	_ =	shalt  }
0x62: {  	_ =	shalt  }
0x63: {  	_ =	shalt  }
0x64: {  	_ =	shalt  }
0x65: {  	_ =	shalt  }
0x66: {  	_ =	shalt  }
0x67: {  	_ =	shalt  }
0x68: {  	_ =	shalt  }
0x69: {  	_ =	shalt  }
0x6a: {  	_ =	shalt  }
0x6b: {  	_ =	shalt  }
0x6c: {  	_ =	shalt  }
0x6d: {  	_ =	shalt  }
0x6e: {  	_ =	shalt  }
0x6f: {  	_ =	shalt  }
0x70: {  	_ =	shalt  }
0x71: {  	_ =	shalt  }
0x72: {  	_ =	shalt  }
0x73: {  	_ =	shalt  }
0x74: {  	_ =	shalt  }
0x75: {  	_ =	shalt  }
0x76: {  	_ =	shalt  }
0x77: {  	_ =	shalt  }
0x78: {  	_ =	shalt  }
0x79: {  	_ =	shalt  }
0x7a: {  	_ =	shalt  }
0x7b: {  	_ =	shalt  }
0x7c: {  	_ =	shalt  }
0x7d: {  	_ =	shalt  }
0x7e: {  	_ =	shalt  }
0x7f: {  	_ =	shalt  }
0x80: {  	_ =	shalt  }
0x81: {  	_ =	shalt  }
0x82: {  	_ =	shalt  }
0x83: {  	_ =	shalt  }
0x84: {  	_ =	shalt  }
0x85: {  	_ =	shalt  }
0x86: {  	_ =	shalt  }
0x87: {  	_ =	shalt  }
.Lfunc_end0:
.L_simem_size_0:
called_computation.1_lowered:
.L_overlay_start_0:
0x88: {  	s2 =	sld [smem:$0x3FD9]  }
0x89: {  	s3 =	sld [smem:$0x3FFE];
	_ =	sdelay $0x1  }
0x8a: {  	s1 =	srdreg.scid  }
0x8b: {  	s0 =	sand.u32 $0x1, s1  }
0x8c: {  	s17 =	sshll.u32 s0, $0xA;
	s2 =	sadd.s32 s3, s2  }
0x8d: {  	s2 =	sadd.s32 s2, s17  }
0x8e: {  	[smem:$0x3FC3] =	sst s2  }
0x8f: {  	_ = 	snop  }
0x90: {  	s2 =	sld [smem:$0x3FC5]  }
0x91: {  	s18 =	sld [smem:$0x3FD0];
	(tm) =	ssettm $0x1  }
0x92: {  	s4 =	sld [smem:$0x3FFB];
	_ =	sdelay $0x3  }
0x93: {  	_ =	strace s4  }
0x94: {  	s4 =	sld [smem:$0x3FFC];
	_ =	sdelay $0x3  }
0x95: {  	_ =	strace s4  }
0x96: {  	s4 =	sld [smem:$0x3FFD];
	_ =	sdelay $0x3  }
0x97: {  	_ =	strace s4  }
0x98: {  	_ =	strace $0x8FFFFFFF  }
0x99: {  	s19 =	sld [smem:$0x3FDB];
	_ =	sdelay $0x1  }
0x9a: {  	s5 =	simm.s32 $_scs_section_size  }
0x9b: {  	s6 =	simm.s32 $_size__tile_overlayer_lowered;
	s7 =	simm.s32 $_tile_overlayer_lowered  }
0x9c: {  	s22 =	simm.s32 $0x1BFF;
	s21 =	sshll.u32 s7, $0x1;
	s4 =	sadd.s32 s5, s19  }
0x9d: {  	s8 =	simm.s32 $0x0;
	s20 =	sshll.u32 s6, $0x1;
	s6 =	sadd.s32 s21, s4  }
0x9e: {  	[timem:s8], [sflag:s22] =	dma.local [hbm:s6], s20  }
0x9f: {  	_ =	swait.ge [sflag:s22], s20  }
0xa0: {  	s5 =	ssub.s32 $0x0, s20;
	[sflag:s22] =	ssyncset.done $0x0  }
0xa1: {  	[sflag:s22] =	ssyncadd.s32 s5;
	_ =	sdelay $0x1  }
0xa2: {  	s23 =	simm.s32 $0x1B8B  }
0xa3: {  	_ =	swait.ge [sflag:s23], $0x1  }
0xa4: {  	[sflag:s23] =	ssyncset.done $0x0  }
0xa5: {  	s25 =	simm.s32 $0x1B8E;
	s24 =	sld [smem:$0x3FFE];
	[sflag:s23] =	ssyncadd.s32 $0xFFFFFFFF  }
0xa6: {  	s26 =	simm.s32 $execute0_lowered;
	[smem:$0x3FD2] =	sst s25  }
0xa7: {  	s6 =	sshll.u32 s26, $0x1;
	_ =	strace $0x80000049;
	[dreg:$0x1] =	wrdreg $0xFFFFFFFF  }
0xa8: {  	s28 =	simm.s32 $_size_execute0_lowered;
	s4 =	sadd.s32 s4, s6;
	[dreg:$0x0] =	wrdreg $0x0  }
0xa9: {  	s6 =	sshll.u32 s28, $0x1;
	[dreg:$0x2] =	wrdreg s4  }
0xaa: {  	[dreg:$0x3] =	wrdreg s6  }
0xab: {  	[dreg:$0x4] =	wrdreg $0xC0  }
0xac: {  	_ =	task [dreg:s8], $0x5FFFF  }
0xad: {  	[dreg:$0x1] =	wrdreg $0xFFFFFFFF  }
0xae: {  	[dreg:$0x0] =	wrdreg $0x60  }
0xaf: {  	[dreg:$0x2] =	wrdreg s18  }
0xb0: {  	[dreg:$0x3] =	wrdreg s24  }
0xb1: {  	[dreg:$0x4] =	wrdreg s2  }
0xb2: {  	[dreg:$0x5] =	wrdreg $0x0  }
0xb3: {  	[dreg:$0x6] =	wrdreg $0x9  }
0xb4: {  	_ =	task.clear_ibuf [dreg:s8], $0x7FFFF;
	_ =	strace $0x90000049  }
0xb5: {  	s29 =	simm.s32 $0x9;
	_ =	strace $0x8000004B  }
0xb6: {  	_ =	swait.ge [sflag:s29], $0x1  }
0xb7: {  	[sflag:s29] =	ssyncadd.s32 $0xFFFFFFFF  }
0xb8: {  	_ =	strace $0x9000004B  }
0xb9: {  	_ =	sfence  }
0xba: {  	s30 =	sld [smem:$0x0];
	_ =	sdelay $0x2  }
0xbb: {  	s31 =	sshll.u32 s1, $0xD;
	s1 =	sshrl.u32 s1, $0x2  }
0xbc: {  	s3 =	sand.u32 $0x4000, s31;
	s1 =	sadd.s32 s1, s30  }
0xbd: {  	s0 =	sor.u32 s3, s0;
	s1 =	sshll.u32 s1, $0x11  }
0xbe: {  	s0 =	sor.u32 s1, s0  }
0xbf: {  	s0 =	sadd.s32 $0x8F2B, s0  }
0xc0: {  	[sflag:s0] =	ssyncadd.remote.s32 $0x1  }
0xc1: {  	_ =	sfence.sel $0xFFFF  }
0xc2: {  	[dreg:$0x0] =	wrdreg $0xFFFFFFFF;
	(pc) =	sbr.abs _section_cstart, $3  }
0xc3: {  	[dreg:$0x1] =	wrdreg $0xFFFFFFFF  }
0xc4: {  	_ =	task.clear_ibuf [dreg:s8], $0x2FFFF;
	_ =	strace $0x9FFFFFFF  }
0xc5: {  	(tm) =	ssettm $0x7FFFFFFF  }
tec
execute0_lowered:
.L_overlay_start_1:
0x0: {  	(tag) =	ssettag $0x1  }
0x1: {  	s0 =	srdreg.scid;
	s26 =	stileid.u32  }
0x2: {  	s5 =	rddreg [dreg:$0x1];
	s6 =	smul.u32 $0xA000, s26  }
0x3: {  	s8 =	rddreg [dreg:$0x2];
	s7 =	sor.u32 $0x10, s26;
	s13 =	smul.u32 $0x50, s26  }
0x4: {  	s3 =	rddreg [dreg:$0x3];
	s10 =	sor.u32 $0x20, s26;
	s9 =	smul.u32 $0xA000, s7  }
0x5: {  	s4 =	simm.s32 $0x0;
	s0 =	sand.u32 $0x1, s0;
	s11 =	smul.u32 $0xA000, s10  }
0x6: {  	s29 =	simm.s32 $0x186A0;
	s30 =	simm.s32 $0x1ADB0;
	s12 =	smul.u32 $0x2710, s0  }
0x7: {  	s31 =	simm.s32 $0x50;
	s28 =	simm.s32 $0x0;
	s7 =	smul.u32 $0x50, s7  }
0x8: {  	[smem:$0x7FF] =	sst s4;
	s15 =	sor.u32 $0x30, s26;
	s10 =	smul.u32 $0x50, s10  }
0x9: {  	s16 =	sor.u32 $0x40, s26;
	s19 =	sor.u32 $0x50, s26;
	s17 =	smul.u32 $0x50, s15  }
0xa: {  	p0 =	sgt.u32 s26, $0xC;
	s1 =	sshll.u32 s0, $0x4;
	s20 =	smul.u32 $0x50, s16  }
0xb: {  	s0 =	ssub.s32 $0x2, s0;
	s21 =	smul.u32 $0x50, s19;
	s2 =	sor.u32 s26, s1  }
0xc: {  	s1 =	rddreg [dreg:$0x0];
	_ =	strace $0x8000004A;
	s18 =	sshrl.u32 s0, $0x1  }
0xd: {  	s6 =	sshrl.u32 s6, $0x2;
	s2 =	smul.u32 $0x4E2, s2;
	s0 =	ssub.s32 s0, s18  }
0xe: {  	s18 =	sor.u32 $0x60, s26;
	s22 =	sadd.s32 s13, s12;
	s7 =	sadd.s32 s12, s7  }
0xf: {  	s23 =	sadd.s32 s12, s10;
	s17 =	sadd.s32 s12, s17;
	s13 =	smul.u32 $0xA000, s15  }
0x10: {  	s20 =	sadd.s32 s12, s20;
	s21 =	sadd.s32 s12, s21;
	s15 =	smul.u32 $0xA000, s19  }
0x11: {  	s9 =	sshrl.u32 s9, $0x2;
	s11 =	sshrl.u32 s11, $0x2;
	s24 =	smul.u32 $0x50, s18  }
0x12: {  	s9 =	sadd.s32 s9, s3;
	s19 =	smul.u32 $0xA000, s18;
	s22 =	sshll.u32 s22, $0x4  }
0x13: {  	s7 =	sshll.u32 s7, $0x4;
	s17 =	sshll.u32 s17, $0x4;
	s18 =	sshll.u32 s20, $0x4  }
0x14: {  	s21 =	sshll.u32 s21, $0x4;
	s0 =	smax.u32 s0, $0x1;
	s14 =	sadd.s32 s2, s5  }
0x15: {  	s5 =	sadd.s32 $0x15600, s5;
	s2 =	sadd.s32 s8, s2;
	s8 =	sadd.s32 s6, s3  }
0x16: {  	s6 =	sshrl.u32 s15, $0x2;
	[dreg:$0x10] =	wrdreg s0;
	s0 =	simm.s32 $0x1D5B0  }
0x17: {  	[dreg:$0x5] =	wrdreg s2;
	s2 =	sor.u32 $0x70, s26;
	s24 =	sadd.s32 s12, s24  }
0x18: {  	s10 =	sadd.s32 $0x1A00, s14;
	s7 =	sadd.s32 s5, s7;
	s20 =	sadd.s32 s5, s18  }
0x19: {  	s18 =	simm.s32 $0x13880;
	s26 =	simm.s32 $0x5;
	[dreg:$0x6] =	wrdreg s10  }
0x1a: {  	s25 =	smul.u32 $0x50, s2;
	s10 =	sadd.s32 s11, s3;
	[dreg:$0x9] =	wrdreg s7  }
0x1b: {  	s2 =	smul.u32 $0xA000, s2;
	[dreg:$0xc] =	wrdreg s20;
	s7 =	simm.s32 $0x4  }
0x1c: {  	s25 =	sadd.s32 s12, s25;
	s12 =	sadd.s32 $0xB800, s14;
	s14 =	smul.u32 $0xA000, s16  }
0x1d: {  	s16 =	sshrl.u32 s13, $0x2;
	s13 =	sadd.s32 s6, s3;
	s2 =	sshrl.u32 s2, $0x2  }
0x1e: {  	s6 =	sadd.s32 s5, s22;
	s22 =	sshll.u32 s24, $0x4;
	[dreg:$0x7] =	wrdreg s12  }
0x1f: {  	s11 =	sadd.s32 s16, s3;
	s15 =	sadd.s32 s2, s3;
	[dreg:$0x8] =	wrdreg s6  }
0x20: {  	s16 =	sshll.u32 s23, $0x4;
	s23 =	sshll.u32 s25, $0x4;
	s24 =	sadd.s32 s5, s22  }
0x21: {  	s6 =	simm.s32 $0x3;
	s12 =	sshrl.u32 s14, $0x2;
	s14 =	sshrl.u32 s19, $0x2  }
0x22: {  	s2 =	sadd.s32 s5, s16;
	s19 =	sadd.s32 s5, s17;
	[dreg:$0xe] =	wrdreg s24  }
0x23: {  	s25 =	sadd.s32 s5, s23;
	s12 =	sadd.s32 s12, s3;
	[dreg:$0xa] =	wrdreg s2  }
0x24: {  	s14 =	sadd.s32 s14, s3;
	[dreg:$0xb] =	wrdreg s19;
	s2 =	sadd.s32 s5, s21  }
0x25: {  	[dreg:$0xf] =	wrdreg s25;
	s21 =	simm.s32 $0x15F90;
	s5 =	simm.s32 $0x2  }
0x26: {  	v0 =	vimm.f32 $0.0e+00;
	s25 =	simm.s32 $0x0;
	[dreg:$0xd] =	wrdreg s2;
	s2 =	simm.s32 $0x1  }
.LBB2_1:
0x27: {  	s16 =	rddreg [dreg:$0x6]  }
0x28: {  	[tilespmem:s18], [sflag:$0x5] =	stream.linear.gather [hbm4b:s16+s4], $0x2710, $0x38;
	[tilespmem:$0x1FDB0] =	vst v63  }
0x29: {  	_ =	swait.ge [sflag:s26], $0x2710  }
0x2a: {  	[sflag:s26] =	ssyncset.done $0x0  }
0x2b: {  	s23 =	rddreg [dreg:$0x7];
	[sflag:s26] =	ssyncadd.s32 $0xFFFFD8F0  }
0x2c: {  	[tilespmem:s21], [sflag:$0x5] =	stream.linear.gather [hbm4b:s23+s4], $0x2710, $0x38;
	[tilespmem:$0x1FDB0] =	vst v63  }
0x2d: {  	_ =	swait.ge [sflag:s26], $0x2710  }
0x2e: {  	[sflag:s26] =	ssyncset.done $0x0  }
0x2f: {  	s24 =	rddreg [dreg:$0x5];
	[sflag:s26] =	ssyncadd.s32 $0xFFFFD8F0  }
0x30: {  	[tilespmem:s29], [sflag:$0x5] =	stream.linear.gather [hbm4b:s24+s4], $0x2710, $0x38;
	[tilespmem:$0x1FDB0] =	vst v63  }
0x31: {  	_ =	swait.ge [sflag:s26], $0x2710  }
0x32: {  	[sflag:s26] =	ssyncset.done $0x0  }
0x33: {  	s17 =	simm.s32 $0x200;
	s16 =	simm.s32 $0x0;
	[sflag:s26] =	ssyncadd.s32 $0xFFFFD8F0  }
.LBB2_2:
0x34: {  	p1 =	sne.s32 s17, $0x9E00;
	[tilespmem:s16+$0x1AE20] =	vst v0  }
0x35: {  	[tilespmem:s16+$0x1ADB0] =	vst v0  }
0x36: {  	[tilespmem:s16+$0x1ADC0] =	vst v0  }
.Ltmp0:
0x37: {  	[tilespmem:s16+$0x1ADD0] =	vst v0;
	(pc) =	sbr.rel @p1 .LBB2_2-.Ltmp0, $4  }
0x38: {  	[tilespmem:s16+$0x1ADE0] =	vst v0  }
0x39: {  	[tilespmem:s16+$0x1ADF0] =	vst v0  }
0x3a: {  	[tilespmem:s16+$0x1AE00] =	vst v0  }
0x3b: {  	[tilespmem:s16+$0x1AE10] =	vst v0;
	s16 =	sshra.s32 s17, $0x2;
	s17 =	sadd.s32 $0x200, s17  }
0x3c: {  	[tilespmem:s16+$0x1AE20] =	vst v0  }
0x3d: {  	[tilespmem:s16+$0x1ADB0] =	vst v0  }
0x3e: {  	[tilespmem:s16+$0x1ADC0] =	vst v0  }
0x3f: {  	[tilespmem:s16+$0x1ADD0] =	vst v0  }
0x40: {  	[tilespmem:s16+$0x1ADE0] =	vst v0  }
0x41: {  	[tilespmem:s16+$0x1ADF0] =	vst v0  }
0x42: {  	[tilespmem:s16+$0x1AE00] =	vst v0  }
0x43: {  	[tilespmem:s16+$0x1AE10] =	vst v0  }
0x44: {  	[spmem:s8] =	stream.linear.scatter [tilespmem:s30], [sflag:$0x5], $0x2800, $0x38;
	[tilespmem:$0x1FDB0] =	vst v63  }
0x45: {  	_ =	swait.ge [sflag:s26], $0x2800  }
0x46: {  	[sflag:s26] =	ssyncset.done $0x0  }
0x47: {  	[sflag:s26] =	ssyncadd.s32 $0xFFFFD800  }
0x48: {  	[spmem:s9] =	stream.linear.scatter [tilespmem:s30], [sflag:$0x5], $0x2800, $0x38;
	[tilespmem:$0x1FDB0] =	vst v63  }
0x49: {  	_ =	swait.ge [sflag:s26], $0x2800  }
0x4a: {  	[sflag:s26] =	ssyncset.done $0x0  }
0x4b: {  	[sflag:s26] =	ssyncadd.s32 $0xFFFFD800  }
0x4c: {  	[spmem:s10] =	stream.linear.scatter [tilespmem:s30], [sflag:$0x5], $0x2800, $0x38;
	[tilespmem:$0x1FDB0] =	vst v63  }
0x4d: {  	_ =	swait.ge [sflag:s26], $0x2800  }
0x4e: {  	[sflag:s26] =	ssyncset.done $0x0  }
0x4f: {  	[sflag:s26] =	ssyncadd.s32 $0xFFFFD800  }
0x50: {  	[spmem:s11] =	stream.linear.scatter [tilespmem:s30], [sflag:$0x5], $0x2800, $0x38;
	[tilespmem:$0x1FDB0] =	vst v63  }
0x51: {  	_ =	swait.ge [sflag:s26], $0x2800  }
0x52: {  	[sflag:s26] =	ssyncset.done $0x0  }
0x53: {  	[sflag:s26] =	ssyncadd.s32 $0xFFFFD800  }
0x54: {  	[spmem:s12] =	stream.linear.scatter [tilespmem:s30], [sflag:$0x5], $0x2800, $0x38;
	[tilespmem:$0x1FDB0] =	vst v63  }
0x55: {  	_ =	swait.ge [sflag:s26], $0x2800  }
0x56: {  	[sflag:s26] =	ssyncset.done $0x0  }
0x57: {  	[sflag:s26] =	ssyncadd.s32 $0xFFFFD800  }
0x58: {  	[spmem:s13] =	stream.linear.scatter [tilespmem:s30], [sflag:$0x5], $0x2800, $0x38;
	[tilespmem:$0x1FDB0] =	vst v63  }
0x59: {  	_ =	swait.ge [sflag:s26], $0x2800  }
0x5a: {  	[sflag:s26] =	ssyncset.done $0x0  }
0x5b: {  	[sflag:s26] =	ssyncadd.s32 $0xFFFFD800  }
0x5c: {  	[spmem:s14] =	stream.linear.scatter [tilespmem:s30], [sflag:$0x5], $0x2800, $0x38;
	[tilespmem:$0x1FDB0] =	vst v63  }
0x5d: {  	_ =	swait.ge [sflag:s26], $0x2800  }
0x5e: {  	[sflag:s26] =	ssyncset.done $0x0  }
0x5f: {  	s16 =	simm.s32 @!p0 $0x1ADB0;
	[sflag:s26] =	ssyncadd.s32 $0xFFFFD800  }
0x60: {  	[spmem:s15] =	stream.linear.scatter @!p0 [tilespmem:s16], [sflag:$0x5], $0x2800, $0x38;
	[tilespmem:$0x1FDB0] =	vst v63  }
0x61: {  	s16 =	simm.s32 @!p0 $0x5  }
0x62: {  	s17 =	simm.s32 $0x0;
	_ =	swait.ge @!p0 [sflag:s16], $0x2800  }
0x63: {  	s24 =	simm.s32 $0x2;
	v1 =	vmov s17;
	[sflag:s16] =	ssyncset.done @!p0 $0x0  }
0x64: {  	v2 =	vmov s24;
	v1 =	vand.u32 $0xFFFFFFFC, v1;
	[sflag:s16] =	ssyncadd.s32 @!p0 $0xFFFFD800  }
0x65: {  	v2 =	vand.u32 $0xFFFFFFFE, v2;
	v1 =	vbroadcast v1, $0x0;
	[bflag:$0x0] =	sbarrier.arrive $0xFFFF  }
0x66: {  	v2 =	vbroadcast v2, $0x0;
	[tilespmem:s30], [sflag:$0x1] =	stream.indirect.gather [hbm4b:s1+s31], $0x80, s18, s31, $0xb8;
	[tilespmem:$0x1FDB0] =	vst v63  }
0x67: {  	_ =	swait.ge [sflag:s2], $0x2800  }
0x68: {  	[sflag:s2] =	ssyncset.done $0x0  }
0x69: {  	s18 =	simm.s32 $0x138D0;
	[sflag:s2] =	ssyncadd.s32 $0xFFFFD800  }
0x6a: {  	[tilespmem:s0], [sflag:$0x2] =	stream.indirect.gather [hbm4b:s1+s31], $0x80, s18, s31, $0xb8;
	[tilespmem:$0x1FDB0] =	vst v63  }
0x6b: {  	v1 =	vld.idx.msk [tilespmem:v1+s29+$0x0], $0xffff  }
0x6c: {  	s19 =	simm.s32 $0x1;
	s16 =	simm.s32 $0x1AEB0;
	v2 =	vld.idx.msk [tilespmem:v2+s29+$0x0], $0xffff  }
0x6d: {  	v3 =	vmov s19;
	v4 =	vld [tilespmem:s16+$0x70]  }
0x6e: {  	v3 =	vand.u32 $0xFFFFFFFD, v3;
	v5 =	vld [tilespmem:s16+$0xFFFFFF00]  }
0x6f: {  	v3 =	vbroadcast v3, $0x0;
	v6 =	vld [tilespmem:s16+$0xFFFFFF10]  }
0x70: {  	v7 =	vld [tilespmem:s16+$0xFFFFFF20]  }
0x71: {  	v8 =	vld [tilespmem:s16+$0xFFFFFF30]  }
0x72: {  	v9 =	vld [tilespmem:s16+$0xFFFFFF40]  }
0x73: {  	v10 =	vld [tilespmem:s16+$0xFFFFFF50]  }
0x74: {  	v11 =	vld [tilespmem:s16+$0xFFFFFF60];
	v5 =	vmul.f32 v5, v1  }
0x75: {  	v3 =	vld.idx.msk [tilespmem:v3+s29+$0x0], $0xffff;
	v4 =	vmul.f32 v4, v2  }
0x76: {  	v13 =	vld [tilespmem:s16+$0x40];
	[tilespmem:s16+$0xFFFFFF00] =	vst v5;
	v5 =	vmul.f32 v6, v1  }
0x77: {  	v6 =	vld [tilespmem:s16+$0xFFFFFF70];
	[tilespmem:s16+$0x70] =	vst v4;
	v4 =	vmul.f32 v7, v1  }
0x78: {  	v7 =	vld [tilespmem:s16+$0xFFFFFF80];
	[tilespmem:s16+$0xFFFFFF10] =	vst v5;
	v5 =	vmul.f32 v8, v1  }
0x79: {  	v8 =	vld [tilespmem:s16+$0xFFFFFF90];
	[tilespmem:s16+$0xFFFFFF20] =	vst v4;
	v4 =	vmul.f32 v9, v1  }
0x7a: {  	v9 =	vld [tilespmem:s16+$0xFFFFFFA0];
	[tilespmem:s16+$0xFFFFFF30] =	vst v5;
	v5 =	vmul.f32 v10, v1  }
0x7b: {  	v10 =	vld [tilespmem:s16+$0xFFFFFFB0];
	[tilespmem:s16+$0xFFFFFF40] =	vst v4;
	v4 =	vmul.f32 v11, v1  }
0x7c: {  	v11 =	vld [tilespmem:s16+$0xFFFFFFC0];
	v6 =	vmul.f32 v6, v1;
	[tilespmem:s16+$0xFFFFFF50] =	vst v5  }
0x7d: {  	v5 =	vmul.f32 v7, v3;
	v7 =	vld [tilespmem:s16+$0xFFFFFFD0];
	[tilespmem:s16+$0xFFFFFF60] =	vst v4  }
0x7e: {  	s20 =	simm.s32 $0x3;
	v4 =	vld [tilespmem:s16+$0xFFFFFFE0];
	v8 =	vmul.f32 v8, v3;
	[tilespmem:s16+$0xFFFFFF70] =	vst v6  }
0x7f: {  	v12 =	vmov s20;
	v6 =	vld [tilespmem:s16+$0xFFFFFFF0];
	[tilespmem:s16+$0xFFFFFF80] =	vst v5;
	v5 =	vmul.f32 v9, v3  }
0x80: {  	v9 =	vld [tilespmem:s16+$0x0];
	[tilespmem:s16+$0xFFFFFF90] =	vst v8;
	v8 =	vmul.f32 v10, v3  }
0x81: {  	v10 =	vld [tilespmem:s16+$0x10];
	[tilespmem:s16+$0xFFFFFFA0] =	vst v5;
	v5 =	vmul.f32 v11, v3  }
0x82: {  	[tilespmem:s16+$0xFFFFFFB0] =	vst v8;
	v7 =	vmul.f32 v7, v3;
	v8 =	vld [tilespmem:s16+$0x20]  }
0x83: {  	v11 =	vld [tilespmem:s16+$0x30];
	v4 =	vmul.f32 v4, v3;
	[tilespmem:s16+$0xFFFFFFC0] =	vst v5  }
0x84: {  	v1 =	vld.idx.msk [tilespmem:v12+s29+$0x0], $0xffff;
	v3 =	vmul.f32 v6, v3;
	[tilespmem:s16+$0xFFFFFFD0] =	vst v7  }
0x85: {  	[tilespmem:s16+$0xFFFFFFE0] =	vst v4;
	v5 =	vmul.f32 v9, v2;
	v4 =	vld [tilespmem:s16+$0x50]  }
0x86: {  	s22 =	simm.s32 $0x4;
	[tilespmem:s16+$0xFFFFFFF0] =	vst v3;
	v6 =	vmul.f32 v10, v2;
	v3 =	vld [tilespmem:s16+$0x60]  }
0x87: {  	s23 =	simm.s32 $0x7;
	v7 =	vmov s22;
	[tilespmem:s16+$0x0] =	vst v5;
	v9 =	vmul.f32 v8, v2;
	v8 =	vld [tilespmem:s16+$0x80]  }
0x88: {  	s24 =	simm.s32 $0x5;
	v12 =	vand.u32 $0xFFFFFFFC, v7;
	v7 =	vld [tilespmem:s16+$0x90];
	v5 =	vmov s23;
	v10 =	vmul.f32 v11, v2;
	[tilespmem:s16+$0x10] =	vst v6  }
0x89: {  	s19 =	simm.s32 $0x6;
	s17 =	simm.s32 $0x1AEB0;
	s18 =	simm.s32 $0x8;
	v11 =	vmul.f32 v13, v2;
	v6 =	vbroadcast v12, $0x0;
	v12 =	vmov s24;
	[tilespmem:s16+$0x20] =	vst v9;
	v9 =	vld [tilespmem:s16+$0xA0]  }
.LBB2_4:
0x8a: {  	p1 =	slt.u32 s18, $0x4C;
	v12 =	vand.u32 $0xFFFFFFFD, v12;
	v13 =	vmov s19;
	[tilespmem:s16+$0x30] =	vst v10;
	v4 =	vmul.f32 v4, v2;
	v10 =	vld [tilespmem:s16+$0xB0]  }
0x8b: {  	v12 =	vbroadcast v12, $0x0;
	v13 =	vand.u32 $0xFFFFFFFE, v13;
	[tilespmem:s16+$0x40] =	vst v11;
	v2 =	vmul.f32 v3, v2;
	v3 =	vld [tilespmem:s16+$0xC0]  }
0x8c: {  	v11 =	vbroadcast v13, $0x0;
	[tilespmem:s16+$0x50] =	vst v4;
	v4 =	vmul.f32 v8, v1;
	v8 =	vld [tilespmem:s16+$0xD0]  }
0x8d: {  	[tilespmem:s16+$0x60] =	vst v2;
	v2 =	vmul.f32 v7, v1;
	v7 =	vld [tilespmem:s16+$0xE0]  }
0x8e: {  	[tilespmem:s16+$0x80] =	vst v4;
	v4 =	vmul.f32 v9, v1;
	v9 =	vld [tilespmem:s16+$0xF0]  }
0x8f: {  	v5 =	vld.idx.msk [tilespmem:v5+s29+$0x0], $0xffff;
	[tilespmem:s16+$0x90] =	vst v2;
	v2 =	vmul.f32 v10, v1  }
0x90: {  	v6 =	vld.idx.msk [tilespmem:v6+s29+$0x0], $0xffff;
	[tilespmem:s16+$0xA0] =	vst v4;
	v3 =	vmul.f32 v3, v1  }
0x91: {  	v4 =	vld.idx.msk [tilespmem:v12+s29+$0x0], $0xffff;
	[tilespmem:s16+$0xB0] =	vst v2;
	v8 =	vmul.f32 v8, v1  }
0x92: {  	s16 =	sadd.s32 $0x200, s16;
	v2 =	vld.idx.msk [tilespmem:v11+s29+$0x0], $0xffff;
	[tilespmem:s17+$0xC0] =	vst v3;
	v3 =	vmul.f32 v7, v1  }
0x93: {  	v7 =	vld [tilespmem:s16+$0x70];
	[tilespmem:s17+$0xD0] =	vst v8;
	v9 =	vmul.f32 v9, v1  }
0x94: {  	v8 =	vld [tilespmem:s16+$0xFFFFFF00];
	[tilespmem:s17+$0xE0] =	vst v3  }
0x95: {  	v1 =	vmov v5;
	v3 =	vld [tilespmem:s16+$0xFFFFFF10];
	[tilespmem:s17+$0xF0] =	vst v9;
	s17 =	smov.u32 s16  }
0x96: {  	v5 =	vld [tilespmem:s16+$0xFFFFFF20]  }
0x97: {  	v9 =	vld [tilespmem:s16+$0xFFFFFF30]  }
0x98: {  	v10 =	vld [tilespmem:s16+$0xFFFFFF40];
	v7 =	vmul.f32 v7, v2  }
0x99: {  	v8 =	vmul.f32 v8, v6;
	v11 =	vld [tilespmem:s16+$0xFFFFFF50]  }
0x9a: {  	v3 =	vmul.f32 v3, v6;
	v12 =	vld [tilespmem:s16+$0xFFFFFF60];
	[tilespmem:s16+$0x70] =	vst v7  }
0x9b: {  	[tilespmem:s16+$0xFFFFFF00] =	vst v8;
	v5 =	vmul.f32 v5, v6;
	v7 =	vld [tilespmem:s16+$0xFFFFFF70]  }
0x9c: {  	[tilespmem:s16+$0xFFFFFF10] =	vst v3;
	v3 =	vmul.f32 v9, v6;
	v8 =	vld [tilespmem:s16+$0xFFFFFF80]  }
0x9d: {  	[tilespmem:s16+$0xFFFFFF20] =	vst v5;
	v5 =	vmul.f32 v10, v6;
	v9 =	vld [tilespmem:s16+$0xFFFFFF90]  }
0x9e: {  	[tilespmem:s16+$0xFFFFFF30] =	vst v3;
	v3 =	vmul.f32 v11, v6;
	v10 =	vld [tilespmem:s16+$0xFFFFFFA0]  }
0x9f: {  	[tilespmem:s16+$0xFFFFFF40] =	vst v5;
	v5 =	vmul.f32 v12, v6;
	v11 =	vld [tilespmem:s16+$0xFFFFFFB0]  }
0xa0: {  	[tilespmem:s16+$0xFFFFFF50] =	vst v3;
	v3 =	vmul.f32 v7, v6;
	v6 =	vld [tilespmem:s16+$0xFFFFFFC0]  }
0xa1: {  	[tilespmem:s16+$0xFFFFFF60] =	vst v5;
	v5 =	vmul.f32 v8, v4;
	v7 =	vld [tilespmem:s16+$0xFFFFFFD0]  }
0xa2: {  	[tilespmem:s16+$0xFFFFFF70] =	vst v3;
	v3 =	vmul.f32 v9, v4;
	v8 =	vld [tilespmem:s16+$0xFFFFFFE0]  }
0xa3: {  	[tilespmem:s16+$0xFFFFFF80] =	vst v5;
	v5 =	vmul.f32 v10, v4;
	v9 =	vld [tilespmem:s16+$0xFFFFFFF0]  }
0xa4: {  	[tilespmem:s16+$0xFFFFFF90] =	vst v3;
	v3 =	vmul.f32 v11, v4;
	v10 =	vld [tilespmem:s16+$0x0]  }
0xa5: {  	[tilespmem:s16+$0xFFFFFFA0] =	vst v5;
	v5 =	vmul.f32 v6, v4;
	v6 =	vld [tilespmem:s16+$0x10]  }
0xa6: {  	[tilespmem:s16+$0xFFFFFFB0] =	vst v3;
	v3 =	vmul.f32 v7, v4;
	v7 =	vld [tilespmem:s16+$0x20]  }
0xa7: {  	[tilespmem:s16+$0xFFFFFFC0] =	vst v5;
	v5 =	vmul.f32 v8, v4;
	v11 =	vld [tilespmem:s16+$0x30]  }
0xa8: {  	[tilespmem:s16+$0xFFFFFFD0] =	vst v3;
	v3 =	vmul.f32 v9, v4;
	v9 =	vld [tilespmem:s16+$0x40]  }
.Ltmp1:
0xa9: {  	[tilespmem:s16+$0xFFFFFFE0] =	vst v5;
	v5 =	vmul.f32 v10, v2;
	v4 =	vld [tilespmem:s16+$0x50];
	(pc) =	sbr.rel @p1 .LBB2_4-.Ltmp1, $4  }
0xaa: {  	[tilespmem:s16+$0xFFFFFFF0] =	vst v3;
	v6 =	vmul.f32 v6, v2;
	v3 =	vld [tilespmem:s16+$0x60]  }
0xab: {  	s19 =	sadd.s32 $0x3, s18;
	v10 =	vmov s18;
	[tilespmem:s16+$0x0] =	vst v5;
	v13 =	vmul.f32 v7, v2;
	v8 =	vld [tilespmem:s16+$0x80]  }
0xac: {  	s20 =	sadd.s32 $0x1, s18;
	v12 =	vand.u32 $0xFFFFFFFC, v10;
	v5 =	vmov s19;
	[tilespmem:s16+$0x10] =	vst v6;
	v10 =	vmul.f32 v11, v2;
	v7 =	vld [tilespmem:s16+$0x90]  }
0xad: {  	s19 =	sadd.s32 $0x2, s18;
	s18 =	sadd.s32 $0x4, s18;
	v6 =	vbroadcast v12, $0x0;
	v12 =	vmov s20;
	[tilespmem:s16+$0x20] =	vst v13;
	v11 =	vmul.f32 v9, v2;
	v9 =	vld [tilespmem:s16+$0xA0]  }
0xae: {  	v13 =	vld [tilespmem:s16+$0xB0]  }
0xaf: {  	v15 =	vld [tilespmem:s16+$0xC0]  }
0xb0: {  	v16 =	vld [tilespmem:s16+$0xD0]  }
0xb1: {  	v17 =	vld [tilespmem:s16+$0xE0]  }
0xb2: {  	v29 =	vld [tilespmem:s16+$0xF0];
	[tilespmem:s16+$0x30] =	vst v10;
	v4 =	vmul.f32 v4, v2  }
0xb3: {  	v5 =	vld.idx.msk [tilespmem:v5+s29+$0x0], $0xffff;
	[tilespmem:s16+$0x40] =	vst v11;
	v2 =	vmul.f32 v3, v2  }
0xb4: {  	s18 =	sadd.s32 $0x200, s16;
	v3 =	vld.idx.msk [tilespmem:v6+s29+$0x0], $0xffff;
	v8 =	vmul.f32 v8, v1;
	[tilespmem:s16+$0x50] =	vst v4  }
0xb5: {  	v14 =	vmov s19;
	v34 =	vld [tilespmem:s18+$0x70];
	v30 =	vmul.f32 v7, v1;
	[tilespmem:s16+$0x60] =	vst v2  }
0xb6: {  	v14 =	vand.u32 $0xFFFFFFFE, v14;
	v35 =	vld [tilespmem:s18+$0xFFFFFF00];
	[tilespmem:s16+$0x80] =	vst v8;
	v2 =	vmul.f32 v9, v1  }
0xb7: {  	v37 =	vld [tilespmem:s18+$0xFFFFFF10];
	v14 =	vbroadcast v14, $0x0;
	[tilespmem:s16+$0x90] =	vst v30;
	v33 =	vmul.f32 v13, v1  }
0xb8: {  	v38 =	vld [tilespmem:s18+$0xFFFFFF20];
	[tilespmem:s16+$0xA0] =	vst v2;
	v2 =	vmul.f32 v15, v1  }
0xb9: {  	v12 =	vand.u32 $0xFFFFFFFD, v12;
	v39 =	vld [tilespmem:s18+$0xFFFFFF30];
	v36 =	vmul.f32 v16, v1;
	[tilespmem:s16+$0xB0] =	vst v33  }
0xba: {  	v12 =	vbroadcast v12, $0x0;
	v41 =	vld [tilespmem:s18+$0xFFFFFF50];
	[tilespmem:s17+$0xC0] =	vst v2;
	v2 =	vmul.f32 v17, v1  }
0xbb: {  	v43 =	vld [tilespmem:s18+$0xFFFFFF60];
	[tilespmem:s17+$0xD0] =	vst v36;
	v1 =	vmul.f32 v29, v1  }
0xbc: {  	v42 =	vmul.f32 v37, v3;
	[tilespmem:s17+$0xE0] =	vst v2;
	v2 =	vld [tilespmem:s18+$0xFFFFFF40]  }
0xbd: {  	v32 =	vld.idx.msk [tilespmem:v14+s29+$0x0], $0xffff;
	[tilespmem:s17+$0xF0] =	vst v1;
	v1 =	vmul.f32 v35, v3  }
0xbe: {  	v44 =	vld [tilespmem:s18+$0xFFFFFF70];
	v4 =	vmul.f32 v39, v3;
	[tilespmem:s18+$0xFFFFFF10] =	vst v42  }
0xbf: {  	v45 =	vld [tilespmem:s18+$0xFFFFFF80];
	[tilespmem:s18+$0xFFFFFF00] =	vst v1;
	v1 =	vmul.f32 v38, v3  }
0xc0: {  	v46 =	vmul.f32 v41, v3;
	v31 =	vld.idx.msk [tilespmem:v12+s29+$0x0], $0xffff;
	[tilespmem:s18+$0xFFFFFF30] =	vst v4  }
0xc1: {  	[tilespmem:s18+$0xFFFFFF20] =	vst v1;
	v1 =	vmul.f32 v2, v3;
	v2 =	vld [tilespmem:s18+$0xFFFFFF90]  }
0xc2: {  	v47 =	vld [tilespmem:s18+$0xFFFFFFA0];
	[tilespmem:s18+$0xFFFFFF50] =	vst v46;
	v40 =	vmul.f32 v34, v32  }
0xc3: {  	v48 =	vld [tilespmem:s18+$0xFFFFFFB0];
	[tilespmem:s18+$0xFFFFFF40] =	vst v1;
	v1 =	vmul.f32 v43, v3  }
0xc4: {  	v49 =	vld [tilespmem:s18+$0xFFFFFFC0];
	[tilespmem:s18+$0x70] =	vst v40;
	v3 =	vmul.f32 v44, v3  }
0xc5: {  	v50 =	vld [tilespmem:s18+$0xFFFFFFD0];
	[tilespmem:s18+$0xFFFFFF60] =	vst v1;
	v1 =	vmul.f32 v45, v31  }
0xc6: {  	[tilespmem:s18+$0xFFFFFF70] =	vst v3;
	v3 =	vld [tilespmem:s18+$0xFFFFFFE0];
	v2 =	vmul.f32 v2, v31  }
0xc7: {  	v51 =	vld [tilespmem:s18+$0xFFFFFFF0];
	[tilespmem:s18+$0xFFFFFF80] =	vst v1;
	v1 =	vmul.f32 v47, v31  }
0xc8: {  	v52 =	vld [tilespmem:s18+$0x0];
	[tilespmem:s18+$0xFFFFFF90] =	vst v2;
	v2 =	vmul.f32 v48, v31  }
0xc9: {  	v53 =	vld [tilespmem:s18+$0x10];
	[tilespmem:s18+$0xFFFFFFA0] =	vst v1;
	v1 =	vmul.f32 v49, v31  }
0xca: {  	v54 =	vld [tilespmem:s18+$0x20];
	[tilespmem:s18+$0xFFFFFFB0] =	vst v2;
	v2 =	vmul.f32 v50, v31  }
0xcb: {  	[tilespmem:s18+$0xFFFFFFC0] =	vst v1;
	v1 =	vmul.f32 v3, v31;
	v3 =	vld [tilespmem:s18+$0x30]  }
0xcc: {  	v55 =	vld [tilespmem:s18+$0x40];
	[tilespmem:s18+$0xFFFFFFD0] =	vst v2;
	v2 =	vmul.f32 v51, v31  }
0xcd: {  	v56 =	vld [tilespmem:s18+$0x50];
	[tilespmem:s18+$0xFFFFFFE0] =	vst v1;
	v1 =	vmul.f32 v52, v32  }
0xce: {  	v57 =	vld [tilespmem:s18+$0x60];
	[tilespmem:s18+$0xFFFFFFF0] =	vst v2;
	v2 =	vmul.f32 v53, v32  }
0xcf: {  	v58 =	vld [tilespmem:s18+$0x80];
	[tilespmem:s18+$0x0] =	vst v1;
	v1 =	vmul.f32 v54, v32  }
0xd0: {  	[tilespmem:s18+$0x10] =	vst v2;
	v2 =	vmul.f32 v3, v32;
	v3 =	vld [tilespmem:s18+$0x90]  }
0xd1: {  	v59 =	vld [tilespmem:s18+$0xA0];
	[tilespmem:s18+$0x20] =	vst v1;
	v1 =	vmul.f32 v55, v32  }
0xd2: {  	v60 =	vld [tilespmem:s18+$0xB0];
	[tilespmem:s18+$0x30] =	vst v2;
	v2 =	vmul.f32 v56, v32  }
0xd3: {  	v61 =	vld [tilespmem:s18+$0xC0];
	[tilespmem:s18+$0x40] =	vst v1;
	v1 =	vmul.f32 v57, v32  }
0xd4: {  	v62 =	vld [tilespmem:s18+$0xD0];
	[tilespmem:s18+$0x50] =	vst v2;
	v2 =	vmul.f32 v58, v5  }
0xd5: {  	[tilespmem:s18+$0x60] =	vst v1;
	v1 =	vmul.f32 v3, v5;
	v3 =	vld [tilespmem:s18+$0xE0]  }
0xd6: {  	v63 =	vld [tilespmem:s18+$0xF0];
	[tilespmem:s18+$0x80] =	vst v2;
	v2 =	vmul.f32 v59, v5  }
0xd7: {  	[tilespmem:s18+$0x90] =	vst v1;
	v1 =	vmul.f32 v60, v5  }
0xd8: {  	[tilespmem:s18+$0xA0] =	vst v2;
	v2 =	vmul.f32 v61, v5  }
0xd9: {  	[tilespmem:s18+$0xB0] =	vst v1;
	v1 =	vmul.f32 v62, v5  }
0xda: {  	[tilespmem:s18+$0xC0] =	vst v2;
	v2 =	vmul.f32 v3, v5  }
0xdb: {  	[tilespmem:s18+$0xD0] =	vst v1;
	v1 =	vmul.f32 v63, v5  }
0xdc: {  	[tilespmem:s18+$0xE0] =	vst v2  }
0xdd: {  	s16 =	simm.s32 $0x0;
	[tilespmem:s18+$0xF0] =	vst v1  }
0xde: {  	[spmem:s3] =	stream.indirect.scatter.add.f32 [tilespmem:s30], [sflag:$0x3], $0x80, s21, s31, $0xb8;
	[tilespmem:$0x1FDB0] =	vst v63  }
.LBB2_6:
0xdf: {  	s18 =	sshllo.u32 s16, $0x1  }
0xe0: {  	s19 =	sshll.u32 s16, $0x1;
	_ =	swait.ge [sflag:s5], $0x2800;
	v1 =	vmov s18  }
0xe1: {  	[sflag:s5] =	ssyncset.done $0x0;
	s19 =	sadd.s32 $0x2, s19;
	v1 =	vmul.u32 $0x50, v1  }
0xe2: {  	[sflag:s5] =	ssyncadd.s32 $0xFFFFD800;
	s21 =	smul.u32 $0x140, s19  }
0xe3: {  	v2 =	vmov s28;
	s17 =	simm.s32 $0x3;
	_ =	swait.ge [sflag:s6], $0x2800;
	v1 =	vbroadcast v1, $0x0  }
0xe4: {  	v3 =	vand.u32 $0x78, v2;
	v4 =	vmov s17;
	[sflag:s6] =	ssyncset.done $0x0;
	s17 =	sshra.s32 s21, $0x2  }
0xe5: {  	v2 =	vand.u32 $0x4, v2;
	v5 =	vand.u32 $0x78, v4;
	[sflag:s6] =	ssyncadd.s32 $0xFFFFD800;
	s20 =	sadd.s32 $0x13880, s17;
	v3 =	vadd.s32 v1, v3  }
0xe6: {  	[tilespmem:s30], [sflag:$0x1] =	stream.indirect.gather [hbm4b:s1+s31], $0x80, s20, s31, $0xb8;
	v2 =	vor.u32 v2, v3;
	v3 =	vand.u32 $0x7, v4;
	v4 =	vadd.s32 v1, v5;
	[tilespmem:$0x1FDB0] =	vst v63  }
0xe7: {  	s20 =	simm.s32 $0x1D7A0;
	v3 =	vor.u32 v3, v4  }
0xe8: {  	v5 =	vld [tilespmem:s20+$0x0]  }
0xe9: {  	v7 =	vld [tilespmem:s20+$0xFFFFFE10]  }
0xea: {  	v8 =	vld [tilespmem:s20+$0xFFFFFE20]  }
0xeb: {  	s21 =	simm.s32 $0x1;
	v4 =	vld.idx.msk [tilespmem:v2+s29+$0x0], $0xffff  }
0xec: {  	v2 =	vld.idx.msk [tilespmem:v3+s29+$0x0], $0xffff;
	v3 =	vmov s21  }
0xed: {  	v9 =	vld [tilespmem:s20+$0xFFFFFE40];
	v6 =	vand.u32 $0x78, v3  }
0xee: {  	v10 =	vld [tilespmem:s20+$0xFFFFFE50];
	v3 =	vand.u32 $0x5, v3;
	v6 =	vadd.s32 v1, v6  }
0xef: {  	v11 =	vld [tilespmem:s20+$0xFFFFFE60];
	v3 =	vor.u32 v3, v6  }
0xf0: {  	v6 =	vld [tilespmem:s20+$0xFFFFFE30]  }
0xf1: {  	v12 =	vld [tilespmem:s20+$0xFFFFFE70];
	v7 =	vmul.f32 v7, v4  }
0xf2: {  	v15 =	vld [tilespmem:s20+$0xFFFFFE90];
	v8 =	vmul.f32 v8, v4  }
0xf3: {  	s22 =	simm.s32 $0x2;
	v5 =	vmul.f32 v5, v2;
	[tilespmem:s20+$0xFFFFFE10] =	vst v7;
	v7 =	vld [tilespmem:s20+$0xFFFFFE80]  }
0xf4: {  	[tilespmem:s20+$0xFFFFFE20] =	vst v8;
	v8 =	vmul.f32 v9, v4;
	v13 =	vld.idx.msk [tilespmem:v3+s29+$0x0], $0xffff;
	v3 =	vmov s22  }
0xf5: {  	v9 =	vld [tilespmem:s20+$0xFFFFFEB0];
	[tilespmem:s20+$0x0] =	vst v5;
	v5 =	vmul.f32 v6, v4;
	v14 =	vand.u32 $0x78, v3  }
0xf6: {  	v6 =	vld [tilespmem:s20+$0xFFFFFEA0];
	[tilespmem:s20+$0xFFFFFE40] =	vst v8;
	v8 =	vmul.f32 v11, v4;
	v3 =	vand.u32 $0x6, v3;
	v14 =	vadd.s32 v1, v14  }
0xf7: {  	v11 =	vld [tilespmem:s20+$0xFFFFFED0];
	[tilespmem:s20+$0xFFFFFE30] =	vst v5;
	v5 =	vmul.f32 v10, v4;
	v3 =	vor.u32 v3, v14  }
0xf8: {  	v12 =	vmul.f32 v12, v4;
	v10 =	vld [tilespmem:s20+$0xFFFFFEC0];
	[tilespmem:s20+$0xFFFFFE60] =	vst v8  }
0xf9: {  	v8 =	vld [tilespmem:s20+$0xFFFFFEF0];
	[tilespmem:s20+$0xFFFFFE50] =	vst v5;
	v5 =	vmul.f32 v15, v13  }
0xfa: {  	[tilespmem:s20+$0xFFFFFE70] =	vst v12;
	v14 =	vld [tilespmem:s20+$0xFFFFFEE0];
	v4 =	vmul.f32 v7, v4  }
0xfb: {  	v7 =	vld [tilespmem:s20+$0xFFFFFF10];
	[tilespmem:s20+$0xFFFFFE90] =	vst v5;
	v5 =	vmul.f32 v6, v13  }
0xfc: {  	[tilespmem:s20+$0xFFFFFE80] =	vst v4;
	v4 =	vmul.f32 v9, v13;
	v3 =	vld.idx.msk [tilespmem:v3+s29+$0x0], $0xffff  }
0xfd: {  	v6 =	vld [tilespmem:s20+$0xFFFFFF00];
	[tilespmem:s20+$0xFFFFFEA0] =	vst v5;
	v5 =	vmul.f32 v10, v13  }
0xfe: {  	v9 =	vld [tilespmem:s20+$0xFFFFFF20];
	[tilespmem:s20+$0xFFFFFEB0] =	vst v4;
	v4 =	vmul.f32 v11, v13  }
0xff: {  	s23 =	simm.s32 $0x4;
	v12 =	vld [tilespmem:s20+$0xFFFFFF30];
	[tilespmem:s20+$0xFFFFFEC0] =	vst v5;
	v5 =	vmul.f32 v14, v13  }
0x100: {  	s22 =	simm.s32 $0x6;
	v8 =	vmul.f32 v8, v13;
	v10 =	vmov s23;
	[tilespmem:s20+$0xFFFFFED0] =	vst v4;
	v14 =	vld [tilespmem:s20+$0xFFFFFF40]  }
0x101: {  	v16 =	vld [tilespmem:s20+$0xFFFFFF50];
	v17 =	vmov s22;
	v11 =	vand.u32 $0x78, v10;
	[tilespmem:s20+$0xFFFFFEE0] =	vst v5;
	v5 =	vmul.f32 v7, v3  }
0x102: {  	s24 =	simm.s32 $0x5;
	v4 =	vld [tilespmem:s20+$0xFFFFFF60];
	[tilespmem:s20+$0xFFFFFEF0] =	vst v8;
	v15 =	vand.u32 $0x4, v10;
	v8 =	vadd.s32 v1, v11;
	v7 =	vmul.f32 v6, v13  }
0x103: {  	v11 =	vand.u32 $0x6, v17;
	v13 =	vmov s24;
	v6 =	vld [tilespmem:s20+$0xFFFFFF70];
	v9 =	vmul.f32 v9, v3;
	[tilespmem:s20+$0xFFFFFF10] =	vst v5  }
0x104: {  	v17 =	vand.u32 $0x78, v17;
	v18 =	vmul.f32 v12, v3;
	v10 =	vand.u32 $0x5, v13;
	[tilespmem:s20+$0xFFFFFF00] =	vst v7;
	v7 =	vld [tilespmem:s20+$0xFFFFFF80]  }
0x105: {  	v13 =	vand.u32 $0x78, v13;
	v5 =	vor.u32 v15, v8;
	[tilespmem:s20+$0xFFFFFF20] =	vst v9;
	v8 =	vld [tilespmem:s20+$0xFFFFFF90];
	v12 =	vmul.f32 v14, v3  }
0x106: {  	s21 =	simm.s32 $0x1D7A0;
	s22 =	simm.s32 $0x8;
	s23 =	simm.s32 $0x7;
	v15 =	vadd.s32 v1, v13;
	[tilespmem:s20+$0xFFFFFF30] =	vst v18;
	v13 =	vmul.f32 v16, v3;
	v9 =	vld [tilespmem:s20+$0xFFFFFFA0];
	v14 =	vadd.s32 v1, v17  }
.LBB2_7:
0x107: {  	p1 =	slt.u32 s22, $0x4C;
	v10 =	vor.u32 v10, v15;
	v15 =	vmov s23;
	[tilespmem:s20+$0xFFFFFF40] =	vst v12;
	v4 =	vmul.f32 v4, v3;
	v12 =	vld [tilespmem:s20+$0xFFFFFFB0]  }
0x108: {  	v11 =	vor.u32 v11, v14;
	v14 =	vand.u32 $0x78, v15;
	[tilespmem:s20+$0xFFFFFF50] =	vst v13;
	v6 =	vmul.f32 v6, v3;
	v13 =	vld [tilespmem:s20+$0xFFFFFFC0]  }
0x109: {  	v15 =	vand.u32 $0x7, v15;
	v14 =	vadd.s32 v1, v14;
	[tilespmem:s20+$0xFFFFFF60] =	vst v4;
	v3 =	vmul.f32 v7, v3;
	v4 =	vld [tilespmem:s20+$0xFFFFFFD0]  }
0x10a: {  	v7 =	vor.u32 v15, v14;
	[tilespmem:s20+$0xFFFFFF70] =	vst v6;
	v6 =	vmul.f32 v8, v2;
	v8 =	vld [tilespmem:s20+$0xFFFFFFE0]  }
0x10b: {  	[tilespmem:s20+$0xFFFFFF80] =	vst v3;
	v3 =	vmul.f32 v9, v2;
	v9 =	vld [tilespmem:s20+$0xFFFFFFF0]  }
0x10c: {  	v5 =	vld.idx.msk [tilespmem:v5+s29+$0x0], $0xffff;
	[tilespmem:s20+$0xFFFFFF90] =	vst v6;
	v6 =	vmul.f32 v12, v2  }
0x10d: {  	v10 =	vld.idx.msk [tilespmem:v10+s29+$0x0], $0xffff;
	[tilespmem:s20+$0xFFFFFFA0] =	vst v3;
	v12 =	vmul.f32 v13, v2  }
0x10e: {  	v3 =	vld.idx.msk [tilespmem:v11+s29+$0x0], $0xffff;
	[tilespmem:s20+$0xFFFFFFB0] =	vst v6;
	v4 =	vmul.f32 v4, v2  }
0x10f: {  	s20 =	sadd.s32 $0x200, s20;
	v6 =	vld.idx.msk [tilespmem:v7+s29+$0x0], $0xffff;
	[tilespmem:s21+$0xFFFFFFC0] =	vst v12;
	v7 =	vmul.f32 v8, v2  }
0x110: {  	v8 =	vld [tilespmem:s20+$0x0];
	[tilespmem:s21+$0xFFFFFFD0] =	vst v4;
	v2 =	vmul.f32 v9, v2  }
0x111: {  	v4 =	vld [tilespmem:s20+$0xFFFFFE10];
	[tilespmem:s21+$0xFFFFFFE0] =	vst v7  }
0x112: {  	v7 =	vld [tilespmem:s20+$0xFFFFFE20];
	[tilespmem:s21+$0xFFFFFFF0] =	vst v2;
	s21 =	smov.u32 s20  }
0x113: {  	v9 =	vld [tilespmem:s20+$0xFFFFFE30]  }
0x114: {  	v11 =	vld [tilespmem:s20+$0xFFFFFE40]  }
0x115: {  	v2 =	vmov v6;
	v12 =	vld [tilespmem:s20+$0xFFFFFE50];
	v8 =	vmul.f32 v8, v6  }
0x116: {  	v4 =	vmul.f32 v4, v5;
	v6 =	vld [tilespmem:s20+$0xFFFFFE60]  }
0x117: {  	v7 =	vmul.f32 v7, v5;
	v13 =	vld [tilespmem:s20+$0xFFFFFE70];
	[tilespmem:s20+$0x0] =	vst v8  }
0x118: {  	[tilespmem:s20+$0xFFFFFE10] =	vst v4;
	v4 =	vmul.f32 v9, v5;
	v8 =	vld [tilespmem:s20+$0xFFFFFE80]  }
0x119: {  	[tilespmem:s20+$0xFFFFFE20] =	vst v7;
	v7 =	vmul.f32 v11, v5;
	v9 =	vld [tilespmem:s20+$0xFFFFFE90]  }
0x11a: {  	[tilespmem:s20+$0xFFFFFE30] =	vst v4;
	v4 =	vmul.f32 v12, v5;
	v11 =	vld [tilespmem:s20+$0xFFFFFEA0]  }
0x11b: {  	[tilespmem:s20+$0xFFFFFE40] =	vst v7;
	v6 =	vmul.f32 v6, v5;
	v7 =	vld [tilespmem:s20+$0xFFFFFEB0]  }
0x11c: {  	[tilespmem:s20+$0xFFFFFE50] =	vst v4;
	v4 =	vmul.f32 v13, v5;
	v12 =	vld [tilespmem:s20+$0xFFFFFEC0]  }
0x11d: {  	[tilespmem:s20+$0xFFFFFE60] =	vst v6;
	v5 =	vmul.f32 v8, v5;
	v6 =	vld [tilespmem:s20+$0xFFFFFED0]  }
0x11e: {  	[tilespmem:s20+$0xFFFFFE70] =	vst v4;
	v4 =	vmul.f32 v9, v10;
	v8 =	vld [tilespmem:s20+$0xFFFFFEE0]  }
0x11f: {  	[tilespmem:s20+$0xFFFFFE80] =	vst v5;
	v5 =	vmul.f32 v11, v10;
	v9 =	vld [tilespmem:s20+$0xFFFFFEF0]  }
0x120: {  	[tilespmem:s20+$0xFFFFFE90] =	vst v4;
	v4 =	vmul.f32 v7, v10;
	v7 =	vld [tilespmem:s20+$0xFFFFFF00]  }
0x121: {  	[tilespmem:s20+$0xFFFFFEA0] =	vst v5;
	v5 =	vmul.f32 v12, v10;
	v11 =	vld [tilespmem:s20+$0xFFFFFF10]  }
0x122: {  	[tilespmem:s20+$0xFFFFFEB0] =	vst v4;
	v4 =	vmul.f32 v6, v10;
	v6 =	vld [tilespmem:s20+$0xFFFFFF20]  }
0x123: {  	[tilespmem:s20+$0xFFFFFEC0] =	vst v5;
	v5 =	vmul.f32 v8, v10;
	v8 =	vld [tilespmem:s20+$0xFFFFFF30]  }
0x124: {  	v12 =	vmov s22;
	[tilespmem:s20+$0xFFFFFED0] =	vst v4;
	v4 =	vmul.f32 v9, v10;
	v9 =	vld [tilespmem:s20+$0xFFFFFF40]  }
0x125: {  	s23 =	sadd.s32 $0x1, s22;
	s24 =	sadd.s32 $0x2, s22;
	v13 =	vand.u32 $0x78, v12;
	v12 =	vand.u32 $0x4, v12;
	[tilespmem:s20+$0xFFFFFEE0] =	vst v5;
	v5 =	vmul.f32 v7, v10;
	v16 =	vld [tilespmem:s20+$0xFFFFFF50]  }
.Ltmp2:
0x126: {  	v14 =	vmov s24;
	v7 =	vmov s23;
	[tilespmem:s20+$0xFFFFFEF0] =	vst v4;
	v15 =	vmul.f32 v11, v3;
	v4 =	vld [tilespmem:s20+$0xFFFFFF60];
	(pc) =	sbr.rel @p1 .LBB2_7-.Ltmp2, $4  }
0x127: {  	v13 =	vadd.s32 v1, v13;
	v10 =	vand.u32 $0x5, v7;
	[tilespmem:s20+$0xFFFFFF00] =	vst v5;
	v17 =	vmul.f32 v6, v3;
	v6 =	vld [tilespmem:s20+$0xFFFFFF70]  }
0x128: {  	v18 =	vand.u32 $0x78, v7;
	v11 =	vand.u32 $0x6, v14;
	[tilespmem:s20+$0xFFFFFF10] =	vst v15;
	v19 =	vmul.f32 v8, v3;
	v7 =	vld [tilespmem:s20+$0xFFFFFF80]  }
0x129: {  	v5 =	vor.u32 v12, v13;
	v13 =	vand.u32 $0x78, v14;
	[tilespmem:s20+$0xFFFFFF20] =	vst v17;
	v12 =	vmul.f32 v9, v3;
	v8 =	vld [tilespmem:s20+$0xFFFFFF90]  }
0x12a: {  	s23 =	sadd.s32 $0x3, s22;
	s22 =	sadd.s32 $0x4, s22;
	v15 =	vadd.s32 v1, v18;
	v14 =	vadd.s32 v1, v13;
	[tilespmem:s20+$0xFFFFFF30] =	vst v19;
	v13 =	vmul.f32 v16, v3;
	v9 =	vld [tilespmem:s20+$0xFFFFFFA0]  }
0x12b: {  	_ = 	snop  }
0x12c: {  	v17 =	vld [tilespmem:s20+$0xFFFFFFB0]  }
0x12d: {  	v18 =	vld [tilespmem:s20+$0xFFFFFFC0]  }
0x12e: {  	v16 =	vmov s23;
	v10 =	vor.u32 v10, v15;
	[tilespmem:s20+$0xFFFFFF40] =	vst v12;
	v12 =	vld [tilespmem:s20+$0xFFFFFFF0]  }
0x12f: {  	v11 =	vor.u32 v11, v14;
	v4 =	vmul.f32 v4, v3;
	v5 =	vld.idx.msk [tilespmem:v5+s29+$0x0], $0xffff;
	v15 =	vand.u32 $0x78, v16  }
0x130: {  	v14 =	vand.u32 $0x7, v16;
	v6 =	vmul.f32 v6, v3;
	v1 =	vadd.s32 v1, v15;
	v15 =	vld [tilespmem:s20+$0xFFFFFFD0]  }
0x131: {  	s22 =	sadd.s32 $0x200, s20;
	[tilespmem:s20+$0xFFFFFF60] =	vst v4;
	v3 =	vmul.f32 v7, v3;
	v1 =	vor.u32 v14, v1;
	v14 =	vld [tilespmem:s20+$0xFFFFFFE0]  }
0x132: {  	[tilespmem:s20+$0xFFFFFF70] =	vst v6;
	v6 =	vmul.f32 v8, v2;
	v8 =	vld [tilespmem:s22+$0x0]  }
0x133: {  	[tilespmem:s20+$0xFFFFFF80] =	vst v3;
	v3 =	vmul.f32 v9, v2;
	v9 =	vld [tilespmem:s22+$0xFFFFFE10]  }
0x134: {  	v4 =	vld.idx.msk [tilespmem:v10+s29+$0x0], $0xffff;
	[tilespmem:s20+$0xFFFFFF90] =	vst v6;
	v6 =	vmul.f32 v17, v2  }
0x135: {  	v7 =	vld.idx.msk [tilespmem:v11+s29+$0x0], $0xffff;
	[tilespmem:s20+$0xFFFFFFA0] =	vst v3;
	v3 =	vmul.f32 v18, v2  }
0x136: {  	[tilespmem:s20+$0xFFFFFFB0] =	vst v6;
	v6 =	vmul.f32 v15, v2;
	v1 =	vld.idx.msk [tilespmem:v1+s29+$0x0], $0xffff  }
0x137: {  	v10 =	vld [tilespmem:s22+$0xFFFFFE20];
	[tilespmem:s21+$0xFFFFFFC0] =	vst v3;
	v3 =	vmul.f32 v14, v2  }
0x138: {  	v11 =	vld [tilespmem:s22+$0xFFFFFE30];
	v2 =	vmul.f32 v12, v2;
	[tilespmem:s21+$0xFFFFFFD0] =	vst v6  }
0x139: {  	v6 =	vld [tilespmem:s22+$0xFFFFFE40];
	[tilespmem:s21+$0xFFFFFFE0] =	vst v3  }
0x13a: {  	v3 =	vld [tilespmem:s22+$0xFFFFFE50];
	[tilespmem:s21+$0xFFFFFFF0] =	vst v2;
	v2 =	vmul.f32 v9, v5  }
0x13b: {  	[tilespmem:s20+$0xFFFFFF50] =	vst v13;
	v9 =	vld [tilespmem:s22+$0xFFFFFE60];
	v8 =	vmul.f32 v8, v1  }
0x13c: {  	v12 =	vld [tilespmem:s22+$0xFFFFFE70];
	v10 =	vmul.f32 v10, v5;
	[tilespmem:s22+$0xFFFFFE10] =	vst v2  }
0x13d: {  	v2 =	vmul.f32 v11, v5;
	[tilespmem:s22+$0x0] =	vst v8;
	v8 =	vld [tilespmem:s22+$0xFFFFFE80]  }
0x13e: {  	[tilespmem:s22+$0xFFFFFE20] =	vst v10;
	v10 =	vld [tilespmem:s22+$0xFFFFFE90];
	v6 =	vmul.f32 v6, v5  }
0x13f: {  	[tilespmem:s22+$0xFFFFFE30] =	vst v2;
	v2 =	vmul.f32 v3, v5;
	v3 =	vld [tilespmem:s22+$0xFFFFFEA0]  }
0x140: {  	[tilespmem:s22+$0xFFFFFE40] =	vst v6;
	v6 =	vmul.f32 v9, v5;
	v9 =	vld [tilespmem:s22+$0xFFFFFEB0]  }
0x141: {  	v11 =	vld [tilespmem:s22+$0xFFFFFEC0];
	[tilespmem:s22+$0xFFFFFE50] =	vst v2;
	v2 =	vmul.f32 v12, v5  }
0x142: {  	[tilespmem:s22+$0xFFFFFE60] =	vst v6;
	v6 =	vld [tilespmem:s22+$0xFFFFFED0];
	v5 =	vmul.f32 v8, v5  }
0x143: {  	[tilespmem:s22+$0xFFFFFE70] =	vst v2;
	v2 =	vmul.f32 v10, v4;
	v8 =	vld [tilespmem:s22+$0xFFFFFEE0]  }
0x144: {  	v3 =	vmul.f32 v3, v4;
	[tilespmem:s22+$0xFFFFFE80] =	vst v5;
	v5 =	vld [tilespmem:s22+$0xFFFFFEF0]  }
0x145: {  	[tilespmem:s22+$0xFFFFFE90] =	vst v2;
	v2 =	vmul.f32 v9, v4;
	v9 =	vld [tilespmem:s22+$0xFFFFFF00]  }
0x146: {  	v10 =	vld [tilespmem:s22+$0xFFFFFF10];
	[tilespmem:s22+$0xFFFFFEA0] =	vst v3;
	v3 =	vmul.f32 v11, v4  }
0x147: {  	[tilespmem:s22+$0xFFFFFEB0] =	vst v2;
	v2 =	vmul.f32 v6, v4;
	v6 =	vld [tilespmem:s22+$0xFFFFFF20]  }
0x148: {  	[tilespmem:s22+$0xFFFFFEC0] =	vst v3;
	v3 =	vmul.f32 v8, v4;
	v8 =	vld [tilespmem:s22+$0xFFFFFF30]  }
0x149: {  	[tilespmem:s22+$0xFFFFFED0] =	vst v2;
	v2 =	vmul.f32 v5, v4;
	v5 =	vld [tilespmem:s22+$0xFFFFFF40]  }
0x14a: {  	[tilespmem:s22+$0xFFFFFEE0] =	vst v3;
	v3 =	vmul.f32 v9, v4;
	v4 =	vld [tilespmem:s22+$0xFFFFFF50]  }
0x14b: {  	v9 =	vld [tilespmem:s22+$0xFFFFFF60];
	[tilespmem:s22+$0xFFFFFEF0] =	vst v2;
	v2 =	vmul.f32 v10, v7  }
0x14c: {  	[tilespmem:s22+$0xFFFFFF00] =	vst v3;
	v3 =	vmul.f32 v6, v7;
	v6 =	vld [tilespmem:s22+$0xFFFFFF70]  }
0x14d: {  	[tilespmem:s22+$0xFFFFFF10] =	vst v2;
	v2 =	vmul.f32 v8, v7;
	v8 =	vld [tilespmem:s22+$0xFFFFFF80]  }
0x14e: {  	[tilespmem:s22+$0xFFFFFF20] =	vst v3;
	v3 =	vmul.f32 v5, v7;
	v5 =	vld [tilespmem:s22+$0xFFFFFF90]  }
0x14f: {  	[tilespmem:s22+$0xFFFFFF30] =	vst v2;
	v2 =	vmul.f32 v4, v7;
	v4 =	vld [tilespmem:s22+$0xFFFFFFA0]  }
0x150: {  	[tilespmem:s22+$0xFFFFFF40] =	vst v3;
	v3 =	vmul.f32 v9, v7;
	v9 =	vld [tilespmem:s22+$0xFFFFFFB0]  }
0x151: {  	[tilespmem:s22+$0xFFFFFF50] =	vst v2;
	v2 =	vmul.f32 v6, v7;
	v6 =	vld [tilespmem:s22+$0xFFFFFFC0]  }
0x152: {  	[tilespmem:s22+$0xFFFFFF60] =	vst v3;
	v3 =	vmul.f32 v8, v7;
	v7 =	vld [tilespmem:s22+$0xFFFFFFD0]  }
0x153: {  	[tilespmem:s22+$0xFFFFFF70] =	vst v2;
	v2 =	vmul.f32 v5, v1;
	v5 =	vld [tilespmem:s22+$0xFFFFFFE0]  }
0x154: {  	[tilespmem:s22+$0xFFFFFF80] =	vst v3;
	v3 =	vmul.f32 v4, v1;
	v4 =	vld [tilespmem:s22+$0xFFFFFFF0]  }
0x155: {  	[tilespmem:s22+$0xFFFFFF90] =	vst v2;
	v2 =	vmul.f32 v9, v1  }
0x156: {  	[tilespmem:s22+$0xFFFFFFA0] =	vst v3;
	v3 =	vmul.f32 v6, v1  }
0x157: {  	[tilespmem:s22+$0xFFFFFFB0] =	vst v2;
	v2 =	vmul.f32 v7, v1  }
0x158: {  	s18 =	smul.u32 $0x140, s18;
	[tilespmem:s22+$0xFFFFFFC0] =	vst v3;
	v3 =	vmul.f32 v5, v1  }
0x159: {  	[tilespmem:s22+$0xFFFFFFD0] =	vst v2;
	v1 =	vmul.f32 v4, v1  }
0x15a: {  	s18 =	sshra.s32 s18, $0x2;
	[tilespmem:s22+$0xFFFFFFE0] =	vst v3  }
0x15b: {  	s18 =	sadd.s32 $0x15F90, s18;
	[tilespmem:s22+$0xFFFFFFF0] =	vst v1  }
0x15c: {  	[spmem:s3] =	stream.indirect.scatter.add.f32 [tilespmem:s0], [sflag:$0x4], $0x80, s18, s31, $0xb8;
	[tilespmem:$0x1FDB0] =	vst v63  }
0x15d: {  	v1 =	vmov s19;
	_ =	swait.ge [sflag:s2], $0x2800  }
0x15e: {  	p1 =	seq.s32 s16, $0x3D;
	v1 =	vmul.u32 $0x50, v1;
	[sflag:s2] =	ssyncset.done $0x0  }
0x15f: {  	s24 =	simm.s32 $0x0;
	s18 =	smul.u32 @!p1 $0x280, s16;
	[sflag:s2] =	ssyncadd.s32 $0xFFFFD800  }
0x160: {  	v2 =	vmov s24;
	s19 =	simm.s32 $0x3;
	v1 =	vbroadcast v1, $0x0;
	_ =	swait.ge [sflag:s7], $0x2800  }
0x161: {  	s20 =	simm.s32 @!p1 $0x1D5B0;
	v3 =	vand.u32 $0x78, v2;
	v4 =	vmov s19;
	s18 =	sshra.s32 @!p1 s18, $0x2;
	[sflag:s7] =	ssyncset.done $0x0  }
0x162: {  	v2 =	vand.u32 $0x4, v2;
	s19 =	simm.s32 @!p1 $0x50;
	v5 =	vand.u32 $0x78, v4;
	s18 =	sadd.s32 @!p1 $0x13970, s18;
	v3 =	vadd.s32 v1, v3;
	[sflag:s7] =	ssyncadd.s32 $0xFFFFD800  }
0x163: {  	v2 =	vor.u32 v2, v3;
	v3 =	vand.u32 $0x7, v4;
	v4 =	vadd.s32 v1, v5;
	[tilespmem:s20], [sflag:$0x2] =	stream.indirect.gather @!p1 [hbm4b:s1+s19], $0x80, s18, s19, $0xb8;
	[tilespmem:$0x1FDB0] =	vst v63  }
0x164: {  	v3 =	vor.u32 v3, v4;
	s18 =	simm.s32 $0x1AEB0  }
0x165: {  	v5 =	vld [tilespmem:s18+$0xF0]  }
0x166: {  	v7 =	vld [tilespmem:s18+$0xFFFFFF00]  }
0x167: {  	v8 =	vld [tilespmem:s18+$0xFFFFFF10]  }
0x168: {  	s20 =	simm.s32 $0x1;
	v4 =	vld.idx.msk [tilespmem:v2+s29+$0x0], $0xffff  }
0x169: {  	v2 =	vld.idx.msk [tilespmem:v3+s29+$0x0], $0xffff;
	v3 =	vmov s20  }
0x16a: {  	v9 =	vld [tilespmem:s18+$0xFFFFFF30];
	v6 =	vand.u32 $0x78, v3  }
0x16b: {  	v10 =	vld [tilespmem:s18+$0xFFFFFF40];
	v3 =	vand.u32 $0x5, v3;
	v6 =	vadd.s32 v1, v6  }
0x16c: {  	v11 =	vld [tilespmem:s18+$0xFFFFFF50];
	v3 =	vor.u32 v3, v6  }
0x16d: {  	v6 =	vld [tilespmem:s18+$0xFFFFFF20]  }
0x16e: {  	v12 =	vld [tilespmem:s18+$0xFFFFFF60];
	v7 =	vmul.f32 v7, v4  }
0x16f: {  	v15 =	vld [tilespmem:s18+$0xFFFFFF80];
	v8 =	vmul.f32 v8, v4  }
0x170: {  	s21 =	simm.s32 $0x2;
	v5 =	vmul.f32 v5, v2;
	[tilespmem:s18+$0xFFFFFF00] =	vst v7;
	v7 =	vld [tilespmem:s18+$0xFFFFFF70]  }
0x171: {  	[tilespmem:s18+$0xFFFFFF10] =	vst v8;
	v8 =	vmul.f32 v9, v4;
	v13 =	vld.idx.msk [tilespmem:v3+s29+$0x0], $0xffff;
	v3 =	vmov s21  }
0x172: {  	v9 =	vld [tilespmem:s18+$0xFFFFFFA0];
	[tilespmem:s18+$0xF0] =	vst v5;
	v5 =	vmul.f32 v6, v4;
	v14 =	vand.u32 $0x78, v3  }
0x173: {  	v6 =	vld [tilespmem:s18+$0xFFFFFF90];
	[tilespmem:s18+$0xFFFFFF30] =	vst v8;
	v8 =	vmul.f32 v11, v4;
	v3 =	vand.u32 $0x6, v3;
	v14 =	vadd.s32 v1, v14  }
0x174: {  	v11 =	vld [tilespmem:s18+$0xFFFFFFC0];
	[tilespmem:s18+$0xFFFFFF20] =	vst v5;
	v5 =	vmul.f32 v10, v4;
	v3 =	vor.u32 v3, v14  }
0x175: {  	v12 =	vmul.f32 v12, v4;
	v10 =	vld [tilespmem:s18+$0xFFFFFFB0];
	[tilespmem:s18+$0xFFFFFF50] =	vst v8  }
0x176: {  	v8 =	vld [tilespmem:s18+$0xFFFFFFE0];
	[tilespmem:s18+$0xFFFFFF40] =	vst v5;
	v5 =	vmul.f32 v15, v13  }
0x177: {  	[tilespmem:s18+$0xFFFFFF60] =	vst v12;
	v14 =	vld [tilespmem:s18+$0xFFFFFFD0];
	v4 =	vmul.f32 v7, v4  }
0x178: {  	v7 =	vld [tilespmem:s18+$0x0];
	[tilespmem:s18+$0xFFFFFF80] =	vst v5;
	v5 =	vmul.f32 v6, v13  }
0x179: {  	[tilespmem:s18+$0xFFFFFF70] =	vst v4;
	v4 =	vmul.f32 v9, v13;
	v3 =	vld.idx.msk [tilespmem:v3+s29+$0x0], $0xffff  }
0x17a: {  	v6 =	vld [tilespmem:s18+$0xFFFFFFF0];
	[tilespmem:s18+$0xFFFFFF90] =	vst v5;
	v5 =	vmul.f32 v10, v13  }
0x17b: {  	v9 =	vld [tilespmem:s18+$0x10];
	[tilespmem:s18+$0xFFFFFFA0] =	vst v4;
	v4 =	vmul.f32 v11, v13  }
0x17c: {  	s22 =	simm.s32 $0x4;
	v12 =	vld [tilespmem:s18+$0x20];
	[tilespmem:s18+$0xFFFFFFB0] =	vst v5;
	v5 =	vmul.f32 v14, v13  }
0x17d: {  	s24 =	simm.s32 $0x6;
	v8 =	vmul.f32 v8, v13;
	v10 =	vmov s22;
	[tilespmem:s18+$0xFFFFFFC0] =	vst v4;
	v14 =	vld [tilespmem:s18+$0x30]  }
0x17e: {  	v17 =	vmov s24;
	v16 =	vld [tilespmem:s18+$0x40];
	v11 =	vand.u32 $0x78, v10;
	[tilespmem:s18+$0xFFFFFFD0] =	vst v5;
	v5 =	vmul.f32 v7, v3  }
0x17f: {  	s23 =	simm.s32 $0x5;
	v4 =	vld [tilespmem:s18+$0x50];
	[tilespmem:s18+$0xFFFFFFE0] =	vst v8;
	v15 =	vand.u32 $0x4, v10;
	v8 =	vadd.s32 v1, v11;
	v7 =	vmul.f32 v6, v13  }
0x180: {  	v11 =	vand.u32 $0x6, v17;
	v13 =	vmov s23;
	v6 =	vld [tilespmem:s18+$0x60];
	v9 =	vmul.f32 v9, v3;
	[tilespmem:s18+$0x0] =	vst v5  }
0x181: {  	v17 =	vand.u32 $0x78, v17;
	v63 =	vmul.f32 v12, v3;
	v10 =	vand.u32 $0x5, v13;
	[tilespmem:s18+$0xFFFFFFF0] =	vst v7;
	v7 =	vld [tilespmem:s18+$0x70]  }
0x182: {  	v13 =	vand.u32 $0x78, v13;
	v5 =	vor.u32 v15, v8;
	[tilespmem:s18+$0x10] =	vst v9;
	v8 =	vld [tilespmem:s18+$0x80];
	v12 =	vmul.f32 v14, v3  }
0x183: {  	s19 =	simm.s32 $0x1AEB0;
	s20 =	simm.s32 $0x8;
	s21 =	simm.s32 $0x7;
	v15 =	vadd.s32 v1, v13;
	[tilespmem:s18+$0x20] =	vst v63;
	v13 =	vmul.f32 v16, v3;
	v9 =	vld [tilespmem:s18+$0x90];
	v14 =	vadd.s32 v1, v17  }
.LBB2_9:
0x184: {  	p1 =	slt.u32 s20, $0x4C;
	v10 =	vor.u32 v10, v15;
	v15 =	vmov s21;
	[tilespmem:s18+$0x30] =	vst v12;
	v4 =	vmul.f32 v4, v3;
	v12 =	vld [tilespmem:s18+$0xA0]  }
0x185: {  	v11 =	vor.u32 v11, v14;
	v14 =	vand.u32 $0x78, v15;
	[tilespmem:s18+$0x40] =	vst v13;
	v6 =	vmul.f32 v6, v3;
	v13 =	vld [tilespmem:s18+$0xB0]  }
0x186: {  	v15 =	vand.u32 $0x7, v15;
	v14 =	vadd.s32 v1, v14;
	[tilespmem:s18+$0x50] =	vst v4;
	v3 =	vmul.f32 v7, v3;
	v4 =	vld [tilespmem:s18+$0xC0]  }
0x187: {  	v7 =	vor.u32 v15, v14;
	[tilespmem:s18+$0x60] =	vst v6;
	v6 =	vmul.f32 v8, v2;
	v8 =	vld [tilespmem:s18+$0xD0]  }
0x188: {  	[tilespmem:s18+$0x70] =	vst v3;
	v3 =	vmul.f32 v9, v2;
	v9 =	vld [tilespmem:s18+$0xE0]  }
0x189: {  	v5 =	vld.idx.msk [tilespmem:v5+s29+$0x0], $0xffff;
	[tilespmem:s18+$0x80] =	vst v6;
	v6 =	vmul.f32 v12, v2  }
0x18a: {  	v10 =	vld.idx.msk [tilespmem:v10+s29+$0x0], $0xffff;
	[tilespmem:s18+$0x90] =	vst v3;
	v12 =	vmul.f32 v13, v2  }
0x18b: {  	v3 =	vld.idx.msk [tilespmem:v11+s29+$0x0], $0xffff;
	[tilespmem:s18+$0xA0] =	vst v6;
	v4 =	vmul.f32 v4, v2  }
0x18c: {  	s18 =	sadd.s32 $0x200, s18;
	v6 =	vld.idx.msk [tilespmem:v7+s29+$0x0], $0xffff;
	[tilespmem:s19+$0xB0] =	vst v12;
	v7 =	vmul.f32 v8, v2  }
0x18d: {  	v8 =	vld [tilespmem:s18+$0xF0];
	[tilespmem:s19+$0xC0] =	vst v4;
	v2 =	vmul.f32 v9, v2  }
0x18e: {  	v4 =	vld [tilespmem:s18+$0xFFFFFF00];
	[tilespmem:s19+$0xD0] =	vst v7  }
0x18f: {  	v7 =	vld [tilespmem:s18+$0xFFFFFF10];
	[tilespmem:s19+$0xE0] =	vst v2;
	s19 =	smov.u32 s18  }
0x190: {  	v9 =	vld [tilespmem:s18+$0xFFFFFF20]  }
0x191: {  	v11 =	vld [tilespmem:s18+$0xFFFFFF30]  }
0x192: {  	v2 =	vmov v6;
	v12 =	vld [tilespmem:s18+$0xFFFFFF40];
	v8 =	vmul.f32 v8, v6  }
0x193: {  	v4 =	vmul.f32 v4, v5;
	v6 =	vld [tilespmem:s18+$0xFFFFFF50]  }
0x194: {  	v7 =	vmul.f32 v7, v5;
	v13 =	vld [tilespmem:s18+$0xFFFFFF60];
	[tilespmem:s18+$0xF0] =	vst v8  }
0x195: {  	[tilespmem:s18+$0xFFFFFF00] =	vst v4;
	v4 =	vmul.f32 v9, v5;
	v8 =	vld [tilespmem:s18+$0xFFFFFF70]  }
0x196: {  	[tilespmem:s18+$0xFFFFFF10] =	vst v7;
	v7 =	vmul.f32 v11, v5;
	v9 =	vld [tilespmem:s18+$0xFFFFFF80]  }
0x197: {  	[tilespmem:s18+$0xFFFFFF20] =	vst v4;
	v4 =	vmul.f32 v12, v5;
	v11 =	vld [tilespmem:s18+$0xFFFFFF90]  }
0x198: {  	[tilespmem:s18+$0xFFFFFF30] =	vst v7;
	v6 =	vmul.f32 v6, v5;
	v7 =	vld [tilespmem:s18+$0xFFFFFFA0]  }
0x199: {  	[tilespmem:s18+$0xFFFFFF40] =	vst v4;
	v4 =	vmul.f32 v13, v5;
	v12 =	vld [tilespmem:s18+$0xFFFFFFB0]  }
0x19a: {  	[tilespmem:s18+$0xFFFFFF50] =	vst v6;
	v5 =	vmul.f32 v8, v5;
	v6 =	vld [tilespmem:s18+$0xFFFFFFC0]  }
0x19b: {  	[tilespmem:s18+$0xFFFFFF60] =	vst v4;
	v4 =	vmul.f32 v9, v10;
	v8 =	vld [tilespmem:s18+$0xFFFFFFD0]  }
0x19c: {  	[tilespmem:s18+$0xFFFFFF70] =	vst v5;
	v5 =	vmul.f32 v11, v10;
	v9 =	vld [tilespmem:s18+$0xFFFFFFE0]  }
0x19d: {  	[tilespmem:s18+$0xFFFFFF80] =	vst v4;
	v4 =	vmul.f32 v7, v10;
	v7 =	vld [tilespmem:s18+$0xFFFFFFF0]  }
0x19e: {  	[tilespmem:s18+$0xFFFFFF90] =	vst v5;
	v5 =	vmul.f32 v12, v10;
	v11 =	vld [tilespmem:s18+$0x0]  }
0x19f: {  	[tilespmem:s18+$0xFFFFFFA0] =	vst v4;
	v4 =	vmul.f32 v6, v10;
	v6 =	vld [tilespmem:s18+$0x10]  }
0x1a0: {  	[tilespmem:s18+$0xFFFFFFB0] =	vst v5;
	v5 =	vmul.f32 v8, v10;
	v8 =	vld [tilespmem:s18+$0x20]  }
0x1a1: {  	v12 =	vmov s20;
	[tilespmem:s18+$0xFFFFFFC0] =	vst v4;
	v4 =	vmul.f32 v9, v10;
	v9 =	vld [tilespmem:s18+$0x30]  }
0x1a2: {  	s21 =	sadd.s32 $0x1, s20;
	s22 =	sadd.s32 $0x2, s20;
	v13 =	vand.u32 $0x78, v12;
	v12 =	vand.u32 $0x4, v12;
	[tilespmem:s18+$0xFFFFFFD0] =	vst v5;
	v5 =	vmul.f32 v7, v10;
	v16 =	vld [tilespmem:s18+$0x40]  }
.Ltmp3:
0x1a3: {  	v14 =	vmov s22;
	v7 =	vmov s21;
	[tilespmem:s18+$0xFFFFFFE0] =	vst v4;
	v15 =	vmul.f32 v11, v3;
	v4 =	vld [tilespmem:s18+$0x50];
	(pc) =	sbr.rel @p1 .LBB2_9-.Ltmp3, $4  }
0x1a4: {  	v13 =	vadd.s32 v1, v13;
	v10 =	vand.u32 $0x5, v7;
	[tilespmem:s18+$0xFFFFFFF0] =	vst v5;
	v17 =	vmul.f32 v6, v3;
	v6 =	vld [tilespmem:s18+$0x60]  }
0x1a5: {  	v18 =	vand.u32 $0x78, v7;
	v11 =	vand.u32 $0x6, v14;
	[tilespmem:s18+$0x0] =	vst v15;
	v19 =	vmul.f32 v8, v3;
	v7 =	vld [tilespmem:s18+$0x70]  }
0x1a6: {  	v5 =	vor.u32 v12, v13;
	v13 =	vand.u32 $0x78, v14;
	[tilespmem:s18+$0x10] =	vst v17;
	v12 =	vmul.f32 v9, v3;
	v8 =	vld [tilespmem:s18+$0x80]  }
0x1a7: {  	s21 =	sadd.s32 $0x3, s20;
	s20 =	sadd.s32 $0x4, s20;
	v15 =	vadd.s32 v1, v18;
	v14 =	vadd.s32 v1, v13;
	[tilespmem:s18+$0x20] =	vst v19;
	v13 =	vmul.f32 v16, v3;
	v9 =	vld [tilespmem:s18+$0x90]  }
0x1a8: {  	v17 =	vld [tilespmem:s18+$0xA0]  }
0x1a9: {  	v18 =	vld [tilespmem:s18+$0xB0]  }
0x1aa: {  	v25 =	vld [tilespmem:s18+$0xC0]  }
0x1ab: {  	v26 =	vld [tilespmem:s18+$0xD0]  }
0x1ac: {  	[tilespmem:s18+$0x30] =	vst v12;
	v4 =	vmul.f32 v4, v3;
	v27 =	vld [tilespmem:s18+$0xE0]  }
0x1ad: {  	v5 =	vld.idx.msk [tilespmem:v5+s29+$0x0], $0xffff;
	s20 =	sadd.s32 $0x200, s18;
	[tilespmem:s18+$0x40] =	vst v13;
	v6 =	vmul.f32 v6, v3  }
0x1ae: {  	v32 =	vld [tilespmem:s20+$0xF0];
	[tilespmem:s18+$0x50] =	vst v4;
	v3 =	vmul.f32 v7, v3  }
0x1af: {  	v16 =	vmov s21;
	v33 =	vld [tilespmem:s20+$0xFFFFFF00];
	[tilespmem:s18+$0x60] =	vst v6;
	v29 =	vmul.f32 v8, v2  }
0x1b0: {  	v10 =	vor.u32 v10, v15;
	v23 =	vand.u32 $0x78, v16;
	v35 =	vld [tilespmem:s20+$0xFFFFFF10];
	[tilespmem:s18+$0x70] =	vst v3;
	v3 =	vmul.f32 v9, v2  }
0x1b1: {  	v24 =	vand.u32 $0x7, v16;
	v36 =	vld [tilespmem:s20+$0xFFFFFF20];
	v1 =	vadd.s32 v1, v23;
	[tilespmem:s18+$0x80] =	vst v29;
	v31 =	vmul.f32 v17, v2  }
0x1b2: {  	v37 =	vld [tilespmem:s20+$0xFFFFFF30];
	v1 =	vor.u32 v24, v1;
	[tilespmem:s18+$0x90] =	vst v3;
	v3 =	vmul.f32 v18, v2  }
0x1b3: {  	v38 =	vld [tilespmem:s20+$0xFFFFFF50];
	v34 =	vmul.f32 v25, v2;
	[tilespmem:s18+$0xA0] =	vst v31  }
0x1b4: {  	v39 =	vld [tilespmem:s20+$0xFFFFFF60];
	[tilespmem:s19+$0xB0] =	vst v3;
	v3 =	vmul.f32 v26, v2  }
0x1b5: {  	v28 =	vld.idx.msk [tilespmem:v10+s29+$0x0], $0xffff;
	[tilespmem:s19+$0xC0] =	vst v34;
	v2 =	vmul.f32 v27, v2  }
0x1b6: {  	v10 =	vmul.f32 v35, v5;
	[tilespmem:s19+$0xD0] =	vst v3;
	v3 =	vld [tilespmem:s20+$0xFFFFFF40]  }
0x1b7: {  	v1 =	vld.idx.msk [tilespmem:v1+s29+$0x0], $0xffff;
	[tilespmem:s19+$0xE0] =	vst v2;
	v2 =	vmul.f32 v33, v5  }
0x1b8: {  	v40 =	vld [tilespmem:s20+$0xFFFFFF70];
	v6 =	vmul.f32 v37, v5;
	[tilespmem:s20+$0xFFFFFF10] =	vst v10  }
0x1b9: {  	v41 =	vld [tilespmem:s20+$0xFFFFFF80];
	[tilespmem:s20+$0xFFFFFF00] =	vst v2;
	v2 =	vmul.f32 v36, v5  }
0x1ba: {  	v43 =	vld [tilespmem:s20+$0xFFFFFFA0];
	v42 =	vmul.f32 v38, v5;
	[tilespmem:s20+$0xFFFFFF30] =	vst v6  }
0x1bb: {  	[tilespmem:s20+$0xFFFFFF20] =	vst v2;
	v2 =	vmul.f32 v3, v5;
	v3 =	vld [tilespmem:s20+$0xFFFFFF90]  }
0x1bc: {  	v44 =	vld [tilespmem:s20+$0xFFFFFFB0];
	[tilespmem:s20+$0xFFFFFF50] =	vst v42;
	v8 =	vmul.f32 v32, v1  }
0x1bd: {  	v11 =	vor.u32 v11, v14;
	v45 =	vld [tilespmem:s20+$0xFFFFFFC0];
	[tilespmem:s20+$0xFFFFFF40] =	vst v2;
	v2 =	vmul.f32 v39, v5  }
0x1be: {  	v46 =	vld [tilespmem:s20+$0xFFFFFFD0];
	[tilespmem:s20+$0xF0] =	vst v8;
	v5 =	vmul.f32 v40, v5  }
0x1bf: {  	v47 =	vld [tilespmem:s20+$0xFFFFFFE0];
	[tilespmem:s20+$0xFFFFFF60] =	vst v2;
	v2 =	vmul.f32 v41, v28  }
0x1c0: {  	v48 =	vld [tilespmem:s20+$0xFFFFFFF0];
	[tilespmem:s20+$0xFFFFFF70] =	vst v5;
	v3 =	vmul.f32 v3, v28  }
0x1c1: {  	v49 =	vld [tilespmem:s20+$0x0];
	[tilespmem:s20+$0xFFFFFF80] =	vst v2;
	v2 =	vmul.f32 v43, v28  }
0x1c2: {  	v30 =	vld.idx.msk [tilespmem:v11+s29+$0x0], $0xffff;
	[tilespmem:s20+$0xFFFFFF90] =	vst v3;
	v3 =	vmul.f32 v44, v28  }
0x1c3: {  	v50 =	vld [tilespmem:s20+$0x10];
	[tilespmem:s20+$0xFFFFFFA0] =	vst v2;
	v2 =	vmul.f32 v45, v28  }
0x1c4: {  	v51 =	vld [tilespmem:s20+$0x20];
	[tilespmem:s20+$0xFFFFFFB0] =	vst v3;
	v3 =	vmul.f32 v46, v28  }
0x1c5: {  	v52 =	vld [tilespmem:s20+$0x30];
	[tilespmem:s20+$0xFFFFFFC0] =	vst v2;
	v2 =	vmul.f32 v47, v28  }
0x1c6: {  	v53 =	vld [tilespmem:s20+$0x40];
	[tilespmem:s20+$0xFFFFFFD0] =	vst v3;
	v3 =	vmul.f32 v48, v28  }
0x1c7: {  	v54 =	vld [tilespmem:s20+$0x50];
	[tilespmem:s20+$0xFFFFFFE0] =	vst v2;
	v2 =	vmul.f32 v49, v30  }
0x1c8: {  	v55 =	vld [tilespmem:s20+$0x60];
	[tilespmem:s20+$0xFFFFFFF0] =	vst v3;
	v3 =	vmul.f32 v50, v30  }
0x1c9: {  	v56 =	vld [tilespmem:s20+$0x70];
	[tilespmem:s20+$0x0] =	vst v2;
	v2 =	vmul.f32 v51, v30  }
0x1ca: {  	v57 =	vld [tilespmem:s20+$0x80];
	[tilespmem:s20+$0x10] =	vst v3;
	v3 =	vmul.f32 v52, v30  }
0x1cb: {  	v58 =	vld [tilespmem:s20+$0x90];
	[tilespmem:s20+$0x20] =	vst v2;
	v2 =	vmul.f32 v53, v30  }
0x1cc: {  	v59 =	vld [tilespmem:s20+$0xA0];
	[tilespmem:s20+$0x30] =	vst v3;
	v3 =	vmul.f32 v54, v30  }
0x1cd: {  	v60 =	vld [tilespmem:s20+$0xB0];
	[tilespmem:s20+$0x40] =	vst v2;
	v2 =	vmul.f32 v55, v30  }
0x1ce: {  	v61 =	vld [tilespmem:s20+$0xC0];
	[tilespmem:s20+$0x50] =	vst v3;
	v3 =	vmul.f32 v56, v30  }
0x1cf: {  	v62 =	vld [tilespmem:s20+$0xD0];
	[tilespmem:s20+$0x60] =	vst v2;
	v2 =	vmul.f32 v57, v1  }
0x1d0: {  	v63 =	vld [tilespmem:s20+$0xE0];
	[tilespmem:s20+$0x70] =	vst v3;
	v3 =	vmul.f32 v58, v1  }
0x1d1: {  	[tilespmem:s20+$0x80] =	vst v2;
	v2 =	vmul.f32 v59, v1  }
0x1d2: {  	s16 =	sadd.s32 $0x1, s16;
	[tilespmem:s20+$0x90] =	vst v3;
	v3 =	vmul.f32 v60, v1  }
0x1d3: {  	p1 =	sne.s32 s16, $0x3E;
	[tilespmem:s20+$0xA0] =	vst v2;
	v2 =	vmul.f32 v61, v1  }
.Ltmp4:
0x1d4: {  	[tilespmem:s20+$0xB0] =	vst v3;
	v3 =	vmul.f32 v62, v1;
	(pc) =	sbr.rel @p1 .LBB2_6-.Ltmp4, $4  }
0x1d5: {  	v1 =	vmul.f32 v63, v1;
	[tilespmem:s20+$0xC0] =	vst v2  }
0x1d6: {  	[tilespmem:s20+$0xD0] =	vst v3  }
0x1d7: {  	s17 =	sadd.s32 $0x15F90, s17;
	[tilespmem:s20+$0xE0] =	vst v1  }
0x1d8: {  	[spmem:s3] =	stream.indirect.scatter.add.f32 [tilespmem:s30], [sflag:$0x3], $0x80, s17, s31, $0xb8;
	[tilespmem:$0x1FDB0] =	vst v63  }
0x1d9: {  	_ =	swait.ge [sflag:s6], $0x2800  }
0x1da: {  	[sflag:s6] =	ssyncset.done $0x0  }
0x1db: {  	[sflag:s6] =	ssyncadd.s32 $0xFFFFD800  }
0x1dc: {  	[bflag:$0x0] =	sbarrier.arrive $0xFFFF  }
0x1dd: {  	[tilespmem:s30], [sflag:$0x5] =	stream.linear.gather [spmem:s8], $0x2800, $0x38;
	[tilespmem:$0x1FDB0] =	vst v63  }
0x1de: {  	_ =	swait.ge [sflag:s26], $0x2800  }
0x1df: {  	[sflag:s26] =	ssyncset.done $0x0  }
0x1e0: {  	s16 =	rddreg [dreg:$0x8];
	[sflag:s26] =	ssyncadd.s32 $0xFFFFD800  }
0x1e1: {  	[hbm4b:s16+s4] =	stream.linear.scatter [tilespmem:s30], [sflag:$0x5], $0x2800, $0x38;
	[tilespmem:$0x1FDB0] =	vst v63  }
0x1e2: {  	_ =	swait.ge [sflag:s26], $0x2800  }
0x1e3: {  	[sflag:s26] =	ssyncset.done $0x0  }
0x1e4: {  	[sflag:s26] =	ssyncadd.s32 $0xFFFFD800  }
0x1e5: {  	[tilespmem:s30], [sflag:$0x5] =	stream.linear.gather [spmem:s9], $0x2800, $0x38;
	[tilespmem:$0x1FDB0] =	vst v63  }
0x1e6: {  	_ =	swait.ge [sflag:s26], $0x2800  }
0x1e7: {  	[sflag:s26] =	ssyncset.done $0x0  }
0x1e8: {  	s18 =	rddreg [dreg:$0x9];
	[sflag:s26] =	ssyncadd.s32 $0xFFFFD800  }
0x1e9: {  	[hbm4b:s18+s4] =	stream.linear.scatter [tilespmem:s30], [sflag:$0x5], $0x2800, $0x38;
	[tilespmem:$0x1FDB0] =	vst v63  }
0x1ea: {  	_ =	swait.ge [sflag:s26], $0x2800  }
0x1eb: {  	[sflag:s26] =	ssyncset.done $0x0  }
0x1ec: {  	[sflag:s26] =	ssyncadd.s32 $0xFFFFD800  }
0x1ed: {  	[tilespmem:s30], [sflag:$0x5] =	stream.linear.gather [spmem:s10], $0x2800, $0x38;
	[tilespmem:$0x1FDB0] =	vst v63  }
0x1ee: {  	_ =	swait.ge [sflag:s26], $0x2800  }
0x1ef: {  	[sflag:s26] =	ssyncset.done $0x0  }
0x1f0: {  	s19 =	rddreg [dreg:$0xa];
	[sflag:s26] =	ssyncadd.s32 $0xFFFFD800  }
0x1f1: {  	[hbm4b:s19+s4] =	stream.linear.scatter [tilespmem:s30], [sflag:$0x5], $0x2800, $0x38;
	[tilespmem:$0x1FDB0] =	vst v63  }
0x1f2: {  	_ =	swait.ge [sflag:s26], $0x2800  }
0x1f3: {  	[sflag:s26] =	ssyncset.done $0x0  }
0x1f4: {  	[sflag:s26] =	ssyncadd.s32 $0xFFFFD800  }
0x1f5: {  	[tilespmem:s30], [sflag:$0x5] =	stream.linear.gather [spmem:s11], $0x2800, $0x38;
	[tilespmem:$0x1FDB0] =	vst v63  }
0x1f6: {  	_ =	swait.ge [sflag:s26], $0x2800  }
0x1f7: {  	[sflag:s26] =	ssyncset.done $0x0  }
0x1f8: {  	s20 =	rddreg [dreg:$0xb];
	[sflag:s26] =	ssyncadd.s32 $0xFFFFD800  }
0x1f9: {  	[hbm4b:s20+s4] =	stream.linear.scatter [tilespmem:s30], [sflag:$0x5], $0x2800, $0x38;
	[tilespmem:$0x1FDB0] =	vst v63  }
0x1fa: {  	_ =	swait.ge [sflag:s26], $0x2800  }
0x1fb: {  	[sflag:s26] =	ssyncset.done $0x0  }
0x1fc: {  	[sflag:s26] =	ssyncadd.s32 $0xFFFFD800  }
0x1fd: {  	[tilespmem:s30], [sflag:$0x5] =	stream.linear.gather [spmem:s12], $0x2800, $0x38;
	[tilespmem:$0x1FDB0] =	vst v63  }
0x1fe: {  	_ =	swait.ge [sflag:s26], $0x2800  }
0x1ff: {  	[sflag:s26] =	ssyncset.done $0x0  }
0x200: {  	s21 =	rddreg [dreg:$0xc];
	[sflag:s26] =	ssyncadd.s32 $0xFFFFD800  }
0x201: {  	[hbm4b:s21+s4] =	stream.linear.scatter [tilespmem:s30], [sflag:$0x5], $0x2800, $0x38;
	[tilespmem:$0x1FDB0] =	vst v63  }
0x202: {  	_ =	swait.ge [sflag:s26], $0x2800  }
0x203: {  	[sflag:s26] =	ssyncset.done $0x0  }
0x204: {  	[sflag:s26] =	ssyncadd.s32 $0xFFFFD800  }
0x205: {  	[tilespmem:s30], [sflag:$0x5] =	stream.linear.gather [spmem:s13], $0x2800, $0x38;
	[tilespmem:$0x1FDB0] =	vst v63  }
0x206: {  	_ =	swait.ge [sflag:s26], $0x2800  }
0x207: {  	[sflag:s26] =	ssyncset.done $0x0  }
0x208: {  	s22 =	rddreg [dreg:$0xd];
	[sflag:s26] =	ssyncadd.s32 $0xFFFFD800  }
0x209: {  	[hbm4b:s22+s4] =	stream.linear.scatter [tilespmem:s30], [sflag:$0x5], $0x2800, $0x38;
	[tilespmem:$0x1FDB0] =	vst v63  }
0x20a: {  	_ =	swait.ge [sflag:s26], $0x2800  }
0x20b: {  	[sflag:s26] =	ssyncset.done $0x0  }
0x20c: {  	[sflag:s26] =	ssyncadd.s32 $0xFFFFD800  }
0x20d: {  	[tilespmem:s30], [sflag:$0x5] =	stream.linear.gather [spmem:s14], $0x2800, $0x38;
	[tilespmem:$0x1FDB0] =	vst v63  }
0x20e: {  	_ =	swait.ge [sflag:s26], $0x2800  }
0x20f: {  	[sflag:s26] =	ssyncset.done $0x0  }
0x210: {  	s23 =	rddreg [dreg:$0xe];
	[sflag:s26] =	ssyncadd.s32 $0xFFFFD800  }
0x211: {  	[hbm4b:s23+s4] =	stream.linear.scatter [tilespmem:s30], [sflag:$0x5], $0x2800, $0x38;
	[tilespmem:$0x1FDB0] =	vst v63  }
0x212: {  	_ =	swait.ge [sflag:s26], $0x2800  }
0x213: {  	[sflag:s26] =	ssyncset.done $0x0  }
0x214: {  	s17 =	simm.s32 @!p0 $0x5;
	s16 =	simm.s32 @!p0 $0x1ADB0;
	[sflag:s26] =	ssyncadd.s32 $0xFFFFD800  }
0x215: {  	[tilespmem:s16], [sflag:$0x5] =	stream.linear.gather @!p0 [spmem:s15], $0x2800, $0x38;
	[tilespmem:$0x1FDB0] =	vst v63  }
0x216: {  	_ =	swait.ge @!p0 [sflag:s17], $0x2800  }
0x217: {  	[sflag:s17] =	ssyncset.done @!p0 $0x0  }
0x218: {  	s18 =	simm.s32 @!p0 $0x0;
	s19 =	rddreg [dreg:$0xf];
	[sflag:s17] =	ssyncadd.s32 @!p0 $0xFFFFD800  }
0x219: {  	[hbm4b:s19+s18] =	stream.linear.scatter @!p0 [tilespmem:s16], [sflag:$0x5], $0x2800, $0x38;
	[tilespmem:$0x1FDB0] =	vst v63  }
0x21a: {  	_ =	swait.ge @!p0 [sflag:s17], $0x2800  }
0x21b: {  	s25 =	sadd.s32 $0x1, s25;
	s24 =	rddreg [dreg:$0x10]  }
0x21c: {  	p1 =	sne.s32 s25, s24  }
.Ltmp5:
0x21d: {  	_ = 	snop;
	(pc) =	sbr.rel @p1 .LBB2_1-.Ltmp5, $3  }
0x21e: {  	_ =	sdelay $0x1  }
0x21f: {  	[sflag:s17] =	ssyncset.done @!p0 $0x0  }
0x220: {  	s21 =	simm.s32 $0x15F90;
	s18 =	simm.s32 $0x13880;
	[sflag:s17] =	ssyncadd.s32 @!p0 $0xFFFFD800  }
0x221: {  	_ =	sfence.sel $0x180000  }
0x222: {  	[bflag:$0x0] =	sbarrier.arrive $0xFFFF  }
0x223: {  	_ =	strace $0x9000004A  }
0x224: {  	s0 =	stileid.u32;
	[bflag:$0x2] =	sbarrier.arrive $0xFFFF  }
0x225: {  	p0 =	sne.s32 s0, $0x0;
	s0 =	rddreg [dreg:$0x4]  }
0x226: {  	s0 =	sadd.s32 @!p0 $0x100000, s0  }
0x227: {  	[sflag:s0] =	ssyncadd.tile.s32 @!p0 $0x1;
	_ =	shalt  }
.Lfunc_end2:
_tile_overlayer_lowered:
.L_overlay_start_2:
0x228: {  	(tag) =	ssettag $0x2  }
0x229: {  	s0 =	rddreg [dreg:$0x0];
	s2 =	stileid.u32  }
0x22a: {  	s1 =	rddreg [dreg:$0x1];
	p0 =	sne.s32 s2, $0x0  }
0x22b: {  	s3 =	rddreg [dreg:$0x2];
	[bflag:$0x3] =	sbarrier.arrive $0xFFFF;
	s2 =	simm.s32 @!p0 $0x1C05  }
0x22c: {  	[timem:s3], [sflag:s2] =	dma.local @!p0 [hbm:s0], s1  }
0x22d: {  	s0 =	simm.s32 @!p0 $0x5  }
0x22e: {  	_ =	swait.ge @!p0 [sflag:s0], s1  }
0x22f: {  	s1 =	ssub.s32 @!p0 $0x0, s1;
	[sflag:s0] =	ssyncset.done @!p0 $0x0  }
0x230: {  	[sflag:s0] =	ssyncadd.s32 @!p0 s1  }
0x231: {  	[bflag:$0x3] =	sbarrier.arrive $0xFFFF  }
0x232: {  	_ =	shalt  }

// kernel: kernel.7.cloned.1.call-start
scs
__scs_entry_jumppad:
0x0: {  	(pc) =	sbr.rel $0x88, $3  }
0x1: {  	(tag) =	ssettag $0x0;
	lr =	simm.s32 $0x1  }
0x2: {  	[smem:$0x3F9C] =	sst lr;
	_ =	strace $0xD0000000  }
0x3: {  	_ = 	snop  }
0x4: {  	_ = 	snop  }
0x5: {  	_ = 	snop  }
0x6: {  	_ = 	snop  }
0x7: {  	_ = 	snop  }
__scs_overlays_trampoline_lowered:
0x8: {  	[smem:$0x3FAB] =	sst s0  }
0x9: {  	[smem:$0x3FAC] =	sst s1  }
0xa: {  	[smem:$0x3FAD] =	sst s2  }
0xb: {  	[smem:$0x3FAE] =	sst s3  }
0xc: {  	[smem:$0x3FAF] =	sst s4  }
0xd: {  	[smem:$0x3FB0] =	sst s5  }
0xe: {  	[smem:$0x3FB1] =	sst s6  }
0xf: {  	[smem:$0x3FB2] =	sst s7  }
0x10: {  	[smem:$0x3FB3] =	sst s8  }
0x11: {  	[smem:$0x3FB4] =	sst s9;
	s0 =	simm.s32 @!p0 $0x0  }
0x12: {  	s1 =	sld [smem:$0x3F9A];
	s0 =	simm.s32 @p0 $0x1  }
0x13: {  	[smem:$0x3FB5] =	sst s0;
	s0 =	simm.s32 @!p1 $0x0  }
0x14: {  	s2 =	sld [smem:$0x3F99];
	s0 =	simm.s32 @p1 $0x1  }
0x15: {  	[smem:$0x3FB6] =	sst s0;
	s0 =	simm.s32 @!p2 $0x0  }
0x16: {  	s3 =	sld [smem:$0x3FDB];
	s0 =	simm.s32 @p2 $0x1  }
0x17: {  	s4 =	simm.s32 $0x1BF5;
	[smem:$0x3FB8] =	sst s0  }
0x18: {  	s0 =	sld [smem:$0x3F9B];
	_ =	swait.ge [sflag:s4], $0x0  }
0x19: {  	s7 =	sld [smem:$0x3F9C]  }
0x1a: {  	s8 =	sadd.s32 $0xFFFFE003, lr  }
0x1b: {  	s9 =	sadd.s32 $0xFFFFFEF7, lr;
	s5 =	simm.s32 $0xFFFFFFFF;
	p2 =	slt.u32 s8, $0xFFFFF086  }
0x1c: {  	p1 =	slt.u32 s9, $0xF7A;
	s5 =	simm.s32 @!p2 $0x0  }
0x1d: {  	s5 =	simm.s32 @p1 $0x1;
	p0 =	seq.s32 s7, s2  }
0x1e: {  	s7 =	smul.u32 @!p0 $0xF7A, s2;
	p2 =	seq.s32 @!p0 s5, $0x0  }
0x1f: {  	s9 =	smul.u32 $0xF7A, s1;
	s8 =	simm.s32 @!p0 $0x1BF5;
	p2 =	por !p2, p0  }
0x20: {  	[sflag:s8] =	ssyncset.s32 @!p0 $0xFFFFF086;
	s6 =	sadd.s32 @!p0 s3, s7;
	s7 =	simm.s32 @!p0 $0x108  }
0x21: {  	s3 =	sadd.s32 s3, s9;
	s6 =	sadd.s32 @!p0 $0x88, s6;
	s7 =	simm.s32 @p2 $0x1082  }
0x22: {  	[simem:s7], [sflag:s8] =	dma.local @!p0 [hbm:s6], $0xF7A  }
0x23: {  	s9 =	sor.u32 $0xD0000000, s2;
	s6 =	simm.s32 $0x108;
	_ =	swait.ge @!p0 [sflag:s8], $0x0  }
0x24: {  	s3 =	sadd.s32 $0x88, s3;
	s6 =	simm.s32 @!p1 $0x1082;
	[sflag:s4] =	ssyncset.s32 $0xFFFFF086  }
0x25: {  	[simem:s6], [sflag:s4] =	dma.local [hbm:s3], $0xF7A  }
0x26: {  	[smem:$0x3F9C] =	sst s1;
	(tag) =	ssettag s2;
	_ =	strace s9  }
0x27: {  	s1 =	sld [smem:$0x3FAC]  }
0x28: {  	s2 =	sld [smem:$0x3FAD]  }
0x29: {  	s4 =	sld [smem:$0x3FAF]  }
0x2a: {  	p0 =	seq.s32 s5, $0x0;
	s5 =	sld [smem:$0x3FB0]  }
0x2b: {  	s6 =	sld [smem:$0x3FB1]  }
0x2c: {  	s7 =	sld [smem:$0x3FB2]  }
0x2d: {  	s3 =	simm.s32 $0x108;
	s8 =	sld [smem:$0x3FB3]  }
0x2e: {  	s3 =	simm.s32 @!p0 $0x1082;
	s9 =	sld [smem:$0x3FB4]  }
0x2f: {  	lr =	sadd.s32 s0, s3;
	s0 =	sld [smem:$0x3FAB]  }
0x30: {  	s3 =	sld [smem:$0x3FAE]  }
0x31: {  	[smem:$0x3FB7] =	sst s10  }
0x32: {  	s10 =	sld [smem:$0x3FB5];
	_ =	sdelay $0x3  }
0x33: {  	p0 =	seq.s32 s10, $0x1;
	s10 =	sld [smem:$0x3FB7];
	_ =	sdelay $0x3  }
0x34: {  	[smem:$0x3FB7] =	sst s10  }
0x35: {  	s10 =	sld [smem:$0x3FB6];
	_ =	sdelay $0x3  }
0x36: {  	p1 =	seq.s32 s10, $0x1;
	s10 =	sld [smem:$0x3FB7];
	_ =	sdelay $0x3  }
0x37: {  	[smem:$0x3FB7] =	sst s10  }
0x38: {  	s10 =	sld [smem:$0x3FB8]  }
0x39: {  	_ = 	snop;
	(pc) =	sbr.ind lr, $3  }
0x3a: {  	_ = 	snop  }
0x3b: {  	_ = 	snop  }
0x3c: {  	p2 =	seq.s32 s10, $0x1;
	s10 =	sld [smem:$0x3FB7]  }
0x3d: {  	_ =	shalt  }
0x3e: {  	_ =	shalt  }
0x3f: {  	_ =	shalt  }
0x40: {  	_ =	shalt  }
0x41: {  	_ =	shalt  }
0x42: {  	_ =	shalt  }
0x43: {  	_ =	shalt  }
0x44: {  	_ =	shalt  }
0x45: {  	_ =	shalt  }
0x46: {  	_ =	shalt  }
0x47: {  	_ =	shalt  }
0x48: {  	_ =	shalt  }
0x49: {  	_ =	shalt  }
0x4a: {  	_ =	shalt  }
0x4b: {  	_ =	shalt  }
0x4c: {  	_ =	shalt  }
0x4d: {  	_ =	shalt  }
0x4e: {  	_ =	shalt  }
0x4f: {  	_ =	shalt  }
0x50: {  	_ =	shalt  }
0x51: {  	_ =	shalt  }
0x52: {  	_ =	shalt  }
0x53: {  	_ =	shalt  }
0x54: {  	_ =	shalt  }
0x55: {  	_ =	shalt  }
0x56: {  	_ =	shalt  }
0x57: {  	_ =	shalt  }
0x58: {  	_ =	shalt  }
0x59: {  	_ =	shalt  }
0x5a: {  	_ =	shalt  }
0x5b: {  	_ =	shalt  }
0x5c: {  	_ =	shalt  }
0x5d: {  	_ =	shalt  }
0x5e: {  	_ =	shalt  }
0x5f: {  	_ =	shalt  }
0x60: {  	_ =	shalt  }
0x61: {  	_ =	shalt  }
0x62: {  	_ =	shalt  }
0x63: {  	_ =	shalt  }
0x64: {  	_ =	shalt  }
0x65: {  	_ =	shalt  }
0x66: {  	_ =	shalt  }
0x67: {  	_ =	shalt  }
0x68: {  	_ =	shalt  }
0x69: {  	_ =	shalt  }
0x6a: {  	_ =	shalt  }
0x6b: {  	_ =	shalt  }
0x6c: {  	_ =	shalt  }
0x6d: {  	_ =	shalt  }
0x6e: {  	_ =	shalt  }
0x6f: {  	_ =	shalt  }
0x70: {  	_ =	shalt  }
0x71: {  	_ =	shalt  }
0x72: {  	_ =	shalt  }
0x73: {  	_ =	shalt  }
0x74: {  	_ =	shalt  }
0x75: {  	_ =	shalt  }
0x76: {  	_ =	shalt  }
0x77: {  	_ =	shalt  }
0x78: {  	_ =	shalt  }
0x79: {  	_ =	shalt  }
0x7a: {  	_ =	shalt  }
0x7b: {  	_ =	shalt  }
0x7c: {  	_ =	shalt  }
0x7d: {  	_ =	shalt  }
0x7e: {  	_ =	shalt  }
0x7f: {  	_ =	shalt  }
0x80: {  	_ =	shalt  }
0x81: {  	_ =	shalt  }
0x82: {  	_ =	shalt  }
0x83: {  	_ =	shalt  }
0x84: {  	_ =	shalt  }
0x85: {  	_ =	shalt  }
0x86: {  	_ =	shalt  }
0x87: {  	_ =	shalt  }
.Lfunc_end0:
.L_simem_size_0:
called_computation_lowered:
.L_overlay_start_0:
0x88: {  	s2 =	sld [smem:$0x3FD9]  }
0x89: {  	s3 =	sld [smem:$0x3FFE];
	_ =	sdelay $0x1  }
0x8a: {  	s1 =	srdreg.scid  }
0x8b: {  	s0 =	sand.u32 $0x1, s1  }
0x8c: {  	s17 =	sshll.u32 s0, $0xA;
	s2 =	sadd.s32 s3, s2  }
0x8d: {  	s2 =	sadd.s32 s2, s17  }
0x8e: {  	[smem:$0x3FC3] =	sst s2  }
0x8f: {  	_ = 	snop  }
0x90: {  	s2 =	sld [smem:$0x3FC5]  }
0x91: {  	s18 =	sld [smem:$0x3FD0];
	(tm) =	ssettm $0x1  }
0x92: {  	s4 =	sld [smem:$0x3FFB];
	_ =	sdelay $0x3  }
0x93: {  	_ =	strace s4  }
0x94: {  	s4 =	sld [smem:$0x3FFC];
	_ =	sdelay $0x3  }
0x95: {  	_ =	strace s4  }
0x96: {  	s4 =	sld [smem:$0x3FFD];
	_ =	sdelay $0x3  }
0x97: {  	_ =	strace s4  }
0x98: {  	_ =	strace $0x8FFFFFFF  }
0x99: {  	s19 =	sld [smem:$0x3FDB];
	_ =	sdelay $0x1  }
0x9a: {  	s5 =	simm.s32 $_scs_section_size  }
0x9b: {  	s6 =	simm.s32 $_size__tile_overlayer_lowered;
	s7 =	simm.s32 $_tile_overlayer_lowered  }
0x9c: {  	s22 =	simm.s32 $0x1BFF;
	s21 =	sshll.u32 s7, $0x1;
	s4 =	sadd.s32 s5, s19  }
0x9d: {  	s8 =	simm.s32 $0x0;
	s20 =	sshll.u32 s6, $0x1;
	s6 =	sadd.s32 s21, s4  }
0x9e: {  	[timem:s8], [sflag:s22] =	dma.local [hbm:s6], s20  }
0x9f: {  	_ =	swait.ge [sflag:s22], s20  }
0xa0: {  	s5 =	ssub.s32 $0x0, s20;
	[sflag:s22] =	ssyncset.done $0x0  }
0xa1: {  	[sflag:s22] =	ssyncadd.s32 s5;
	_ =	sdelay $0x1  }
0xa2: {  	s23 =	simm.s32 $0x1B8B  }
0xa3: {  	_ =	swait.ge [sflag:s23], $0x1  }
0xa4: {  	[sflag:s23] =	ssyncset.done $0x0  }
0xa5: {  	s25 =	simm.s32 $0x1B8E;
	s24 =	sld [smem:$0x3FFE];
	[sflag:s23] =	ssyncadd.s32 $0xFFFFFFFF  }
0xa6: {  	s26 =	simm.s32 $execute0_lowered;
	[smem:$0x3FD2] =	sst s25  }
0xa7: {  	s6 =	sshll.u32 s26, $0x1;
	_ =	strace $0x80000046;
	[dreg:$0x1] =	wrdreg $0xFFFFFFFF  }
0xa8: {  	s28 =	simm.s32 $_size_execute0_lowered;
	s4 =	sadd.s32 s4, s6;
	[dreg:$0x0] =	wrdreg $0x0  }
0xa9: {  	s6 =	sshll.u32 s28, $0x1;
	[dreg:$0x2] =	wrdreg s4  }
0xaa: {  	[dreg:$0x3] =	wrdreg s6  }
0xab: {  	[dreg:$0x4] =	wrdreg $0xC0  }
0xac: {  	_ =	task [dreg:s8], $0x5FFFF  }
0xad: {  	[dreg:$0x1] =	wrdreg $0xFFFFFFFF  }
0xae: {  	[dreg:$0x0] =	wrdreg $0x60  }
0xaf: {  	[dreg:$0x2] =	wrdreg s24  }
0xb0: {  	[dreg:$0x3] =	wrdreg s2  }
0xb1: {  	[dreg:$0x4] =	wrdreg s18  }
0xb2: {  	[dreg:$0x5] =	wrdreg $0x0  }
0xb3: {  	[dreg:$0x6] =	wrdreg $0x9  }
0xb4: {  	_ =	task.clear_ibuf [dreg:s8], $0x7FFFF;
	_ =	strace $0x90000046  }
0xb5: {  	s29 =	simm.s32 $0x9;
	_ =	strace $0x80000048  }
0xb6: {  	_ =	swait.ge [sflag:s29], $0x1  }
0xb7: {  	[sflag:s29] =	ssyncadd.s32 $0xFFFFFFFF  }
0xb8: {  	_ =	strace $0x90000048  }
0xb9: {  	_ =	sfence  }
0xba: {  	s30 =	sld [smem:$0x0];
	_ =	sdelay $0x2  }
0xbb: {  	s31 =	sshll.u32 s1, $0xD;
	s1 =	sshrl.u32 s1, $0x2  }
0xbc: {  	s3 =	sand.u32 $0x4000, s31;
	s1 =	sadd.s32 s1, s30  }
0xbd: {  	s0 =	sor.u32 s3, s0;
	s1 =	sshll.u32 s1, $0x11  }
0xbe: {  	s0 =	sor.u32 s1, s0  }
0xbf: {  	s0 =	sadd.s32 $0x8F2B, s0  }
0xc0: {  	[sflag:s0] =	ssyncadd.remote.s32 $0x1  }
0xc1: {  	_ =	sfence.sel $0xFFFF  }
0xc2: {  	[dreg:$0x0] =	wrdreg $0xFFFFFFFF;
	(pc) =	sbr.abs _section_cstart, $3  }
0xc3: {  	[dreg:$0x1] =	wrdreg $0xFFFFFFFF  }
0xc4: {  	_ =	task.clear_ibuf [dreg:s8], $0x2FFFF;
	_ =	strace $0x9FFFFFFF  }
0xc5: {  	(tm) =	ssettm $0x7FFFFFFF  }
tec
execute0_lowered:
.L_overlay_start_1:
0x0: {  	(tag) =	ssettag $0x1  }
0x1: {  	s3 =	rddreg [dreg:$0x0]  }
0x2: {  	s4 =	rddreg [dreg:$0x1]  }
0x3: {  	s0 =	srdreg.scid;
	s5 =	rddreg [dreg:$0x2]  }
0x4: {  	s1 =	rddreg [dreg:$0x3];
	s7 =	stileid.u32;
	s11 =	simm.s32 $0x50  }
0x5: {  	s12 =	simm.s32 $0x2C8;
	s13 =	simm.s32 $0x29D8;
	s14 =	simm.s32 $0x318  }
0x6: {  	s15 =	simm.s32 $0x2A28;
	s16 =	simm.s32 $0x368;
	s17 =	simm.s32 $0x2A78  }
0x7: {  	s18 =	simm.s32 $0x3B8;
	s19 =	simm.s32 $0x2AC8;
	s20 =	simm.s32 $0x1  }
0x8: {  	s21 =	simm.s32 $0x2;
	s22 =	simm.s32 $0x3;
	s23 =	simm.s32 $0x4  }
0x9: {  	s24 =	simm.s32 $0x5;
	s25 =	simm.s32 $0x0;
	s6 =	sand.u32 $0x1, s0  }
0xa: {  	s0 =	rddreg [dreg:$0x4];
	p0 =	sne.s32 s7, $0x0;
	s2 =	sshll.u32 s6, $0x4  }
0xb: {  	s9 =	ssub.s32 $0x2, s6;
	s6 =	smul.u32 $0x4E2, s6;
	s8 =	sor.u32 s7, s2  }
0xc: {  	s2 =	simm.s32 $0x0;
	s10 =	sshrl.u32 s9, $0x1;
	s7 =	simm.s32 $0x278  }
0xd: {  	s8 =	smul.u32 $0x4E2, s8;
	[smem:$0x7FF] =	sst s2;
	s9 =	ssub.s32 s9, s10  }
0xe: {  	s5 =	sadd.s32 s5, s6;
	s10 =	simm.s32 $0x5098;
	_ =	strace $0x80000047  }
0xf: {  	s6 =	smax.u32 s9, $0x1;
	s9 =	simm.s32 $0x2988;
	s3 =	sadd.s32 s8, s3  }
0x10: {  	v0 =	vimm.f32 $0.0e+00;
	s4 =	sadd.s32 s4, s8;
	s8 =	simm.s32 $0x6;
	s3 =	sadd.s32 $0xB800, s3  }
.LBB2_1:
0x11: {  	[tilespmem:s7], [sflag:$0x6] =	stream.linear.gather [hbm4b:s3+s2], $0x2710, $0x38;
	[tilespmem:$0x9EB8] =	vst v63  }
0x12: {  	_ =	swait.ge [sflag:s8], $0x2710  }
0x13: {  	[sflag:s8] =	ssyncset.done $0x0  }
.Ltmp0:
0x14: {  	[sflag:s8] =	ssyncadd.s32 $0xFFFFD8F0;
	(pc) =	sbr.rel @p0 .LBB2_5-.Ltmp0, $4  }
0x15: {  	[tilespmem:s9], [sflag:$0x6] =	stream.linear.gather [hbm4b:s4+s2], $0x2710, $0x38;
	[tilespmem:$0x9EB8] =	vst v63  }
0x16: {  	_ =	swait.ge [sflag:s8], $0x2710  }
0x17: {  	[sflag:s8] =	ssyncset.done $0x0  }
0x18: {  	[sflag:s8] =	ssyncadd.s32 $0xFFFFD8F0  }
0x19: {  	s26 =	simm.s32 $0x40;
	s28 =	simm.s32 $0x0  }
.LBB2_3:
0x1a: {  	p1 =	sne.s32 s26, $0x9C00;
	[tilespmem:s28+$0x5098] =	vst v0;
	s28 =	smov.u32 s26;
	s26 =	sadd.s32 $0x40, s26  }
.Ltmp1:
0x1b: {  	(pc) =	sbr.rel @p1 .LBB2_3-.Ltmp1, $2  }
0x1c: {  	_ =	sdelay $0x2  }
0x1d: {  	s28 =	sshra.s32 s28, $0x2  }
0x1e: {  	[tilespmem:s28+$0x5098] =	vst v0  }
0x1f: {  	[spmem:s1] =	stream.linear.scatter [tilespmem:s10], [sflag:$0x6], $0x2710, $0x38;
	[tilespmem:$0x9EB8] =	vst v63  }
0x20: {  	_ =	swait.ge [sflag:s8], $0x2710  }
0x21: {  	[sflag:s8] =	ssyncset.done $0x0  }
0x22: {  	[sflag:s8] =	ssyncadd.s32 $0xFFFFD8F0  }
.LBB2_5:
0x23: {  	[bflag:$0x0] =	sbarrier.arrive $0xFFFF  }
0x24: {  	[spmem:s1] =	stream.indirect.scatter.add.f32 [tilespmem:s9], [sflag:$0x1], $0x1, s7, s11, $0xb8;
	[tilespmem:$0x9EB8] =	vst v63  }
0x25: {  	_ = 	snop  }
0x26: {  	[spmem:s1] =	stream.indirect.scatter.add.f32 [tilespmem:s13], [sflag:$0x2], $0x1, s12, s11, $0xb8;
	[tilespmem:$0x9EB8] =	vst v63  }
0x27: {  	_ = 	snop  }
0x28: {  	[spmem:s1] =	stream.indirect.scatter.add.f32 [tilespmem:s15], [sflag:$0x3], $0x1, s14, s11, $0xb8;
	[tilespmem:$0x9EB8] =	vst v63  }
0x29: {  	_ = 	snop  }
0x2a: {  	[spmem:s1] =	stream.indirect.scatter.add.f32 [tilespmem:s17], [sflag:$0x4], $0x1, s16, s11, $0xb8;
	[tilespmem:$0x9EB8] =	vst v63  }
0x2b: {  	_ = 	snop  }
0x2c: {  	[spmem:s1] =	stream.indirect.scatter.add.f32 [tilespmem:s19], [sflag:$0x5], $0x1, s18, s11, $0xb8;
	[tilespmem:$0x9EB8] =	vst v63  }
0x2d: {  	_ =	swait.ge [sflag:s20], $0x50  }
0x2e: {  	[sflag:s20] =	ssyncset.done $0x0  }
0x2f: {  	s26 =	simm.s32 $0x2B18;
	s28 =	simm.s32 $0x408;
	[sflag:s20] =	ssyncadd.s32 $0xFFFFFFB0  }
0x30: {  	[spmem:s1] =	stream.indirect.scatter.add.f32 [tilespmem:s26], [sflag:$0x1], $0x1, s28, s11, $0xb8;
	[tilespmem:$0x9EB8] =	vst v63  }
0x31: {  	_ =	swait.ge [sflag:s21], $0x50  }
0x32: {  	[sflag:s21] =	ssyncset.done $0x0  }
0x33: {  	s31 =	simm.s32 $0x2B68;
	s28 =	simm.s32 $0x458;
	[sflag:s21] =	ssyncadd.s32 $0xFFFFFFB0  }
0x34: {  	[spmem:s1] =	stream.indirect.scatter.add.f32 [tilespmem:s31], [sflag:$0x2], $0x1, s28, s11, $0xb8;
	[tilespmem:$0x9EB8] =	vst v63  }
0x35: {  	_ =	swait.ge [sflag:s22], $0x50  }
0x36: {  	[sflag:s22] =	ssyncset.done $0x0  }
0x37: {  	s30 =	simm.s32 $0x2BB8;
	s28 =	simm.s32 $0x4A8;
	[sflag:s22] =	ssyncadd.s32 $0xFFFFFFB0  }
0x38: {  	[spmem:s1] =	stream.indirect.scatter.add.f32 [tilespmem:s30], [sflag:$0x3], $0x1, s28, s11, $0xb8;
	[tilespmem:$0x9EB8] =	vst v63  }
0x39: {  	_ =	swait.ge [sflag:s23], $0x50  }
0x3a: {  	[sflag:s23] =	ssyncset.done $0x0  }
0x3b: {  	s31 =	simm.s32 $0x4F8;
	s28 =	simm.s32 $0x2C08;
	[sflag:s23] =	ssyncadd.s32 $0xFFFFFFB0  }
0x3c: {  	[spmem:s1] =	stream.indirect.scatter.add.f32 [tilespmem:s28], [sflag:$0x4], $0x1, s31, s11, $0xb8;
	[tilespmem:$0x9EB8] =	vst v63  }
0x3d: {  	_ =	swait.ge [sflag:s24], $0x50  }
0x3e: {  	s29 =	simm.s32 $0x548;
	[sflag:s24] =	ssyncset.done $0x0  }
0x3f: {  	s26 =	simm.s32 $0x640;
	s28 =	simm.s32 $0x2C58;
	[sflag:s24] =	ssyncadd.s32 $0xFFFFFFB0  }
.LBB2_6:
0x40: {  	[spmem:s1] =	stream.indirect.scatter.add.f32 [tilespmem:s28], [sflag:$0x5], $0x1, s29, s11, $0xb8;
	[tilespmem:$0x9EB8] =	vst v63  }
0x41: {  	s28 =	smov.u32 s26  }
0x42: {  	p1 =	sne.s32 s26, $0x8FC0;
	s26 =	sadd.s32 $0x640, s26;
	_ =	swait.ge [sflag:s20], $0x50  }
0x43: {  	s29 =	sshra.s32 s28, $0x2;
	[sflag:s20] =	ssyncset.done $0x0  }
0x44: {  	s28 =	sadd.s32 $0x2B18, s29;
	s30 =	sadd.s32 $0x408, s29;
	[sflag:s20] =	ssyncadd.s32 $0xFFFFFFB0  }
0x45: {  	[spmem:s1] =	stream.indirect.scatter.add.f32 [tilespmem:s28], [sflag:$0x1], $0x1, s30, s11, $0xb8;
	[tilespmem:$0x9EB8] =	vst v63  }
0x46: {  	_ =	swait.ge [sflag:s21], $0x50  }
0x47: {  	[sflag:s21] =	ssyncset.done $0x0  }
0x48: {  	s28 =	sadd.s32 $0x2B68, s29;
	s30 =	sadd.s32 $0x458, s29;
	[sflag:s21] =	ssyncadd.s32 $0xFFFFFFB0  }
0x49: {  	[spmem:s1] =	stream.indirect.scatter.add.f32 [tilespmem:s28], [sflag:$0x2], $0x1, s30, s11, $0xb8;
	[tilespmem:$0x9EB8] =	vst v63  }
0x4a: {  	_ =	swait.ge [sflag:s22], $0x50  }
0x4b: {  	[sflag:s22] =	ssyncset.done $0x0  }
0x4c: {  	s28 =	sadd.s32 $0x2BB8, s29;
	s30 =	sadd.s32 $0x4A8, s29;
	[sflag:s22] =	ssyncadd.s32 $0xFFFFFFB0  }
0x4d: {  	[spmem:s1] =	stream.indirect.scatter.add.f32 [tilespmem:s28], [sflag:$0x3], $0x1, s30, s11, $0xb8;
	[tilespmem:$0x9EB8] =	vst v63  }
0x4e: {  	_ =	swait.ge [sflag:s23], $0x50  }
0x4f: {  	s28 =	sadd.s32 $0x4F8, s29;
	[sflag:s23] =	ssyncset.done $0x0  }
.Ltmp2:
0x50: {  	s30 =	sadd.s32 $0x2C08, s29;
	[sflag:s23] =	ssyncadd.s32 $0xFFFFFFB0;
	(pc) =	sbr.rel @p1 .LBB2_6-.Ltmp2, $4  }
0x51: {  	[spmem:s1] =	stream.indirect.scatter.add.f32 [tilespmem:s30], [sflag:$0x4], $0x1, s28, s11, $0xb8;
	[tilespmem:$0x9EB8] =	vst v63  }
0x52: {  	_ =	swait.ge [sflag:s24], $0x50  }
0x53: {  	[sflag:s24] =	ssyncset.done $0x0  }
0x54: {  	s28 =	sadd.s32 $0x2C58, s29;
	s29 =	sadd.s32 $0x548, s29;
	[sflag:s24] =	ssyncadd.s32 $0xFFFFFFB0  }
0x55: {  	[spmem:s1] =	stream.indirect.scatter.add.f32 [tilespmem:s28], [sflag:$0x5], $0x1, s29, s11, $0xb8;
	[tilespmem:$0x9EB8] =	vst v63  }
0x56: {  	_ =	swait.ge [sflag:s20], $0x50  }
0x57: {  	[sflag:s20] =	ssyncset.done $0x0  }
0x58: {  	[sflag:s20] =	ssyncadd.s32 $0xFFFFFFB0  }
0x59: {  	_ =	swait.ge [sflag:s21], $0x50  }
0x5a: {  	[sflag:s21] =	ssyncset.done $0x0  }
0x5b: {  	[sflag:s21] =	ssyncadd.s32 $0xFFFFFFB0  }
0x5c: {  	_ =	swait.ge [sflag:s22], $0x50  }
0x5d: {  	[sflag:s22] =	ssyncset.done $0x0  }
0x5e: {  	[sflag:s22] =	ssyncadd.s32 $0xFFFFFFB0  }
0x5f: {  	_ =	swait.ge [sflag:s23], $0x50  }
0x60: {  	[sflag:s23] =	ssyncset.done $0x0  }
0x61: {  	[sflag:s23] =	ssyncadd.s32 $0xFFFFFFB0  }
0x62: {  	_ =	swait.ge [sflag:s24], $0x50  }
0x63: {  	[sflag:s24] =	ssyncset.done $0x0  }
0x64: {  	[sflag:s24] =	ssyncadd.s32 $0xFFFFFFB0  }
0x65: {  	s26 =	simm.s32 @!p0 $0x77A8;
	s28 =	simm.s32 @!p0 $0x6;
	[bflag:$0x0] =	sbarrier.arrive $0xFFFF  }
0x66: {  	[tilespmem:s26], [sflag:$0x6] =	stream.linear.gather @!p0 [spmem:s1], $0x2710, $0x38;
	[tilespmem:$0x9EB8] =	vst v63  }
0x67: {  	s25 =	sadd.s32 $0x1, s25;
	_ =	swait.ge @!p0 [sflag:s28], $0x2710  }
0x68: {  	p1 =	sne.s32 s25, s6;
	[sflag:s28] =	ssyncset.done @!p0 $0x0  }
.Ltmp3:
0x69: {  	s29 =	simm.s32 @!p0 $0x0;
	[sflag:s28] =	ssyncadd.s32 @!p0 $0xFFFFD8F0;
	(pc) =	sbr.rel @p1 .LBB2_1-.Ltmp3, $4  }
0x6a: {  	[hbm4b:s5+s29] =	stream.linear.scatter @!p0 [tilespmem:s26], [sflag:$0x6], $0x2710, $0x38;
	[tilespmem:$0x9EB8] =	vst v63  }
0x6b: {  	_ =	swait.ge @!p0 [sflag:s28], $0x2710  }
0x6c: {  	[sflag:s28] =	ssyncset.done @!p0 $0x0  }
0x6d: {  	[sflag:s28] =	ssyncadd.s32 @!p0 $0xFFFFD8F0  }
0x6e: {  	_ =	sfence.sel $0x180000  }
0x6f: {  	[bflag:$0x0] =	sbarrier.arrive $0xFFFF  }
0x70: {  	_ =	strace $0x90000047  }
0x71: {  	s0 =	sadd.s32 @!p0 $0x100000, s0;
	[bflag:$0x2] =	sbarrier.arrive $0xFFFF  }
0x72: {  	[sflag:s0] =	ssyncadd.tile.s32 @!p0 $0x1;
	_ =	shalt  }
.Lfunc_end2:
_tile_overlayer_lowered:
.L_overlay_start_2:
0x73: {  	(tag) =	ssettag $0x2  }
0x74: {  	s0 =	rddreg [dreg:$0x0];
	s2 =	stileid.u32  }
0x75: {  	s1 =	rddreg [dreg:$0x1];
	p0 =	sne.s32 s2, $0x0  }
0x76: {  	s3 =	rddreg [dreg:$0x2];
	[bflag:$0x3] =	sbarrier.arrive $0xFFFF;
	s2 =	simm.s32 @!p0 $0x1C06  }
0x77: {  	[timem:s3], [sflag:s2] =	dma.local @!p0 [hbm:s0], s1  }
0x78: {  	s0 =	simm.s32 @!p0 $0x6  }
0x79: {  	_ =	swait.ge @!p0 [sflag:s0], s1  }
0x7a: {  	s1 =	ssub.s32 @!p0 $0x0, s1;
	[sflag:s0] =	ssyncset.done @!p0 $0x0  }
0x7b: {  	[sflag:s0] =	ssyncadd.s32 @!p0 s1  }
0x7c: {  	[bflag:$0x3] =	sbarrier.arrive $0xFFFF  }
0x7d: {  	_ =	shalt  }

</sc_bundles>
